<compile_context>
chip_gen: v7x
topology: tpu7x:2x2x1
jax: 0.10.2.dev20260603
libtpu: 0.0.44.dev20260713+nightly
codegen_flags: <defaults>
</compile_context>

<pallas_src>
import functools

import jax
import jax.numpy as jnp
from jax import lax
from jax.experimental import pallas as pl
from jax.experimental.pallas import tpu as pltpu
from jax.experimental.pallas import tpu_sc as plsc

MAX_IDX = 8191
D = 768
SCALE = float(D) ** 0.5
LANES = 16
VPR = D // LANES

NC = 2
NS = 16
NW = NC * NS

B = 4 * 8192
B_PER_W = B // NW
CHUNK = 32
N_CHUNKS = B_PER_W // CHUNK
NBUF = 4
LOOKAHEAD = 3


def _embed_body(x_hbm, table_hbm, out_hbm, idx_v, *scratch):
    bufs = scratch[:NBUF]
    gsems = scratch[NBUF:2 * NBUF]
    ssems = scratch[2 * NBUF:3 * NBUF]

    wid = lax.axis_index("s") * NC + lax.axis_index("c")
    base = wid * B_PER_W

    tpr = 8192 // B_PER_W
    pltpu.sync_copy(
        x_hbm.at[wid // tpr, pl.ds((wid % tpr) * B_PER_W, B_PER_W)], idx_v)

    def clamp_body(c, carry):
        for k in range(CHUNK // LANES):
            sl = pl.ds(c * CHUNK + k * LANES, LANES)
            idx_v[sl] = jnp.clip(idx_v[sl], 0, MAX_IDX)
        return carry

    def wait_dma(sem, dst_buf):
        pltpu.make_async_copy(table_hbm.at[pl.ds(0, CHUNK)], dst_buf, sem).wait()

    for j in range(LOOKAHEAD):
        clamp_body(j, 0)
        pltpu.async_copy(table_hbm.at[idx_v.at[pl.ds(j * CHUNK, CHUNK)]], bufs[j], gsems[j])
    lax.fori_loop(LOOKAHEAD, N_CHUNKS, clamp_body, 0)

    def group_body(g, carry):
        for b in range(NBUF):
            ci = g * NBUF + b
            wait_dma(gsems[b], bufs[b])

            def row_body(r, c2):
                for j in range(VPR):
                    sl = pl.ds(j * LANES, LANES)
                    bufs[b][r, sl] = bufs[b][r, sl] * SCALE
                return c2

            lax.fori_loop(0, CHUNK, row_body, 0)

            half = CHUNK // 2
            pltpu.async_copy(
                bufs[b].at[pl.ds(0, half)],
                out_hbm.at[pl.ds(base + ci * CHUNK, half)], ssems[b])
            pltpu.async_copy(
                bufs[b].at[pl.ds(half, half)],
                out_hbm.at[pl.ds(base + ci * CHUNK + half, half)], ssems[b])

            nci = ci + LOOKAHEAD
            nb = (b + LOOKAHEAD) % NBUF

            @pl.when(nci < N_CHUNKS)
            def _():
                @pl.when(nci >= NBUF)
                def _():
                    wait_dma(ssems[nb], bufs[nb])

                pltpu.async_copy(
                    table_hbm.at[idx_v.at[pl.ds(nci * CHUNK, CHUNK)]],
                    bufs[nb], gsems[nb])

        return carry

    lax.fori_loop(0, N_CHUNKS // NBUF, group_body, 0)

    for b in range(NBUF):
        wait_dma(ssems[b], bufs[b])


@functools.partial(
    pl.kernel,
    out_type=jax.ShapeDtypeStruct((B, D), jnp.float32),
    mesh=plsc.VectorSubcoreMesh(core_axis_name="c", subcore_axis_name="s"),
    scratch_types=(
        [pltpu.VMEM((B_PER_W,), jnp.int32)]
        + [pltpu.VMEM((CHUNK, D), jnp.float32) for _ in range(NBUF)]
        + [pltpu.SemaphoreType.DMA for _ in range(2 * NBUF)]
    ),
)
def _embed_kernel(x_hbm, table_hbm, out_hbm, *scratch):
    _embed_body(x_hbm, table_hbm, out_hbm, *scratch)


def kernel(x, table):
    out = _embed_kernel(x, table)
    return out.reshape(x.shape + (D,))

# --- scband reference (transcript-rebuilt; emitter-appended) ---
"""Pipeline reference for scband-learned-positional-encoding-8658654069205 (READ-ONLY COPY).

The authoritative reference and input builder live on the scoring server;
editing this copy changes nothing except your own understanding.
"""

import jax, jax.numpy as jnp
import numpy as np

MAX_VAL = 8191
D_MODEL = 768

def setup_inputs(seed: int = 0) -> dict:
    key = jax.random.key(seed)
    k1, k2 = jax.random.split(key)
    x = jax.random.randint(k1, (4, 8192), 0, 8192, dtype=jnp.int32)
    table = jax.random.normal(k2, (MAX_VAL + 1, D_MODEL), dtype=jnp.float32)
    return {"x": x, "table": table}

def reference(x, table):
    # Faithful translation of LearnedPositionalEncoding.forward:
    #   embedding(x.clamp(0, max_val)) * d_model ** 0.5
    idx = jnp.clip(x, 0, MAX_VAL)
    emb = jnp.take(table, idx, axis=0)  # [..., seq_len, d_model]
    return emb * (D_MODEL ** 0.5)

if __name__ == "__main__":
    import jax
    _d = setup_inputs()
    print(jax.jit(kernel)(*tuple(_d.values())))

</pallas_src>

<mosaic_0001>
#map = affine_map<(d0, d1) -> (0, 0)>
module attributes {stable_mosaic.version = 14 : i64} {
  func.func @_embed_kernel(%arg0: i32, %arg1: i32, %arg2: memref<4x8192xi32, #tpu.memory_space<hbm>>, %arg3: memref<8192x768xf32, #tpu.memory_space<hbm>>, %arg4: memref<32768x768xf32, #tpu.memory_space<hbm>>, %arg5: memref<1024xi32, #tpu.memory_space<vmem>>, %arg6: memref<32x768xf32, #tpu.memory_space<vmem>>, %arg7: memref<32x768xf32, #tpu.memory_space<vmem>>, %arg8: memref<32x768xf32, #tpu.memory_space<vmem>>, %arg9: memref<32x768xf32, #tpu.memory_space<vmem>>, %arg10: memref<!tpu.dma_semaphore, #tpu.memory_space<semaphore_mem>>, %arg11: memref<!tpu.dma_semaphore, #tpu.memory_space<semaphore_mem>>, %arg12: memref<!tpu.dma_semaphore, #tpu.memory_space<semaphore_mem>>, %arg13: memref<!tpu.dma_semaphore, #tpu.memory_space<semaphore_mem>>, %arg14: memref<!tpu.dma_semaphore, #tpu.memory_space<semaphore_mem>>, %arg15: memref<!tpu.dma_semaphore, #tpu.memory_space<semaphore_mem>>, %arg16: memref<!tpu.dma_semaphore, #tpu.memory_space<semaphore_mem>>, %arg17: memref<!tpu.dma_semaphore, #tpu.memory_space<semaphore_mem>>) attributes {dimension_semantics = [#tpu.dimension_semantics<core_parallel>, #tpu.dimension_semantics<subcore_parallel>], iteration_bounds = array<i64: 2, 16>, scalar_prefetch = 0 : i64, scratch_operands = 13 : i64, tpu.core_type = #tpu.core_type<sc_vector_subcore>, window_params = [{transform_indices = #map}, {transform_indices = #map}, {transform_indices = #map}]} {
    %mul3A = arith.constant 2 : i32
    %mul3A_0 = arith.muli %arg1, %mul3A : i32
    %add3A = arith.addi %mul3A_0, %arg0 : i32
    %mul3A_1 = arith.constant 1024 : i32
    %mul3A_2 = arith.muli %add3A, %mul3A_1 : i32
    %jit3A = arith.constant 8 : i32
    %div3A = arith.divsi %add3A, %jit3A : i32
    %sign3A = arith.constant 0 : i32
    %sign3A_3 = arith.cmpi sgt, %add3A, %sign3A : i32
    %sign3A_4 = arith.extui %sign3A_3 : i1 to i32
    %sign3A_5 = arith.constant 0 : i32
    %sign3A_6 = arith.cmpi slt, %add3A, %sign3A_5 : i32
    %sign3A_7 = arith.extui %sign3A_6 : i1 to i32
    %sign3A_8 = arith.subi %sign3A_4, %sign3A_7 : i32
    %sign3A_9 = arith.constant 0 : i32
    %sign3A_10 = arith.cmpi sgt, %jit3A, %sign3A_9 : i32
    %sign3A_11 = arith.extui %sign3A_10 : i1 to i32
    %sign3A_12 = arith.constant 0 : i32
    %sign3A_13 = arith.cmpi slt, %jit3A, %sign3A_12 : i32
    %sign3A_14 = arith.extui %sign3A_13 : i1 to i32
    %sign3A_15 = arith.subi %sign3A_11, %sign3A_14 : i32
    %ne3A = arith.cmpi ne, %sign3A_8, %sign3A_15 : i32
    %rem3A = arith.remsi %add3A, %jit3A : i32
    %ne3A_16 = arith.constant 0 : i32
    %ne3A_17 = arith.cmpi ne, %rem3A, %ne3A_16 : i32
    %and3A = arith.andi %ne3A, %ne3A_17 : i1
    %sub3A = arith.constant 1 : i32
    %sub3A_18 = arith.subi %div3A, %sub3A : i32
    %select_n3A = arith.select %and3A, %sub3A_18, %div3A : i32
    %jit3A_19 = arith.constant 8 : i32
    %eq3A = arith.constant 0 : i32
    %eq3A_20 = arith.cmpi eq, %jit3A_19, %eq3A : i32
    %jit3A_21 = arith.constant 1 : i32
    %select_n3A_22 = arith.select %eq3A_20, %jit3A_21, %jit3A_19 : i32
    %rem3A_23 = arith.remsi %add3A, %select_n3A_22 : i32
    %ne3A_24 = arith.constant 0 : i32
    %ne3A_25 = arith.cmpi ne, %rem3A_23, %ne3A_24 : i32
    %lt3A = arith.constant 0 : i32
    %lt3A_26 = arith.cmpi slt, %rem3A_23, %lt3A : i32
    %lt3A_27 = arith.constant 0 : i32
    %lt3A_28 = arith.cmpi slt, %select_n3A_22, %lt3A_27 : i32
    %ne3A_29 = arith.xori %lt3A_26, %lt3A_28 : i1
    %and3A_30 = arith.andi %ne3A_29, %ne3A_25 : i1
    %add3A_31 = arith.addi %rem3A_23, %select_n3A_22 : i32
    %select_n3A_32 = arith.select %and3A_30, %add3A_31, %rem3A_23 : i32
    %mul3A_33 = arith.constant 1024 : i32
    %mul3A_34 = arith.muli %select_n3A_32, %mul3A_33 : i32
    "tpu.region"() ({
      %run_scoped3A = tpu.sem_alloc : memref<!tpu.dma_semaphore, #tpu.memory_space<semaphore_mem>>
      %dma_start3A_157 = tpu.memref_slice %arg2[%select_n3A, %mul3A_34] : memref<4x8192xi32, #tpu.memory_space<hbm>> -> memref<1x1024xi32, #tpu.memory_space<hbm>>
      %dma_start3A_158 = tpu.memref_squeeze %dma_start3A_157 : memref<1x1024xi32, #tpu.memory_space<hbm>> -> memref<1024xi32, #tpu.memory_space<hbm>>
      %dma_start3A_159 = tpu.memref_slice %arg2[%select_n3A, %mul3A_34] : memref<4x8192xi32, #tpu.memory_space<hbm>> -> memref<1x1024xi32, #tpu.memory_space<hbm>>
      %dma_start3A_160 = tpu.memref_squeeze %dma_start3A_159 : memref<1x1024xi32, #tpu.memory_space<hbm>> -> memref<1024xi32, #tpu.memory_space<hbm>>
      tpu.enqueue_dma source(%dma_start3A_160 : memref<1024xi32, #tpu.memory_space<hbm>>) target(%arg5 : memref<1024xi32, #tpu.memory_space<vmem>>) target_semaphore(%run_scoped3A : memref<!tpu.dma_semaphore, #tpu.memory_space<semaphore_mem>>)
      %dma_wait3A_161 = tpu.memref_slice %arg2[%select_n3A, %mul3A_34] : memref<4x8192xi32, #tpu.memory_space<hbm>> -> memref<1x1024xi32, #tpu.memory_space<hbm>>
      %dma_wait3A_162 = tpu.memref_squeeze %dma_wait3A_161 : memref<1x1024xi32, #tpu.memory_space<hbm>> -> memref<1024xi32, #tpu.memory_space<hbm>>
      %dma_wait3A_163 = tpu.memref_slice %arg2[%select_n3A, %mul3A_34] : memref<4x8192xi32, #tpu.memory_space<hbm>> -> memref<1x1024xi32, #tpu.memory_space<hbm>>
      %dma_wait3A_164 = tpu.memref_squeeze %dma_wait3A_163 : memref<1x1024xi32, #tpu.memory_space<hbm>> -> memref<1024xi32, #tpu.memory_space<hbm>>
      tpu.wait_dma2 semaphore(%run_scoped3A : memref<!tpu.dma_semaphore, #tpu.memory_space<semaphore_mem>>) src(%dma_wait3A_164 : memref<1024xi32, #tpu.memory_space<hbm>>) dst(%arg5 : memref<1024xi32, #tpu.memory_space<vmem>>)
      tpu.yield
    }) : () -> ()
    %get3A = arith.constant 0 : index
    %get3A_35 = tpu.vector_load %arg5[%get3A] {strides = array<i32>} : memref<1024xi32, #tpu.memory_space<vmem>>, vector<16xi32>,
    %get3A_36 = vector.shape_cast %get3A_35 : vector<16xi32> to vector<16xi32>
    %jit3A_37 = arith.constant 0 : i32
    %jit3A_38 = arith.constant 8191 : i32
    %max3A = vector.broadcast %jit3A_37 : i32 to vector<16xi32>
    %max3A_39 = arith.maxsi %max3A, %get3A_36 : vector<16xi32>
    %min3A = vector.broadcast %jit3A_38 : i32 to vector<16xi32>
    %min3A_40 = arith.minsi %min3A, %max3A_39 : vector<16xi32>
    %swap3A = arith.constant 0 : index
    %swap3A_41 = tpu.vector_load %arg5[%swap3A] {strides = array<i32>} : memref<1024xi32, #tpu.memory_space<vmem>>, vector<16xi32>,
    %swap3A_42 = vector.shape_cast %swap3A_41 : vector<16xi32> to vector<16xi32>
    %swap3A_43 = vector.shape_cast %min3A_40 : vector<16xi32> to vector<16xi32>
    tpu.vector_store %arg5[%swap3A], %swap3A_43 {strides = array<i32>} : memref<1024xi32, #tpu.memory_space<vmem>>, vector<16xi32>,
    %get3A_44 = arith.constant 16 : index
    %get3A_45 = tpu.vector_load %arg5[%get3A_44] {strides = array<i32>} : memref<1024xi32, #tpu.memory_space<vmem>>, vector<16xi32>,
    %get3A_46 = vector.shape_cast %get3A_45 : vector<16xi32> to vector<16xi32>
    %jit3A_47 = arith.constant 0 : i32
    %jit3A_48 = arith.constant 8191 : i32
    %max3A_49 = vector.broadcast %jit3A_47 : i32 to vector<16xi32>
    %max3A_50 = arith.maxsi %max3A_49, %get3A_46 : vector<16xi32>
    %min3A_51 = vector.broadcast %jit3A_48 : i32 to vector<16xi32>
    %min3A_52 = arith.minsi %min3A_51, %max3A_50 : vector<16xi32>
    %swap3A_53 = arith.constant 16 : index
    %swap3A_54 = tpu.vector_load %arg5[%swap3A_53] {strides = array<i32>} : memref<1024xi32, #tpu.memory_space<vmem>>, vector<16xi32>,
    %swap3A_55 = vector.shape_cast %swap3A_54 : vector<16xi32> to vector<16xi32>
    %swap3A_56 = vector.shape_cast %min3A_52 : vector<16xi32> to vector<16xi32>
    tpu.vector_store %arg5[%swap3A_53], %swap3A_56 {strides = array<i32>} : memref<1024xi32, #tpu.memory_space<vmem>>, vector<16xi32>,
    %dma_start3A = arith.constant 0 : i32
    %dma_start3A_57 = tpu.memref_slice %arg5[%dma_start3A] : memref<1024xi32, #tpu.memory_space<vmem>> -> memref<32xi32, #tpu.memory_space<vmem>>
    %dma_start3A_58 = arith.constant 0 : i32
    %dma_start3A_59 = arith.constant 0 : i32
    %dma_start3A_60 = tpu.memref_slice %arg3[%dma_start3A_58, %dma_start3A_59] : memref<8192x768xf32, #tpu.memory_space<hbm>> -> memref<8192x768xf32, #tpu.memory_space<hbm>>
    tpu.enqueue_indirect_dma source(%dma_start3A_60 : memref<8192x768xf32, #tpu.memory_space<hbm>>) target(%arg6 : memref<32x768xf32, #tpu.memory_space<vmem>>) offsets(%dma_start3A_57 : memref<32xi32, #tpu.memory_space<vmem>>) semaphore(%arg10 : memref<!tpu.dma_semaphore, #tpu.memory_space<semaphore_mem>>)
    %get3A_61 = arith.constant 32 : index
    %get3A_62 = tpu.vector_load %arg5[%get3A_61] {strides = array<i32>} : memref<1024xi32, #tpu.memory_space<vmem>>, vector<16xi32>,
    %get3A_63 = vector.shape_cast %get3A_62 : vector<16xi32> to vector<16xi32>
    %jit3A_64 = arith.constant 0 : i32
    %jit3A_65 = arith.constant 8191 : i32
    %max3A_66 = vector.broadcast %jit3A_64 : i32 to vector<16xi32>
    %max3A_67 = arith.maxsi %max3A_66, %get3A_63 : vector<16xi32>
    %min3A_68 = vector.broadcast %jit3A_65 : i32 to vector<16xi32>
    %min3A_69 = arith.minsi %min3A_68, %max3A_67 : vector<16xi32>
    %swap3A_70 = arith.constant 32 : index
    %swap3A_71 = tpu.vector_load %arg5[%swap3A_70] {strides = array<i32>} : memref<1024xi32, #tpu.memory_space<vmem>>, vector<16xi32>,
    %swap3A_72 = vector.shape_cast %swap3A_71 : vector<16xi32> to vector<16xi32>
    %swap3A_73 = vector.shape_cast %min3A_69 : vector<16xi32> to vector<16xi32>
    tpu.vector_store %arg5[%swap3A_70], %swap3A_73 {strides = array<i32>} : memref<1024xi32, #tpu.memory_space<vmem>>, vector<16xi32>,
    %get3A_74 = arith.constant 48 : index
    %get3A_75 = tpu.vector_load %arg5[%get3A_74] {strides = array<i32>} : memref<1024xi32, #tpu.memory_space<vmem>>, vector<16xi32>,
    %get3A_76 = vector.shape_cast %get3A_75 : vector<16xi32> to vector<16xi32>
    %jit3A_77 = arith.constant 0 : i32
    %jit3A_78 = arith.constant 8191 : i32
    %max3A_79 = vector.broadcast %jit3A_77 : i32 to vector<16xi32>
    %max3A_80 = arith.maxsi %max3A_79, %get3A_76 : vector<16xi32>
    %min3A_81 = vector.broadcast %jit3A_78 : i32 to vector<16xi32>
    %min3A_82 = arith.minsi %min3A_81, %max3A_80 : vector<16xi32>
    %swap3A_83 = arith.constant 48 : index
    %swap3A_84 = tpu.vector_load %arg5[%swap3A_83] {strides = array<i32>} : memref<1024xi32, #tpu.memory_space<vmem>>, vector<16xi32>,
    %swap3A_85 = vector.shape_cast %swap3A_84 : vector<16xi32> to vector<16xi32>
    %swap3A_86 = vector.shape_cast %min3A_82 : vector<16xi32> to vector<16xi32>
    tpu.vector_store %arg5[%swap3A_83], %swap3A_86 {strides = array<i32>} : memref<1024xi32, #tpu.memory_space<vmem>>, vector<16xi32>,
    %dma_start3A_87 = arith.constant 32 : i32
    %dma_start3A_88 = tpu.memref_slice %arg5[%dma_start3A_87] : memref<1024xi32, #tpu.memory_space<vmem>> -> memref<32xi32, #tpu.memory_space<vmem>>
    %dma_start3A_89 = arith.constant 0 : i32
    %dma_start3A_90 = arith.constant 0 : i32
    %dma_start3A_91 = tpu.memref_slice %arg3[%dma_start3A_89, %dma_start3A_90] : memref<8192x768xf32, #tpu.memory_space<hbm>> -> memref<8192x768xf32, #tpu.memory_space<hbm>>
    tpu.enqueue_indirect_dma source(%dma_start3A_91 : memref<8192x768xf32, #tpu.memory_space<hbm>>) target(%arg7 : memref<32x768xf32, #tpu.memory_space<vmem>>) offsets(%dma_start3A_88 : memref<32xi32, #tpu.memory_space<vmem>>) semaphore(%arg11 : memref<!tpu.dma_semaphore, #tpu.memory_space<semaphore_mem>>)
    %get3A_92 = arith.constant 64 : index
    %get3A_93 = tpu.vector_load %arg5[%get3A_92] {strides = array<i32>} : memref<1024xi32, #tpu.memory_space<vmem>>, vector<16xi32>,
    %get3A_94 = vector.shape_cast %get3A_93 : vector<16xi32> to vector<16xi32>
    %jit3A_95 = arith.constant 0 : i32
    %jit3A_96 = arith.constant 8191 : i32
    %max3A_97 = vector.broadcast %jit3A_95 : i32 to vector<16xi32>
    %max3A_98 = arith.maxsi %max3A_97, %get3A_94 : vector<16xi32>
    %min3A_99 = vector.broadcast %jit3A_96 : i32 to vector<16xi32>
    %min3A_100 = arith.minsi %min3A_99, %max3A_98 : vector<16xi32>
    %swap3A_101 = arith.constant 64 : index
    %swap3A_102 = tpu.vector_load %arg5[%swap3A_101] {strides = array<i32>} : memref<1024xi32, #tpu.memory_space<vmem>>, vector<16xi32>,
    %swap3A_103 = vector.shape_cast %swap3A_102 : vector<16xi32> to vector<16xi32>
    %swap3A_104 = vector.shape_cast %min3A_100 : vector<16xi32> to vector<16xi32>
    tpu.vector_store %arg5[%swap3A_101], %swap3A_104 {strides = array<i32>} : memref<1024xi32, #tpu.memory_space<vmem>>, vector<16xi32>,
    %get3A_105 = arith.constant 80 : index
    %get3A_106 = tpu.vector_load %arg5[%get3A_105] {strides = array<i32>} : memref<1024xi32, #tpu.memory_space<vmem>>, vector<16xi32>,
    %get3A_107 = vector.shape_cast %get3A_106 : vector<16xi32> to vector<16xi32>
    %jit3A_108 = arith.constant 0 : i32
    %jit3A_109 = arith.constant 8191 : i32
    %max3A_110 = vector.broadcast %jit3A_108 : i32 to vector<16xi32>
    %max3A_111 = arith.maxsi %max3A_110, %get3A_107 : vector<16xi32>
    %min3A_112 = vector.broadcast %jit3A_109 : i32 to vector<16xi32>
    %min3A_113 = arith.minsi %min3A_112, %max3A_111 : vector<16xi32>
    %swap3A_114 = arith.constant 80 : index
    %swap3A_115 = tpu.vector_load %arg5[%swap3A_114] {strides = array<i32>} : memref<1024xi32, #tpu.memory_space<vmem>>, vector<16xi32>,
    %swap3A_116 = vector.shape_cast %swap3A_115 : vector<16xi32> to vector<16xi32>
    %swap3A_117 = vector.shape_cast %min3A_113 : vector<16xi32> to vector<16xi32>
    tpu.vector_store %arg5[%swap3A_114], %swap3A_117 {strides = array<i32>} : memref<1024xi32, #tpu.memory_space<vmem>>, vector<16xi32>,
    %dma_start3A_118 = arith.constant 64 : i32
    %dma_start3A_119 = tpu.memref_slice %arg5[%dma_start3A_118] : memref<1024xi32, #tpu.memory_space<vmem>> -> memref<32xi32, #tpu.memory_space<vmem>>
    %dma_start3A_120 = arith.constant 0 : i32
    %dma_start3A_121 = arith.constant 0 : i32
    %dma_start3A_122 = tpu.memref_slice %arg3[%dma_start3A_120, %dma_start3A_121] : memref<8192x768xf32, #tpu.memory_space<hbm>> -> memref<8192x768xf32, #tpu.memory_space<hbm>>
    tpu.enqueue_indirect_dma source(%dma_start3A_122 : memref<8192x768xf32, #tpu.memory_space<hbm>>) target(%arg8 : memref<32x768xf32, #tpu.memory_space<vmem>>) offsets(%dma_start3A_119 : memref<32xi32, #tpu.memory_space<vmem>>) semaphore(%arg12 : memref<!tpu.dma_semaphore, #tpu.memory_space<semaphore_mem>>)
    %scan3A = arith.constant 0 : i32
    %scan3A_123 = arith.constant 3 : i32
    %scan3A_124 = arith.constant 29 : i32
    %scan3A_125 = arith.addi %scan3A_123, %scan3A_124 : i32
    %scan3A_126 = arith.constant 1 : i32
    scf.for %scan3A_157 = %scan3A_123 to %scan3A_125 step %scan3A_126  : i32 {
      %mul3A_158 = arith.constant 32 : i32
      %mul3A_159 = arith.muli %scan3A_157, %mul3A_158 : i32
      %add3A_160 = arith.constant 0 : i32
      %add3A_161 = arith.addi %mul3A_159, %add3A_160 : i32
      %get3A_162 = arith.index_cast %add3A_161 : i32 to index
      %get3A_163 = tpu.vector_load %arg5[%get3A_162] {strides = array<i32>} : memref<1024xi32, #tpu.memory_space<vmem>>, vector<16xi32>,
      %get3A_164 = vector.shape_cast %get3A_163 : vector<16xi32> to vector<16xi32>
      %jit3A_165 = arith.constant 0 : i32
      %jit3A_166 = arith.constant 8191 : i32
      %max3A_167 = vector.broadcast %jit3A_165 : i32 to vector<16xi32>
      %max3A_168 = arith.maxsi %max3A_167, %get3A_164 : vector<16xi32>
      %min3A_169 = vector.broadcast %jit3A_166 : i32 to vector<16xi32>
      %min3A_170 = arith.minsi %min3A_169, %max3A_168 : vector<16xi32>
      %swap3A_171 = arith.index_cast %add3A_161 : i32 to index
      %swap3A_172 = tpu.vector_load %arg5[%swap3A_171] {strides = array<i32>} : memref<1024xi32, #tpu.memory_space<vmem>>, vector<16xi32>,
      %swap3A_173 = vector.shape_cast %swap3A_172 : vector<16xi32> to vector<16xi32>
      %swap3A_174 = vector.shape_cast %min3A_170 : vector<16xi32> to vector<16xi32>
      tpu.vector_store %arg5[%swap3A_171], %swap3A_174 {strides = array<i32>} : memref<1024xi32, #tpu.memory_space<vmem>>, vector<16xi32>,
      %mul3A_175 = arith.constant 32 : i32
      %mul3A_176 = arith.muli %scan3A_157, %mul3A_175 : i32
      %add3A_177 = arith.constant 16 : i32
      %add3A_178 = arith.addi %mul3A_176, %add3A_177 : i32
      %get3A_179 = arith.index_cast %add3A_178 : i32 to index
      %get3A_180 = tpu.vector_load %arg5[%get3A_179] {strides = array<i32>} : memref<1024xi32, #tpu.memory_space<vmem>>, vector<16xi32>,
      %get3A_181 = vector.shape_cast %get3A_180 : vector<16xi32> to vector<16xi32>
      %jit3A_182 = arith.constant 0 : i32
      %jit3A_183 = arith.constant 8191 : i32
      %max3A_184 = vector.broadcast %jit3A_182 : i32 to vector<16xi32>
      %max3A_185 = arith.maxsi %max3A_184, %get3A_181 : vector<16xi32>
      %min3A_186 = vector.broadcast %jit3A_183 : i32 to vector<16xi32>
      %min3A_187 = arith.minsi %min3A_186, %max3A_185 : vector<16xi32>
      %swap3A_188 = arith.index_cast %add3A_178 : i32 to index
      %swap3A_189 = tpu.vector_load %arg5[%swap3A_188] {strides = array<i32>} : memref<1024xi32, #tpu.memory_space<vmem>>, vector<16xi32>,
      %swap3A_190 = vector.shape_cast %swap3A_189 : vector<16xi32> to vector<16xi32>
      %swap3A_191 = vector.shape_cast %min3A_187 : vector<16xi32> to vector<16xi32>
      tpu.vector_store %arg5[%swap3A_188], %swap3A_191 {strides = array<i32>} : memref<1024xi32, #tpu.memory_space<vmem>>, vector<16xi32>,
    }
    %scan3A_127 = arith.constant 29 : i32
    %scan3A_128 = arith.constant 0 : i32
    %scan3A_129 = arith.constant 0 : i32
    %scan3A_130 = arith.constant 8 : i32
    %scan3A_131 = arith.addi %scan3A_129, %scan3A_130 : i32
    %scan3A_132 = arith.constant 1 : i32
    scf.for %scan3A_157 = %scan3A_129 to %scan3A_131 step %scan3A_132  : i32 {
      %mul3A_158 = arith.constant 4 : i32
      %mul3A_159 = arith.muli %scan3A_157, %mul3A_158 : i32
      %add3A_160 = arith.constant 0 : i32
      %add3A_161 = arith.addi %mul3A_159, %add3A_160 : i32
      %dma_wait3A_162 = arith.constant 0 : i32
      %dma_wait3A_163 = arith.constant 0 : i32
      %dma_wait3A_164 = tpu.memref_slice %arg3[%dma_wait3A_162, %dma_wait3A_163] : memref<8192x768xf32, #tpu.memory_space<hbm>> -> memref<32x768xf32, #tpu.memory_space<hbm>>
      %dma_wait3A_165 = arith.constant 0 : i32
      %dma_wait3A_166 = arith.constant 0 : i32
      %dma_wait3A_167 = tpu.memref_slice %arg3[%dma_wait3A_165, %dma_wait3A_166] : memref<8192x768xf32, #tpu.memory_space<hbm>> -> memref<32x768xf32, #tpu.memory_space<hbm>>
      tpu.wait_dma2 semaphore(%arg10 : memref<!tpu.dma_semaphore, #tpu.memory_space<semaphore_mem>>) src(%dma_wait3A_167 : memref<32x768xf32, #tpu.memory_space<hbm>>) dst(%arg6 : memref<32x768xf32, #tpu.memory_space<vmem>>)
      %scan3A_168 = arith.constant 0 : i32
      %scan3A_169 = arith.constant 0 : i32
      %scan3A_170 = arith.constant 32 : i32
      %scan3A_171 = arith.addi %scan3A_169, %scan3A_170 : i32
      %scan3A_172 = arith.constant 1 : i32
      scf.for %scan3A_360 = %scan3A_169 to %scan3A_171 step %scan3A_172  : i32 {
        %get3A_361 = arith.index_cast %scan3A_360 : i32 to index
        %get3A_362 = arith.constant 0 : index
        %get3A_363 = tpu.vector_load %arg6[%get3A_361, %get3A_362] {strides = array<i32>} : memref<32x768xf32, #tpu.memory_space<vmem>>, vector<1x16xf32>,
        %get3A_364 = vector.shape_cast %get3A_363 : vector<1x16xf32> to vector<16xf32>
        %mul3A_365 = arith.constant 27.7128124 : f32
        %mul3A_366 = vector.broadcast %mul3A_365 : f32 to vector<16xf32>
        %mul3A_367 = arith.mulf %get3A_364, %mul3A_366 : vector<16xf32>
        %swap3A_368 = arith.index_cast %scan3A_360 : i32 to index
        %swap3A_369 = arith.constant 0 : index
        %swap3A_370 = tpu.vector_load %arg6[%swap3A_368, %swap3A_369] {strides = array<i32>} : memref<32x768xf32, #tpu.memory_space<vmem>>, vector<1x16xf32>,
        %swap3A_371 = vector.shape_cast %swap3A_370 : vector<1x16xf32> to vector<16xf32>
        %swap3A_372 = vector.shape_cast %mul3A_367 : vector<16xf32> to vector<1x16xf32>
        tpu.vector_store %arg6[%swap3A_368, %swap3A_369], %swap3A_372 {strides = array<i32>} : memref<32x768xf32, #tpu.memory_space<vmem>>, vector<1x16xf32>,
        %get3A_373 = arith.index_cast %scan3A_360 : i32 to index
        %get3A_374 = arith.constant 16 : index
        %get3A_375 = tpu.vector_load %arg6[%get3A_373, %get3A_374] {strides = array<i32>} : memref<32x768xf32, #tpu.memory_space<vmem>>, vector<1x16xf32>,
        %get3A_376 = vector.shape_cast %get3A_375 : vector<1x16xf32> to vector<16xf32>
        %mul3A_377 = arith.constant 27.7128124 : f32
        %mul3A_378 = vector.broadcast %mul3A_377 : f32 to vector<16xf32>
        %mul3A_379 = arith.mulf %get3A_376, %mul3A_378 : vector<16xf32>
        %swap3A_380 = arith.index_cast %scan3A_360 : i32 to index
        %swap3A_381 = arith.constant 16 : index
        %swap3A_382 = tpu.vector_load %arg6[%swap3A_380, %swap3A_381] {strides = array<i32>} : memref<32x768xf32, #tpu.memory_space<vmem>>, vector<1x16xf32>,
        %swap3A_383 = vector.shape_cast %swap3A_382 : vector<1x16xf32> to vector<16xf32>
        %swap3A_384 = vector.shape_cast %mul3A_379 : vector<16xf32> to vector<1x16xf32>
        tpu.vector_store %arg6[%swap3A_380, %swap3A_381], %swap3A_384 {strides = array<i32>} : memref<32x768xf32, #tpu.memory_space<vmem>>, vector<1x16xf32>,
        %get3A_385 = arith.index_cast %scan3A_360 : i32 to index
        %get3A_386 = arith.constant 32 : index
        %get3A_387 = tpu.vector_load %arg6[%get3A_385, %get3A_386] {strides = array<i32>} : memref<32x768xf32, #tpu.memory_space<vmem>>, vector<1x16xf32>,
        %get3A_388 = vector.shape_cast %get3A_387 : vector<1x16xf32> to vector<16xf32>
        %mul3A_389 = arith.constant 27.7128124 : f32
        %mul3A_390 = vector.broadcast %mul3A_389 : f32 to vector<16xf32>
        %mul3A_391 = arith.mulf %get3A_388, %mul3A_390 : vector<16xf32>
        %swap3A_392 = arith.index_cast %scan3A_360 : i32 to index
        %swap3A_393 = arith.constant 32 : index
        %swap3A_394 = tpu.vector_load %arg6[%swap3A_392, %swap3A_393] {strides = array<i32>} : memref<32x768xf32, #tpu.memory_space<vmem>>, vector<1x16xf32>,
        %swap3A_395 = vector.shape_cast %swap3A_394 : vector<1x16xf32> to vector<16xf32>
        %swap3A_396 = vector.shape_cast %mul3A_391 : vector<16xf32> to vector<1x16xf32>
        tpu.vector_store %arg6[%swap3A_392, %swap3A_393], %swap3A_396 {strides = array<i32>} : memref<32x768xf32, #tpu.memory_space<vmem>>, vector<1x16xf32>,
        %get3A_397 = arith.index_cast %scan3A_360 : i32 to index
        %get3A_398 = arith.constant 48 : index
        %get3A_399 = tpu.vector_load %arg6[%get3A_397, %get3A_398] {strides = array<i32>} : memref<32x768xf32, #tpu.memory_space<vmem>>, vector<1x16xf32>,
        %get3A_400 = vector.shape_cast %get3A_399 : vector<1x16xf32> to vector<16xf32>
        %mul3A_401 = arith.constant 27.7128124 : f32
        %mul3A_402 = vector.broadcast %mul3A_401 : f32 to vector<16xf32>
        %mul3A_403 = arith.mulf %get3A_400, %mul3A_402 : vector<16xf32>
        %swap3A_404 = arith.index_cast %scan3A_360 : i32 to index
        %swap3A_405 = arith.constant 48 : index
        %swap3A_406 = tpu.vector_load %arg6[%swap3A_404, %swap3A_405] {strides = array<i32>} : memref<32x768xf32, #tpu.memory_space<vmem>>, vector<1x16xf32>,
        %swap3A_407 = vector.shape_cast %swap3A_406 : vector<1x16xf32> to vector<16xf32>
        %swap3A_408 = vector.shape_cast %mul3A_403 : vector<16xf32> to vector<1x16xf32>
        tpu.vector_store %arg6[%swap3A_404, %swap3A_405], %swap3A_408 {strides = array<i32>} : memref<32x768xf32, #tpu.memory_space<vmem>>, vector<1x16xf32>,
        %get3A_409 = arith.index_cast %scan3A_360 : i32 to index
        %get3A_410 = arith.constant 64 : index
        %get3A_411 = tpu.vector_load %arg6[%get3A_409, %get3A_410] {strides = array<i32>} : memref<32x768xf32, #tpu.memory_space<vmem>>, vector<1x16xf32>,
        %get3A_412 = vector.shape_cast %get3A_411 : vector<1x16xf32> to vector<16xf32>
        %mul3A_413 = arith.constant 27.7128124 : f32
        %mul3A_414 = vector.broadcast %mul3A_413 : f32 to vector<16xf32>
        %mul3A_415 = arith.mulf %get3A_412, %mul3A_414 : vector<16xf32>
        %swap3A_416 = arith.index_cast %scan3A_360 : i32 to index
        %swap3A_417 = arith.constant 64 : index
        %swap3A_418 = tpu.vector_load %arg6[%swap3A_416, %swap3A_417] {strides = array<i32>} : memref<32x768xf32, #tpu.memory_space<vmem>>, vector<1x16xf32>,
        %swap3A_419 = vector.shape_cast %swap3A_418 : vector<1x16xf32> to vector<16xf32>
        %swap3A_420 = vector.shape_cast %mul3A_415 : vector<16xf32> to vector<1x16xf32>
        tpu.vector_store %arg6[%swap3A_416, %swap3A_417], %swap3A_420 {strides = array<i32>} : memref<32x768xf32, #tpu.memory_space<vmem>>, vector<1x16xf32>,
        %get3A_421 = arith.index_cast %scan3A_360 : i32 to index
        %get3A_422 = arith.constant 80 : index
        %get3A_423 = tpu.vector_load %arg6[%get3A_421, %get3A_422] {strides = array<i32>} : memref<32x768xf32, #tpu.memory_space<vmem>>, vector<1x16xf32>,
        %get3A_424 = vector.shape_cast %get3A_423 : vector<1x16xf32> to vector<16xf32>
        %mul3A_425 = arith.constant 27.7128124 : f32
        %mul3A_426 = vector.broadcast %mul3A_425 : f32 to vector<16xf32>
        %mul3A_427 = arith.mulf %get3A_424, %mul3A_426 : vector<16xf32>
        %swap3A_428 = arith.index_cast %scan3A_360 : i32 to index
        %swap3A_429 = arith.constant 80 : index
        %swap3A_430 = tpu.vector_load %arg6[%swap3A_428, %swap3A_429] {strides = array<i32>} : memref<32x768xf32, #tpu.memory_space<vmem>>, vector<1x16xf32>,
        %swap3A_431 = vector.shape_cast %swap3A_430 : vector<1x16xf32> to vector<16xf32>
        %swap3A_432 = vector.shape_cast %mul3A_427 : vector<16xf32> to vector<1x16xf32>
        tpu.vector_store %arg6[%swap3A_428, %swap3A_429], %swap3A_432 {strides = array<i32>} : memref<32x768xf32, #tpu.memory_space<vmem>>, vector<1x16xf32>,
        %get3A_433 = arith.index_cast %scan3A_360 : i32 to index
        %get3A_434 = arith.constant 96 : index
        %get3A_435 = tpu.vector_load %arg6[%get3A_433, %get3A_434] {strides = array<i32>} : memref<32x768xf32, #tpu.memory_space<vmem>>, vector<1x16xf32>,
        %get3A_436 = vector.shape_cast %get3A_435 : vector<1x16xf32> to vector<16xf32>
        %mul3A_437 = arith.constant 27.7128124 : f32
        %mul3A_438 = vector.broadcast %mul3A_437 : f32 to vector<16xf32>
        %mul3A_439 = arith.mulf %get3A_436, %mul3A_438 : vector<16xf32>
        %swap3A_440 = arith.index_cast %scan3A_360 : i32 to index
        %swap3A_441 = arith.constant 96 : index
        %swap3A_442 = tpu.vector_load %arg6[%swap3A_440, %swap3A_441] {strides = array<i32>} : memref<32x768xf32, #tpu.memory_space<vmem>>, vector<1x16xf32>,
        %swap3A_443 = vector.shape_cast %swap3A_442 : vector<1x16xf32> to vector<16xf32>
        %swap3A_444 = vector.shape_cast %mul3A_439 : vector<16xf32> to vector<1x16xf32>
        tpu.vector_store %arg6[%swap3A_440, %swap3A_441], %swap3A_444 {strides = array<i32>} : memref<32x768xf32, #tpu.memory_space<vmem>>, vector<1x16xf32>,
        %get3A_445 = arith.index_cast %scan3A_360 : i32 to index
        %get3A_446 = arith.constant 112 : index
        %get3A_447 = tpu.vector_load %arg6[%get3A_445, %get3A_446] {strides = array<i32>} : memref<32x768xf32, #tpu.memory_space<vmem>>, vector<1x16xf32>,
        %get3A_448 = vector.shape_cast %get3A_447 : vector<1x16xf32> to vector<16xf32>
        %mul3A_449 = arith.constant 27.7128124 : f32
        %mul3A_450 = vector.broadcast %mul3A_449 : f32 to vector<16xf32>
        %mul3A_451 = arith.mulf %get3A_448, %mul3A_450 : vector<16xf32>
        %swap3A_452 = arith.index_cast %scan3A_360 : i32 to index
        %swap3A_453 = arith.constant 112 : index
        %swap3A_454 = tpu.vector_load %arg6[%swap3A_452, %swap3A_453] {strides = array<i32>} : memref<32x768xf32, #tpu.memory_space<vmem>>, vector<1x16xf32>,
        %swap3A_455 = vector.shape_cast %swap3A_454 : vector<1x16xf32> to vector<16xf32>
        %swap3A_456 = vector.shape_cast %mul3A_451 : vector<16xf32> to vector<1x16xf32>
        tpu.vector_store %arg6[%swap3A_452, %swap3A_453], %swap3A_456 {strides = array<i32>} : memref<32x768xf32, #tpu.memory_space<vmem>>, vector<1x16xf32>,
        %get3A_457 = arith.index_cast %scan3A_360 : i32 to index
        %get3A_458 = arith.constant 128 : index
        %get3A_459 = tpu.vector_load %arg6[%get3A_457, %get3A_458] {strides = array<i32>} : memref<32x768xf32, #tpu.memory_space<vmem>>, vector<1x16xf32>,
        %get3A_460 = vector.shape_cast %get3A_459 : vector<1x16xf32> to vector<16xf32>
        %mul3A_461 = arith.constant 27.7128124 : f32
        %mul3A_462 = vector.broadcast %mul3A_461 : f32 to vector<16xf32>
        %mul3A_463 = arith.mulf %get3A_460, %mul3A_462 : vector<16xf32>
        %swap3A_464 = arith.index_cast %scan3A_360 : i32 to index
        %swap3A_465 = arith.constant 128 : index
        %swap3A_466 = tpu.vector_load %arg6[%swap3A_464, %swap3A_465] {strides = array<i32>} : memref<32x768xf32, #tpu.memory_space<vmem>>, vector<1x16xf32>,
        %swap3A_467 = vector.shape_cast %swap3A_466 : vector<1x16xf32> to vector<16xf32>
        %swap3A_468 = vector.shape_cast %mul3A_463 : vector<16xf32> to vector<1x16xf32>
        tpu.vector_store %arg6[%swap3A_464, %swap3A_465], %swap3A_468 {strides = array<i32>} : memref<32x768xf32, #tpu.memory_space<vmem>>, vector<1x16xf32>,
        %get3A_469 = arith.index_cast %scan3A_360 : i32 to index
        %get3A_470 = arith.constant 144 : index
        %get3A_471 = tpu.vector_load %arg6[%get3A_469, %get3A_470] {strides = array<i32>} : memref<32x768xf32, #tpu.memory_space<vmem>>, vector<1x16xf32>,
        %get3A_472 = vector.shape_cast %get3A_471 : vector<1x16xf32> to vector<16xf32>
        %mul3A_473 = arith.constant 27.7128124 : f32
        %mul3A_474 = vector.broadcast %mul3A_473 : f32 to vector<16xf32>
        %mul3A_475 = arith.mulf %get3A_472, %mul3A_474 : vector<16xf32>
        %swap3A_476 = arith.index_cast %scan3A_360 : i32 to index
        %swap3A_477 = arith.constant 144 : index
        %swap3A_478 = tpu.vector_load %arg6[%swap3A_476, %swap3A_477] {strides = array<i32>} : memref<32x768xf32, #tpu.memory_space<vmem>>, vector<1x16xf32>,
        %swap3A_479 = vector.shape_cast %swap3A_478 : vector<1x16xf32> to vector<16xf32>
        %swap3A_480 = vector.shape_cast %mul3A_475 : vector<16xf32> to vector<1x16xf32>
        tpu.vector_store %arg6[%swap3A_476, %swap3A_477], %swap3A_480 {strides = array<i32>} : memref<32x768xf32, #tpu.memory_space<vmem>>, vector<1x16xf32>,
        %get3A_481 = arith.index_cast %scan3A_360 : i32 to index
        %get3A_482 = arith.constant 160 : index
        %get3A_483 = tpu.vector_load %arg6[%get3A_481, %get3A_482] {strides = array<i32>} : memref<32x768xf32, #tpu.memory_space<vmem>>, vector<1x16xf32>,
        %get3A_484 = vector.shape_cast %get3A_483 : vector<1x16xf32> to vector<16xf32>
        %mul3A_485 = arith.constant 27.7128124 : f32
        %mul3A_486 = vector.broadcast %mul3A_485 : f32 to vector<16xf32>
        %mul3A_487 = arith.mulf %get3A_484, %mul3A_486 : vector<16xf32>
        %swap3A_488 = arith.index_cast %scan3A_360 : i32 to index
        %swap3A_489 = arith.constant 160 : index
        %swap3A_490 = tpu.vector_load %arg6[%swap3A_488, %swap3A_489] {strides = array<i32>} : memref<32x768xf32, #tpu.memory_space<vmem>>, vector<1x16xf32>,
        %swap3A_491 = vector.shape_cast %swap3A_490 : vector<1x16xf32> to vector<16xf32>
        %swap3A_492 = vector.shape_cast %mul3A_487 : vector<16xf32> to vector<1x16xf32>
        tpu.vector_store %arg6[%swap3A_488, %swap3A_489], %swap3A_492 {strides = array<i32>} : memref<32x768xf32, #tpu.memory_space<vmem>>, vector<1x16xf32>,
        %get3A_493 = arith.index_cast %scan3A_360 : i32 to index
        %get3A_494 = arith.constant 176 : index
        %get3A_495 = tpu.vector_load %arg6[%get3A_493, %get3A_494] {strides = array<i32>} : memref<32x768xf32, #tpu.memory_space<vmem>>, vector<1x16xf32>,
        %get3A_496 = vector.shape_cast %get3A_495 : vector<1x16xf32> to vector<16xf32>
        %mul3A_497 = arith.constant 27.7128124 : f32
        %mul3A_498 = vector.broadcast %mul3A_497 : f32 to vector<16xf32>
        %mul3A_499 = arith.mulf %get3A_496, %mul3A_498 : vector<16xf32>
        %swap3A_500 = arith.index_cast %scan3A_360 : i32 to index
        %swap3A_501 = arith.constant 176 : index
        %swap3A_502 = tpu.vector_load %arg6[%swap3A_500, %swap3A_501] {strides = array<i32>} : memref<32x768xf32, #tpu.memory_space<vmem>>, vector<1x16xf32>,
        %swap3A_503 = vector.shape_cast %swap3A_502 : vector<1x16xf32> to vector<16xf32>
        %swap3A_504 = vector.shape_cast %mul3A_499 : vector<16xf32> to vector<1x16xf32>
        tpu.vector_store %arg6[%swap3A_500, %swap3A_501], %swap3A_504 {strides = array<i32>} : memref<32x768xf32, #tpu.memory_space<vmem>>, vector<1x16xf32>,
        %get3A_505 = arith.index_cast %scan3A_360 : i32 to index
        %get3A_506 = arith.constant 192 : index
        %get3A_507 = tpu.vector_load %arg6[%get3A_505, %get3A_506] {strides = array<i32>} : memref<32x768xf32, #tpu.memory_space<vmem>>, vector<1x16xf32>,
        %get3A_508 = vector.shape_cast %get3A_507 : vector<1x16xf32> to vector<16xf32>
        %mul3A_509 = arith.constant 27.7128124 : f32
        %mul3A_510 = vector.broadcast %mul3A_509 : f32 to vector<16xf32>
        %mul3A_511 = arith.mulf %get3A_508, %mul3A_510 : vector<16xf32>
        %swap3A_512 = arith.index_cast %scan3A_360 : i32 to index
        %swap3A_513 = arith.constant 192 : index
        %swap3A_514 = tpu.vector_load %arg6[%swap3A_512, %swap3A_513] {strides = array<i32>} : memref<32x768xf32, #tpu.memory_space<vmem>>, vector<1x16xf32>,
        %swap3A_515 = vector.shape_cast %swap3A_514 : vector<1x16xf32> to vector<16xf32>
        %swap3A_516 = vector.shape_cast %mul3A_511 : vector<16xf32> to vector<1x16xf32>
        tpu.vector_store %arg6[%swap3A_512, %swap3A_513], %swap3A_516 {strides = array<i32>} : memref<32x768xf32, #tpu.memory_space<vmem>>, vector<1x16xf32>,
        %get3A_517 = arith.index_cast %scan3A_360 : i32 to index
        %get3A_518 = arith.constant 208 : index
        %get3A_519 = tpu.vector_load %arg6[%get3A_517, %get3A_518] {strides = array<i32>} : memref<32x768xf32, #tpu.memory_space<vmem>>, vector<1x16xf32>,
        %get3A_520 = vector.shape_cast %get3A_519 : vector<1x16xf32> to vector<16xf32>
        %mul3A_521 = arith.constant 27.7128124 : f32
        %mul3A_522 = vector.broadcast %mul3A_521 : f32 to vector<16xf32>
        %mul3A_523 = arith.mulf %get3A_520, %mul3A_522 : vector<16xf32>
        %swap3A_524 = arith.index_cast %scan3A_360 : i32 to index
        %swap3A_525 = arith.constant 208 : index
        %swap3A_526 = tpu.vector_load %arg6[%swap3A_524, %swap3A_525] {strides = array<i32>} : memref<32x768xf32, #tpu.memory_space<vmem>>, vector<1x16xf32>,
        %swap3A_527 = vector.shape_cast %swap3A_526 : vector<1x16xf32> to vector<16xf32>
        %swap3A_528 = vector.shape_cast %mul3A_523 : vector<16xf32> to vector<1x16xf32>
        tpu.vector_store %arg6[%swap3A_524, %swap3A_525], %swap3A_528 {strides = array<i32>} : memref<32x768xf32, #tpu.memory_space<vmem>>, vector<1x16xf32>,
        %get3A_529 = arith.index_cast %scan3A_360 : i32 to index
        %get3A_530 = arith.constant 224 : index
        %get3A_531 = tpu.vector_load %arg6[%get3A_529, %get3A_530] {strides = array<i32>} : memref<32x768xf32, #tpu.memory_space<vmem>>, vector<1x16xf32>,
        %get3A_532 = vector.shape_cast %get3A_531 : vector<1x16xf32> to vector<16xf32>
        %mul3A_533 = arith.constant 27.7128124 : f32
        %mul3A_534 = vector.broadcast %mul3A_533 : f32 to vector<16xf32>
        %mul3A_535 = arith.mulf %get3A_532, %mul3A_534 : vector<16xf32>
        %swap3A_536 = arith.index_cast %scan3A_360 : i32 to index
        %swap3A_537 = arith.constant 224 : index
        %swap3A_538 = tpu.vector_load %arg6[%swap3A_536, %swap3A_537] {strides = array<i32>} : memref<32x768xf32, #tpu.memory_space<vmem>>, vector<1x16xf32>,
        %swap3A_539 = vector.shape_cast %swap3A_538 : vector<1x16xf32> to vector<16xf32>
        %swap3A_540 = vector.shape_cast %mul3A_535 : vector<16xf32> to vector<1x16xf32>
        tpu.vector_store %arg6[%swap3A_536, %swap3A_537], %swap3A_540 {strides = array<i32>} : memref<32x768xf32, #tpu.memory_space<vmem>>, vector<1x16xf32>,
        %get3A_541 = arith.index_cast %scan3A_360 : i32 to index
        %get3A_542 = arith.constant 240 : index
        %get3A_543 = tpu.vector_load %arg6[%get3A_541, %get3A_542] {strides = array<i32>} : memref<32x768xf32, #tpu.memory_space<vmem>>, vector<1x16xf32>,
        %get3A_544 = vector.shape_cast %get3A_543 : vector<1x16xf32> to vector<16xf32>
        %mul3A_545 = arith.constant 27.7128124 : f32
        %mul3A_546 = vector.broadcast %mul3A_545 : f32 to vector<16xf32>
        %mul3A_547 = arith.mulf %get3A_544, %mul3A_546 : vector<16xf32>
        %swap3A_548 = arith.index_cast %scan3A_360 : i32 to index
        %swap3A_549 = arith.constant 240 : index
        %swap3A_550 = tpu.vector_load %arg6[%swap3A_548, %swap3A_549] {strides = array<i32>} : memref<32x768xf32, #tpu.memory_space<vmem>>, vector<1x16xf32>,
        %swap3A_551 = vector.shape_cast %swap3A_550 : vector<1x16xf32> to vector<16xf32>
        %swap3A_552 = vector.shape_cast %mul3A_547 : vector<16xf32> to vector<1x16xf32>
        tpu.vector_store %arg6[%swap3A_548, %swap3A_549], %swap3A_552 {strides = array<i32>} : memref<32x768xf32, #tpu.memory_space<vmem>>, vector<1x16xf32>,
        %get3A_553 = arith.index_cast %scan3A_360 : i32 to index
        %get3A_554 = arith.constant 256 : index
        %get3A_555 = tpu.vector_load %arg6[%get3A_553, %get3A_554] {strides = array<i32>} : memref<32x768xf32, #tpu.memory_space<vmem>>, vector<1x16xf32>,
        %get3A_556 = vector.shape_cast %get3A_555 : vector<1x16xf32> to vector<16xf32>
        %mul3A_557 = arith.constant 27.7128124 : f32
        %mul3A_558 = vector.broadcast %mul3A_557 : f32 to vector<16xf32>
        %mul3A_559 = arith.mulf %get3A_556, %mul3A_558 : vector<16xf32>
        %swap3A_560 = arith.index_cast %scan3A_360 : i32 to index
        %swap3A_561 = arith.constant 256 : index
        %swap3A_562 = tpu.vector_load %arg6[%swap3A_560, %swap3A_561] {strides = array<i32>} : memref<32x768xf32, #tpu.memory_space<vmem>>, vector<1x16xf32>,
        %swap3A_563 = vector.shape_cast %swap3A_562 : vector<1x16xf32> to vector<16xf32>
        %swap3A_564 = vector.shape_cast %mul3A_559 : vector<16xf32> to vector<1x16xf32>
        tpu.vector_store %arg6[%swap3A_560, %swap3A_561], %swap3A_564 {strides = array<i32>} : memref<32x768xf32, #tpu.memory_space<vmem>>, vector<1x16xf32>,
        %get3A_565 = arith.index_cast %scan3A_360 : i32 to index
        %get3A_566 = arith.constant 272 : index
        %get3A_567 = tpu.vector_load %arg6[%get3A_565, %get3A_566] {strides = array<i32>} : memref<32x768xf32, #tpu.memory_space<vmem>>, vector<1x16xf32>,
        %get3A_568 = vector.shape_cast %get3A_567 : vector<1x16xf32> to vector<16xf32>
        %mul3A_569 = arith.constant 27.7128124 : f32
        %mul3A_570 = vector.broadcast %mul3A_569 : f32 to vector<16xf32>
        %mul3A_571 = arith.mulf %get3A_568, %mul3A_570 : vector<16xf32>
        %swap3A_572 = arith.index_cast %scan3A_360 : i32 to index
        %swap3A_573 = arith.constant 272 : index
        %swap3A_574 = tpu.vector_load %arg6[%swap3A_572, %swap3A_573] {strides = array<i32>} : memref<32x768xf32, #tpu.memory_space<vmem>>, vector<1x16xf32>,
        %swap3A_575 = vector.shape_cast %swap3A_574 : vector<1x16xf32> to vector<16xf32>
        %swap3A_576 = vector.shape_cast %mul3A_571 : vector<16xf32> to vector<1x16xf32>
        tpu.vector_store %arg6[%swap3A_572, %swap3A_573], %swap3A_576 {strides = array<i32>} : memref<32x768xf32, #tpu.memory_space<vmem>>, vector<1x16xf32>,
        %get3A_577 = arith.index_cast %scan3A_360 : i32 to index
        %get3A_578 = arith.constant 288 : index
        %get3A_579 = tpu.vector_load %arg6[%get3A_577, %get3A_578] {strides = array<i32>} : memref<32x768xf32, #tpu.memory_space<vmem>>, vector<1x16xf32>,
        %get3A_580 = vector.shape_cast %get3A_579 : vector<1x16xf32> to vector<16xf32>
        %mul3A_581 = arith.constant 27.7128124 : f32
        %mul3A_582 = vector.broadcast %mul3A_581 : f32 to vector<16xf32>
        %mul3A_583 = arith.mulf %get3A_580, %mul3A_582 : vector<16xf32>
        %swap3A_584 = arith.index_cast %scan3A_360 : i32 to index
        %swap3A_585 = arith.constant 288 : index
        %swap3A_586 = tpu.vector_load %arg6[%swap3A_584, %swap3A_585] {strides = array<i32>} : memref<32x768xf32, #tpu.memory_space<vmem>>, vector<1x16xf32>,
        %swap3A_587 = vector.shape_cast %swap3A_586 : vector<1x16xf32> to vector<16xf32>
        %swap3A_588 = vector.shape_cast %mul3A_583 : vector<16xf32> to vector<1x16xf32>
        tpu.vector_store %arg6[%swap3A_584, %swap3A_585], %swap3A_588 {strides = array<i32>} : memref<32x768xf32, #tpu.memory_space<vmem>>, vector<1x16xf32>,
        %get3A_589 = arith.index_cast %scan3A_360 : i32 to index
        %get3A_590 = arith.constant 304 : index
        %get3A_591 = tpu.vector_load %arg6[%get3A_589, %get3A_590] {strides = array<i32>} : memref<32x768xf32, #tpu.memory_space<vmem>>, vector<1x16xf32>,
        %get3A_592 = vector.shape_cast %get3A_591 : vector<1x16xf32> to vector<16xf32>
        %mul3A_593 = arith.constant 27.7128124 : f32
        %mul3A_594 = vector.broadcast %mul3A_593 : f32 to vector<16xf32>
        %mul3A_595 = arith.mulf %get3A_592, %mul3A_594 : vector<16xf32>
        %swap3A_596 = arith.index_cast %scan3A_360 : i32 to index
        %swap3A_597 = arith.constant 304 : index
        %swap3A_598 = tpu.vector_load %arg6[%swap3A_596, %swap3A_597] {strides = array<i32>} : memref<32x768xf32, #tpu.memory_space<vmem>>, vector<1x16xf32>,
        %swap3A_599 = vector.shape_cast %swap3A_598 : vector<1x16xf32> to vector<16xf32>
        %swap3A_600 = vector.shape_cast %mul3A_595 : vector<16xf32> to vector<1x16xf32>
        tpu.vector_store %arg6[%swap3A_596, %swap3A_597], %swap3A_600 {strides = array<i32>} : memref<32x768xf32, #tpu.memory_space<vmem>>, vector<1x16xf32>,
        %get3A_601 = arith.index_cast %scan3A_360 : i32 to index
        %get3A_602 = arith.constant 320 : index
        %get3A_603 = tpu.vector_load %arg6[%get3A_601, %get3A_602] {strides = array<i32>} : memref<32x768xf32, #tpu.memory_space<vmem>>, vector<1x16xf32>,
        %get3A_604 = vector.shape_cast %get3A_603 : vector<1x16xf32> to vector<16xf32>
        %mul3A_605 = arith.constant 27.7128124 : f32
        %mul3A_606 = vector.broadcast %mul3A_605 : f32 to vector<16xf32>
        %mul3A_607 = arith.mulf %get3A_604, %mul3A_606 : vector<16xf32>
        %swap3A_608 = arith.index_cast %scan3A_360 : i32 to index
        %swap3A_609 = arith.constant 320 : index
        %swap3A_610 = tpu.vector_load %arg6[%swap3A_608, %swap3A_609] {strides = array<i32>} : memref<32x768xf32, #tpu.memory_space<vmem>>, vector<1x16xf32>,
        %swap3A_611 = vector.shape_cast %swap3A_610 : vector<1x16xf32> to vector<16xf32>
        %swap3A_612 = vector.shape_cast %mul3A_607 : vector<16xf32> to vector<1x16xf32>
        tpu.vector_store %arg6[%swap3A_608, %swap3A_609], %swap3A_612 {strides = array<i32>} : memref<32x768xf32, #tpu.memory_space<vmem>>, vector<1x16xf32>,
        %get3A_613 = arith.index_cast %scan3A_360 : i32 to index
        %get3A_614 = arith.constant 336 : index
        %get3A_615 = tpu.vector_load %arg6[%get3A_613, %get3A_614] {strides = array<i32>} : memref<32x768xf32, #tpu.memory_space<vmem>>, vector<1x16xf32>,
        %get3A_616 = vector.shape_cast %get3A_615 : vector<1x16xf32> to vector<16xf32>
        %mul3A_617 = arith.constant 27.7128124 : f32
        %mul3A_618 = vector.broadcast %mul3A_617 : f32 to vector<16xf32>
        %mul3A_619 = arith.mulf %get3A_616, %mul3A_618 : vector<16xf32>
        %swap3A_620 = arith.index_cast %scan3A_360 : i32 to index
        %swap3A_621 = arith.constant 336 : index
        %swap3A_622 = tpu.vector_load %arg6[%swap3A_620, %swap3A_621] {strides = array<i32>} : memref<32x768xf32, #tpu.memory_space<vmem>>, vector<1x16xf32>,
        %swap3A_623 = vector.shape_cast %swap3A_622 : vector<1x16xf32> to vector<16xf32>
        %swap3A_624 = vector.shape_cast %mul3A_619 : vector<16xf32> to vector<1x16xf32>
        tpu.vector_store %arg6[%swap3A_620, %swap3A_621], %swap3A_624 {strides = array<i32>} : memref<32x768xf32, #tpu.memory_space<vmem>>, vector<1x16xf32>,
        %get3A_625 = arith.index_cast %scan3A_360 : i32 to index
        %get3A_626 = arith.constant 352 : index
        %get3A_627 = tpu.vector_load %arg6[%get3A_625, %get3A_626] {strides = array<i32>} : memref<32x768xf32, #tpu.memory_space<vmem>>, vector<1x16xf32>,
        %get3A_628 = vector.shape_cast %get3A_627 : vector<1x16xf32> to vector<16xf32>
        %mul3A_629 = arith.constant 27.7128124 : f32
        %mul3A_630 = vector.broadcast %mul3A_629 : f32 to vector<16xf32>
        %mul3A_631 = arith.mulf %get3A_628, %mul3A_630 : vector<16xf32>
        %swap3A_632 = arith.index_cast %scan3A_360 : i32 to index
        %swap3A_633 = arith.constant 352 : index
        %swap3A_634 = tpu.vector_load %arg6[%swap3A_632, %swap3A_633] {strides = array<i32>} : memref<32x768xf32, #tpu.memory_space<vmem>>, vector<1x16xf32>,
        %swap3A_635 = vector.shape_cast %swap3A_634 : vector<1x16xf32> to vector<16xf32>
        %swap3A_636 = vector.shape_cast %mul3A_631 : vector<16xf32> to vector<1x16xf32>
        tpu.vector_store %arg6[%swap3A_632, %swap3A_633], %swap3A_636 {strides = array<i32>} : memref<32x768xf32, #tpu.memory_space<vmem>>, vector<1x16xf32>,
        %get3A_637 = arith.index_cast %scan3A_360 : i32 to index
        %get3A_638 = arith.constant 368 : index
        %get3A_639 = tpu.vector_load %arg6[%get3A_637, %get3A_638] {strides = array<i32>} : memref<32x768xf32, #tpu.memory_space<vmem>>, vector<1x16xf32>,
        %get3A_640 = vector.shape_cast %get3A_639 : vector<1x16xf32> to vector<16xf32>
        %mul3A_641 = arith.constant 27.7128124 : f32
        %mul3A_642 = vector.broadcast %mul3A_641 : f32 to vector<16xf32>
        %mul3A_643 = arith.mulf %get3A_640, %mul3A_642 : vector<16xf32>
        %swap3A_644 = arith.index_cast %scan3A_360 : i32 to index
        %swap3A_645 = arith.constant 368 : index
        %swap3A_646 = tpu.vector_load %arg6[%swap3A_644, %swap3A_645] {strides = array<i32>} : memref<32x768xf32, #tpu.memory_space<vmem>>, vector<1x16xf32>,
        %swap3A_647 = vector.shape_cast %swap3A_646 : vector<1x16xf32> to vector<16xf32>
        %swap3A_648 = vector.shape_cast %mul3A_643 : vector<16xf32> to vector<1x16xf32>
        tpu.vector_store %arg6[%swap3A_644, %swap3A_645], %swap3A_648 {strides = array<i32>} : memref<32x768xf32, #tpu.memory_space<vmem>>, vector<1x16xf32>,
        %get3A_649 = arith.index_cast %scan3A_360 : i32 to index
        %get3A_650 = arith.constant 384 : index
        %get3A_651 = tpu.vector_load %arg6[%get3A_649, %get3A_650] {strides = array<i32>} : memref<32x768xf32, #tpu.memory_space<vmem>>, vector<1x16xf32>,
        %get3A_652 = vector.shape_cast %get3A_651 : vector<1x16xf32> to vector<16xf32>
        %mul3A_653 = arith.constant 27.7128124 : f32
        %mul3A_654 = vector.broadcast %mul3A_653 : f32 to vector<16xf32>
        %mul3A_655 = arith.mulf %get3A_652, %mul3A_654 : vector<16xf32>
        %swap3A_656 = arith.index_cast %scan3A_360 : i32 to index
        %swap3A_657 = arith.constant 384 : index
        %swap3A_658 = tpu.vector_load %arg6[%swap3A_656, %swap3A_657] {strides = array<i32>} : memref<32x768xf32, #tpu.memory_space<vmem>>, vector<1x16xf32>,
        %swap3A_659 = vector.shape_cast %swap3A_658 : vector<1x16xf32> to vector<16xf32>
        %swap3A_660 = vector.shape_cast %mul3A_655 : vector<16xf32> to vector<1x16xf32>
        tpu.vector_store %arg6[%swap3A_656, %swap3A_657], %swap3A_660 {strides = array<i32>} : memref<32x768xf32, #tpu.memory_space<vmem>>, vector<1x16xf32>,
        %get3A_661 = arith.index_cast %scan3A_360 : i32 to index
        %get3A_662 = arith.constant 400 : index
        %get3A_663 = tpu.vector_load %arg6[%get3A_661, %get3A_662] {strides = array<i32>} : memref<32x768xf32, #tpu.memory_space<vmem>>, vector<1x16xf32>,
        %get3A_664 = vector.shape_cast %get3A_663 : vector<1x16xf32> to vector<16xf32>
        %mul3A_665 = arith.constant 27.7128124 : f32
        %mul3A_666 = vector.broadcast %mul3A_665 : f32 to vector<16xf32>
        %mul3A_667 = arith.mulf %get3A_664, %mul3A_666 : vector<16xf32>
        %swap3A_668 = arith.index_cast %scan3A_360 : i32 to index
        %swap3A_669 = arith.constant 400 : index
        %swap3A_670 = tpu.vector_load %arg6[%swap3A_668, %swap3A_669] {strides = array<i32>} : memref<32x768xf32, #tpu.memory_space<vmem>>, vector<1x16xf32>,
        %swap3A_671 = vector.shape_cast %swap3A_670 : vector<1x16xf32> to vector<16xf32>
        %swap3A_672 = vector.shape_cast %mul3A_667 : vector<16xf32> to vector<1x16xf32>
        tpu.vector_store %arg6[%swap3A_668, %swap3A_669], %swap3A_672 {strides = array<i32>} : memref<32x768xf32, #tpu.memory_space<vmem>>, vector<1x16xf32>,
        %get3A_673 = arith.index_cast %scan3A_360 : i32 to index
        %get3A_674 = arith.constant 416 : index
        %get3A_675 = tpu.vector_load %arg6[%get3A_673, %get3A_674] {strides = array<i32>} : memref<32x768xf32, #tpu.memory_space<vmem>>, vector<1x16xf32>,
        %get3A_676 = vector.shape_cast %get3A_675 : vector<1x16xf32> to vector<16xf32>
        %mul3A_677 = arith.constant 27.7128124 : f32
        %mul3A_678 = vector.broadcast %mul3A_677 : f32 to vector<16xf32>
        %mul3A_679 = arith.mulf %get3A_676, %mul3A_678 : vector<16xf32>
        %swap3A_680 = arith.index_cast %scan3A_360 : i32 to index
        %swap3A_681 = arith.constant 416 : index
        %swap3A_682 = tpu.vector_load %arg6[%swap3A_680, %swap3A_681] {strides = array<i32>} : memref<32x768xf32, #tpu.memory_space<vmem>>, vector<1x16xf32>,
        %swap3A_683 = vector.shape_cast %swap3A_682 : vector<1x16xf32> to vector<16xf32>
        %swap3A_684 = vector.shape_cast %mul3A_679 : vector<16xf32> to vector<1x16xf32>
        tpu.vector_store %arg6[%swap3A_680, %swap3A_681], %swap3A_684 {strides = array<i32>} : memref<32x768xf32, #tpu.memory_space<vmem>>, vector<1x16xf32>,
        %get3A_685 = arith.index_cast %scan3A_360 : i32 to index
        %get3A_686 = arith.constant 432 : index
        %get3A_687 = tpu.vector_load %arg6[%get3A_685, %get3A_686] {strides = array<i32>} : memref<32x768xf32, #tpu.memory_space<vmem>>, vector<1x16xf32>,
        %get3A_688 = vector.shape_cast %get3A_687 : vector<1x16xf32> to vector<16xf32>
        %mul3A_689 = arith.constant 27.7128124 : f32
        %mul3A_690 = vector.broadcast %mul3A_689 : f32 to vector<16xf32>
        %mul3A_691 = arith.mulf %get3A_688, %mul3A_690 : vector<16xf32>
        %swap3A_692 = arith.index_cast %scan3A_360 : i32 to index
        %swap3A_693 = arith.constant 432 : index
        %swap3A_694 = tpu.vector_load %arg6[%swap3A_692, %swap3A_693] {strides = array<i32>} : memref<32x768xf32, #tpu.memory_space<vmem>>, vector<1x16xf32>,
        %swap3A_695 = vector.shape_cast %swap3A_694 : vector<1x16xf32> to vector<16xf32>
        %swap3A_696 = vector.shape_cast %mul3A_691 : vector<16xf32> to vector<1x16xf32>
        tpu.vector_store %arg6[%swap3A_692, %swap3A_693], %swap3A_696 {strides = array<i32>} : memref<32x768xf32, #tpu.memory_space<vmem>>, vector<1x16xf32>,
        %get3A_697 = arith.index_cast %scan3A_360 : i32 to index
        %get3A_698 = arith.constant 448 : index
        %get3A_699 = tpu.vector_load %arg6[%get3A_697, %get3A_698] {strides = array<i32>} : memref<32x768xf32, #tpu.memory_space<vmem>>, vector<1x16xf32>,
        %get3A_700 = vector.shape_cast %get3A_699 : vector<1x16xf32> to vector<16xf32>
        %mul3A_701 = arith.constant 27.7128124 : f32
        %mul3A_702 = vector.broadcast %mul3A_701 : f32 to vector<16xf32>
        %mul3A_703 = arith.mulf %get3A_700, %mul3A_702 : vector<16xf32>
        %swap3A_704 = arith.index_cast %scan3A_360 : i32 to index
        %swap3A_705 = arith.constant 448 : index
        %swap3A_706 = tpu.vector_load %arg6[%swap3A_704, %swap3A_705] {strides = array<i32>} : memref<32x768xf32, #tpu.memory_space<vmem>>, vector<1x16xf32>,
        %swap3A_707 = vector.shape_cast %swap3A_706 : vector<1x16xf32> to vector<16xf32>
        %swap3A_708 = vector.shape_cast %mul3A_703 : vector<16xf32> to vector<1x16xf32>
        tpu.vector_store %arg6[%swap3A_704, %swap3A_705], %swap3A_708 {strides = array<i32>} : memref<32x768xf32, #tpu.memory_space<vmem>>, vector<1x16xf32>,
        %get3A_709 = arith.index_cast %scan3A_360 : i32 to index
        %get3A_710 = arith.constant 464 : index
        %get3A_711 = tpu.vector_load %arg6[%get3A_709, %get3A_710] {strides = array<i32>} : memref<32x768xf32, #tpu.memory_space<vmem>>, vector<1x16xf32>,
        %get3A_712 = vector.shape_cast %get3A_711 : vector<1x16xf32> to vector<16xf32>
        %mul3A_713 = arith.constant 27.7128124 : f32
        %mul3A_714 = vector.broadcast %mul3A_713 : f32 to vector<16xf32>
        %mul3A_715 = arith.mulf %get3A_712, %mul3A_714 : vector<16xf32>
        %swap3A_716 = arith.index_cast %scan3A_360 : i32 to index
        %swap3A_717 = arith.constant 464 : index
        %swap3A_718 = tpu.vector_load %arg6[%swap3A_716, %swap3A_717] {strides = array<i32>} : memref<32x768xf32, #tpu.memory_space<vmem>>, vector<1x16xf32>,
        %swap3A_719 = vector.shape_cast %swap3A_718 : vector<1x16xf32> to vector<16xf32>
        %swap3A_720 = vector.shape_cast %mul3A_715 : vector<16xf32> to vector<1x16xf32>
        tpu.vector_store %arg6[%swap3A_716, %swap3A_717], %swap3A_720 {strides = array<i32>} : memref<32x768xf32, #tpu.memory_space<vmem>>, vector<1x16xf32>,
        %get3A_721 = arith.index_cast %scan3A_360 : i32 to index
        %get3A_722 = arith.constant 480 : index
        %get3A_723 = tpu.vector_load %arg6[%get3A_721, %get3A_722] {strides = array<i32>} : memref<32x768xf32, #tpu.memory_space<vmem>>, vector<1x16xf32>,
        %get3A_724 = vector.shape_cast %get3A_723 : vector<1x16xf32> to vector<16xf32>
        %mul3A_725 = arith.constant 27.7128124 : f32
        %mul3A_726 = vector.broadcast %mul3A_725 : f32 to vector<16xf32>
        %mul3A_727 = arith.mulf %get3A_724, %mul3A_726 : vector<16xf32>
        %swap3A_728 = arith.index_cast %scan3A_360 : i32 to index
        %swap3A_729 = arith.constant 480 : index
        %swap3A_730 = tpu.vector_load %arg6[%swap3A_728, %swap3A_729] {strides = array<i32>} : memref<32x768xf32, #tpu.memory_space<vmem>>, vector<1x16xf32>,
        %swap3A_731 = vector.shape_cast %swap3A_730 : vector<1x16xf32> to vector<16xf32>
        %swap3A_732 = vector.shape_cast %mul3A_727 : vector<16xf32> to vector<1x16xf32>
        tpu.vector_store %arg6[%swap3A_728, %swap3A_729], %swap3A_732 {strides = array<i32>} : memref<32x768xf32, #tpu.memory_space<vmem>>, vector<1x16xf32>,
        %get3A_733 = arith.index_cast %scan3A_360 : i32 to index
        %get3A_734 = arith.constant 496 : index
        %get3A_735 = tpu.vector_load %arg6[%get3A_733, %get3A_734] {strides = array<i32>} : memref<32x768xf32, #tpu.memory_space<vmem>>, vector<1x16xf32>,
        %get3A_736 = vector.shape_cast %get3A_735 : vector<1x16xf32> to vector<16xf32>
        %mul3A_737 = arith.constant 27.7128124 : f32
        %mul3A_738 = vector.broadcast %mul3A_737 : f32 to vector<16xf32>
        %mul3A_739 = arith.mulf %get3A_736, %mul3A_738 : vector<16xf32>
        %swap3A_740 = arith.index_cast %scan3A_360 : i32 to index
        %swap3A_741 = arith.constant 496 : index
        %swap3A_742 = tpu.vector_load %arg6[%swap3A_740, %swap3A_741] {strides = array<i32>} : memref<32x768xf32, #tpu.memory_space<vmem>>, vector<1x16xf32>,
        %swap3A_743 = vector.shape_cast %swap3A_742 : vector<1x16xf32> to vector<16xf32>
        %swap3A_744 = vector.shape_cast %mul3A_739 : vector<16xf32> to vector<1x16xf32>
        tpu.vector_store %arg6[%swap3A_740, %swap3A_741], %swap3A_744 {strides = array<i32>} : memref<32x768xf32, #tpu.memory_space<vmem>>, vector<1x16xf32>,
        %get3A_745 = arith.index_cast %scan3A_360 : i32 to index
        %get3A_746 = arith.constant 512 : index
        %get3A_747 = tpu.vector_load %arg6[%get3A_745, %get3A_746] {strides = array<i32>} : memref<32x768xf32, #tpu.memory_space<vmem>>, vector<1x16xf32>,
        %get3A_748 = vector.shape_cast %get3A_747 : vector<1x16xf32> to vector<16xf32>
        %mul3A_749 = arith.constant 27.7128124 : f32
        %mul3A_750 = vector.broadcast %mul3A_749 : f32 to vector<16xf32>
        %mul3A_751 = arith.mulf %get3A_748, %mul3A_750 : vector<16xf32>
        %swap3A_752 = arith.index_cast %scan3A_360 : i32 to index
        %swap3A_753 = arith.constant 512 : index
        %swap3A_754 = tpu.vector_load %arg6[%swap3A_752, %swap3A_753] {strides = array<i32>} : memref<32x768xf32, #tpu.memory_space<vmem>>, vector<1x16xf32>,
        %swap3A_755 = vector.shape_cast %swap3A_754 : vector<1x16xf32> to vector<16xf32>
        %swap3A_756 = vector.shape_cast %mul3A_751 : vector<16xf32> to vector<1x16xf32>
        tpu.vector_store %arg6[%swap3A_752, %swap3A_753], %swap3A_756 {strides = array<i32>} : memref<32x768xf32, #tpu.memory_space<vmem>>, vector<1x16xf32>,
        %get3A_757 = arith.index_cast %scan3A_360 : i32 to index
        %get3A_758 = arith.constant 528 : index
        %get3A_759 = tpu.vector_load %arg6[%get3A_757, %get3A_758] {strides = array<i32>} : memref<32x768xf32, #tpu.memory_space<vmem>>, vector<1x16xf32>,
        %get3A_760 = vector.shape_cast %get3A_759 : vector<1x16xf32> to vector<16xf32>
        %mul3A_761 = arith.constant 27.7128124 : f32
        %mul3A_762 = vector.broadcast %mul3A_761 : f32 to vector<16xf32>
        %mul3A_763 = arith.mulf %get3A_760, %mul3A_762 : vector<16xf32>
        %swap3A_764 = arith.index_cast %scan3A_360 : i32 to index
        %swap3A_765 = arith.constant 528 : index
        %swap3A_766 = tpu.vector_load %arg6[%swap3A_764, %swap3A_765] {strides = array<i32>} : memref<32x768xf32, #tpu.memory_space<vmem>>, vector<1x16xf32>,
        %swap3A_767 = vector.shape_cast %swap3A_766 : vector<1x16xf32> to vector<16xf32>
        %swap3A_768 = vector.shape_cast %mul3A_763 : vector<16xf32> to vector<1x16xf32>
        tpu.vector_store %arg6[%swap3A_764, %swap3A_765], %swap3A_768 {strides = array<i32>} : memref<32x768xf32, #tpu.memory_space<vmem>>, vector<1x16xf32>,
        %get3A_769 = arith.index_cast %scan3A_360 : i32 to index
        %get3A_770 = arith.constant 544 : index
        %get3A_771 = tpu.vector_load %arg6[%get3A_769, %get3A_770] {strides = array<i32>} : memref<32x768xf32, #tpu.memory_space<vmem>>, vector<1x16xf32>,
        %get3A_772 = vector.shape_cast %get3A_771 : vector<1x16xf32> to vector<16xf32>
        %mul3A_773 = arith.constant 27.7128124 : f32
        %mul3A_774 = vector.broadcast %mul3A_773 : f32 to vector<16xf32>
        %mul3A_775 = arith.mulf %get3A_772, %mul3A_774 : vector<16xf32>
        %swap3A_776 = arith.index_cast %scan3A_360 : i32 to index
        %swap3A_777 = arith.constant 544 : index
        %swap3A_778 = tpu.vector_load %arg6[%swap3A_776, %swap3A_777] {strides = array<i32>} : memref<32x768xf32, #tpu.memory_space<vmem>>, vector<1x16xf32>,
        %swap3A_779 = vector.shape_cast %swap3A_778 : vector<1x16xf32> to vector<16xf32>
        %swap3A_780 = vector.shape_cast %mul3A_775 : vector<16xf32> to vector<1x16xf32>
        tpu.vector_store %arg6[%swap3A_776, %swap3A_777], %swap3A_780 {strides = array<i32>} : memref<32x768xf32, #tpu.memory_space<vmem>>, vector<1x16xf32>,
        %get3A_781 = arith.index_cast %scan3A_360 : i32 to index
        %get3A_782 = arith.constant 560 : index
        %get3A_783 = tpu.vector_load %arg6[%get3A_781, %get3A_782] {strides = array<i32>} : memref<32x768xf32, #tpu.memory_space<vmem>>, vector<1x16xf32>,
        %get3A_784 = vector.shape_cast %get3A_783 : vector<1x16xf32> to vector<16xf32>
        %mul3A_785 = arith.constant 27.7128124 : f32
        %mul3A_786 = vector.broadcast %mul3A_785 : f32 to vector<16xf32>
        %mul3A_787 = arith.mulf %get3A_784, %mul3A_786 : vector<16xf32>
        %swap3A_788 = arith.index_cast %scan3A_360 : i32 to index
        %swap3A_789 = arith.constant 560 : index
        %swap3A_790 = tpu.vector_load %arg6[%swap3A_788, %swap3A_789] {strides = array<i32>} : memref<32x768xf32, #tpu.memory_space<vmem>>, vector<1x16xf32>,
        %swap3A_791 = vector.shape_cast %swap3A_790 : vector<1x16xf32> to vector<16xf32>
        %swap3A_792 = vector.shape_cast %mul3A_787 : vector<16xf32> to vector<1x16xf32>
        tpu.vector_store %arg6[%swap3A_788, %swap3A_789], %swap3A_792 {strides = array<i32>} : memref<32x768xf32, #tpu.memory_space<vmem>>, vector<1x16xf32>,
        %get3A_793 = arith.index_cast %scan3A_360 : i32 to index
        %get3A_794 = arith.constant 576 : index
        %get3A_795 = tpu.vector_load %arg6[%get3A_793, %get3A_794] {strides = array<i32>} : memref<32x768xf32, #tpu.memory_space<vmem>>, vector<1x16xf32>,
        %get3A_796 = vector.shape_cast %get3A_795 : vector<1x16xf32> to vector<16xf32>
        %mul3A_797 = arith.constant 27.7128124 : f32
        %mul3A_798 = vector.broadcast %mul3A_797 : f32 to vector<16xf32>
        %mul3A_799 = arith.mulf %get3A_796, %mul3A_798 : vector<16xf32>
        %swap3A_800 = arith.index_cast %scan3A_360 : i32 to index
        %swap3A_801 = arith.constant 576 : index
        %swap3A_802 = tpu.vector_load %arg6[%swap3A_800, %swap3A_801] {strides = array<i32>} : memref<32x768xf32, #tpu.memory_space<vmem>>, vector<1x16xf32>,
        %swap3A_803 = vector.shape_cast %swap3A_802 : vector<1x16xf32> to vector<16xf32>
        %swap3A_804 = vector.shape_cast %mul3A_799 : vector<16xf32> to vector<1x16xf32>
        tpu.vector_store %arg6[%swap3A_800, %swap3A_801], %swap3A_804 {strides = array<i32>} : memref<32x768xf32, #tpu.memory_space<vmem>>, vector<1x16xf32>,
        %get3A_805 = arith.index_cast %scan3A_360 : i32 to index
        %get3A_806 = arith.constant 592 : index
        %get3A_807 = tpu.vector_load %arg6[%get3A_805, %get3A_806] {strides = array<i32>} : memref<32x768xf32, #tpu.memory_space<vmem>>, vector<1x16xf32>,
        %get3A_808 = vector.shape_cast %get3A_807 : vector<1x16xf32> to vector<16xf32>
        %mul3A_809 = arith.constant 27.7128124 : f32
        %mul3A_810 = vector.broadcast %mul3A_809 : f32 to vector<16xf32>
        %mul3A_811 = arith.mulf %get3A_808, %mul3A_810 : vector<16xf32>
        %swap3A_812 = arith.index_cast %scan3A_360 : i32 to index
        %swap3A_813 = arith.constant 592 : index
        %swap3A_814 = tpu.vector_load %arg6[%swap3A_812, %swap3A_813] {strides = array<i32>} : memref<32x768xf32, #tpu.memory_space<vmem>>, vector<1x16xf32>,
        %swap3A_815 = vector.shape_cast %swap3A_814 : vector<1x16xf32> to vector<16xf32>
        %swap3A_816 = vector.shape_cast %mul3A_811 : vector<16xf32> to vector<1x16xf32>
        tpu.vector_store %arg6[%swap3A_812, %swap3A_813], %swap3A_816 {strides = array<i32>} : memref<32x768xf32, #tpu.memory_space<vmem>>, vector<1x16xf32>,
        %get3A_817 = arith.index_cast %scan3A_360 : i32 to index
        %get3A_818 = arith.constant 608 : index
        %get3A_819 = tpu.vector_load %arg6[%get3A_817, %get3A_818] {strides = array<i32>} : memref<32x768xf32, #tpu.memory_space<vmem>>, vector<1x16xf32>,
        %get3A_820 = vector.shape_cast %get3A_819 : vector<1x16xf32> to vector<16xf32>
        %mul3A_821 = arith.constant 27.7128124 : f32
        %mul3A_822 = vector.broadcast %mul3A_821 : f32 to vector<16xf32>
        %mul3A_823 = arith.mulf %get3A_820, %mul3A_822 : vector<16xf32>
        %swap3A_824 = arith.index_cast %scan3A_360 : i32 to index
        %swap3A_825 = arith.constant 608 : index
        %swap3A_826 = tpu.vector_load %arg6[%swap3A_824, %swap3A_825] {strides = array<i32>} : memref<32x768xf32, #tpu.memory_space<vmem>>, vector<1x16xf32>,
        %swap3A_827 = vector.shape_cast %swap3A_826 : vector<1x16xf32> to vector<16xf32>
        %swap3A_828 = vector.shape_cast %mul3A_823 : vector<16xf32> to vector<1x16xf32>
        tpu.vector_store %arg6[%swap3A_824, %swap3A_825], %swap3A_828 {strides = array<i32>} : memref<32x768xf32, #tpu.memory_space<vmem>>, vector<1x16xf32>,
        %get3A_829 = arith.index_cast %scan3A_360 : i32 to index
        %get3A_830 = arith.constant 624 : index
        %get3A_831 = tpu.vector_load %arg6[%get3A_829, %get3A_830] {strides = array<i32>} : memref<32x768xf32, #tpu.memory_space<vmem>>, vector<1x16xf32>,
        %get3A_832 = vector.shape_cast %get3A_831 : vector<1x16xf32> to vector<16xf32>
        %mul3A_833 = arith.constant 27.7128124 : f32
        %mul3A_834 = vector.broadcast %mul3A_833 : f32 to vector<16xf32>
        %mul3A_835 = arith.mulf %get3A_832, %mul3A_834 : vector<16xf32>
        %swap3A_836 = arith.index_cast %scan3A_360 : i32 to index
        %swap3A_837 = arith.constant 624 : index
        %swap3A_838 = tpu.vector_load %arg6[%swap3A_836, %swap3A_837] {strides = array<i32>} : memref<32x768xf32, #tpu.memory_space<vmem>>, vector<1x16xf32>,
        %swap3A_839 = vector.shape_cast %swap3A_838 : vector<1x16xf32> to vector<16xf32>
        %swap3A_840 = vector.shape_cast %mul3A_835 : vector<16xf32> to vector<1x16xf32>
        tpu.vector_store %arg6[%swap3A_836, %swap3A_837], %swap3A_840 {strides = array<i32>} : memref<32x768xf32, #tpu.memory_space<vmem>>, vector<1x16xf32>,
        %get3A_841 = arith.index_cast %scan3A_360 : i32 to index
        %get3A_842 = arith.constant 640 : index
        %get3A_843 = tpu.vector_load %arg6[%get3A_841, %get3A_842] {strides = array<i32>} : memref<32x768xf32, #tpu.memory_space<vmem>>, vector<1x16xf32>,
        %get3A_844 = vector.shape_cast %get3A_843 : vector<1x16xf32> to vector<16xf32>
        %mul3A_845 = arith.constant 27.7128124 : f32
        %mul3A_846 = vector.broadcast %mul3A_845 : f32 to vector<16xf32>
        %mul3A_847 = arith.mulf %get3A_844, %mul3A_846 : vector<16xf32>
        %swap3A_848 = arith.index_cast %scan3A_360 : i32 to index
        %swap3A_849 = arith.constant 640 : index
        %swap3A_850 = tpu.vector_load %arg6[%swap3A_848, %swap3A_849] {strides = array<i32>} : memref<32x768xf32, #tpu.memory_space<vmem>>, vector<1x16xf32>,
        %swap3A_851 = vector.shape_cast %swap3A_850 : vector<1x16xf32> to vector<16xf32>
        %swap3A_852 = vector.shape_cast %mul3A_847 : vector<16xf32> to vector<1x16xf32>
        tpu.vector_store %arg6[%swap3A_848, %swap3A_849], %swap3A_852 {strides = array<i32>} : memref<32x768xf32, #tpu.memory_space<vmem>>, vector<1x16xf32>,
        %get3A_853 = arith.index_cast %scan3A_360 : i32 to index
        %get3A_854 = arith.constant 656 : index
        %get3A_855 = tpu.vector_load %arg6[%get3A_853, %get3A_854] {strides = array<i32>} : memref<32x768xf32, #tpu.memory_space<vmem>>, vector<1x16xf32>,
        %get3A_856 = vector.shape_cast %get3A_855 : vector<1x16xf32> to vector<16xf32>
        %mul3A_857 = arith.constant 27.7128124 : f32
        %mul3A_858 = vector.broadcast %mul3A_857 : f32 to vector<16xf32>
        %mul3A_859 = arith.mulf %get3A_856, %mul3A_858 : vector<16xf32>
        %swap3A_860 = arith.index_cast %scan3A_360 : i32 to index
        %swap3A_861 = arith.constant 656 : index
        %swap3A_862 = tpu.vector_load %arg6[%swap3A_860, %swap3A_861] {strides = array<i32>} : memref<32x768xf32, #tpu.memory_space<vmem>>, vector<1x16xf32>,
        %swap3A_863 = vector.shape_cast %swap3A_862 : vector<1x16xf32> to vector<16xf32>
        %swap3A_864 = vector.shape_cast %mul3A_859 : vector<16xf32> to vector<1x16xf32>
        tpu.vector_store %arg6[%swap3A_860, %swap3A_861], %swap3A_864 {strides = array<i32>} : memref<32x768xf32, #tpu.memory_space<vmem>>, vector<1x16xf32>,
        %get3A_865 = arith.index_cast %scan3A_360 : i32 to index
        %get3A_866 = arith.constant 672 : index
        %get3A_867 = tpu.vector_load %arg6[%get3A_865, %get3A_866] {strides = array<i32>} : memref<32x768xf32, #tpu.memory_space<vmem>>, vector<1x16xf32>,
        %get3A_868 = vector.shape_cast %get3A_867 : vector<1x16xf32> to vector<16xf32>
        %mul3A_869 = arith.constant 27.7128124 : f32
        %mul3A_870 = vector.broadcast %mul3A_869 : f32 to vector<16xf32>
        %mul3A_871 = arith.mulf %get3A_868, %mul3A_870 : vector<16xf32>
        %swap3A_872 = arith.index_cast %scan3A_360 : i32 to index
        %swap3A_873 = arith.constant 672 : index
        %swap3A_874 = tpu.vector_load %arg6[%swap3A_872, %swap3A_873] {strides = array<i32>} : memref<32x768xf32, #tpu.memory_space<vmem>>, vector<1x16xf32>,
        %swap3A_875 = vector.shape_cast %swap3A_874 : vector<1x16xf32> to vector<16xf32>
        %swap3A_876 = vector.shape_cast %mul3A_871 : vector<16xf32> to vector<1x16xf32>
        tpu.vector_store %arg6[%swap3A_872, %swap3A_873], %swap3A_876 {strides = array<i32>} : memref<32x768xf32, #tpu.memory_space<vmem>>, vector<1x16xf32>,
        %get3A_877 = arith.index_cast %scan3A_360 : i32 to index
        %get3A_878 = arith.constant 688 : index
        %get3A_879 = tpu.vector_load %arg6[%get3A_877, %get3A_878] {strides = array<i32>} : memref<32x768xf32, #tpu.memory_space<vmem>>, vector<1x16xf32>,
        %get3A_880 = vector.shape_cast %get3A_879 : vector<1x16xf32> to vector<16xf32>
        %mul3A_881 = arith.constant 27.7128124 : f32
        %mul3A_882 = vector.broadcast %mul3A_881 : f32 to vector<16xf32>
        %mul3A_883 = arith.mulf %get3A_880, %mul3A_882 : vector<16xf32>
        %swap3A_884 = arith.index_cast %scan3A_360 : i32 to index
        %swap3A_885 = arith.constant 688 : index
        %swap3A_886 = tpu.vector_load %arg6[%swap3A_884, %swap3A_885] {strides = array<i32>} : memref<32x768xf32, #tpu.memory_space<vmem>>, vector<1x16xf32>,
        %swap3A_887 = vector.shape_cast %swap3A_886 : vector<1x16xf32> to vector<16xf32>
        %swap3A_888 = vector.shape_cast %mul3A_883 : vector<16xf32> to vector<1x16xf32>
        tpu.vector_store %arg6[%swap3A_884, %swap3A_885], %swap3A_888 {strides = array<i32>} : memref<32x768xf32, #tpu.memory_space<vmem>>, vector<1x16xf32>,
        %get3A_889 = arith.index_cast %scan3A_360 : i32 to index
        %get3A_890 = arith.constant 704 : index
        %get3A_891 = tpu.vector_load %arg6[%get3A_889, %get3A_890] {strides = array<i32>} : memref<32x768xf32, #tpu.memory_space<vmem>>, vector<1x16xf32>,
        %get3A_892 = vector.shape_cast %get3A_891 : vector<1x16xf32> to vector<16xf32>
        %mul3A_893 = arith.constant 27.7128124 : f32
        %mul3A_894 = vector.broadcast %mul3A_893 : f32 to vector<16xf32>
        %mul3A_895 = arith.mulf %get3A_892, %mul3A_894 : vector<16xf32>
        %swap3A_896 = arith.index_cast %scan3A_360 : i32 to index
        %swap3A_897 = arith.constant 704 : index
        %swap3A_898 = tpu.vector_load %arg6[%swap3A_896, %swap3A_897] {strides = array<i32>} : memref<32x768xf32, #tpu.memory_space<vmem>>, vector<1x16xf32>,
        %swap3A_899 = vector.shape_cast %swap3A_898 : vector<1x16xf32> to vector<16xf32>
        %swap3A_900 = vector.shape_cast %mul3A_895 : vector<16xf32> to vector<1x16xf32>
        tpu.vector_store %arg6[%swap3A_896, %swap3A_897], %swap3A_900 {strides = array<i32>} : memref<32x768xf32, #tpu.memory_space<vmem>>, vector<1x16xf32>,
        %get3A_901 = arith.index_cast %scan3A_360 : i32 to index
        %get3A_902 = arith.constant 720 : index
        %get3A_903 = tpu.vector_load %arg6[%get3A_901, %get3A_902] {strides = array<i32>} : memref<32x768xf32, #tpu.memory_space<vmem>>, vector<1x16xf32>,
        %get3A_904 = vector.shape_cast %get3A_903 : vector<1x16xf32> to vector<16xf32>
        %mul3A_905 = arith.constant 27.7128124 : f32
        %mul3A_906 = vector.broadcast %mul3A_905 : f32 to vector<16xf32>
        %mul3A_907 = arith.mulf %get3A_904, %mul3A_906 : vector<16xf32>
        %swap3A_908 = arith.index_cast %scan3A_360 : i32 to index
        %swap3A_909 = arith.constant 720 : index
        %swap3A_910 = tpu.vector_load %arg6[%swap3A_908, %swap3A_909] {strides = array<i32>} : memref<32x768xf32, #tpu.memory_space<vmem>>, vector<1x16xf32>,
        %swap3A_911 = vector.shape_cast %swap3A_910 : vector<1x16xf32> to vector<16xf32>
        %swap3A_912 = vector.shape_cast %mul3A_907 : vector<16xf32> to vector<1x16xf32>
        tpu.vector_store %arg6[%swap3A_908, %swap3A_909], %swap3A_912 {strides = array<i32>} : memref<32x768xf32, #tpu.memory_space<vmem>>, vector<1x16xf32>,
        %get3A_913 = arith.index_cast %scan3A_360 : i32 to index
        %get3A_914 = arith.constant 736 : index
        %get3A_915 = tpu.vector_load %arg6[%get3A_913, %get3A_914] {strides = array<i32>} : memref<32x768xf32, #tpu.memory_space<vmem>>, vector<1x16xf32>,
        %get3A_916 = vector.shape_cast %get3A_915 : vector<1x16xf32> to vector<16xf32>
        %mul3A_917 = arith.constant 27.7128124 : f32
        %mul3A_918 = vector.broadcast %mul3A_917 : f32 to vector<16xf32>
        %mul3A_919 = arith.mulf %get3A_916, %mul3A_918 : vector<16xf32>
        %swap3A_920 = arith.index_cast %scan3A_360 : i32 to index
        %swap3A_921 = arith.constant 736 : index
        %swap3A_922 = tpu.vector_load %arg6[%swap3A_920, %swap3A_921] {strides = array<i32>} : memref<32x768xf32, #tpu.memory_space<vmem>>, vector<1x16xf32>,
        %swap3A_923 = vector.shape_cast %swap3A_922 : vector<1x16xf32> to vector<16xf32>
        %swap3A_924 = vector.shape_cast %mul3A_919 : vector<16xf32> to vector<1x16xf32>
        tpu.vector_store %arg6[%swap3A_920, %swap3A_921], %swap3A_924 {strides = array<i32>} : memref<32x768xf32, #tpu.memory_space<vmem>>, vector<1x16xf32>,
        %get3A_925 = arith.index_cast %scan3A_360 : i32 to index
        %get3A_926 = arith.constant 752 : index
        %get3A_927 = tpu.vector_load %arg6[%get3A_925, %get3A_926] {strides = array<i32>} : memref<32x768xf32, #tpu.memory_space<vmem>>, vector<1x16xf32>,
        %get3A_928 = vector.shape_cast %get3A_927 : vector<1x16xf32> to vector<16xf32>
        %mul3A_929 = arith.constant 27.7128124 : f32
        %mul3A_930 = vector.broadcast %mul3A_929 : f32 to vector<16xf32>
        %mul3A_931 = arith.mulf %get3A_928, %mul3A_930 : vector<16xf32>
        %swap3A_932 = arith.index_cast %scan3A_360 : i32 to index
        %swap3A_933 = arith.constant 752 : index
        %swap3A_934 = tpu.vector_load %arg6[%swap3A_932, %swap3A_933] {strides = array<i32>} : memref<32x768xf32, #tpu.memory_space<vmem>>, vector<1x16xf32>,
        %swap3A_935 = vector.shape_cast %swap3A_934 : vector<1x16xf32> to vector<16xf32>
        %swap3A_936 = vector.shape_cast %mul3A_931 : vector<16xf32> to vector<1x16xf32>
        tpu.vector_store %arg6[%swap3A_932, %swap3A_933], %swap3A_936 {strides = array<i32>} : memref<32x768xf32, #tpu.memory_space<vmem>>, vector<1x16xf32>,
      }
      %scan3A_173 = arith.constant 32 : i32
      %mul3A_174 = arith.constant 32 : i32
      %mul3A_175 = arith.muli %add3A_161, %mul3A_174 : i32
      %add3A_176 = arith.addi %mul3A_2, %mul3A_175 : i32
      %dma_start3A_177 = arith.constant 0 : i32
      %dma_start3A_178 = arith.constant 0 : i32
      %dma_start3A_179 = tpu.memref_slice %arg6[%dma_start3A_177, %dma_start3A_178] : memref<32x768xf32, #tpu.memory_space<vmem>> -> memref<16x768xf32, #tpu.memory_space<vmem>>
      %dma_start3A_180 = arith.constant 0 : i32
      %dma_start3A_181 = tpu.memref_slice %arg4[%add3A_176, %dma_start3A_180] : memref<32768x768xf32, #tpu.memory_space<hbm>> -> memref<16x768xf32, #tpu.memory_space<hbm>>
      %dma_start3A_182 = arith.constant 0 : i32
      %dma_start3A_183 = tpu.memref_slice %arg4[%add3A_176, %dma_start3A_182] : memref<32768x768xf32, #tpu.memory_space<hbm>> -> memref<16x768xf32, #tpu.memory_space<hbm>>
      %dma_start3A_184 = arith.constant 0 : i32
      %dma_start3A_185 = arith.constant 0 : i32
      %dma_start3A_186 = tpu.memref_slice %arg6[%dma_start3A_184, %dma_start3A_185] : memref<32x768xf32, #tpu.memory_space<vmem>> -> memref<16x768xf32, #tpu.memory_space<vmem>>
      tpu.enqueue_dma source(%dma_start3A_186 : memref<16x768xf32, #tpu.memory_space<vmem>>) target(%dma_start3A_183 : memref<16x768xf32, #tpu.memory_space<hbm>>) target_semaphore(%arg14 : memref<!tpu.dma_semaphore, #tpu.memory_space<semaphore_mem>>)
      %mul3A_187 = arith.constant 32 : i32
      %mul3A_188 = arith.muli %add3A_161, %mul3A_187 : i32
      %add3A_189 = arith.addi %mul3A_2, %mul3A_188 : i32
      %add3A_190 = arith.constant 16 : i32
      %add3A_191 = arith.addi %add3A_189, %add3A_190 : i32
      %dma_start3A_192 = arith.constant 16 : i32
      %dma_start3A_193 = arith.constant 0 : i32
      %dma_start3A_194 = tpu.memref_slice %arg6[%dma_start3A_192, %dma_start3A_193] : memref<32x768xf32, #tpu.memory_space<vmem>> -> memref<16x768xf32, #tpu.memory_space<vmem>>
      %dma_start3A_195 = arith.constant 0 : i32
      %dma_start3A_196 = tpu.memref_slice %arg4[%add3A_191, %dma_start3A_195] : memref<32768x768xf32, #tpu.memory_space<hbm>> -> memref<16x768xf32, #tpu.memory_space<hbm>>
      %dma_start3A_197 = arith.constant 0 : i32
      %dma_start3A_198 = tpu.memref_slice %arg4[%add3A_191, %dma_start3A_197] : memref<32768x768xf32, #tpu.memory_space<hbm>> -> memref<16x768xf32, #tpu.memory_space<hbm>>
      %dma_start3A_199 = arith.constant 16 : i32
      %dma_start3A_200 = arith.constant 0 : i32
      %dma_start3A_201 = tpu.memref_slice %arg6[%dma_start3A_199, %dma_start3A_200] : memref<32x768xf32, #tpu.memory_space<vmem>> -> memref<16x768xf32, #tpu.memory_space<vmem>>
      tpu.enqueue_dma source(%dma_start3A_201 : memref<16x768xf32, #tpu.memory_space<vmem>>) target(%dma_start3A_198 : memref<16x768xf32, #tpu.memory_space<hbm>>) target_semaphore(%arg14 : memref<!tpu.dma_semaphore, #tpu.memory_space<semaphore_mem>>)
      %add3A_202 = arith.constant 3 : i32
      %add3A_203 = arith.addi %add3A_161, %add3A_202 : i32
      %lt3A_204 = arith.constant 32 : i32
      %lt3A_205 = arith.cmpi slt, %add3A_203, %lt3A_204 : i32
      %convert_element_type3A = arith.extui %lt3A_205 : i1 to i32
      %cond3A = arith.constant 0 : i32
      %cond3A_206 = arith.cmpi ne, %convert_element_type3A, %cond3A : i32
      scf.if %cond3A_206 {
        %ge3A = arith.constant 4 : i32
        %ge3A_360 = arith.cmpi sge, %add3A_203, %ge3A : i32
        %convert_element_type3A_361 = arith.extui %ge3A_360 : i1 to i32
        %cond3A_362 = arith.constant 0 : i32
        %cond3A_363 = arith.cmpi ne, %convert_element_type3A_361, %cond3A_362 : i32
        scf.if %cond3A_363 {
          %dma_wait3A_370 = arith.constant 0 : i32
          %dma_wait3A_371 = arith.constant 0 : i32
          %dma_wait3A_372 = tpu.memref_slice %arg3[%dma_wait3A_370, %dma_wait3A_371] : memref<8192x768xf32, #tpu.memory_space<hbm>> -> memref<32x768xf32, #tpu.memory_space<hbm>>
          %dma_wait3A_373 = arith.constant 0 : i32
          %dma_wait3A_374 = arith.constant 0 : i32
          %dma_wait3A_375 = tpu.memref_slice %arg3[%dma_wait3A_373, %dma_wait3A_374] : memref<8192x768xf32, #tpu.memory_space<hbm>> -> memref<32x768xf32, #tpu.memory_space<hbm>>
          tpu.wait_dma2 semaphore(%arg17 : memref<!tpu.dma_semaphore, #tpu.memory_space<semaphore_mem>>) src(%dma_wait3A_375 : memref<32x768xf32, #tpu.memory_space<hbm>>) dst(%arg9 : memref<32x768xf32, #tpu.memory_space<vmem>>)
        } else {
        }
        %mul3A_364 = arith.constant 32 : i32
        %mul3A_365 = arith.muli %add3A_203, %mul3A_364 : i32
        %dma_start3A_366 = tpu.memref_slice %arg5[%mul3A_365] : memref<1024xi32, #tpu.memory_space<vmem>> -> memref<32xi32, #tpu.memory_space<vmem>>
        %dma_start3A_367 = arith.constant 0 : i32
        %dma_start3A_368 = arith.constant 0 : i32
        %dma_start3A_369 = tpu.memref_slice %arg3[%dma_start3A_367, %dma_start3A_368] : memref<8192x768xf32, #tpu.memory_space<hbm>> -> memref<8192x768xf32, #tpu.memory_space<hbm>>
        tpu.enqueue_indirect_dma source(%dma_start3A_369 : memref<8192x768xf32, #tpu.memory_space<hbm>>) target(%arg9 : memref<32x768xf32, #tpu.memory_space<vmem>>) offsets(%dma_start3A_366 : memref<32xi32, #tpu.memory_space<vmem>>) semaphore(%arg13 : memref<!tpu.dma_semaphore, #tpu.memory_space<semaphore_mem>>)
      } else {
      }
      %mul3A_207 = arith.constant 4 : i32
      %mul3A_208 = arith.muli %scan3A_157, %mul3A_207 : i32
      %add3A_209 = arith.constant 1 : i32
      %add3A_210 = arith.addi %mul3A_208, %add3A_209 : i32
      %dma_wait3A_211 = arith.constant 0 : i32
      %dma_wait3A_212 = arith.constant 0 : i32
      %dma_wait3A_213 = tpu.memref_slice %arg3[%dma_wait3A_211, %dma_wait3A_212] : memref<8192x768xf32, #tpu.memory_space<hbm>> -> memref<32x768xf32, #tpu.memory_space<hbm>>
      %dma_wait3A_214 = arith.constant 0 : i32
      %dma_wait3A_215 = arith.constant 0 : i32
      %dma_wait3A_216 = tpu.memref_slice %arg3[%dma_wait3A_214, %dma_wait3A_215] : memref<8192x768xf32, #tpu.memory_space<hbm>> -> memref<32x768xf32, #tpu.memory_space<hbm>>
      tpu.wait_dma2 semaphore(%arg11 : memref<!tpu.dma_semaphore, #tpu.memory_space<semaphore_mem>>) src(%dma_wait3A_216 : memref<32x768xf32, #tpu.memory_space<hbm>>) dst(%arg7 : memref<32x768xf32, #tpu.memory_space<vmem>>)
      %scan3A_217 = arith.constant 0 : i32
      %scan3A_218 = arith.constant 0 : i32
      %scan3A_219 = arith.constant 32 : i32
      %scan3A_220 = arith.addi %scan3A_218, %scan3A_219 : i32
      %scan3A_221 = arith.constant 1 : i32
      scf.for %scan3A_360 = %scan3A_218 to %scan3A_220 step %scan3A_221  : i32 {
        %get3A_361 = arith.index_cast %scan3A_360 : i32 to index
        %get3A_362 = arith.constant 0 : index
        %get3A_363 = tpu.vector_load %arg7[%get3A_361, %get3A_362] {strides = array<i32>} : memref<32x768xf32, #tpu.memory_space<vmem>>, vector<1x16xf32>,
        %get3A_364 = vector.shape_cast %get3A_363 : vector<1x16xf32> to vector<16xf32>
        %mul3A_365 = arith.constant 27.7128124 : f32
        %mul3A_366 = vector.broadcast %mul3A_365 : f32 to vector<16xf32>
        %mul3A_367 = arith.mulf %get3A_364, %mul3A_366 : vector<16xf32>
        %swap3A_368 = arith.index_cast %scan3A_360 : i32 to index
        %swap3A_369 = arith.constant 0 : index
        %swap3A_370 = tpu.vector_load %arg7[%swap3A_368, %swap3A_369] {strides = array<i32>} : memref<32x768xf32, #tpu.memory_space<vmem>>, vector<1x16xf32>,
        %swap3A_371 = vector.shape_cast %swap3A_370 : vector<1x16xf32> to vector<16xf32>
        %swap3A_372 = vector.shape_cast %mul3A_367 : vector<16xf32> to vector<1x16xf32>
        tpu.vector_store %arg7[%swap3A_368, %swap3A_369], %swap3A_372 {strides = array<i32>} : memref<32x768xf32, #tpu.memory_space<vmem>>, vector<1x16xf32>,
        %get3A_373 = arith.index_cast %scan3A_360 : i32 to index
        %get3A_374 = arith.constant 16 : index
        %get3A_375 = tpu.vector_load %arg7[%get3A_373, %get3A_374] {strides = array<i32>} : memref<32x768xf32, #tpu.memory_space<vmem>>, vector<1x16xf32>,
        %get3A_376 = vector.shape_cast %get3A_375 : vector<1x16xf32> to vector<16xf32>
        %mul3A_377 = arith.constant 27.7128124 : f32
        %mul3A_378 = vector.broadcast %mul3A_377 : f32 to vector<16xf32>
        %mul3A_379 = arith.mulf %get3A_376, %mul3A_378 : vector<16xf32>
        %swap3A_380 = arith.index_cast %scan3A_360 : i32 to index
        %swap3A_381 = arith.constant 16 : index
        %swap3A_382 = tpu.vector_load %arg7[%swap3A_380, %swap3A_381] {strides = array<i32>} : memref<32x768xf32, #tpu.memory_space<vmem>>, vector<1x16xf32>,
        %swap3A_383 = vector.shape_cast %swap3A_382 : vector<1x16xf32> to vector<16xf32>
        %swap3A_384 = vector.shape_cast %mul3A_379 : vector<16xf32> to vector<1x16xf32>
        tpu.vector_store %arg7[%swap3A_380, %swap3A_381], %swap3A_384 {strides = array<i32>} : memref<32x768xf32, #tpu.memory_space<vmem>>, vector<1x16xf32>,
        %get3A_385 = arith.index_cast %scan3A_360 : i32 to index
        %get3A_386 = arith.constant 32 : index
        %get3A_387 = tpu.vector_load %arg7[%get3A_385, %get3A_386] {strides = array<i32>} : memref<32x768xf32, #tpu.memory_space<vmem>>, vector<1x16xf32>,
        %get3A_388 = vector.shape_cast %get3A_387 : vector<1x16xf32> to vector<16xf32>
        %mul3A_389 = arith.constant 27.7128124 : f32
        %mul3A_390 = vector.broadcast %mul3A_389 : f32 to vector<16xf32>
        %mul3A_391 = arith.mulf %get3A_388, %mul3A_390 : vector<16xf32>
        %swap3A_392 = arith.index_cast %scan3A_360 : i32 to index
        %swap3A_393 = arith.constant 32 : index
        %swap3A_394 = tpu.vector_load %arg7[%swap3A_392, %swap3A_393] {strides = array<i32>} : memref<32x768xf32, #tpu.memory_space<vmem>>, vector<1x16xf32>,
        %swap3A_395 = vector.shape_cast %swap3A_394 : vector<1x16xf32> to vector<16xf32>
        %swap3A_396 = vector.shape_cast %mul3A_391 : vector<16xf32> to vector<1x16xf32>
        tpu.vector_store %arg7[%swap3A_392, %swap3A_393], %swap3A_396 {strides = array<i32>} : memref<32x768xf32, #tpu.memory_space<vmem>>, vector<1x16xf32>,
        %get3A_397 = arith.index_cast %scan3A_360 : i32 to index
        %get3A_398 = arith.constant 48 : index
        %get3A_399 = tpu.vector_load %arg7[%get3A_397, %get3A_398] {strides = array<i32>} : memref<32x768xf32, #tpu.memory_space<vmem>>, vector<1x16xf32>,
        %get3A_400 = vector.shape_cast %get3A_399 : vector<1x16xf32> to vector<16xf32>
        %mul3A_401 = arith.constant 27.7128124 : f32
        %mul3A_402 = vector.broadcast %mul3A_401 : f32 to vector<16xf32>
        %mul3A_403 = arith.mulf %get3A_400, %mul3A_402 : vector<16xf32>
        %swap3A_404 = arith.index_cast %scan3A_360 : i32 to index
        %swap3A_405 = arith.constant 48 : index
        %swap3A_406 = tpu.vector_load %arg7[%swap3A_404, %swap3A_405] {strides = array<i32>} : memref<32x768xf32, #tpu.memory_space<vmem>>, vector<1x16xf32>,
        %swap3A_407 = vector.shape_cast %swap3A_406 : vector<1x16xf32> to vector<16xf32>
        %swap3A_408 = vector.shape_cast %mul3A_403 : vector<16xf32> to vector<1x16xf32>
        tpu.vector_store %arg7[%swap3A_404, %swap3A_405], %swap3A_408 {strides = array<i32>} : memref<32x768xf32, #tpu.memory_space<vmem>>, vector<1x16xf32>,
        %get3A_409 = arith.index_cast %scan3A_360 : i32 to index
        %get3A_410 = arith.constant 64 : index
        %get3A_411 = tpu.vector_load %arg7[%get3A_409, %get3A_410] {strides = array<i32>} : memref<32x768xf32, #tpu.memory_space<vmem>>, vector<1x16xf32>,
        %get3A_412 = vector.shape_cast %get3A_411 : vector<1x16xf32> to vector<16xf32>
        %mul3A_413 = arith.constant 27.7128124 : f32
        %mul3A_414 = vector.broadcast %mul3A_413 : f32 to vector<16xf32>
        %mul3A_415 = arith.mulf %get3A_412, %mul3A_414 : vector<16xf32>
        %swap3A_416 = arith.index_cast %scan3A_360 : i32 to index
        %swap3A_417 = arith.constant 64 : index
        %swap3A_418 = tpu.vector_load %arg7[%swap3A_416, %swap3A_417] {strides = array<i32>} : memref<32x768xf32, #tpu.memory_space<vmem>>, vector<1x16xf32>,
        %swap3A_419 = vector.shape_cast %swap3A_418 : vector<1x16xf32> to vector<16xf32>
        %swap3A_420 = vector.shape_cast %mul3A_415 : vector<16xf32> to vector<1x16xf32>
        tpu.vector_store %arg7[%swap3A_416, %swap3A_417], %swap3A_420 {strides = array<i32>} : memref<32x768xf32, #tpu.memory_space<vmem>>, vector<1x16xf32>,
        %get3A_421 = arith.index_cast %scan3A_360 : i32 to index
        %get3A_422 = arith.constant 80 : index
        %get3A_423 = tpu.vector_load %arg7[%get3A_421, %get3A_422] {strides = array<i32>} : memref<32x768xf32, #tpu.memory_space<vmem>>, vector<1x16xf32>,
        %get3A_424 = vector.shape_cast %get3A_423 : vector<1x16xf32> to vector<16xf32>
        %mul3A_425 = arith.constant 27.7128124 : f32
        %mul3A_426 = vector.broadcast %mul3A_425 : f32 to vector<16xf32>
        %mul3A_427 = arith.mulf %get3A_424, %mul3A_426 : vector<16xf32>
        %swap3A_428 = arith.index_cast %scan3A_360 : i32 to index
        %swap3A_429 = arith.constant 80 : index
        %swap3A_430 = tpu.vector_load %arg7[%swap3A_428, %swap3A_429] {strides = array<i32>} : memref<32x768xf32, #tpu.memory_space<vmem>>, vector<1x16xf32>,
        %swap3A_431 = vector.shape_cast %swap3A_430 : vector<1x16xf32> to vector<16xf32>
        %swap3A_432 = vector.shape_cast %mul3A_427 : vector<16xf32> to vector<1x16xf32>
        tpu.vector_store %arg7[%swap3A_428, %swap3A_429], %swap3A_432 {strides = array<i32>} : memref<32x768xf32, #tpu.memory_space<vmem>>, vector<1x16xf32>,
        %get3A_433 = arith.index_cast %scan3A_360 : i32 to index
        %get3A_434 = arith.constant 96 : index
        %get3A_435 = tpu.vector_load %arg7[%get3A_433, %get3A_434] {strides = array<i32>} : memref<32x768xf32, #tpu.memory_space<vmem>>, vector<1x16xf32>,
        %get3A_436 = vector.shape_cast %get3A_435 : vector<1x16xf32> to vector<16xf32>
        %mul3A_437 = arith.constant 27.7128124 : f32
        %mul3A_438 = vector.broadcast %mul3A_437 : f32 to vector<16xf32>
        %mul3A_439 = arith.mulf %get3A_436, %mul3A_438 : vector<16xf32>
        %swap3A_440 = arith.index_cast %scan3A_360 : i32 to index
        %swap3A_441 = arith.constant 96 : index
        %swap3A_442 = tpu.vector_load %arg7[%swap3A_440, %swap3A_441] {strides = array<i32>} : memref<32x768xf32, #tpu.memory_space<vmem>>, vector<1x16xf32>,
        %swap3A_443 = vector.shape_cast %swap3A_442 : vector<1x16xf32> to vector<16xf32>
        %swap3A_444 = vector.shape_cast %mul3A_439 : vector<16xf32> to vector<1x16xf32>
        tpu.vector_store %arg7[%swap3A_440, %swap3A_441], %swap3A_444 {strides = array<i32>} : memref<32x768xf32, #tpu.memory_space<vmem>>, vector<1x16xf32>,
        %get3A_445 = arith.index_cast %scan3A_360 : i32 to index
        %get3A_446 = arith.constant 112 : index
        %get3A_447 = tpu.vector_load %arg7[%get3A_445, %get3A_446] {strides = array<i32>} : memref<32x768xf32, #tpu.memory_space<vmem>>, vector<1x16xf32>,
        %get3A_448 = vector.shape_cast %get3A_447 : vector<1x16xf32> to vector<16xf32>
        %mul3A_449 = arith.constant 27.7128124 : f32
        %mul3A_450 = vector.broadcast %mul3A_449 : f32 to vector<16xf32>
        %mul3A_451 = arith.mulf %get3A_448, %mul3A_450 : vector<16xf32>
        %swap3A_452 = arith.index_cast %scan3A_360 : i32 to index
        %swap3A_453 = arith.constant 112 : index
        %swap3A_454 = tpu.vector_load %arg7[%swap3A_452, %swap3A_453] {strides = array<i32>} : memref<32x768xf32, #tpu.memory_space<vmem>>, vector<1x16xf32>,
        %swap3A_455 = vector.shape_cast %swap3A_454 : vector<1x16xf32> to vector<16xf32>
        %swap3A_456 = vector.shape_cast %mul3A_451 : vector<16xf32> to vector<1x16xf32>
        tpu.vector_store %arg7[%swap3A_452, %swap3A_453], %swap3A_456 {strides = array<i32>} : memref<32x768xf32, #tpu.memory_space<vmem>>, vector<1x16xf32>,
        %get3A_457 = arith.index_cast %scan3A_360 : i32 to index
        %get3A_458 = arith.constant 128 : index
        %get3A_459 = tpu.vector_load %arg7[%get3A_457, %get3A_458] {strides = array<i32>} : memref<32x768xf32, #tpu.memory_space<vmem>>, vector<1x16xf32>,
        %get3A_460 = vector.shape_cast %get3A_459 : vector<1x16xf32> to vector<16xf32>
        %mul3A_461 = arith.constant 27.7128124 : f32
        %mul3A_462 = vector.broadcast %mul3A_461 : f32 to vector<16xf32>
        %mul3A_463 = arith.mulf %get3A_460, %mul3A_462 : vector<16xf32>
        %swap3A_464 = arith.index_cast %scan3A_360 : i32 to index
        %swap3A_465 = arith.constant 128 : index
        %swap3A_466 = tpu.vector_load %arg7[%swap3A_464, %swap3A_465] {strides = array<i32>} : memref<32x768xf32, #tpu.memory_space<vmem>>, vector<1x16xf32>,
        %swap3A_467 = vector.shape_cast %swap3A_466 : vector<1x16xf32> to vector<16xf32>
        %swap3A_468 = vector.shape_cast %mul3A_463 : vector<16xf32> to vector<1x16xf32>
        tpu.vector_store %arg7[%swap3A_464, %swap3A_465], %swap3A_468 {strides = array<i32>} : memref<32x768xf32, #tpu.memory_space<vmem>>, vector<1x16xf32>,
        %get3A_469 = arith.index_cast %scan3A_360 : i32 to index
        %get3A_470 = arith.constant 144 : index
        %get3A_471 = tpu.vector_load %arg7[%get3A_469, %get3A_470] {strides = array<i32>} : memref<32x768xf32, #tpu.memory_space<vmem>>, vector<1x16xf32>,
        %get3A_472 = vector.shape_cast %get3A_471 : vector<1x16xf32> to vector<16xf32>
        %mul3A_473 = arith.constant 27.7128124 : f32
        %mul3A_474 = vector.broadcast %mul3A_473 : f32 to vector<16xf32>
        %mul3A_475 = arith.mulf %get3A_472, %mul3A_474 : vector<16xf32>
        %swap3A_476 = arith.index_cast %scan3A_360 : i32 to index
        %swap3A_477 = arith.constant 144 : index
        %swap3A_478 = tpu.vector_load %arg7[%swap3A_476, %swap3A_477] {strides = array<i32>} : memref<32x768xf32, #tpu.memory_space<vmem>>, vector<1x16xf32>,
        %swap3A_479 = vector.shape_cast %swap3A_478 : vector<1x16xf32> to vector<16xf32>
        %swap3A_480 = vector.shape_cast %mul3A_475 : vector<16xf32> to vector<1x16xf32>
        tpu.vector_store %arg7[%swap3A_476, %swap3A_477], %swap3A_480 {strides = array<i32>} : memref<32x768xf32, #tpu.memory_space<vmem>>, vector<1x16xf32>,
        %get3A_481 = arith.index_cast %scan3A_360 : i32 to index
        %get3A_482 = arith.constant 160 : index
        %get3A_483 = tpu.vector_load %arg7[%get3A_481, %get3A_482] {strides = array<i32>} : memref<32x768xf32, #tpu.memory_space<vmem>>, vector<1x16xf32>,
        %get3A_484 = vector.shape_cast %get3A_483 : vector<1x16xf32> to vector<16xf32>
        %mul3A_485 = arith.constant 27.7128124 : f32
        %mul3A_486 = vector.broadcast %mul3A_485 : f32 to vector<16xf32>
        %mul3A_487 = arith.mulf %get3A_484, %mul3A_486 : vector<16xf32>
        %swap3A_488 = arith.index_cast %scan3A_360 : i32 to index
        %swap3A_489 = arith.constant 160 : index
        %swap3A_490 = tpu.vector_load %arg7[%swap3A_488, %swap3A_489] {strides = array<i32>} : memref<32x768xf32, #tpu.memory_space<vmem>>, vector<1x16xf32>,
        %swap3A_491 = vector.shape_cast %swap3A_490 : vector<1x16xf32> to vector<16xf32>
        %swap3A_492 = vector.shape_cast %mul3A_487 : vector<16xf32> to vector<1x16xf32>
        tpu.vector_store %arg7[%swap3A_488, %swap3A_489], %swap3A_492 {strides = array<i32>} : memref<32x768xf32, #tpu.memory_space<vmem>>, vector<1x16xf32>,
        %get3A_493 = arith.index_cast %scan3A_360 : i32 to index
        %get3A_494 = arith.constant 176 : index
        %get3A_495 = tpu.vector_load %arg7[%get3A_493, %get3A_494] {strides = array<i32>} : memref<32x768xf32, #tpu.memory_space<vmem>>, vector<1x16xf32>,
        %get3A_496 = vector.shape_cast %get3A_495 : vector<1x16xf32> to vector<16xf32>
        %mul3A_497 = arith.constant 27.7128124 : f32
        %mul3A_498 = vector.broadcast %mul3A_497 : f32 to vector<16xf32>
        %mul3A_499 = arith.mulf %get3A_496, %mul3A_498 : vector<16xf32>
        %swap3A_500 = arith.index_cast %scan3A_360 : i32 to index
        %swap3A_501 = arith.constant 176 : index
        %swap3A_502 = tpu.vector_load %arg7[%swap3A_500, %swap3A_501] {strides = array<i32>} : memref<32x768xf32, #tpu.memory_space<vmem>>, vector<1x16xf32>,
        %swap3A_503 = vector.shape_cast %swap3A_502 : vector<1x16xf32> to vector<16xf32>
        %swap3A_504 = vector.shape_cast %mul3A_499 : vector<16xf32> to vector<1x16xf32>
        tpu.vector_store %arg7[%swap3A_500, %swap3A_501], %swap3A_504 {strides = array<i32>} : memref<32x768xf32, #tpu.memory_space<vmem>>, vector<1x16xf32>,
        %get3A_505 = arith.index_cast %scan3A_360 : i32 to index
        %get3A_506 = arith.constant 192 : index
        %get3A_507 = tpu.vector_load %arg7[%get3A_505, %get3A_506] {strides = array<i32>} : memref<32x768xf32, #tpu.memory_space<vmem>>, vector<1x16xf32>,
        %get3A_508 = vector.shape_cast %get3A_507 : vector<1x16xf32> to vector<16xf32>
        %mul3A_509 = arith.constant 27.7128124 : f32
        %mul3A_510 = vector.broadcast %mul3A_509 : f32 to vector<16xf32>
        %mul3A_511 = arith.mulf %get3A_508, %mul3A_510 : vector<16xf32>
        %swap3A_512 = arith.index_cast %scan3A_360 : i32 to index
        %swap3A_513 = arith.constant 192 : index
        %swap3A_514 = tpu.vector_load %arg7[%swap3A_512, %swap3A_513] {strides = array<i32>} : memref<32x768xf32, #tpu.memory_space<vmem>>, vector<1x16xf32>,
        %swap3A_515 = vector.shape_cast %swap3A_514 : vector<1x16xf32> to vector<16xf32>
        %swap3A_516 = vector.shape_cast %mul3A_511 : vector<16xf32> to vector<1x16xf32>
        tpu.vector_store %arg7[%swap3A_512, %swap3A_513], %swap3A_516 {strides = array<i32>} : memref<32x768xf32, #tpu.memory_space<vmem>>, vector<1x16xf32>,
        %get3A_517 = arith.index_cast %scan3A_360 : i32 to index
        %get3A_518 = arith.constant 208 : index
        %get3A_519 = tpu.vector_load %arg7[%get3A_517, %get3A_518] {strides = array<i32>} : memref<32x768xf32, #tpu.memory_space<vmem>>, vector<1x16xf32>,
        %get3A_520 = vector.shape_cast %get3A_519 : vector<1x16xf32> to vector<16xf32>
        %mul3A_521 = arith.constant 27.7128124 : f32
        %mul3A_522 = vector.broadcast %mul3A_521 : f32 to vector<16xf32>
        %mul3A_523 = arith.mulf %get3A_520, %mul3A_522 : vector<16xf32>
        %swap3A_524 = arith.index_cast %scan3A_360 : i32 to index
        %swap3A_525 = arith.constant 208 : index
        %swap3A_526 = tpu.vector_load %arg7[%swap3A_524, %swap3A_525] {strides = array<i32>} : memref<32x768xf32, #tpu.memory_space<vmem>>, vector<1x16xf32>,
        %swap3A_527 = vector.shape_cast %swap3A_526 : vector<1x16xf32> to vector<16xf32>
        %swap3A_528 = vector.shape_cast %mul3A_523 : vector<16xf32> to vector<1x16xf32>
        tpu.vector_store %arg7[%swap3A_524, %swap3A_525], %swap3A_528 {strides = array<i32>} : memref<32x768xf32, #tpu.memory_space<vmem>>, vector<1x16xf32>,
        %get3A_529 = arith.index_cast %scan3A_360 : i32 to index
        %get3A_530 = arith.constant 224 : index
        %get3A_531 = tpu.vector_load %arg7[%get3A_529, %get3A_530] {strides = array<i32>} : memref<32x768xf32, #tpu.memory_space<vmem>>, vector<1x16xf32>,
        %get3A_532 = vector.shape_cast %get3A_531 : vector<1x16xf32> to vector<16xf32>
        %mul3A_533 = arith.constant 27.7128124 : f32
        %mul3A_534 = vector.broadcast %mul3A_533 : f32 to vector<16xf32>
        %mul3A_535 = arith.mulf %get3A_532, %mul3A_534 : vector<16xf32>
        %swap3A_536 = arith.index_cast %scan3A_360 : i32 to index
        %swap3A_537 = arith.constant 224 : index
        %swap3A_538 = tpu.vector_load %arg7[%swap3A_536, %swap3A_537] {strides = array<i32>} : memref<32x768xf32, #tpu.memory_space<vmem>>, vector<1x16xf32>,
        %swap3A_539 = vector.shape_cast %swap3A_538 : vector<1x16xf32> to vector<16xf32>
        %swap3A_540 = vector.shape_cast %mul3A_535 : vector<16xf32> to vector<1x16xf32>
        tpu.vector_store %arg7[%swap3A_536, %swap3A_537], %swap3A_540 {strides = array<i32>} : memref<32x768xf32, #tpu.memory_space<vmem>>, vector<1x16xf32>,
        %get3A_541 = arith.index_cast %scan3A_360 : i32 to index
        %get3A_542 = arith.constant 240 : index
        %get3A_543 = tpu.vector_load %arg7[%get3A_541, %get3A_542] {strides = array<i32>} : memref<32x768xf32, #tpu.memory_space<vmem>>, vector<1x16xf32>,
        %get3A_544 = vector.shape_cast %get3A_543 : vector<1x16xf32> to vector<16xf32>
        %mul3A_545 = arith.constant 27.7128124 : f32
        %mul3A_546 = vector.broadcast %mul3A_545 : f32 to vector<16xf32>
        %mul3A_547 = arith.mulf %get3A_544, %mul3A_546 : vector<16xf32>
        %swap3A_548 = arith.index_cast %scan3A_360 : i32 to index
        %swap3A_549 = arith.constant 240 : index
        %swap3A_550 = tpu.vector_load %arg7[%swap3A_548, %swap3A_549] {strides = array<i32>} : memref<32x768xf32, #tpu.memory_space<vmem>>, vector<1x16xf32>,
        %swap3A_551 = vector.shape_cast %swap3A_550 : vector<1x16xf32> to vector<16xf32>
        %swap3A_552 = vector.shape_cast %mul3A_547 : vector<16xf32> to vector<1x16xf32>
        tpu.vector_store %arg7[%swap3A_548, %swap3A_549], %swap3A_552 {strides = array<i32>} : memref<32x768xf32, #tpu.memory_space<vmem>>, vector<1x16xf32>,
        %get3A_553 = arith.index_cast %scan3A_360 : i32 to index
        %get3A_554 = arith.constant 256 : index
        %get3A_555 = tpu.vector_load %arg7[%get3A_553, %get3A_554] {strides = array<i32>} : memref<32x768xf32, #tpu.memory_space<vmem>>, vector<1x16xf32>,
        %get3A_556 = vector.shape_cast %get3A_555 : vector<1x16xf32> to vector<16xf32>
        %mul3A_557 = arith.constant 27.7128124 : f32
        %mul3A_558 = vector.broadcast %mul3A_557 : f32 to vector<16xf32>
        %mul3A_559 = arith.mulf %get3A_556, %mul3A_558 : vector<16xf32>
        %swap3A_560 = arith.index_cast %scan3A_360 : i32 to index
        %swap3A_561 = arith.constant 256 : index
        %swap3A_562 = tpu.vector_load %arg7[%swap3A_560, %swap3A_561] {strides = array<i32>} : memref<32x768xf32, #tpu.memory_space<vmem>>, vector<1x16xf32>,
        %swap3A_563 = vector.shape_cast %swap3A_562 : vector<1x16xf32> to vector<16xf32>
        %swap3A_564 = vector.shape_cast %mul3A_559 : vector<16xf32> to vector<1x16xf32>
        tpu.vector_store %arg7[%swap3A_560, %swap3A_561], %swap3A_564 {strides = array<i32>} : memref<32x768xf32, #tpu.memory_space<vmem>>, vector<1x16xf32>,
        %get3A_565 = arith.index_cast %scan3A_360 : i32 to index
        %get3A_566 = arith.constant 272 : index
        %get3A_567 = tpu.vector_load %arg7[%get3A_565, %get3A_566] {strides = array<i32>} : memref<32x768xf32, #tpu.memory_space<vmem>>, vector<1x16xf32>,
        %get3A_568 = vector.shape_cast %get3A_567 : vector<1x16xf32> to vector<16xf32>
        %mul3A_569 = arith.constant 27.7128124 : f32
        %mul3A_570 = vector.broadcast %mul3A_569 : f32 to vector<16xf32>
        %mul3A_571 = arith.mulf %get3A_568, %mul3A_570 : vector<16xf32>
        %swap3A_572 = arith.index_cast %scan3A_360 : i32 to index
        %swap3A_573 = arith.constant 272 : index
        %swap3A_574 = tpu.vector_load %arg7[%swap3A_572, %swap3A_573] {strides = array<i32>} : memref<32x768xf32, #tpu.memory_space<vmem>>, vector<1x16xf32>,
        %swap3A_575 = vector.shape_cast %swap3A_574 : vector<1x16xf32> to vector<16xf32>
        %swap3A_576 = vector.shape_cast %mul3A_571 : vector<16xf32> to vector<1x16xf32>
        tpu.vector_store %arg7[%swap3A_572, %swap3A_573], %swap3A_576 {strides = array<i32>} : memref<32x768xf32, #tpu.memory_space<vmem>>, vector<1x16xf32>,
        %get3A_577 = arith.index_cast %scan3A_360 : i32 to index
        %get3A_578 = arith.constant 288 : index
        %get3A_579 = tpu.vector_load %arg7[%get3A_577, %get3A_578] {strides = array<i32>} : memref<32x768xf32, #tpu.memory_space<vmem>>, vector<1x16xf32>,
        %get3A_580 = vector.shape_cast %get3A_579 : vector<1x16xf32> to vector<16xf32>
        %mul3A_581 = arith.constant 27.7128124 : f32
        %mul3A_582 = vector.broadcast %mul3A_581 : f32 to vector<16xf32>
        %mul3A_583 = arith.mulf %get3A_580, %mul3A_582 : vector<16xf32>
        %swap3A_584 = arith.index_cast %scan3A_360 : i32 to index
        %swap3A_585 = arith.constant 288 : index
        %swap3A_586 = tpu.vector_load %arg7[%swap3A_584, %swap3A_585] {strides = array<i32>} : memref<32x768xf32, #tpu.memory_space<vmem>>, vector<1x16xf32>,
        %swap3A_587 = vector.shape_cast %swap3A_586 : vector<1x16xf32> to vector<16xf32>
        %swap3A_588 = vector.shape_cast %mul3A_583 : vector<16xf32> to vector<1x16xf32>
        tpu.vector_store %arg7[%swap3A_584, %swap3A_585], %swap3A_588 {strides = array<i32>} : memref<32x768xf32, #tpu.memory_space<vmem>>, vector<1x16xf32>,
        %get3A_589 = arith.index_cast %scan3A_360 : i32 to index
        %get3A_590 = arith.constant 304 : index
        %get3A_591 = tpu.vector_load %arg7[%get3A_589, %get3A_590] {strides = array<i32>} : memref<32x768xf32, #tpu.memory_space<vmem>>, vector<1x16xf32>,
        %get3A_592 = vector.shape_cast %get3A_591 : vector<1x16xf32> to vector<16xf32>
        %mul3A_593 = arith.constant 27.7128124 : f32
        %mul3A_594 = vector.broadcast %mul3A_593 : f32 to vector<16xf32>
        %mul3A_595 = arith.mulf %get3A_592, %mul3A_594 : vector<16xf32>
        %swap3A_596 = arith.index_cast %scan3A_360 : i32 to index
        %swap3A_597 = arith.constant 304 : index
        %swap3A_598 = tpu.vector_load %arg7[%swap3A_596, %swap3A_597] {strides = array<i32>} : memref<32x768xf32, #tpu.memory_space<vmem>>, vector<1x16xf32>,
        %swap3A_599 = vector.shape_cast %swap3A_598 : vector<1x16xf32> to vector<16xf32>
        %swap3A_600 = vector.shape_cast %mul3A_595 : vector<16xf32> to vector<1x16xf32>
        tpu.vector_store %arg7[%swap3A_596, %swap3A_597], %swap3A_600 {strides = array<i32>} : memref<32x768xf32, #tpu.memory_space<vmem>>, vector<1x16xf32>,
        %get3A_601 = arith.index_cast %scan3A_360 : i32 to index
        %get3A_602 = arith.constant 320 : index
        %get3A_603 = tpu.vector_load %arg7[%get3A_601, %get3A_602] {strides = array<i32>} : memref<32x768xf32, #tpu.memory_space<vmem>>, vector<1x16xf32>,
        %get3A_604 = vector.shape_cast %get3A_603 : vector<1x16xf32> to vector<16xf32>
        %mul3A_605 = arith.constant 27.7128124 : f32
        %mul3A_606 = vector.broadcast %mul3A_605 : f32 to vector<16xf32>
        %mul3A_607 = arith.mulf %get3A_604, %mul3A_606 : vector<16xf32>
        %swap3A_608 = arith.index_cast %scan3A_360 : i32 to index
        %swap3A_609 = arith.constant 320 : index
        %swap3A_610 = tpu.vector_load %arg7[%swap3A_608, %swap3A_609] {strides = array<i32>} : memref<32x768xf32, #tpu.memory_space<vmem>>, vector<1x16xf32>,
        %swap3A_611 = vector.shape_cast %swap3A_610 : vector<1x16xf32> to vector<16xf32>
        %swap3A_612 = vector.shape_cast %mul3A_607 : vector<16xf32> to vector<1x16xf32>
        tpu.vector_store %arg7[%swap3A_608, %swap3A_609], %swap3A_612 {strides = array<i32>} : memref<32x768xf32, #tpu.memory_space<vmem>>, vector<1x16xf32>,
        %get3A_613 = arith.index_cast %scan3A_360 : i32 to index
        %get3A_614 = arith.constant 336 : index
        %get3A_615 = tpu.vector_load %arg7[%get3A_613, %get3A_614] {strides = array<i32>} : memref<32x768xf32, #tpu.memory_space<vmem>>, vector<1x16xf32>,
        %get3A_616 = vector.shape_cast %get3A_615 : vector<1x16xf32> to vector<16xf32>
        %mul3A_617 = arith.constant 27.7128124 : f32
        %mul3A_618 = vector.broadcast %mul3A_617 : f32 to vector<16xf32>
        %mul3A_619 = arith.mulf %get3A_616, %mul3A_618 : vector<16xf32>
        %swap3A_620 = arith.index_cast %scan3A_360 : i32 to index
        %swap3A_621 = arith.constant 336 : index
        %swap3A_622 = tpu.vector_load %arg7[%swap3A_620, %swap3A_621] {strides = array<i32>} : memref<32x768xf32, #tpu.memory_space<vmem>>, vector<1x16xf32>,
        %swap3A_623 = vector.shape_cast %swap3A_622 : vector<1x16xf32> to vector<16xf32>
        %swap3A_624 = vector.shape_cast %mul3A_619 : vector<16xf32> to vector<1x16xf32>
        tpu.vector_store %arg7[%swap3A_620, %swap3A_621], %swap3A_624 {strides = array<i32>} : memref<32x768xf32, #tpu.memory_space<vmem>>, vector<1x16xf32>,
        %get3A_625 = arith.index_cast %scan3A_360 : i32 to index
        %get3A_626 = arith.constant 352 : index
        %get3A_627 = tpu.vector_load %arg7[%get3A_625, %get3A_626] {strides = array<i32>} : memref<32x768xf32, #tpu.memory_space<vmem>>, vector<1x16xf32>,
        %get3A_628 = vector.shape_cast %get3A_627 : vector<1x16xf32> to vector<16xf32>
        %mul3A_629 = arith.constant 27.7128124 : f32
        %mul3A_630 = vector.broadcast %mul3A_629 : f32 to vector<16xf32>
        %mul3A_631 = arith.mulf %get3A_628, %mul3A_630 : vector<16xf32>
        %swap3A_632 = arith.index_cast %scan3A_360 : i32 to index
        %swap3A_633 = arith.constant 352 : index
        %swap3A_634 = tpu.vector_load %arg7[%swap3A_632, %swap3A_633] {strides = array<i32>} : memref<32x768xf32, #tpu.memory_space<vmem>>, vector<1x16xf32>,
        %swap3A_635 = vector.shape_cast %swap3A_634 : vector<1x16xf32> to vector<16xf32>
        %swap3A_636 = vector.shape_cast %mul3A_631 : vector<16xf32> to vector<1x16xf32>
        tpu.vector_store %arg7[%swap3A_632, %swap3A_633], %swap3A_636 {strides = array<i32>} : memref<32x768xf32, #tpu.memory_space<vmem>>, vector<1x16xf32>,
        %get3A_637 = arith.index_cast %scan3A_360 : i32 to index
        %get3A_638 = arith.constant 368 : index
        %get3A_639 = tpu.vector_load %arg7[%get3A_637, %get3A_638] {strides = array<i32>} : memref<32x768xf32, #tpu.memory_space<vmem>>, vector<1x16xf32>,
        %get3A_640 = vector.shape_cast %get3A_639 : vector<1x16xf32> to vector<16xf32>
        %mul3A_641 = arith.constant 27.7128124 : f32
        %mul3A_642 = vector.broadcast %mul3A_641 : f32 to vector<16xf32>
        %mul3A_643 = arith.mulf %get3A_640, %mul3A_642 : vector<16xf32>
        %swap3A_644 = arith.index_cast %scan3A_360 : i32 to index
        %swap3A_645 = arith.constant 368 : index
        %swap3A_646 = tpu.vector_load %arg7[%swap3A_644, %swap3A_645] {strides = array<i32>} : memref<32x768xf32, #tpu.memory_space<vmem>>, vector<1x16xf32>,
        %swap3A_647 = vector.shape_cast %swap3A_646 : vector<1x16xf32> to vector<16xf32>
        %swap3A_648 = vector.shape_cast %mul3A_643 : vector<16xf32> to vector<1x16xf32>
        tpu.vector_store %arg7[%swap3A_644, %swap3A_645], %swap3A_648 {strides = array<i32>} : memref<32x768xf32, #tpu.memory_space<vmem>>, vector<1x16xf32>,
        %get3A_649 = arith.index_cast %scan3A_360 : i32 to index
        %get3A_650 = arith.constant 384 : index
        %get3A_651 = tpu.vector_load %arg7[%get3A_649, %get3A_650] {strides = array<i32>} : memref<32x768xf32, #tpu.memory_space<vmem>>, vector<1x16xf32>,
        %get3A_652 = vector.shape_cast %get3A_651 : vector<1x16xf32> to vector<16xf32>
        %mul3A_653 = arith.constant 27.7128124 : f32
        %mul3A_654 = vector.broadcast %mul3A_653 : f32 to vector<16xf32>
        %mul3A_655 = arith.mulf %get3A_652, %mul3A_654 : vector<16xf32>
        %swap3A_656 = arith.index_cast %scan3A_360 : i32 to index
        %swap3A_657 = arith.constant 384 : index
        %swap3A_658 = tpu.vector_load %arg7[%swap3A_656, %swap3A_657] {strides = array<i32>} : memref<32x768xf32, #tpu.memory_space<vmem>>, vector<1x16xf32>,
        %swap3A_659 = vector.shape_cast %swap3A_658 : vector<1x16xf32> to vector<16xf32>
        %swap3A_660 = vector.shape_cast %mul3A_655 : vector<16xf32> to vector<1x16xf32>
        tpu.vector_store %arg7[%swap3A_656, %swap3A_657], %swap3A_660 {strides = array<i32>} : memref<32x768xf32, #tpu.memory_space<vmem>>, vector<1x16xf32>,
        %get3A_661 = arith.index_cast %scan3A_360 : i32 to index
        %get3A_662 = arith.constant 400 : index
        %get3A_663 = tpu.vector_load %arg7[%get3A_661, %get3A_662] {strides = array<i32>} : memref<32x768xf32, #tpu.memory_space<vmem>>, vector<1x16xf32>,
        %get3A_664 = vector.shape_cast %get3A_663 : vector<1x16xf32> to vector<16xf32>
        %mul3A_665 = arith.constant 27.7128124 : f32
        %mul3A_666 = vector.broadcast %mul3A_665 : f32 to vector<16xf32>
        %mul3A_667 = arith.mulf %get3A_664, %mul3A_666 : vector<16xf32>
        %swap3A_668 = arith.index_cast %scan3A_360 : i32 to index
        %swap3A_669 = arith.constant 400 : index
        %swap3A_670 = tpu.vector_load %arg7[%swap3A_668, %swap3A_669] {strides = array<i32>} : memref<32x768xf32, #tpu.memory_space<vmem>>, vector<1x16xf32>,
        %swap3A_671 = vector.shape_cast %swap3A_670 : vector<1x16xf32> to vector<16xf32>
        %swap3A_672 = vector.shape_cast %mul3A_667 : vector<16xf32> to vector<1x16xf32>
        tpu.vector_store %arg7[%swap3A_668, %swap3A_669], %swap3A_672 {strides = array<i32>} : memref<32x768xf32, #tpu.memory_space<vmem>>, vector<1x16xf32>,
        %get3A_673 = arith.index_cast %scan3A_360 : i32 to index
        %get3A_674 = arith.constant 416 : index
        %get3A_675 = tpu.vector_load %arg7[%get3A_673, %get3A_674] {strides = array<i32>} : memref<32x768xf32, #tpu.memory_space<vmem>>, vector<1x16xf32>,
        %get3A_676 = vector.shape_cast %get3A_675 : vector<1x16xf32> to vector<16xf32>
        %mul3A_677 = arith.constant 27.7128124 : f32
        %mul3A_678 = vector.broadcast %mul3A_677 : f32 to vector<16xf32>
        %mul3A_679 = arith.mulf %get3A_676, %mul3A_678 : vector<16xf32>
        %swap3A_680 = arith.index_cast %scan3A_360 : i32 to index
        %swap3A_681 = arith.constant 416 : index
        %swap3A_682 = tpu.vector_load %arg7[%swap3A_680, %swap3A_681] {strides = array<i32>} : memref<32x768xf32, #tpu.memory_space<vmem>>, vector<1x16xf32>,
        %swap3A_683 = vector.shape_cast %swap3A_682 : vector<1x16xf32> to vector<16xf32>
        %swap3A_684 = vector.shape_cast %mul3A_679 : vector<16xf32> to vector<1x16xf32>
        tpu.vector_store %arg7[%swap3A_680, %swap3A_681], %swap3A_684 {strides = array<i32>} : memref<32x768xf32, #tpu.memory_space<vmem>>, vector<1x16xf32>,
        %get3A_685 = arith.index_cast %scan3A_360 : i32 to index
        %get3A_686 = arith.constant 432 : index
        %get3A_687 = tpu.vector_load %arg7[%get3A_685, %get3A_686] {strides = array<i32>} : memref<32x768xf32, #tpu.memory_space<vmem>>, vector<1x16xf32>,
        %get3A_688 = vector.shape_cast %get3A_687 : vector<1x16xf32> to vector<16xf32>
        %mul3A_689 = arith.constant 27.7128124 : f32
        %mul3A_690 = vector.broadcast %mul3A_689 : f32 to vector<16xf32>
        %mul3A_691 = arith.mulf %get3A_688, %mul3A_690 : vector<16xf32>
        %swap3A_692 = arith.index_cast %scan3A_360 : i32 to index
        %swap3A_693 = arith.constant 432 : index
        %swap3A_694 = tpu.vector_load %arg7[%swap3A_692, %swap3A_693] {strides = array<i32>} : memref<32x768xf32, #tpu.memory_space<vmem>>, vector<1x16xf32>,
        %swap3A_695 = vector.shape_cast %swap3A_694 : vector<1x16xf32> to vector<16xf32>
        %swap3A_696 = vector.shape_cast %mul3A_691 : vector<16xf32> to vector<1x16xf32>
        tpu.vector_store %arg7[%swap3A_692, %swap3A_693], %swap3A_696 {strides = array<i32>} : memref<32x768xf32, #tpu.memory_space<vmem>>, vector<1x16xf32>,
        %get3A_697 = arith.index_cast %scan3A_360 : i32 to index
        %get3A_698 = arith.constant 448 : index
        %get3A_699 = tpu.vector_load %arg7[%get3A_697, %get3A_698] {strides = array<i32>} : memref<32x768xf32, #tpu.memory_space<vmem>>, vector<1x16xf32>,
        %get3A_700 = vector.shape_cast %get3A_699 : vector<1x16xf32> to vector<16xf32>
        %mul3A_701 = arith.constant 27.7128124 : f32
        %mul3A_702 = vector.broadcast %mul3A_701 : f32 to vector<16xf32>
        %mul3A_703 = arith.mulf %get3A_700, %mul3A_702 : vector<16xf32>
        %swap3A_704 = arith.index_cast %scan3A_360 : i32 to index
        %swap3A_705 = arith.constant 448 : index
        %swap3A_706 = tpu.vector_load %arg7[%swap3A_704, %swap3A_705] {strides = array<i32>} : memref<32x768xf32, #tpu.memory_space<vmem>>, vector<1x16xf32>,
        %swap3A_707 = vector.shape_cast %swap3A_706 : vector<1x16xf32> to vector<16xf32>
        %swap3A_708 = vector.shape_cast %mul3A_703 : vector<16xf32> to vector<1x16xf32>
        tpu.vector_store %arg7[%swap3A_704, %swap3A_705], %swap3A_708 {strides = array<i32>} : memref<32x768xf32, #tpu.memory_space<vmem>>, vector<1x16xf32>,
        %get3A_709 = arith.index_cast %scan3A_360 : i32 to index
        %get3A_710 = arith.constant 464 : index
        %get3A_711 = tpu.vector_load %arg7[%get3A_709, %get3A_710] {strides = array<i32>} : memref<32x768xf32, #tpu.memory_space<vmem>>, vector<1x16xf32>,
        %get3A_712 = vector.shape_cast %get3A_711 : vector<1x16xf32> to vector<16xf32>
        %mul3A_713 = arith.constant 27.7128124 : f32
        %mul3A_714 = vector.broadcast %mul3A_713 : f32 to vector<16xf32>
        %mul3A_715 = arith.mulf %get3A_712, %mul3A_714 : vector<16xf32>
        %swap3A_716 = arith.index_cast %scan3A_360 : i32 to index
        %swap3A_717 = arith.constant 464 : index
        %swap3A_718 = tpu.vector_load %arg7[%swap3A_716, %swap3A_717] {strides = array<i32>} : memref<32x768xf32, #tpu.memory_space<vmem>>, vector<1x16xf32>,
        %swap3A_719 = vector.shape_cast %swap3A_718 : vector<1x16xf32> to vector<16xf32>
        %swap3A_720 = vector.shape_cast %mul3A_715 : vector<16xf32> to vector<1x16xf32>
        tpu.vector_store %arg7[%swap3A_716, %swap3A_717], %swap3A_720 {strides = array<i32>} : memref<32x768xf32, #tpu.memory_space<vmem>>, vector<1x16xf32>,
        %get3A_721 = arith.index_cast %scan3A_360 : i32 to index
        %get3A_722 = arith.constant 480 : index
        %get3A_723 = tpu.vector_load %arg7[%get3A_721, %get3A_722] {strides = array<i32>} : memref<32x768xf32, #tpu.memory_space<vmem>>, vector<1x16xf32>,
        %get3A_724 = vector.shape_cast %get3A_723 : vector<1x16xf32> to vector<16xf32>
        %mul3A_725 = arith.constant 27.7128124 : f32
        %mul3A_726 = vector.broadcast %mul3A_725 : f32 to vector<16xf32>
        %mul3A_727 = arith.mulf %get3A_724, %mul3A_726 : vector<16xf32>
        %swap3A_728 = arith.index_cast %scan3A_360 : i32 to index
        %swap3A_729 = arith.constant 480 : index
        %swap3A_730 = tpu.vector_load %arg7[%swap3A_728, %swap3A_729] {strides = array<i32>} : memref<32x768xf32, #tpu.memory_space<vmem>>, vector<1x16xf32>,
        %swap3A_731 = vector.shape_cast %swap3A_730 : vector<1x16xf32> to vector<16xf32>
        %swap3A_732 = vector.shape_cast %mul3A_727 : vector<16xf32> to vector<1x16xf32>
        tpu.vector_store %arg7[%swap3A_728, %swap3A_729], %swap3A_732 {strides = array<i32>} : memref<32x768xf32, #tpu.memory_space<vmem>>, vector<1x16xf32>,
        %get3A_733 = arith.index_cast %scan3A_360 : i32 to index
        %get3A_734 = arith.constant 496 : index
        %get3A_735 = tpu.vector_load %arg7[%get3A_733, %get3A_734] {strides = array<i32>} : memref<32x768xf32, #tpu.memory_space<vmem>>, vector<1x16xf32>,
        %get3A_736 = vector.shape_cast %get3A_735 : vector<1x16xf32> to vector<16xf32>
        %mul3A_737 = arith.constant 27.7128124 : f32
        %mul3A_738 = vector.broadcast %mul3A_737 : f32 to vector<16xf32>
        %mul3A_739 = arith.mulf %get3A_736, %mul3A_738 : vector<16xf32>
        %swap3A_740 = arith.index_cast %scan3A_360 : i32 to index
        %swap3A_741 = arith.constant 496 : index
        %swap3A_742 = tpu.vector_load %arg7[%swap3A_740, %swap3A_741] {strides = array<i32>} : memref<32x768xf32, #tpu.memory_space<vmem>>, vector<1x16xf32>,
        %swap3A_743 = vector.shape_cast %swap3A_742 : vector<1x16xf32> to vector<16xf32>
        %swap3A_744 = vector.shape_cast %mul3A_739 : vector<16xf32> to vector<1x16xf32>
        tpu.vector_store %arg7[%swap3A_740, %swap3A_741], %swap3A_744 {strides = array<i32>} : memref<32x768xf32, #tpu.memory_space<vmem>>, vector<1x16xf32>,
        %get3A_745 = arith.index_cast %scan3A_360 : i32 to index
        %get3A_746 = arith.constant 512 : index
        %get3A_747 = tpu.vector_load %arg7[%get3A_745, %get3A_746] {strides = array<i32>} : memref<32x768xf32, #tpu.memory_space<vmem>>, vector<1x16xf32>,
        %get3A_748 = vector.shape_cast %get3A_747 : vector<1x16xf32> to vector<16xf32>
        %mul3A_749 = arith.constant 27.7128124 : f32
        %mul3A_750 = vector.broadcast %mul3A_749 : f32 to vector<16xf32>
        %mul3A_751 = arith.mulf %get3A_748, %mul3A_750 : vector<16xf32>
        %swap3A_752 = arith.index_cast %scan3A_360 : i32 to index
        %swap3A_753 = arith.constant 512 : index
        %swap3A_754 = tpu.vector_load %arg7[%swap3A_752, %swap3A_753] {strides = array<i32>} : memref<32x768xf32, #tpu.memory_space<vmem>>, vector<1x16xf32>,
        %swap3A_755 = vector.shape_cast %swap3A_754 : vector<1x16xf32> to vector<16xf32>
        %swap3A_756 = vector.shape_cast %mul3A_751 : vector<16xf32> to vector<1x16xf32>
        tpu.vector_store %arg7[%swap3A_752, %swap3A_753], %swap3A_756 {strides = array<i32>} : memref<32x768xf32, #tpu.memory_space<vmem>>, vector<1x16xf32>,
        %get3A_757 = arith.index_cast %scan3A_360 : i32 to index
        %get3A_758 = arith.constant 528 : index
        %get3A_759 = tpu.vector_load %arg7[%get3A_757, %get3A_758] {strides = array<i32>} : memref<32x768xf32, #tpu.memory_space<vmem>>, vector<1x16xf32>,
        %get3A_760 = vector.shape_cast %get3A_759 : vector<1x16xf32> to vector<16xf32>
        %mul3A_761 = arith.constant 27.7128124 : f32
        %mul3A_762 = vector.broadcast %mul3A_761 : f32 to vector<16xf32>
        %mul3A_763 = arith.mulf %get3A_760, %mul3A_762 : vector<16xf32>
        %swap3A_764 = arith.index_cast %scan3A_360 : i32 to index
        %swap3A_765 = arith.constant 528 : index
        %swap3A_766 = tpu.vector_load %arg7[%swap3A_764, %swap3A_765] {strides = array<i32>} : memref<32x768xf32, #tpu.memory_space<vmem>>, vector<1x16xf32>,
        %swap3A_767 = vector.shape_cast %swap3A_766 : vector<1x16xf32> to vector<16xf32>
        %swap3A_768 = vector.shape_cast %mul3A_763 : vector<16xf32> to vector<1x16xf32>
        tpu.vector_store %arg7[%swap3A_764, %swap3A_765], %swap3A_768 {strides = array<i32>} : memref<32x768xf32, #tpu.memory_space<vmem>>, vector<1x16xf32>,
        %get3A_769 = arith.index_cast %scan3A_360 : i32 to index
        %get3A_770 = arith.constant 544 : index
        %get3A_771 = tpu.vector_load %arg7[%get3A_769, %get3A_770] {strides = array<i32>} : memref<32x768xf32, #tpu.memory_space<vmem>>, vector<1x16xf32>,
        %get3A_772 = vector.shape_cast %get3A_771 : vector<1x16xf32> to vector<16xf32>
        %mul3A_773 = arith.constant 27.7128124 : f32
        %mul3A_774 = vector.broadcast %mul3A_773 : f32 to vector<16xf32>
        %mul3A_775 = arith.mulf %get3A_772, %mul3A_774 : vector<16xf32>
        %swap3A_776 = arith.index_cast %scan3A_360 : i32 to index
        %swap3A_777 = arith.constant 544 : index
        %swap3A_778 = tpu.vector_load %arg7[%swap3A_776, %swap3A_777] {strides = array<i32>} : memref<32x768xf32, #tpu.memory_space<vmem>>, vector<1x16xf32>,
        %swap3A_779 = vector.shape_cast %swap3A_778 : vector<1x16xf32> to vector<16xf32>
        %swap3A_780 = vector.shape_cast %mul3A_775 : vector<16xf32> to vector<1x16xf32>
        tpu.vector_store %arg7[%swap3A_776, %swap3A_777], %swap3A_780 {strides = array<i32>} : memref<32x768xf32, #tpu.memory_space<vmem>>, vector<1x16xf32>,
        %get3A_781 = arith.index_cast %scan3A_360 : i32 to index
        %get3A_782 = arith.constant 560 : index
        %get3A_783 = tpu.vector_load %arg7[%get3A_781, %get3A_782] {strides = array<i32>} : memref<32x768xf32, #tpu.memory_space<vmem>>, vector<1x16xf32>,
        %get3A_784 = vector.shape_cast %get3A_783 : vector<1x16xf32> to vector<16xf32>
        %mul3A_785 = arith.constant 27.7128124 : f32
        %mul3A_786 = vector.broadcast %mul3A_785 : f32 to vector<16xf32>
        %mul3A_787 = arith.mulf %get3A_784, %mul3A_786 : vector<16xf32>
        %swap3A_788 = arith.index_cast %scan3A_360 : i32 to index
        %swap3A_789 = arith.constant 560 : index
        %swap3A_790 = tpu.vector_load %arg7[%swap3A_788, %swap3A_789] {strides = array<i32>} : memref<32x768xf32, #tpu.memory_space<vmem>>, vector<1x16xf32>,
        %swap3A_791 = vector.shape_cast %swap3A_790 : vector<1x16xf32> to vector<16xf32>
        %swap3A_792 = vector.shape_cast %mul3A_787 : vector<16xf32> to vector<1x16xf32>
        tpu.vector_store %arg7[%swap3A_788, %swap3A_789], %swap3A_792 {strides = array<i32>} : memref<32x768xf32, #tpu.memory_space<vmem>>, vector<1x16xf32>,
        %get3A_793 = arith.index_cast %scan3A_360 : i32 to index
        %get3A_794 = arith.constant 576 : index
        %get3A_795 = tpu.vector_load %arg7[%get3A_793, %get3A_794] {strides = array<i32>} : memref<32x768xf32, #tpu.memory_space<vmem>>, vector<1x16xf32>,
        %get3A_796 = vector.shape_cast %get3A_795 : vector<1x16xf32> to vector<16xf32>
        %mul3A_797 = arith.constant 27.7128124 : f32
        %mul3A_798 = vector.broadcast %mul3A_797 : f32 to vector<16xf32>
        %mul3A_799 = arith.mulf %get3A_796, %mul3A_798 : vector<16xf32>
        %swap3A_800 = arith.index_cast %scan3A_360 : i32 to index
        %swap3A_801 = arith.constant 576 : index
        %swap3A_802 = tpu.vector_load %arg7[%swap3A_800, %swap3A_801] {strides = array<i32>} : memref<32x768xf32, #tpu.memory_space<vmem>>, vector<1x16xf32>,
        %swap3A_803 = vector.shape_cast %swap3A_802 : vector<1x16xf32> to vector<16xf32>
        %swap3A_804 = vector.shape_cast %mul3A_799 : vector<16xf32> to vector<1x16xf32>
        tpu.vector_store %arg7[%swap3A_800, %swap3A_801], %swap3A_804 {strides = array<i32>} : memref<32x768xf32, #tpu.memory_space<vmem>>, vector<1x16xf32>,
        %get3A_805 = arith.index_cast %scan3A_360 : i32 to index
        %get3A_806 = arith.constant 592 : index
        %get3A_807 = tpu.vector_load %arg7[%get3A_805, %get3A_806] {strides = array<i32>} : memref<32x768xf32, #tpu.memory_space<vmem>>, vector<1x16xf32>,
        %get3A_808 = vector.shape_cast %get3A_807 : vector<1x16xf32> to vector<16xf32>
        %mul3A_809 = arith.constant 27.7128124 : f32
        %mul3A_810 = vector.broadcast %mul3A_809 : f32 to vector<16xf32>
        %mul3A_811 = arith.mulf %get3A_808, %mul3A_810 : vector<16xf32>
        %swap3A_812 = arith.index_cast %scan3A_360 : i32 to index
        %swap3A_813 = arith.constant 592 : index
        %swap3A_814 = tpu.vector_load %arg7[%swap3A_812, %swap3A_813] {strides = array<i32>} : memref<32x768xf32, #tpu.memory_space<vmem>>, vector<1x16xf32>,
        %swap3A_815 = vector.shape_cast %swap3A_814 : vector<1x16xf32> to vector<16xf32>
        %swap3A_816 = vector.shape_cast %mul3A_811 : vector<16xf32> to vector<1x16xf32>
        tpu.vector_store %arg7[%swap3A_812, %swap3A_813], %swap3A_816 {strides = array<i32>} : memref<32x768xf32, #tpu.memory_space<vmem>>, vector<1x16xf32>,
        %get3A_817 = arith.index_cast %scan3A_360 : i32 to index
        %get3A_818 = arith.constant 608 : index
        %get3A_819 = tpu.vector_load %arg7[%get3A_817, %get3A_818] {strides = array<i32>} : memref<32x768xf32, #tpu.memory_space<vmem>>, vector<1x16xf32>,
        %get3A_820 = vector.shape_cast %get3A_819 : vector<1x16xf32> to vector<16xf32>
        %mul3A_821 = arith.constant 27.7128124 : f32
        %mul3A_822 = vector.broadcast %mul3A_821 : f32 to vector<16xf32>
        %mul3A_823 = arith.mulf %get3A_820, %mul3A_822 : vector<16xf32>
        %swap3A_824 = arith.index_cast %scan3A_360 : i32 to index
        %swap3A_825 = arith.constant 608 : index
        %swap3A_826 = tpu.vector_load %arg7[%swap3A_824, %swap3A_825] {strides = array<i32>} : memref<32x768xf32, #tpu.memory_space<vmem>>, vector<1x16xf32>,
        %swap3A_827 = vector.shape_cast %swap3A_826 : vector<1x16xf32> to vector<16xf32>
        %swap3A_828 = vector.shape_cast %mul3A_823 : vector<16xf32> to vector<1x16xf32>
        tpu.vector_store %arg7[%swap3A_824, %swap3A_825], %swap3A_828 {strides = array<i32>} : memref<32x768xf32, #tpu.memory_space<vmem>>, vector<1x16xf32>,
        %get3A_829 = arith.index_cast %scan3A_360 : i32 to index
        %get3A_830 = arith.constant 624 : index
        %get3A_831 = tpu.vector_load %arg7[%get3A_829, %get3A_830] {strides = array<i32>} : memref<32x768xf32, #tpu.memory_space<vmem>>, vector<1x16xf32>,
        %get3A_832 = vector.shape_cast %get3A_831 : vector<1x16xf32> to vector<16xf32>
        %mul3A_833 = arith.constant 27.7128124 : f32
        %mul3A_834 = vector.broadcast %mul3A_833 : f32 to vector<16xf32>
        %mul3A_835 = arith.mulf %get3A_832, %mul3A_834 : vector<16xf32>
        %swap3A_836 = arith.index_cast %scan3A_360 : i32 to index
        %swap3A_837 = arith.constant 624 : index
        %swap3A_838 = tpu.vector_load %arg7[%swap3A_836, %swap3A_837] {strides = array<i32>} : memref<32x768xf32, #tpu.memory_space<vmem>>, vector<1x16xf32>,
        %swap3A_839 = vector.shape_cast %swap3A_838 : vector<1x16xf32> to vector<16xf32>
        %swap3A_840 = vector.shape_cast %mul3A_835 : vector<16xf32> to vector<1x16xf32>
        tpu.vector_store %arg7[%swap3A_836, %swap3A_837], %swap3A_840 {strides = array<i32>} : memref<32x768xf32, #tpu.memory_space<vmem>>, vector<1x16xf32>,
        %get3A_841 = arith.index_cast %scan3A_360 : i32 to index
        %get3A_842 = arith.constant 640 : index
        %get3A_843 = tpu.vector_load %arg7[%get3A_841, %get3A_842] {strides = array<i32>} : memref<32x768xf32, #tpu.memory_space<vmem>>, vector<1x16xf32>,
        %get3A_844 = vector.shape_cast %get3A_843 : vector<1x16xf32> to vector<16xf32>
        %mul3A_845 = arith.constant 27.7128124 : f32
        %mul3A_846 = vector.broadcast %mul3A_845 : f32 to vector<16xf32>
        %mul3A_847 = arith.mulf %get3A_844, %mul3A_846 : vector<16xf32>
        %swap3A_848 = arith.index_cast %scan3A_360 : i32 to index
        %swap3A_849 = arith.constant 640 : index
        %swap3A_850 = tpu.vector_load %arg7[%swap3A_848, %swap3A_849] {strides = array<i32>} : memref<32x768xf32, #tpu.memory_space<vmem>>, vector<1x16xf32>,
        %swap3A_851 = vector.shape_cast %swap3A_850 : vector<1x16xf32> to vector<16xf32>
        %swap3A_852 = vector.shape_cast %mul3A_847 : vector<16xf32> to vector<1x16xf32>
        tpu.vector_store %arg7[%swap3A_848, %swap3A_849], %swap3A_852 {strides = array<i32>} : memref<32x768xf32, #tpu.memory_space<vmem>>, vector<1x16xf32>,
        %get3A_853 = arith.index_cast %scan3A_360 : i32 to index
        %get3A_854 = arith.constant 656 : index
        %get3A_855 = tpu.vector_load %arg7[%get3A_853, %get3A_854] {strides = array<i32>} : memref<32x768xf32, #tpu.memory_space<vmem>>, vector<1x16xf32>,
        %get3A_856 = vector.shape_cast %get3A_855 : vector<1x16xf32> to vector<16xf32>
        %mul3A_857 = arith.constant 27.7128124 : f32
        %mul3A_858 = vector.broadcast %mul3A_857 : f32 to vector<16xf32>
        %mul3A_859 = arith.mulf %get3A_856, %mul3A_858 : vector<16xf32>
        %swap3A_860 = arith.index_cast %scan3A_360 : i32 to index
        %swap3A_861 = arith.constant 656 : index
        %swap3A_862 = tpu.vector_load %arg7[%swap3A_860, %swap3A_861] {strides = array<i32>} : memref<32x768xf32, #tpu.memory_space<vmem>>, vector<1x16xf32>,
        %swap3A_863 = vector.shape_cast %swap3A_862 : vector<1x16xf32> to vector<16xf32>
        %swap3A_864 = vector.shape_cast %mul3A_859 : vector<16xf32> to vector<1x16xf32>
        tpu.vector_store %arg7[%swap3A_860, %swap3A_861], %swap3A_864 {strides = array<i32>} : memref<32x768xf32, #tpu.memory_space<vmem>>, vector<1x16xf32>,
        %get3A_865 = arith.index_cast %scan3A_360 : i32 to index
        %get3A_866 = arith.constant 672 : index
        %get3A_867 = tpu.vector_load %arg7[%get3A_865, %get3A_866] {strides = array<i32>} : memref<32x768xf32, #tpu.memory_space<vmem>>, vector<1x16xf32>,
        %get3A_868 = vector.shape_cast %get3A_867 : vector<1x16xf32> to vector<16xf32>
        %mul3A_869 = arith.constant 27.7128124 : f32
        %mul3A_870 = vector.broadcast %mul3A_869 : f32 to vector<16xf32>
        %mul3A_871 = arith.mulf %get3A_868, %mul3A_870 : vector<16xf32>
        %swap3A_872 = arith.index_cast %scan3A_360 : i32 to index
        %swap3A_873 = arith.constant 672 : index
        %swap3A_874 = tpu.vector_load %arg7[%swap3A_872, %swap3A_873] {strides = array<i32>} : memref<32x768xf32, #tpu.memory_space<vmem>>, vector<1x16xf32>,
        %swap3A_875 = vector.shape_cast %swap3A_874 : vector<1x16xf32> to vector<16xf32>
        %swap3A_876 = vector.shape_cast %mul3A_871 : vector<16xf32> to vector<1x16xf32>
        tpu.vector_store %arg7[%swap3A_872, %swap3A_873], %swap3A_876 {strides = array<i32>} : memref<32x768xf32, #tpu.memory_space<vmem>>, vector<1x16xf32>,
        %get3A_877 = arith.index_cast %scan3A_360 : i32 to index
        %get3A_878 = arith.constant 688 : index
        %get3A_879 = tpu.vector_load %arg7[%get3A_877, %get3A_878] {strides = array<i32>} : memref<32x768xf32, #tpu.memory_space<vmem>>, vector<1x16xf32>,
        %get3A_880 = vector.shape_cast %get3A_879 : vector<1x16xf32> to vector<16xf32>
        %mul3A_881 = arith.constant 27.7128124 : f32
        %mul3A_882 = vector.broadcast %mul3A_881 : f32 to vector<16xf32>
        %mul3A_883 = arith.mulf %get3A_880, %mul3A_882 : vector<16xf32>
        %swap3A_884 = arith.index_cast %scan3A_360 : i32 to index
        %swap3A_885 = arith.constant 688 : index
        %swap3A_886 = tpu.vector_load %arg7[%swap3A_884, %swap3A_885] {strides = array<i32>} : memref<32x768xf32, #tpu.memory_space<vmem>>, vector<1x16xf32>,
        %swap3A_887 = vector.shape_cast %swap3A_886 : vector<1x16xf32> to vector<16xf32>
        %swap3A_888 = vector.shape_cast %mul3A_883 : vector<16xf32> to vector<1x16xf32>
        tpu.vector_store %arg7[%swap3A_884, %swap3A_885], %swap3A_888 {strides = array<i32>} : memref<32x768xf32, #tpu.memory_space<vmem>>, vector<1x16xf32>,
        %get3A_889 = arith.index_cast %scan3A_360 : i32 to index
        %get3A_890 = arith.constant 704 : index
        %get3A_891 = tpu.vector_load %arg7[%get3A_889, %get3A_890] {strides = array<i32>} : memref<32x768xf32, #tpu.memory_space<vmem>>, vector<1x16xf32>,
        %get3A_892 = vector.shape_cast %get3A_891 : vector<1x16xf32> to vector<16xf32>
        %mul3A_893 = arith.constant 27.7128124 : f32
        %mul3A_894 = vector.broadcast %mul3A_893 : f32 to vector<16xf32>
        %mul3A_895 = arith.mulf %get3A_892, %mul3A_894 : vector<16xf32>
        %swap3A_896 = arith.index_cast %scan3A_360 : i32 to index
        %swap3A_897 = arith.constant 704 : index
        %swap3A_898 = tpu.vector_load %arg7[%swap3A_896, %swap3A_897] {strides = array<i32>} : memref<32x768xf32, #tpu.memory_space<vmem>>, vector<1x16xf32>,
        %swap3A_899 = vector.shape_cast %swap3A_898 : vector<1x16xf32> to vector<16xf32>
        %swap3A_900 = vector.shape_cast %mul3A_895 : vector<16xf32> to vector<1x16xf32>
        tpu.vector_store %arg7[%swap3A_896, %swap3A_897], %swap3A_900 {strides = array<i32>} : memref<32x768xf32, #tpu.memory_space<vmem>>, vector<1x16xf32>,
        %get3A_901 = arith.index_cast %scan3A_360 : i32 to index
        %get3A_902 = arith.constant 720 : index
        %get3A_903 = tpu.vector_load %arg7[%get3A_901, %get3A_902] {strides = array<i32>} : memref<32x768xf32, #tpu.memory_space<vmem>>, vector<1x16xf32>,
        %get3A_904 = vector.shape_cast %get3A_903 : vector<1x16xf32> to vector<16xf32>
        %mul3A_905 = arith.constant 27.7128124 : f32
        %mul3A_906 = vector.broadcast %mul3A_905 : f32 to vector<16xf32>
        %mul3A_907 = arith.mulf %get3A_904, %mul3A_906 : vector<16xf32>
        %swap3A_908 = arith.index_cast %scan3A_360 : i32 to index
        %swap3A_909 = arith.constant 720 : index
        %swap3A_910 = tpu.vector_load %arg7[%swap3A_908, %swap3A_909] {strides = array<i32>} : memref<32x768xf32, #tpu.memory_space<vmem>>, vector<1x16xf32>,
        %swap3A_911 = vector.shape_cast %swap3A_910 : vector<1x16xf32> to vector<16xf32>
        %swap3A_912 = vector.shape_cast %mul3A_907 : vector<16xf32> to vector<1x16xf32>
        tpu.vector_store %arg7[%swap3A_908, %swap3A_909], %swap3A_912 {strides = array<i32>} : memref<32x768xf32, #tpu.memory_space<vmem>>, vector<1x16xf32>,
        %get3A_913 = arith.index_cast %scan3A_360 : i32 to index
        %get3A_914 = arith.constant 736 : index
        %get3A_915 = tpu.vector_load %arg7[%get3A_913, %get3A_914] {strides = array<i32>} : memref<32x768xf32, #tpu.memory_space<vmem>>, vector<1x16xf32>,
        %get3A_916 = vector.shape_cast %get3A_915 : vector<1x16xf32> to vector<16xf32>
        %mul3A_917 = arith.constant 27.7128124 : f32
        %mul3A_918 = vector.broadcast %mul3A_917 : f32 to vector<16xf32>
        %mul3A_919 = arith.mulf %get3A_916, %mul3A_918 : vector<16xf32>
        %swap3A_920 = arith.index_cast %scan3A_360 : i32 to index
        %swap3A_921 = arith.constant 736 : index
        %swap3A_922 = tpu.vector_load %arg7[%swap3A_920, %swap3A_921] {strides = array<i32>} : memref<32x768xf32, #tpu.memory_space<vmem>>, vector<1x16xf32>,
        %swap3A_923 = vector.shape_cast %swap3A_922 : vector<1x16xf32> to vector<16xf32>
        %swap3A_924 = vector.shape_cast %mul3A_919 : vector<16xf32> to vector<1x16xf32>
        tpu.vector_store %arg7[%swap3A_920, %swap3A_921], %swap3A_924 {strides = array<i32>} : memref<32x768xf32, #tpu.memory_space<vmem>>, vector<1x16xf32>,
        %get3A_925 = arith.index_cast %scan3A_360 : i32 to index
        %get3A_926 = arith.constant 752 : index
        %get3A_927 = tpu.vector_load %arg7[%get3A_925, %get3A_926] {strides = array<i32>} : memref<32x768xf32, #tpu.memory_space<vmem>>, vector<1x16xf32>,
        %get3A_928 = vector.shape_cast %get3A_927 : vector<1x16xf32> to vector<16xf32>
        %mul3A_929 = arith.constant 27.7128124 : f32
        %mul3A_930 = vector.broadcast %mul3A_929 : f32 to vector<16xf32>
        %mul3A_931 = arith.mulf %get3A_928, %mul3A_930 : vector<16xf32>
        %swap3A_932 = arith.index_cast %scan3A_360 : i32 to index
        %swap3A_933 = arith.constant 752 : index
        %swap3A_934 = tpu.vector_load %arg7[%swap3A_932, %swap3A_933] {strides = array<i32>} : memref<32x768xf32, #tpu.memory_space<vmem>>, vector<1x16xf32>,
        %swap3A_935 = vector.shape_cast %swap3A_934 : vector<1x16xf32> to vector<16xf32>
        %swap3A_936 = vector.shape_cast %mul3A_931 : vector<16xf32> to vector<1x16xf32>
        tpu.vector_store %arg7[%swap3A_932, %swap3A_933], %swap3A_936 {strides = array<i32>} : memref<32x768xf32, #tpu.memory_space<vmem>>, vector<1x16xf32>,
      }
      %scan3A_222 = arith.constant 32 : i32
      %mul3A_223 = arith.constant 32 : i32
      %mul3A_224 = arith.muli %add3A_210, %mul3A_223 : i32
      %add3A_225 = arith.addi %mul3A_2, %mul3A_224 : i32
      %dma_start3A_226 = arith.constant 0 : i32
      %dma_start3A_227 = arith.constant 0 : i32
      %dma_start3A_228 = tpu.memref_slice %arg7[%dma_start3A_226, %dma_start3A_227] : memref<32x768xf32, #tpu.memory_space<vmem>> -> memref<16x768xf32, #tpu.memory_space<vmem>>
      %dma_start3A_229 = arith.constant 0 : i32
      %dma_start3A_230 = tpu.memref_slice %arg4[%add3A_225, %dma_start3A_229] : memref<32768x768xf32, #tpu.memory_space<hbm>> -> memref<16x768xf32, #tpu.memory_space<hbm>>
      %dma_start3A_231 = arith.constant 0 : i32
      %dma_start3A_232 = tpu.memref_slice %arg4[%add3A_225, %dma_start3A_231] : memref<32768x768xf32, #tpu.memory_space<hbm>> -> memref<16x768xf32, #tpu.memory_space<hbm>>
      %dma_start3A_233 = arith.constant 0 : i32
      %dma_start3A_234 = arith.constant 0 : i32
      %dma_start3A_235 = tpu.memref_slice %arg7[%dma_start3A_233, %dma_start3A_234] : memref<32x768xf32, #tpu.memory_space<vmem>> -> memref<16x768xf32, #tpu.memory_space<vmem>>
      tpu.enqueue_dma source(%dma_start3A_235 : memref<16x768xf32, #tpu.memory_space<vmem>>) target(%dma_start3A_232 : memref<16x768xf32, #tpu.memory_space<hbm>>) target_semaphore(%arg15 : memref<!tpu.dma_semaphore, #tpu.memory_space<semaphore_mem>>)
      %mul3A_236 = arith.constant 32 : i32
      %mul3A_237 = arith.muli %add3A_210, %mul3A_236 : i32
      %add3A_238 = arith.addi %mul3A_2, %mul3A_237 : i32
      %add3A_239 = arith.constant 16 : i32
      %add3A_240 = arith.addi %add3A_238, %add3A_239 : i32
      %dma_start3A_241 = arith.constant 16 : i32
      %dma_start3A_242 = arith.constant 0 : i32
      %dma_start3A_243 = tpu.memref_slice %arg7[%dma_start3A_241, %dma_start3A_242] : memref<32x768xf32, #tpu.memory_space<vmem>> -> memref<16x768xf32, #tpu.memory_space<vmem>>
      %dma_start3A_244 = arith.constant 0 : i32
      %dma_start3A_245 = tpu.memref_slice %arg4[%add3A_240, %dma_start3A_244] : memref<32768x768xf32, #tpu.memory_space<hbm>> -> memref<16x768xf32, #tpu.memory_space<hbm>>
      %dma_start3A_246 = arith.constant 0 : i32
      %dma_start3A_247 = tpu.memref_slice %arg4[%add3A_240, %dma_start3A_246] : memref<32768x768xf32, #tpu.memory_space<hbm>> -> memref<16x768xf32, #tpu.memory_space<hbm>>
      %dma_start3A_248 = arith.constant 16 : i32
      %dma_start3A_249 = arith.constant 0 : i32
      %dma_start3A_250 = tpu.memref_slice %arg7[%dma_start3A_248, %dma_start3A_249] : memref<32x768xf32, #tpu.memory_space<vmem>> -> memref<16x768xf32, #tpu.memory_space<vmem>>
      tpu.enqueue_dma source(%dma_start3A_250 : memref<16x768xf32, #tpu.memory_space<vmem>>) target(%dma_start3A_247 : memref<16x768xf32, #tpu.memory_space<hbm>>) target_semaphore(%arg15 : memref<!tpu.dma_semaphore, #tpu.memory_space<semaphore_mem>>)
      %add3A_251 = arith.constant 3 : i32
      %add3A_252 = arith.addi %add3A_210, %add3A_251 : i32
      %lt3A_253 = arith.constant 32 : i32
      %lt3A_254 = arith.cmpi slt, %add3A_252, %lt3A_253 : i32
      %convert_element_type3A_255 = arith.extui %lt3A_254 : i1 to i32
      %cond3A_256 = arith.constant 0 : i32
      %cond3A_257 = arith.cmpi ne, %convert_element_type3A_255, %cond3A_256 : i32
      scf.if %cond3A_257 {
        %ge3A = arith.constant 4 : i32
        %ge3A_360 = arith.cmpi sge, %add3A_252, %ge3A : i32
        %convert_element_type3A_361 = arith.extui %ge3A_360 : i1 to i32
        %cond3A_362 = arith.constant 0 : i32
        %cond3A_363 = arith.cmpi ne, %convert_element_type3A_361, %cond3A_362 : i32
        scf.if %cond3A_363 {
          %dma_wait3A_370 = arith.constant 0 : i32
          %dma_wait3A_371 = arith.constant 0 : i32
          %dma_wait3A_372 = tpu.memref_slice %arg3[%dma_wait3A_370, %dma_wait3A_371] : memref<8192x768xf32, #tpu.memory_space<hbm>> -> memref<32x768xf32, #tpu.memory_space<hbm>>
          %dma_wait3A_373 = arith.constant 0 : i32
          %dma_wait3A_374 = arith.constant 0 : i32
          %dma_wait3A_375 = tpu.memref_slice %arg3[%dma_wait3A_373, %dma_wait3A_374] : memref<8192x768xf32, #tpu.memory_space<hbm>> -> memref<32x768xf32, #tpu.memory_space<hbm>>
          tpu.wait_dma2 semaphore(%arg14 : memref<!tpu.dma_semaphore, #tpu.memory_space<semaphore_mem>>) src(%dma_wait3A_375 : memref<32x768xf32, #tpu.memory_space<hbm>>) dst(%arg6 : memref<32x768xf32, #tpu.memory_space<vmem>>)
        } else {
        }
        %mul3A_364 = arith.constant 32 : i32
        %mul3A_365 = arith.muli %add3A_252, %mul3A_364 : i32
        %dma_start3A_366 = tpu.memref_slice %arg5[%mul3A_365] : memref<1024xi32, #tpu.memory_space<vmem>> -> memref<32xi32, #tpu.memory_space<vmem>>
        %dma_start3A_367 = arith.constant 0 : i32
        %dma_start3A_368 = arith.constant 0 : i32
        %dma_start3A_369 = tpu.memref_slice %arg3[%dma_start3A_367, %dma_start3A_368] : memref<8192x768xf32, #tpu.memory_space<hbm>> -> memref<8192x768xf32, #tpu.memory_space<hbm>>
        tpu.enqueue_indirect_dma source(%dma_start3A_369 : memref<8192x768xf32, #tpu.memory_space<hbm>>) target(%arg6 : memref<32x768xf32, #tpu.memory_space<vmem>>) offsets(%dma_start3A_366 : memref<32xi32, #tpu.memory_space<vmem>>) semaphore(%arg10 : memref<!tpu.dma_semaphore, #tpu.memory_space<semaphore_mem>>)
      } else {
      }
      %mul3A_258 = arith.constant 4 : i32
      %mul3A_259 = arith.muli %scan3A_157, %mul3A_258 : i32
      %add3A_260 = arith.constant 2 : i32
      %add3A_261 = arith.addi %mul3A_259, %add3A_260 : i32
      %dma_wait3A_262 = arith.constant 0 : i32
      %dma_wait3A_263 = arith.constant 0 : i32
      %dma_wait3A_264 = tpu.memref_slice %arg3[%dma_wait3A_262, %dma_wait3A_263] : memref<8192x768xf32, #tpu.memory_space<hbm>> -> memref<32x768xf32, #tpu.memory_space<hbm>>
      %dma_wait3A_265 = arith.constant 0 : i32
      %dma_wait3A_266 = arith.constant 0 : i32
      %dma_wait3A_267 = tpu.memref_slice %arg3[%dma_wait3A_265, %dma_wait3A_266] : memref<8192x768xf32, #tpu.memory_space<hbm>> -> memref<32x768xf32, #tpu.memory_space<hbm>>
      tpu.wait_dma2 semaphore(%arg12 : memref<!tpu.dma_semaphore, #tpu.memory_space<semaphore_mem>>) src(%dma_wait3A_267 : memref<32x768xf32, #tpu.memory_space<hbm>>) dst(%arg8 : memref<32x768xf32, #tpu.memory_space<vmem>>)
      %scan3A_268 = arith.constant 0 : i32
      %scan3A_269 = arith.constant 0 : i32
      %scan3A_270 = arith.constant 32 : i32
      %scan3A_271 = arith.addi %scan3A_269, %scan3A_270 : i32
      %scan3A_272 = arith.constant 1 : i32
      scf.for %scan3A_360 = %scan3A_269 to %scan3A_271 step %scan3A_272  : i32 {
        %get3A_361 = arith.index_cast %scan3A_360 : i32 to index
        %get3A_362 = arith.constant 0 : index
        %get3A_363 = tpu.vector_load %arg8[%get3A_361, %get3A_362] {strides = array<i32>} : memref<32x768xf32, #tpu.memory_space<vmem>>, vector<1x16xf32>,
        %get3A_364 = vector.shape_cast %get3A_363 : vector<1x16xf32> to vector<16xf32>
        %mul3A_365 = arith.constant 27.7128124 : f32
        %mul3A_366 = vector.broadcast %mul3A_365 : f32 to vector<16xf32>
        %mul3A_367 = arith.mulf %get3A_364, %mul3A_366 : vector<16xf32>
        %swap3A_368 = arith.index_cast %scan3A_360 : i32 to index
        %swap3A_369 = arith.constant 0 : index
        %swap3A_370 = tpu.vector_load %arg8[%swap3A_368, %swap3A_369] {strides = array<i32>} : memref<32x768xf32, #tpu.memory_space<vmem>>, vector<1x16xf32>,
        %swap3A_371 = vector.shape_cast %swap3A_370 : vector<1x16xf32> to vector<16xf32>
        %swap3A_372 = vector.shape_cast %mul3A_367 : vector<16xf32> to vector<1x16xf32>
        tpu.vector_store %arg8[%swap3A_368, %swap3A_369], %swap3A_372 {strides = array<i32>} : memref<32x768xf32, #tpu.memory_space<vmem>>, vector<1x16xf32>,
        %get3A_373 = arith.index_cast %scan3A_360 : i32 to index
        %get3A_374 = arith.constant 16 : index
        %get3A_375 = tpu.vector_load %arg8[%get3A_373, %get3A_374] {strides = array<i32>} : memref<32x768xf32, #tpu.memory_space<vmem>>, vector<1x16xf32>,
        %get3A_376 = vector.shape_cast %get3A_375 : vector<1x16xf32> to vector<16xf32>
        %mul3A_377 = arith.constant 27.7128124 : f32
        %mul3A_378 = vector.broadcast %mul3A_377 : f32 to vector<16xf32>
        %mul3A_379 = arith.mulf %get3A_376, %mul3A_378 : vector<16xf32>
        %swap3A_380 = arith.index_cast %scan3A_360 : i32 to index
        %swap3A_381 = arith.constant 16 : index
        %swap3A_382 = tpu.vector_load %arg8[%swap3A_380, %swap3A_381] {strides = array<i32>} : memref<32x768xf32, #tpu.memory_space<vmem>>, vector<1x16xf32>,
        %swap3A_383 = vector.shape_cast %swap3A_382 : vector<1x16xf32> to vector<16xf32>
        %swap3A_384 = vector.shape_cast %mul3A_379 : vector<16xf32> to vector<1x16xf32>
        tpu.vector_store %arg8[%swap3A_380, %swap3A_381], %swap3A_384 {strides = array<i32>} : memref<32x768xf32, #tpu.memory_space<vmem>>, vector<1x16xf32>,
        %get3A_385 = arith.index_cast %scan3A_360 : i32 to index
        %get3A_386 = arith.constant 32 : index
        %get3A_387 = tpu.vector_load %arg8[%get3A_385, %get3A_386] {strides = array<i32>} : memref<32x768xf32, #tpu.memory_space<vmem>>, vector<1x16xf32>,
        %get3A_388 = vector.shape_cast %get3A_387 : vector<1x16xf32> to vector<16xf32>
        %mul3A_389 = arith.constant 27.7128124 : f32
        %mul3A_390 = vector.broadcast %mul3A_389 : f32 to vector<16xf32>
        %mul3A_391 = arith.mulf %get3A_388, %mul3A_390 : vector<16xf32>
        %swap3A_392 = arith.index_cast %scan3A_360 : i32 to index
        %swap3A_393 = arith.constant 32 : index
        %swap3A_394 = tpu.vector_load %arg8[%swap3A_392, %swap3A_393] {strides = array<i32>} : memref<32x768xf32, #tpu.memory_space<vmem>>, vector<1x16xf32>,
        %swap3A_395 = vector.shape_cast %swap3A_394 : vector<1x16xf32> to vector<16xf32>
        %swap3A_396 = vector.shape_cast %mul3A_391 : vector<16xf32> to vector<1x16xf32>
        tpu.vector_store %arg8[%swap3A_392, %swap3A_393], %swap3A_396 {strides = array<i32>} : memref<32x768xf32, #tpu.memory_space<vmem>>, vector<1x16xf32>,
        %get3A_397 = arith.index_cast %scan3A_360 : i32 to index
        %get3A_398 = arith.constant 48 : index
        %get3A_399 = tpu.vector_load %arg8[%get3A_397, %get3A_398] {strides = array<i32>} : memref<32x768xf32, #tpu.memory_space<vmem>>, vector<1x16xf32>,
        %get3A_400 = vector.shape_cast %get3A_399 : vector<1x16xf32> to vector<16xf32>
        %mul3A_401 = arith.constant 27.7128124 : f32
        %mul3A_402 = vector.broadcast %mul3A_401 : f32 to vector<16xf32>
        %mul3A_403 = arith.mulf %get3A_400, %mul3A_402 : vector<16xf32>
        %swap3A_404 = arith.index_cast %scan3A_360 : i32 to index
        %swap3A_405 = arith.constant 48 : index
        %swap3A_406 = tpu.vector_load %arg8[%swap3A_404, %swap3A_405] {strides = array<i32>} : memref<32x768xf32, #tpu.memory_space<vmem>>, vector<1x16xf32>,
        %swap3A_407 = vector.shape_cast %swap3A_406 : vector<1x16xf32> to vector<16xf32>
        %swap3A_408 = vector.shape_cast %mul3A_403 : vector<16xf32> to vector<1x16xf32>
        tpu.vector_store %arg8[%swap3A_404, %swap3A_405], %swap3A_408 {strides = array<i32>} : memref<32x768xf32, #tpu.memory_space<vmem>>, vector<1x16xf32>,
        %get3A_409 = arith.index_cast %scan3A_360 : i32 to index
        %get3A_410 = arith.constant 64 : index
        %get3A_411 = tpu.vector_load %arg8[%get3A_409, %get3A_410] {strides = array<i32>} : memref<32x768xf32, #tpu.memory_space<vmem>>, vector<1x16xf32>,
        %get3A_412 = vector.shape_cast %get3A_411 : vector<1x16xf32> to vector<16xf32>
        %mul3A_413 = arith.constant 27.7128124 : f32
        %mul3A_414 = vector.broadcast %mul3A_413 : f32 to vector<16xf32>
        %mul3A_415 = arith.mulf %get3A_412, %mul3A_414 : vector<16xf32>
        %swap3A_416 = arith.index_cast %scan3A_360 : i32 to index
        %swap3A_417 = arith.constant 64 : index
        %swap3A_418 = tpu.vector_load %arg8[%swap3A_416, %swap3A_417] {strides = array<i32>} : memref<32x768xf32, #tpu.memory_space<vmem>>, vector<1x16xf32>,
        %swap3A_419 = vector.shape_cast %swap3A_418 : vector<1x16xf32> to vector<16xf32>
        %swap3A_420 = vector.shape_cast %mul3A_415 : vector<16xf32> to vector<1x16xf32>
        tpu.vector_store %arg8[%swap3A_416, %swap3A_417], %swap3A_420 {strides = array<i32>} : memref<32x768xf32, #tpu.memory_space<vmem>>, vector<1x16xf32>,
        %get3A_421 = arith.index_cast %scan3A_360 : i32 to index
        %get3A_422 = arith.constant 80 : index
        %get3A_423 = tpu.vector_load %arg8[%get3A_421, %get3A_422] {strides = array<i32>} : memref<32x768xf32, #tpu.memory_space<vmem>>, vector<1x16xf32>,
        %get3A_424 = vector.shape_cast %get3A_423 : vector<1x16xf32> to vector<16xf32>
        %mul3A_425 = arith.constant 27.7128124 : f32
        %mul3A_426 = vector.broadcast %mul3A_425 : f32 to vector<16xf32>
        %mul3A_427 = arith.mulf %get3A_424, %mul3A_426 : vector<16xf32>
        %swap3A_428 = arith.index_cast %scan3A_360 : i32 to index
        %swap3A_429 = arith.constant 80 : index
        %swap3A_430 = tpu.vector_load %arg8[%swap3A_428, %swap3A_429] {strides = array<i32>} : memref<32x768xf32, #tpu.memory_space<vmem>>, vector<1x16xf32>,
        %swap3A_431 = vector.shape_cast %swap3A_430 : vector<1x16xf32> to vector<16xf32>
        %swap3A_432 = vector.shape_cast %mul3A_427 : vector<16xf32> to vector<1x16xf32>
        tpu.vector_store %arg8[%swap3A_428, %swap3A_429], %swap3A_432 {strides = array<i32>} : memref<32x768xf32, #tpu.memory_space<vmem>>, vector<1x16xf32>,
        %get3A_433 = arith.index_cast %scan3A_360 : i32 to index
        %get3A_434 = arith.constant 96 : index
        %get3A_435 = tpu.vector_load %arg8[%get3A_433, %get3A_434] {strides = array<i32>} : memref<32x768xf32, #tpu.memory_space<vmem>>, vector<1x16xf32>,
        %get3A_436 = vector.shape_cast %get3A_435 : vector<1x16xf32> to vector<16xf32>
        %mul3A_437 = arith.constant 27.7128124 : f32
        %mul3A_438 = vector.broadcast %mul3A_437 : f32 to vector<16xf32>
        %mul3A_439 = arith.mulf %get3A_436, %mul3A_438 : vector<16xf32>
        %swap3A_440 = arith.index_cast %scan3A_360 : i32 to index
        %swap3A_441 = arith.constant 96 : index
        %swap3A_442 = tpu.vector_load %arg8[%swap3A_440, %swap3A_441] {strides = array<i32>} : memref<32x768xf32, #tpu.memory_space<vmem>>, vector<1x16xf32>,
        %swap3A_443 = vector.shape_cast %swap3A_442 : vector<1x16xf32> to vector<16xf32>
        %swap3A_444 = vector.shape_cast %mul3A_439 : vector<16xf32> to vector<1x16xf32>
        tpu.vector_store %arg8[%swap3A_440, %swap3A_441], %swap3A_444 {strides = array<i32>} : memref<32x768xf32, #tpu.memory_space<vmem>>, vector<1x16xf32>,
        %get3A_445 = arith.index_cast %scan3A_360 : i32 to index
        %get3A_446 = arith.constant 112 : index
        %get3A_447 = tpu.vector_load %arg8[%get3A_445, %get3A_446] {strides = array<i32>} : memref<32x768xf32, #tpu.memory_space<vmem>>, vector<1x16xf32>,
        %get3A_448 = vector.shape_cast %get3A_447 : vector<1x16xf32> to vector<16xf32>
        %mul3A_449 = arith.constant 27.7128124 : f32
        %mul3A_450 = vector.broadcast %mul3A_449 : f32 to vector<16xf32>
        %mul3A_451 = arith.mulf %get3A_448, %mul3A_450 : vector<16xf32>
        %swap3A_452 = arith.index_cast %scan3A_360 : i32 to index
        %swap3A_453 = arith.constant 112 : index
        %swap3A_454 = tpu.vector_load %arg8[%swap3A_452, %swap3A_453] {strides = array<i32>} : memref<32x768xf32, #tpu.memory_space<vmem>>, vector<1x16xf32>,
        %swap3A_455 = vector.shape_cast %swap3A_454 : vector<1x16xf32> to vector<16xf32>
        %swap3A_456 = vector.shape_cast %mul3A_451 : vector<16xf32> to vector<1x16xf32>
        tpu.vector_store %arg8[%swap3A_452, %swap3A_453], %swap3A_456 {strides = array<i32>} : memref<32x768xf32, #tpu.memory_space<vmem>>, vector<1x16xf32>,
        %get3A_457 = arith.index_cast %scan3A_360 : i32 to index
        %get3A_458 = arith.constant 128 : index
        %get3A_459 = tpu.vector_load %arg8[%get3A_457, %get3A_458] {strides = array<i32>} : memref<32x768xf32, #tpu.memory_space<vmem>>, vector<1x16xf32>,
        %get3A_460 = vector.shape_cast %get3A_459 : vector<1x16xf32> to vector<16xf32>
        %mul3A_461 = arith.constant 27.7128124 : f32
        %mul3A_462 = vector.broadcast %mul3A_461 : f32 to vector<16xf32>
        %mul3A_463 = arith.mulf %get3A_460, %mul3A_462 : vector<16xf32>
        %swap3A_464 = arith.index_cast %scan3A_360 : i32 to index
        %swap3A_465 = arith.constant 128 : index
        %swap3A_466 = tpu.vector_load %arg8[%swap3A_464, %swap3A_465] {strides = array<i32>} : memref<32x768xf32, #tpu.memory_space<vmem>>, vector<1x16xf32>,
        %swap3A_467 = vector.shape_cast %swap3A_466 : vector<1x16xf32> to vector<16xf32>
        %swap3A_468 = vector.shape_cast %mul3A_463 : vector<16xf32> to vector<1x16xf32>
        tpu.vector_store %arg8[%swap3A_464, %swap3A_465], %swap3A_468 {strides = array<i32>} : memref<32x768xf32, #tpu.memory_space<vmem>>, vector<1x16xf32>,
        %get3A_469 = arith.index_cast %scan3A_360 : i32 to index
        %get3A_470 = arith.constant 144 : index
        %get3A_471 = tpu.vector_load %arg8[%get3A_469, %get3A_470] {strides = array<i32>} : memref<32x768xf32, #tpu.memory_space<vmem>>, vector<1x16xf32>,
        %get3A_472 = vector.shape_cast %get3A_471 : vector<1x16xf32> to vector<16xf32>
        %mul3A_473 = arith.constant 27.7128124 : f32
        %mul3A_474 = vector.broadcast %mul3A_473 : f32 to vector<16xf32>
        %mul3A_475 = arith.mulf %get3A_472, %mul3A_474 : vector<16xf32>
        %swap3A_476 = arith.index_cast %scan3A_360 : i32 to index
        %swap3A_477 = arith.constant 144 : index
        %swap3A_478 = tpu.vector_load %arg8[%swap3A_476, %swap3A_477] {strides = array<i32>} : memref<32x768xf32, #tpu.memory_space<vmem>>, vector<1x16xf32>,
        %swap3A_479 = vector.shape_cast %swap3A_478 : vector<1x16xf32> to vector<16xf32>
        %swap3A_480 = vector.shape_cast %mul3A_475 : vector<16xf32> to vector<1x16xf32>
        tpu.vector_store %arg8[%swap3A_476, %swap3A_477], %swap3A_480 {strides = array<i32>} : memref<32x768xf32, #tpu.memory_space<vmem>>, vector<1x16xf32>,
        %get3A_481 = arith.index_cast %scan3A_360 : i32 to index
        %get3A_482 = arith.constant 160 : index
        %get3A_483 = tpu.vector_load %arg8[%get3A_481, %get3A_482] {strides = array<i32>} : memref<32x768xf32, #tpu.memory_space<vmem>>, vector<1x16xf32>,
        %get3A_484 = vector.shape_cast %get3A_483 : vector<1x16xf32> to vector<16xf32>
        %mul3A_485 = arith.constant 27.7128124 : f32
        %mul3A_486 = vector.broadcast %mul3A_485 : f32 to vector<16xf32>
        %mul3A_487 = arith.mulf %get3A_484, %mul3A_486 : vector<16xf32>
        %swap3A_488 = arith.index_cast %scan3A_360 : i32 to index
        %swap3A_489 = arith.constant 160 : index
        %swap3A_490 = tpu.vector_load %arg8[%swap3A_488, %swap3A_489] {strides = array<i32>} : memref<32x768xf32, #tpu.memory_space<vmem>>, vector<1x16xf32>,
        %swap3A_491 = vector.shape_cast %swap3A_490 : vector<1x16xf32> to vector<16xf32>
        %swap3A_492 = vector.shape_cast %mul3A_487 : vector<16xf32> to vector<1x16xf32>
        tpu.vector_store %arg8[%swap3A_488, %swap3A_489], %swap3A_492 {strides = array<i32>} : memref<32x768xf32, #tpu.memory_space<vmem>>, vector<1x16xf32>,
        %get3A_493 = arith.index_cast %scan3A_360 : i32 to index
        %get3A_494 = arith.constant 176 : index
        %get3A_495 = tpu.vector_load %arg8[%get3A_493, %get3A_494] {strides = array<i32>} : memref<32x768xf32, #tpu.memory_space<vmem>>, vector<1x16xf32>,
        %get3A_496 = vector.shape_cast %get3A_495 : vector<1x16xf32> to vector<16xf32>
        %mul3A_497 = arith.constant 27.7128124 : f32
        %mul3A_498 = vector.broadcast %mul3A_497 : f32 to vector<16xf32>
        %mul3A_499 = arith.mulf %get3A_496, %mul3A_498 : vector<16xf32>
        %swap3A_500 = arith.index_cast %scan3A_360 : i32 to index
        %swap3A_501 = arith.constant 176 : index
        %swap3A_502 = tpu.vector_load %arg8[%swap3A_500, %swap3A_501] {strides = array<i32>} : memref<32x768xf32, #tpu.memory_space<vmem>>, vector<1x16xf32>,
        %swap3A_503 = vector.shape_cast %swap3A_502 : vector<1x16xf32> to vector<16xf32>
        %swap3A_504 = vector.shape_cast %mul3A_499 : vector<16xf32> to vector<1x16xf32>
        tpu.vector_store %arg8[%swap3A_500, %swap3A_501], %swap3A_504 {strides = array<i32>} : memref<32x768xf32, #tpu.memory_space<vmem>>, vector<1x16xf32>,
        %get3A_505 = arith.index_cast %scan3A_360 : i32 to index
        %get3A_506 = arith.constant 192 : index
        %get3A_507 = tpu.vector_load %arg8[%get3A_505, %get3A_506] {strides = array<i32>} : memref<32x768xf32, #tpu.memory_space<vmem>>, vector<1x16xf32>,
        %get3A_508 = vector.shape_cast %get3A_507 : vector<1x16xf32> to vector<16xf32>
        %mul3A_509 = arith.constant 27.7128124 : f32
        %mul3A_510 = vector.broadcast %mul3A_509 : f32 to vector<16xf32>
        %mul3A_511 = arith.mulf %get3A_508, %mul3A_510 : vector<16xf32>
        %swap3A_512 = arith.index_cast %scan3A_360 : i32 to index
        %swap3A_513 = arith.constant 192 : index
        %swap3A_514 = tpu.vector_load %arg8[%swap3A_512, %swap3A_513] {strides = array<i32>} : memref<32x768xf32, #tpu.memory_space<vmem>>, vector<1x16xf32>,
        %swap3A_515 = vector.shape_cast %swap3A_514 : vector<1x16xf32> to vector<16xf32>
        %swap3A_516 = vector.shape_cast %mul3A_511 : vector<16xf32> to vector<1x16xf32>
        tpu.vector_store %arg8[%swap3A_512, %swap3A_513], %swap3A_516 {strides = array<i32>} : memref<32x768xf32, #tpu.memory_space<vmem>>, vector<1x16xf32>,
        %get3A_517 = arith.index_cast %scan3A_360 : i32 to index
        %get3A_518 = arith.constant 208 : index
        %get3A_519 = tpu.vector_load %arg8[%get3A_517, %get3A_518] {strides = array<i32>} : memref<32x768xf32, #tpu.memory_space<vmem>>, vector<1x16xf32>,
        %get3A_520 = vector.shape_cast %get3A_519 : vector<1x16xf32> to vector<16xf32>
        %mul3A_521 = arith.constant 27.7128124 : f32
        %mul3A_522 = vector.broadcast %mul3A_521 : f32 to vector<16xf32>
        %mul3A_523 = arith.mulf %get3A_520, %mul3A_522 : vector<16xf32>
        %swap3A_524 = arith.index_cast %scan3A_360 : i32 to index
        %swap3A_525 = arith.constant 208 : index
        %swap3A_526 = tpu.vector_load %arg8[%swap3A_524, %swap3A_525] {strides = array<i32>} : memref<32x768xf32, #tpu.memory_space<vmem>>, vector<1x16xf32>,
        %swap3A_527 = vector.shape_cast %swap3A_526 : vector<1x16xf32> to vector<16xf32>
        %swap3A_528 = vector.shape_cast %mul3A_523 : vector<16xf32> to vector<1x16xf32>
        tpu.vector_store %arg8[%swap3A_524, %swap3A_525], %swap3A_528 {strides = array<i32>} : memref<32x768xf32, #tpu.memory_space<vmem>>, vector<1x16xf32>,
        %get3A_529 = arith.index_cast %scan3A_360 : i32 to index
        %get3A_530 = arith.constant 224 : index
        %get3A_531 = tpu.vector_load %arg8[%get3A_529, %get3A_530] {strides = array<i32>} : memref<32x768xf32, #tpu.memory_space<vmem>>, vector<1x16xf32>,
        %get3A_532 = vector.shape_cast %get3A_531 : vector<1x16xf32> to vector<16xf32>
        %mul3A_533 = arith.constant 27.7128124 : f32
        %mul3A_534 = vector.broadcast %mul3A_533 : f32 to vector<16xf32>
        %mul3A_535 = arith.mulf %get3A_532, %mul3A_534 : vector<16xf32>
        %swap3A_536 = arith.index_cast %scan3A_360 : i32 to index
        %swap3A_537 = arith.constant 224 : index
        %swap3A_538 = tpu.vector_load %arg8[%swap3A_536, %swap3A_537] {strides = array<i32>} : memref<32x768xf32, #tpu.memory_space<vmem>>, vector<1x16xf32>,
        %swap3A_539 = vector.shape_cast %swap3A_538 : vector<1x16xf32> to vector<16xf32>
        %swap3A_540 = vector.shape_cast %mul3A_535 : vector<16xf32> to vector<1x16xf32>
        tpu.vector_store %arg8[%swap3A_536, %swap3A_537], %swap3A_540 {strides = array<i32>} : memref<32x768xf32, #tpu.memory_space<vmem>>, vector<1x16xf32>,
        %get3A_541 = arith.index_cast %scan3A_360 : i32 to index
        %get3A_542 = arith.constant 240 : index
        %get3A_543 = tpu.vector_load %arg8[%get3A_541, %get3A_542] {strides = array<i32>} : memref<32x768xf32, #tpu.memory_space<vmem>>, vector<1x16xf32>,
        %get3A_544 = vector.shape_cast %get3A_543 : vector<1x16xf32> to vector<16xf32>
        %mul3A_545 = arith.constant 27.7128124 : f32
        %mul3A_546 = vector.broadcast %mul3A_545 : f32 to vector<16xf32>
        %mul3A_547 = arith.mulf %get3A_544, %mul3A_546 : vector<16xf32>
        %swap3A_548 = arith.index_cast %scan3A_360 : i32 to index
        %swap3A_549 = arith.constant 240 : index
        %swap3A_550 = tpu.vector_load %arg8[%swap3A_548, %swap3A_549] {strides = array<i32>} : memref<32x768xf32, #tpu.memory_space<vmem>>, vector<1x16xf32>,
        %swap3A_551 = vector.shape_cast %swap3A_550 : vector<1x16xf32> to vector<16xf32>
        %swap3A_552 = vector.shape_cast %mul3A_547 : vector<16xf32> to vector<1x16xf32>
        tpu.vector_store %arg8[%swap3A_548, %swap3A_549], %swap3A_552 {strides = array<i32>} : memref<32x768xf32, #tpu.memory_space<vmem>>, vector<1x16xf32>,
        %get3A_553 = arith.index_cast %scan3A_360 : i32 to index
        %get3A_554 = arith.constant 256 : index
        %get3A_555 = tpu.vector_load %arg8[%get3A_553, %get3A_554] {strides = array<i32>} : memref<32x768xf32, #tpu.memory_space<vmem>>, vector<1x16xf32>,
        %get3A_556 = vector.shape_cast %get3A_555 : vector<1x16xf32> to vector<16xf32>
        %mul3A_557 = arith.constant 27.7128124 : f32
        %mul3A_558 = vector.broadcast %mul3A_557 : f32 to vector<16xf32>
        %mul3A_559 = arith.mulf %get3A_556, %mul3A_558 : vector<16xf32>
        %swap3A_560 = arith.index_cast %scan3A_360 : i32 to index
        %swap3A_561 = arith.constant 256 : index
        %swap3A_562 = tpu.vector_load %arg8[%swap3A_560, %swap3A_561] {strides = array<i32>} : memref<32x768xf32, #tpu.memory_space<vmem>>, vector<1x16xf32>,
        %swap3A_563 = vector.shape_cast %swap3A_562 : vector<1x16xf32> to vector<16xf32>
        %swap3A_564 = vector.shape_cast %mul3A_559 : vector<16xf32> to vector<1x16xf32>
        tpu.vector_store %arg8[%swap3A_560, %swap3A_561], %swap3A_564 {strides = array<i32>} : memref<32x768xf32, #tpu.memory_space<vmem>>, vector<1x16xf32>,
        %get3A_565 = arith.index_cast %scan3A_360 : i32 to index
        %get3A_566 = arith.constant 272 : index
        %get3A_567 = tpu.vector_load %arg8[%get3A_565, %get3A_566] {strides = array<i32>} : memref<32x768xf32, #tpu.memory_space<vmem>>, vector<1x16xf32>,
        %get3A_568 = vector.shape_cast %get3A_567 : vector<1x16xf32> to vector<16xf32>
        %mul3A_569 = arith.constant 27.7128124 : f32
        %mul3A_570 = vector.broadcast %mul3A_569 : f32 to vector<16xf32>
        %mul3A_571 = arith.mulf %get3A_568, %mul3A_570 : vector<16xf32>
        %swap3A_572 = arith.index_cast %scan3A_360 : i32 to index
        %swap3A_573 = arith.constant 272 : index
        %swap3A_574 = tpu.vector_load %arg8[%swap3A_572, %swap3A_573] {strides = array<i32>} : memref<32x768xf32, #tpu.memory_space<vmem>>, vector<1x16xf32>,
        %swap3A_575 = vector.shape_cast %swap3A_574 : vector<1x16xf32> to vector<16xf32>
        %swap3A_576 = vector.shape_cast %mul3A_571 : vector<16xf32> to vector<1x16xf32>
        tpu.vector_store %arg8[%swap3A_572, %swap3A_573], %swap3A_576 {strides = array<i32>} : memref<32x768xf32, #tpu.memory_space<vmem>>, vector<1x16xf32>,
        %get3A_577 = arith.index_cast %scan3A_360 : i32 to index
        %get3A_578 = arith.constant 288 : index
        %get3A_579 = tpu.vector_load %arg8[%get3A_577, %get3A_578] {strides = array<i32>} : memref<32x768xf32, #tpu.memory_space<vmem>>, vector<1x16xf32>,
        %get3A_580 = vector.shape_cast %get3A_579 : vector<1x16xf32> to vector<16xf32>
        %mul3A_581 = arith.constant 27.7128124 : f32
        %mul3A_582 = vector.broadcast %mul3A_581 : f32 to vector<16xf32>
        %mul3A_583 = arith.mulf %get3A_580, %mul3A_582 : vector<16xf32>
        %swap3A_584 = arith.index_cast %scan3A_360 : i32 to index
        %swap3A_585 = arith.constant 288 : index
        %swap3A_586 = tpu.vector_load %arg8[%swap3A_584, %swap3A_585] {strides = array<i32>} : memref<32x768xf32, #tpu.memory_space<vmem>>, vector<1x16xf32>,
        %swap3A_587 = vector.shape_cast %swap3A_586 : vector<1x16xf32> to vector<16xf32>
        %swap3A_588 = vector.shape_cast %mul3A_583 : vector<16xf32> to vector<1x16xf32>
        tpu.vector_store %arg8[%swap3A_584, %swap3A_585], %swap3A_588 {strides = array<i32>} : memref<32x768xf32, #tpu.memory_space<vmem>>, vector<1x16xf32>,
        %get3A_589 = arith.index_cast %scan3A_360 : i32 to index
        %get3A_590 = arith.constant 304 : index
        %get3A_591 = tpu.vector_load %arg8[%get3A_589, %get3A_590] {strides = array<i32>} : memref<32x768xf32, #tpu.memory_space<vmem>>, vector<1x16xf32>,
        %get3A_592 = vector.shape_cast %get3A_591 : vector<1x16xf32> to vector<16xf32>
        %mul3A_593 = arith.constant 27.7128124 : f32
        %mul3A_594 = vector.broadcast %mul3A_593 : f32 to vector<16xf32>
        %mul3A_595 = arith.mulf %get3A_592, %mul3A_594 : vector<16xf32>
        %swap3A_596 = arith.index_cast %scan3A_360 : i32 to index
        %swap3A_597 = arith.constant 304 : index
        %swap3A_598 = tpu.vector_load %arg8[%swap3A_596, %swap3A_597] {strides = array<i32>} : memref<32x768xf32, #tpu.memory_space<vmem>>, vector<1x16xf32>,
        %swap3A_599 = vector.shape_cast %swap3A_598 : vector<1x16xf32> to vector<16xf32>
        %swap3A_600 = vector.shape_cast %mul3A_595 : vector<16xf32> to vector<1x16xf32>
        tpu.vector_store %arg8[%swap3A_596, %swap3A_597], %swap3A_600 {strides = array<i32>} : memref<32x768xf32, #tpu.memory_space<vmem>>, vector<1x16xf32>,
        %get3A_601 = arith.index_cast %scan3A_360 : i32 to index
        %get3A_602 = arith.constant 320 : index
        %get3A_603 = tpu.vector_load %arg8[%get3A_601, %get3A_602] {strides = array<i32>} : memref<32x768xf32, #tpu.memory_space<vmem>>, vector<1x16xf32>,
        %get3A_604 = vector.shape_cast %get3A_603 : vector<1x16xf32> to vector<16xf32>
        %mul3A_605 = arith.constant 27.7128124 : f32
        %mul3A_606 = vector.broadcast %mul3A_605 : f32 to vector<16xf32>
        %mul3A_607 = arith.mulf %get3A_604, %mul3A_606 : vector<16xf32>
        %swap3A_608 = arith.index_cast %scan3A_360 : i32 to index
        %swap3A_609 = arith.constant 320 : index
        %swap3A_610 = tpu.vector_load %arg8[%swap3A_608, %swap3A_609] {strides = array<i32>} : memref<32x768xf32, #tpu.memory_space<vmem>>, vector<1x16xf32>,
        %swap3A_611 = vector.shape_cast %swap3A_610 : vector<1x16xf32> to vector<16xf32>
        %swap3A_612 = vector.shape_cast %mul3A_607 : vector<16xf32> to vector<1x16xf32>
        tpu.vector_store %arg8[%swap3A_608, %swap3A_609], %swap3A_612 {strides = array<i32>} : memref<32x768xf32, #tpu.memory_space<vmem>>, vector<1x16xf32>,
        %get3A_613 = arith.index_cast %scan3A_360 : i32 to index
        %get3A_614 = arith.constant 336 : index
        %get3A_615 = tpu.vector_load %arg8[%get3A_613, %get3A_614] {strides = array<i32>} : memref<32x768xf32, #tpu.memory_space<vmem>>, vector<1x16xf32>,
        %get3A_616 = vector.shape_cast %get3A_615 : vector<1x16xf32> to vector<16xf32>
        %mul3A_617 = arith.constant 27.7128124 : f32
        %mul3A_618 = vector.broadcast %mul3A_617 : f32 to vector<16xf32>
        %mul3A_619 = arith.mulf %get3A_616, %mul3A_618 : vector<16xf32>
        %swap3A_620 = arith.index_cast %scan3A_360 : i32 to index
        %swap3A_621 = arith.constant 336 : index
        %swap3A_622 = tpu.vector_load %arg8[%swap3A_620, %swap3A_621] {strides = array<i32>} : memref<32x768xf32, #tpu.memory_space<vmem>>, vector<1x16xf32>,
        %swap3A_623 = vector.shape_cast %swap3A_622 : vector<1x16xf32> to vector<16xf32>
        %swap3A_624 = vector.shape_cast %mul3A_619 : vector<16xf32> to vector<1x16xf32>
        tpu.vector_store %arg8[%swap3A_620, %swap3A_621], %swap3A_624 {strides = array<i32>} : memref<32x768xf32, #tpu.memory_space<vmem>>, vector<1x16xf32>,
        %get3A_625 = arith.index_cast %scan3A_360 : i32 to index
        %get3A_626 = arith.constant 352 : index
        %get3A_627 = tpu.vector_load %arg8[%get3A_625, %get3A_626] {strides = array<i32>} : memref<32x768xf32, #tpu.memory_space<vmem>>, vector<1x16xf32>,
        %get3A_628 = vector.shape_cast %get3A_627 : vector<1x16xf32> to vector<16xf32>
        %mul3A_629 = arith.constant 27.7128124 : f32
        %mul3A_630 = vector.broadcast %mul3A_629 : f32 to vector<16xf32>
        %mul3A_631 = arith.mulf %get3A_628, %mul3A_630 : vector<16xf32>
        %swap3A_632 = arith.index_cast %scan3A_360 : i32 to index
        %swap3A_633 = arith.constant 352 : index
        %swap3A_634 = tpu.vector_load %arg8[%swap3A_632, %swap3A_633] {strides = array<i32>} : memref<32x768xf32, #tpu.memory_space<vmem>>, vector<1x16xf32>,
        %swap3A_635 = vector.shape_cast %swap3A_634 : vector<1x16xf32> to vector<16xf32>
        %swap3A_636 = vector.shape_cast %mul3A_631 : vector<16xf32> to vector<1x16xf32>
        tpu.vector_store %arg8[%swap3A_632, %swap3A_633], %swap3A_636 {strides = array<i32>} : memref<32x768xf32, #tpu.memory_space<vmem>>, vector<1x16xf32>,
        %get3A_637 = arith.index_cast %scan3A_360 : i32 to index
        %get3A_638 = arith.constant 368 : index
        %get3A_639 = tpu.vector_load %arg8[%get3A_637, %get3A_638] {strides = array<i32>} : memref<32x768xf32, #tpu.memory_space<vmem>>, vector<1x16xf32>,
        %get3A_640 = vector.shape_cast %get3A_639 : vector<1x16xf32> to vector<16xf32>
        %mul3A_641 = arith.constant 27.7128124 : f32
        %mul3A_642 = vector.broadcast %mul3A_641 : f32 to vector<16xf32>
        %mul3A_643 = arith.mulf %get3A_640, %mul3A_642 : vector<16xf32>
        %swap3A_644 = arith.index_cast %scan3A_360 : i32 to index
        %swap3A_645 = arith.constant 368 : index
        %swap3A_646 = tpu.vector_load %arg8[%swap3A_644, %swap3A_645] {strides = array<i32>} : memref<32x768xf32, #tpu.memory_space<vmem>>, vector<1x16xf32>,
        %swap3A_647 = vector.shape_cast %swap3A_646 : vector<1x16xf32> to vector<16xf32>
        %swap3A_648 = vector.shape_cast %mul3A_643 : vector<16xf32> to vector<1x16xf32>
        tpu.vector_store %arg8[%swap3A_644, %swap3A_645], %swap3A_648 {strides = array<i32>} : memref<32x768xf32, #tpu.memory_space<vmem>>, vector<1x16xf32>,
        %get3A_649 = arith.index_cast %scan3A_360 : i32 to index
        %get3A_650 = arith.constant 384 : index
        %get3A_651 = tpu.vector_load %arg8[%get3A_649, %get3A_650] {strides = array<i32>} : memref<32x768xf32, #tpu.memory_space<vmem>>, vector<1x16xf32>,
        %get3A_652 = vector.shape_cast %get3A_651 : vector<1x16xf32> to vector<16xf32>
        %mul3A_653 = arith.constant 27.7128124 : f32
        %mul3A_654 = vector.broadcast %mul3A_653 : f32 to vector<16xf32>
        %mul3A_655 = arith.mulf %get3A_652, %mul3A_654 : vector<16xf32>
        %swap3A_656 = arith.index_cast %scan3A_360 : i32 to index
        %swap3A_657 = arith.constant 384 : index
        %swap3A_658 = tpu.vector_load %arg8[%swap3A_656, %swap3A_657] {strides = array<i32>} : memref<32x768xf32, #tpu.memory_space<vmem>>, vector<1x16xf32>,
        %swap3A_659 = vector.shape_cast %swap3A_658 : vector<1x16xf32> to vector<16xf32>
        %swap3A_660 = vector.shape_cast %mul3A_655 : vector<16xf32> to vector<1x16xf32>
        tpu.vector_store %arg8[%swap3A_656, %swap3A_657], %swap3A_660 {strides = array<i32>} : memref<32x768xf32, #tpu.memory_space<vmem>>, vector<1x16xf32>,
        %get3A_661 = arith.index_cast %scan3A_360 : i32 to index
        %get3A_662 = arith.constant 400 : index
        %get3A_663 = tpu.vector_load %arg8[%get3A_661, %get3A_662] {strides = array<i32>} : memref<32x768xf32, #tpu.memory_space<vmem>>, vector<1x16xf32>,
        %get3A_664 = vector.shape_cast %get3A_663 : vector<1x16xf32> to vector<16xf32>
        %mul3A_665 = arith.constant 27.7128124 : f32
        %mul3A_666 = vector.broadcast %mul3A_665 : f32 to vector<16xf32>
        %mul3A_667 = arith.mulf %get3A_664, %mul3A_666 : vector<16xf32>
        %swap3A_668 = arith.index_cast %scan3A_360 : i32 to index
        %swap3A_669 = arith.constant 400 : index
        %swap3A_670 = tpu.vector_load %arg8[%swap3A_668, %swap3A_669] {strides = array<i32>} : memref<32x768xf32, #tpu.memory_space<vmem>>, vector<1x16xf32>,
        %swap3A_671 = vector.shape_cast %swap3A_670 : vector<1x16xf32> to vector<16xf32>
        %swap3A_672 = vector.shape_cast %mul3A_667 : vector<16xf32> to vector<1x16xf32>
        tpu.vector_store %arg8[%swap3A_668, %swap3A_669], %swap3A_672 {strides = array<i32>} : memref<32x768xf32, #tpu.memory_space<vmem>>, vector<1x16xf32>,
        %get3A_673 = arith.index_cast %scan3A_360 : i32 to index
        %get3A_674 = arith.constant 416 : index
        %get3A_675 = tpu.vector_load %arg8[%get3A_673, %get3A_674] {strides = array<i32>} : memref<32x768xf32, #tpu.memory_space<vmem>>, vector<1x16xf32>,
        %get3A_676 = vector.shape_cast %get3A_675 : vector<1x16xf32> to vector<16xf32>
        %mul3A_677 = arith.constant 27.7128124 : f32
        %mul3A_678 = vector.broadcast %mul3A_677 : f32 to vector<16xf32>
        %mul3A_679 = arith.mulf %get3A_676, %mul3A_678 : vector<16xf32>
        %swap3A_680 = arith.index_cast %scan3A_360 : i32 to index
        %swap3A_681 = arith.constant 416 : index
        %swap3A_682 = tpu.vector_load %arg8[%swap3A_680, %swap3A_681] {strides = array<i32>} : memref<32x768xf32, #tpu.memory_space<vmem>>, vector<1x16xf32>,
        %swap3A_683 = vector.shape_cast %swap3A_682 : vector<1x16xf32> to vector<16xf32>
        %swap3A_684 = vector.shape_cast %mul3A_679 : vector<16xf32> to vector<1x16xf32>
        tpu.vector_store %arg8[%swap3A_680, %swap3A_681], %swap3A_684 {strides = array<i32>} : memref<32x768xf32, #tpu.memory_space<vmem>>, vector<1x16xf32>,
        %get3A_685 = arith.index_cast %scan3A_360 : i32 to index
        %get3A_686 = arith.constant 432 : index
        %get3A_687 = tpu.vector_load %arg8[%get3A_685, %get3A_686] {strides = array<i32>} : memref<32x768xf32, #tpu.memory_space<vmem>>, vector<1x16xf32>,
        %get3A_688 = vector.shape_cast %get3A_687 : vector<1x16xf32> to vector<16xf32>
        %mul3A_689 = arith.constant 27.7128124 : f32
        %mul3A_690 = vector.broadcast %mul3A_689 : f32 to vector<16xf32>
        %mul3A_691 = arith.mulf %get3A_688, %mul3A_690 : vector<16xf32>
        %swap3A_692 = arith.index_cast %scan3A_360 : i32 to index
        %swap3A_693 = arith.constant 432 : index
        %swap3A_694 = tpu.vector_load %arg8[%swap3A_692, %swap3A_693] {strides = array<i32>} : memref<32x768xf32, #tpu.memory_space<vmem>>, vector<1x16xf32>,
        %swap3A_695 = vector.shape_cast %swap3A_694 : vector<1x16xf32> to vector<16xf32>
        %swap3A_696 = vector.shape_cast %mul3A_691 : vector<16xf32> to vector<1x16xf32>
        tpu.vector_store %arg8[%swap3A_692, %swap3A_693], %swap3A_696 {strides = array<i32>} : memref<32x768xf32, #tpu.memory_space<vmem>>, vector<1x16xf32>,
        %get3A_697 = arith.index_cast %scan3A_360 : i32 to index
        %get3A_698 = arith.constant 448 : index
        %get3A_699 = tpu.vector_load %arg8[%get3A_697, %get3A_698] {strides = array<i32>} : memref<32x768xf32, #tpu.memory_space<vmem>>, vector<1x16xf32>,
        %get3A_700 = vector.shape_cast %get3A_699 : vector<1x16xf32> to vector<16xf32>
        %mul3A_701 = arith.constant 27.7128124 : f32
        %mul3A_702 = vector.broadcast %mul3A_701 : f32 to vector<16xf32>
        %mul3A_703 = arith.mulf %get3A_700, %mul3A_702 : vector<16xf32>
        %swap3A_704 = arith.index_cast %scan3A_360 : i32 to index
        %swap3A_705 = arith.constant 448 : index
        %swap3A_706 = tpu.vector_load %arg8[%swap3A_704, %swap3A_705] {strides = array<i32>} : memref<32x768xf32, #tpu.memory_space<vmem>>, vector<1x16xf32>,
        %swap3A_707 = vector.shape_cast %swap3A_706 : vector<1x16xf32> to vector<16xf32>
        %swap3A_708 = vector.shape_cast %mul3A_703 : vector<16xf32> to vector<1x16xf32>
        tpu.vector_store %arg8[%swap3A_704, %swap3A_705], %swap3A_708 {strides = array<i32>} : memref<32x768xf32, #tpu.memory_space<vmem>>, vector<1x16xf32>,
        %get3A_709 = arith.index_cast %scan3A_360 : i32 to index
        %get3A_710 = arith.constant 464 : index
        %get3A_711 = tpu.vector_load %arg8[%get3A_709, %get3A_710] {strides = array<i32>} : memref<32x768xf32, #tpu.memory_space<vmem>>, vector<1x16xf32>,
        %get3A_712 = vector.shape_cast %get3A_711 : vector<1x16xf32> to vector<16xf32>
        %mul3A_713 = arith.constant 27.7128124 : f32
        %mul3A_714 = vector.broadcast %mul3A_713 : f32 to vector<16xf32>
        %mul3A_715 = arith.mulf %get3A_712, %mul3A_714 : vector<16xf32>
        %swap3A_716 = arith.index_cast %scan3A_360 : i32 to index
        %swap3A_717 = arith.constant 464 : index
        %swap3A_718 = tpu.vector_load %arg8[%swap3A_716, %swap3A_717] {strides = array<i32>} : memref<32x768xf32, #tpu.memory_space<vmem>>, vector<1x16xf32>,
        %swap3A_719 = vector.shape_cast %swap3A_718 : vector<1x16xf32> to vector<16xf32>
        %swap3A_720 = vector.shape_cast %mul3A_715 : vector<16xf32> to vector<1x16xf32>
        tpu.vector_store %arg8[%swap3A_716, %swap3A_717], %swap3A_720 {strides = array<i32>} : memref<32x768xf32, #tpu.memory_space<vmem>>, vector<1x16xf32>,
        %get3A_721 = arith.index_cast %scan3A_360 : i32 to index
        %get3A_722 = arith.constant 480 : index
        %get3A_723 = tpu.vector_load %arg8[%get3A_721, %get3A_722] {strides = array<i32>} : memref<32x768xf32, #tpu.memory_space<vmem>>, vector<1x16xf32>,
        %get3A_724 = vector.shape_cast %get3A_723 : vector<1x16xf32> to vector<16xf32>
        %mul3A_725 = arith.constant 27.7128124 : f32
        %mul3A_726 = vector.broadcast %mul3A_725 : f32 to vector<16xf32>
        %mul3A_727 = arith.mulf %get3A_724, %mul3A_726 : vector<16xf32>
        %swap3A_728 = arith.index_cast %scan3A_360 : i32 to index
        %swap3A_729 = arith.constant 480 : index
        %swap3A_730 = tpu.vector_load %arg8[%swap3A_728, %swap3A_729] {strides = array<i32>} : memref<32x768xf32, #tpu.memory_space<vmem>>, vector<1x16xf32>,
        %swap3A_731 = vector.shape_cast %swap3A_730 : vector<1x16xf32> to vector<16xf32>
        %swap3A_732 = vector.shape_cast %mul3A_727 : vector<16xf32> to vector<1x16xf32>
        tpu.vector_store %arg8[%swap3A_728, %swap3A_729], %swap3A_732 {strides = array<i32>} : memref<32x768xf32, #tpu.memory_space<vmem>>, vector<1x16xf32>,
        %get3A_733 = arith.index_cast %scan3A_360 : i32 to index
        %get3A_734 = arith.constant 496 : index
        %get3A_735 = tpu.vector_load %arg8[%get3A_733, %get3A_734] {strides = array<i32>} : memref<32x768xf32, #tpu.memory_space<vmem>>, vector<1x16xf32>,
        %get3A_736 = vector.shape_cast %get3A_735 : vector<1x16xf32> to vector<16xf32>
        %mul3A_737 = arith.constant 27.7128124 : f32
        %mul3A_738 = vector.broadcast %mul3A_737 : f32 to vector<16xf32>
        %mul3A_739 = arith.mulf %get3A_736, %mul3A_738 : vector<16xf32>
        %swap3A_740 = arith.index_cast %scan3A_360 : i32 to index
        %swap3A_741 = arith.constant 496 : index
        %swap3A_742 = tpu.vector_load %arg8[%swap3A_740, %swap3A_741] {strides = array<i32>} : memref<32x768xf32, #tpu.memory_space<vmem>>, vector<1x16xf32>,
        %swap3A_743 = vector.shape_cast %swap3A_742 : vector<1x16xf32> to vector<16xf32>
        %swap3A_744 = vector.shape_cast %mul3A_739 : vector<16xf32> to vector<1x16xf32>
        tpu.vector_store %arg8[%swap3A_740, %swap3A_741], %swap3A_744 {strides = array<i32>} : memref<32x768xf32, #tpu.memory_space<vmem>>, vector<1x16xf32>,
        %get3A_745 = arith.index_cast %scan3A_360 : i32 to index
        %get3A_746 = arith.constant 512 : index
        %get3A_747 = tpu.vector_load %arg8[%get3A_745, %get3A_746] {strides = array<i32>} : memref<32x768xf32, #tpu.memory_space<vmem>>, vector<1x16xf32>,
        %get3A_748 = vector.shape_cast %get3A_747 : vector<1x16xf32> to vector<16xf32>
        %mul3A_749 = arith.constant 27.7128124 : f32
        %mul3A_750 = vector.broadcast %mul3A_749 : f32 to vector<16xf32>
        %mul3A_751 = arith.mulf %get3A_748, %mul3A_750 : vector<16xf32>
        %swap3A_752 = arith.index_cast %scan3A_360 : i32 to index
        %swap3A_753 = arith.constant 512 : index
        %swap3A_754 = tpu.vector_load %arg8[%swap3A_752, %swap3A_753] {strides = array<i32>} : memref<32x768xf32, #tpu.memory_space<vmem>>, vector<1x16xf32>,
        %swap3A_755 = vector.shape_cast %swap3A_754 : vector<1x16xf32> to vector<16xf32>
        %swap3A_756 = vector.shape_cast %mul3A_751 : vector<16xf32> to vector<1x16xf32>
        tpu.vector_store %arg8[%swap3A_752, %swap3A_753], %swap3A_756 {strides = array<i32>} : memref<32x768xf32, #tpu.memory_space<vmem>>, vector<1x16xf32>,
        %get3A_757 = arith.index_cast %scan3A_360 : i32 to index
        %get3A_758 = arith.constant 528 : index
        %get3A_759 = tpu.vector_load %arg8[%get3A_757, %get3A_758] {strides = array<i32>} : memref<32x768xf32, #tpu.memory_space<vmem>>, vector<1x16xf32>,
        %get3A_760 = vector.shape_cast %get3A_759 : vector<1x16xf32> to vector<16xf32>
        %mul3A_761 = arith.constant 27.7128124 : f32
        %mul3A_762 = vector.broadcast %mul3A_761 : f32 to vector<16xf32>
        %mul3A_763 = arith.mulf %get3A_760, %mul3A_762 : vector<16xf32>
        %swap3A_764 = arith.index_cast %scan3A_360 : i32 to index
        %swap3A_765 = arith.constant 528 : index
        %swap3A_766 = tpu.vector_load %arg8[%swap3A_764, %swap3A_765] {strides = array<i32>} : memref<32x768xf32, #tpu.memory_space<vmem>>, vector<1x16xf32>,
        %swap3A_767 = vector.shape_cast %swap3A_766 : vector<1x16xf32> to vector<16xf32>
        %swap3A_768 = vector.shape_cast %mul3A_763 : vector<16xf32> to vector<1x16xf32>
        tpu.vector_store %arg8[%swap3A_764, %swap3A_765], %swap3A_768 {strides = array<i32>} : memref<32x768xf32, #tpu.memory_space<vmem>>, vector<1x16xf32>,
        %get3A_769 = arith.index_cast %scan3A_360 : i32 to index
        %get3A_770 = arith.constant 544 : index
        %get3A_771 = tpu.vector_load %arg8[%get3A_769, %get3A_770] {strides = array<i32>} : memref<32x768xf32, #tpu.memory_space<vmem>>, vector<1x16xf32>,
        %get3A_772 = vector.shape_cast %get3A_771 : vector<1x16xf32> to vector<16xf32>
        %mul3A_773 = arith.constant 27.7128124 : f32
        %mul3A_774 = vector.broadcast %mul3A_773 : f32 to vector<16xf32>
        %mul3A_775 = arith.mulf %get3A_772, %mul3A_774 : vector<16xf32>
        %swap3A_776 = arith.index_cast %scan3A_360 : i32 to index
        %swap3A_777 = arith.constant 544 : index
        %swap3A_778 = tpu.vector_load %arg8[%swap3A_776, %swap3A_777] {strides = array<i32>} : memref<32x768xf32, #tpu.memory_space<vmem>>, vector<1x16xf32>,
        %swap3A_779 = vector.shape_cast %swap3A_778 : vector<1x16xf32> to vector<16xf32>
        %swap3A_780 = vector.shape_cast %mul3A_775 : vector<16xf32> to vector<1x16xf32>
        tpu.vector_store %arg8[%swap3A_776, %swap3A_777], %swap3A_780 {strides = array<i32>} : memref<32x768xf32, #tpu.memory_space<vmem>>, vector<1x16xf32>,
        %get3A_781 = arith.index_cast %scan3A_360 : i32 to index
        %get3A_782 = arith.constant 560 : index
        %get3A_783 = tpu.vector_load %arg8[%get3A_781, %get3A_782] {strides = array<i32>} : memref<32x768xf32, #tpu.memory_space<vmem>>, vector<1x16xf32>,
        %get3A_784 = vector.shape_cast %get3A_783 : vector<1x16xf32> to vector<16xf32>
        %mul3A_785 = arith.constant 27.7128124 : f32
        %mul3A_786 = vector.broadcast %mul3A_785 : f32 to vector<16xf32>
        %mul3A_787 = arith.mulf %get3A_784, %mul3A_786 : vector<16xf32>
        %swap3A_788 = arith.index_cast %scan3A_360 : i32 to index
        %swap3A_789 = arith.constant 560 : index
        %swap3A_790 = tpu.vector_load %arg8[%swap3A_788, %swap3A_789] {strides = array<i32>} : memref<32x768xf32, #tpu.memory_space<vmem>>, vector<1x16xf32>,
        %swap3A_791 = vector.shape_cast %swap3A_790 : vector<1x16xf32> to vector<16xf32>
        %swap3A_792 = vector.shape_cast %mul3A_787 : vector<16xf32> to vector<1x16xf32>
        tpu.vector_store %arg8[%swap3A_788, %swap3A_789], %swap3A_792 {strides = array<i32>} : memref<32x768xf32, #tpu.memory_space<vmem>>, vector<1x16xf32>,
        %get3A_793 = arith.index_cast %scan3A_360 : i32 to index
        %get3A_794 = arith.constant 576 : index
        %get3A_795 = tpu.vector_load %arg8[%get3A_793, %get3A_794] {strides = array<i32>} : memref<32x768xf32, #tpu.memory_space<vmem>>, vector<1x16xf32>,
        %get3A_796 = vector.shape_cast %get3A_795 : vector<1x16xf32> to vector<16xf32>
        %mul3A_797 = arith.constant 27.7128124 : f32
        %mul3A_798 = vector.broadcast %mul3A_797 : f32 to vector<16xf32>
        %mul3A_799 = arith.mulf %get3A_796, %mul3A_798 : vector<16xf32>
        %swap3A_800 = arith.index_cast %scan3A_360 : i32 to index
        %swap3A_801 = arith.constant 576 : index
        %swap3A_802 = tpu.vector_load %arg8[%swap3A_800, %swap3A_801] {strides = array<i32>} : memref<32x768xf32, #tpu.memory_space<vmem>>, vector<1x16xf32>,
        %swap3A_803 = vector.shape_cast %swap3A_802 : vector<1x16xf32> to vector<16xf32>
        %swap3A_804 = vector.shape_cast %mul3A_799 : vector<16xf32> to vector<1x16xf32>
        tpu.vector_store %arg8[%swap3A_800, %swap3A_801], %swap3A_804 {strides = array<i32>} : memref<32x768xf32, #tpu.memory_space<vmem>>, vector<1x16xf32>,
        %get3A_805 = arith.index_cast %scan3A_360 : i32 to index
        %get3A_806 = arith.constant 592 : index
        %get3A_807 = tpu.vector_load %arg8[%get3A_805, %get3A_806] {strides = array<i32>} : memref<32x768xf32, #tpu.memory_space<vmem>>, vector<1x16xf32>,
        %get3A_808 = vector.shape_cast %get3A_807 : vector<1x16xf32> to vector<16xf32>
        %mul3A_809 = arith.constant 27.7128124 : f32
        %mul3A_810 = vector.broadcast %mul3A_809 : f32 to vector<16xf32>
        %mul3A_811 = arith.mulf %get3A_808, %mul3A_810 : vector<16xf32>
        %swap3A_812 = arith.index_cast %scan3A_360 : i32 to index
        %swap3A_813 = arith.constant 592 : index
        %swap3A_814 = tpu.vector_load %arg8[%swap3A_812, %swap3A_813] {strides = array<i32>} : memref<32x768xf32, #tpu.memory_space<vmem>>, vector<1x16xf32>,
        %swap3A_815 = vector.shape_cast %swap3A_814 : vector<1x16xf32> to vector<16xf32>
        %swap3A_816 = vector.shape_cast %mul3A_811 : vector<16xf32> to vector<1x16xf32>
        tpu.vector_store %arg8[%swap3A_812, %swap3A_813], %swap3A_816 {strides = array<i32>} : memref<32x768xf32, #tpu.memory_space<vmem>>, vector<1x16xf32>,
        %get3A_817 = arith.index_cast %scan3A_360 : i32 to index
        %get3A_818 = arith.constant 608 : index
        %get3A_819 = tpu.vector_load %arg8[%get3A_817, %get3A_818] {strides = array<i32>} : memref<32x768xf32, #tpu.memory_space<vmem>>, vector<1x16xf32>,
        %get3A_820 = vector.shape_cast %get3A_819 : vector<1x16xf32> to vector<16xf32>
        %mul3A_821 = arith.constant 27.7128124 : f32
        %mul3A_822 = vector.broadcast %mul3A_821 : f32 to vector<16xf32>
        %mul3A_823 = arith.mulf %get3A_820, %mul3A_822 : vector<16xf32>
        %swap3A_824 = arith.index_cast %scan3A_360 : i32 to index
        %swap3A_825 = arith.constant 608 : index
        %swap3A_826 = tpu.vector_load %arg8[%swap3A_824, %swap3A_825] {strides = array<i32>} : memref<32x768xf32, #tpu.memory_space<vmem>>, vector<1x16xf32>,
        %swap3A_827 = vector.shape_cast %swap3A_826 : vector<1x16xf32> to vector<16xf32>
        %swap3A_828 = vector.shape_cast %mul3A_823 : vector<16xf32> to vector<1x16xf32>
        tpu.vector_store %arg8[%swap3A_824, %swap3A_825], %swap3A_828 {strides = array<i32>} : memref<32x768xf32, #tpu.memory_space<vmem>>, vector<1x16xf32>,
        %get3A_829 = arith.index_cast %scan3A_360 : i32 to index
        %get3A_830 = arith.constant 624 : index
        %get3A_831 = tpu.vector_load %arg8[%get3A_829, %get3A_830] {strides = array<i32>} : memref<32x768xf32, #tpu.memory_space<vmem>>, vector<1x16xf32>,
        %get3A_832 = vector.shape_cast %get3A_831 : vector<1x16xf32> to vector<16xf32>
        %mul3A_833 = arith.constant 27.7128124 : f32
        %mul3A_834 = vector.broadcast %mul3A_833 : f32 to vector<16xf32>
        %mul3A_835 = arith.mulf %get3A_832, %mul3A_834 : vector<16xf32>
        %swap3A_836 = arith.index_cast %scan3A_360 : i32 to index
        %swap3A_837 = arith.constant 624 : index
        %swap3A_838 = tpu.vector_load %arg8[%swap3A_836, %swap3A_837] {strides = array<i32>} : memref<32x768xf32, #tpu.memory_space<vmem>>, vector<1x16xf32>,
        %swap3A_839 = vector.shape_cast %swap3A_838 : vector<1x16xf32> to vector<16xf32>
        %swap3A_840 = vector.shape_cast %mul3A_835 : vector<16xf32> to vector<1x16xf32>
        tpu.vector_store %arg8[%swap3A_836, %swap3A_837], %swap3A_840 {strides = array<i32>} : memref<32x768xf32, #tpu.memory_space<vmem>>, vector<1x16xf32>,
        %get3A_841 = arith.index_cast %scan3A_360 : i32 to index
        %get3A_842 = arith.constant 640 : index
        %get3A_843 = tpu.vector_load %arg8[%get3A_841, %get3A_842] {strides = array<i32>} : memref<32x768xf32, #tpu.memory_space<vmem>>, vector<1x16xf32>,
        %get3A_844 = vector.shape_cast %get3A_843 : vector<1x16xf32> to vector<16xf32>
        %mul3A_845 = arith.constant 27.7128124 : f32
        %mul3A_846 = vector.broadcast %mul3A_845 : f32 to vector<16xf32>
        %mul3A_847 = arith.mulf %get3A_844, %mul3A_846 : vector<16xf32>
        %swap3A_848 = arith.index_cast %scan3A_360 : i32 to index
        %swap3A_849 = arith.constant 640 : index
        %swap3A_850 = tpu.vector_load %arg8[%swap3A_848, %swap3A_849] {strides = array<i32>} : memref<32x768xf32, #tpu.memory_space<vmem>>, vector<1x16xf32>,
        %swap3A_851 = vector.shape_cast %swap3A_850 : vector<1x16xf32> to vector<16xf32>
        %swap3A_852 = vector.shape_cast %mul3A_847 : vector<16xf32> to vector<1x16xf32>
        tpu.vector_store %arg8[%swap3A_848, %swap3A_849], %swap3A_852 {strides = array<i32>} : memref<32x768xf32, #tpu.memory_space<vmem>>, vector<1x16xf32>,
        %get3A_853 = arith.index_cast %scan3A_360 : i32 to index
        %get3A_854 = arith.constant 656 : index
        %get3A_855 = tpu.vector_load %arg8[%get3A_853, %get3A_854] {strides = array<i32>} : memref<32x768xf32, #tpu.memory_space<vmem>>, vector<1x16xf32>,
        %get3A_856 = vector.shape_cast %get3A_855 : vector<1x16xf32> to vector<16xf32>
        %mul3A_857 = arith.constant 27.7128124 : f32
        %mul3A_858 = vector.broadcast %mul3A_857 : f32 to vector<16xf32>
        %mul3A_859 = arith.mulf %get3A_856, %mul3A_858 : vector<16xf32>
        %swap3A_860 = arith.index_cast %scan3A_360 : i32 to index
        %swap3A_861 = arith.constant 656 : index
        %swap3A_862 = tpu.vector_load %arg8[%swap3A_860, %swap3A_861] {strides = array<i32>} : memref<32x768xf32, #tpu.memory_space<vmem>>, vector<1x16xf32>,
        %swap3A_863 = vector.shape_cast %swap3A_862 : vector<1x16xf32> to vector<16xf32>
        %swap3A_864 = vector.shape_cast %mul3A_859 : vector<16xf32> to vector<1x16xf32>
        tpu.vector_store %arg8[%swap3A_860, %swap3A_861], %swap3A_864 {strides = array<i32>} : memref<32x768xf32, #tpu.memory_space<vmem>>, vector<1x16xf32>,
        %get3A_865 = arith.index_cast %scan3A_360 : i32 to index
        %get3A_866 = arith.constant 672 : index
        %get3A_867 = tpu.vector_load %arg8[%get3A_865, %get3A_866] {strides = array<i32>} : memref<32x768xf32, #tpu.memory_space<vmem>>, vector<1x16xf32>,
        %get3A_868 = vector.shape_cast %get3A_867 : vector<1x16xf32> to vector<16xf32>
        %mul3A_869 = arith.constant 27.7128124 : f32
        %mul3A_870 = vector.broadcast %mul3A_869 : f32 to vector<16xf32>
        %mul3A_871 = arith.mulf %get3A_868, %mul3A_870 : vector<16xf32>
        %swap3A_872 = arith.index_cast %scan3A_360 : i32 to index
        %swap3A_873 = arith.constant 672 : index
        %swap3A_874 = tpu.vector_load %arg8[%swap3A_872, %swap3A_873] {strides = array<i32>} : memref<32x768xf32, #tpu.memory_space<vmem>>, vector<1x16xf32>,
        %swap3A_875 = vector.shape_cast %swap3A_874 : vector<1x16xf32> to vector<16xf32>
        %swap3A_876 = vector.shape_cast %mul3A_871 : vector<16xf32> to vector<1x16xf32>
        tpu.vector_store %arg8[%swap3A_872, %swap3A_873], %swap3A_876 {strides = array<i32>} : memref<32x768xf32, #tpu.memory_space<vmem>>, vector<1x16xf32>,
        %get3A_877 = arith.index_cast %scan3A_360 : i32 to index
        %get3A_878 = arith.constant 688 : index
        %get3A_879 = tpu.vector_load %arg8[%get3A_877, %get3A_878] {strides = array<i32>} : memref<32x768xf32, #tpu.memory_space<vmem>>, vector<1x16xf32>,
        %get3A_880 = vector.shape_cast %get3A_879 : vector<1x16xf32> to vector<16xf32>
        %mul3A_881 = arith.constant 27.7128124 : f32
        %mul3A_882 = vector.broadcast %mul3A_881 : f32 to vector<16xf32>
        %mul3A_883 = arith.mulf %get3A_880, %mul3A_882 : vector<16xf32>
        %swap3A_884 = arith.index_cast %scan3A_360 : i32 to index
        %swap3A_885 = arith.constant 688 : index
        %swap3A_886 = tpu.vector_load %arg8[%swap3A_884, %swap3A_885] {strides = array<i32>} : memref<32x768xf32, #tpu.memory_space<vmem>>, vector<1x16xf32>,
        %swap3A_887 = vector.shape_cast %swap3A_886 : vector<1x16xf32> to vector<16xf32>
        %swap3A_888 = vector.shape_cast %mul3A_883 : vector<16xf32> to vector<1x16xf32>
        tpu.vector_store %arg8[%swap3A_884, %swap3A_885], %swap3A_888 {strides = array<i32>} : memref<32x768xf32, #tpu.memory_space<vmem>>, vector<1x16xf32>,
        %get3A_889 = arith.index_cast %scan3A_360 : i32 to index
        %get3A_890 = arith.constant 704 : index
        %get3A_891 = tpu.vector_load %arg8[%get3A_889, %get3A_890] {strides = array<i32>} : memref<32x768xf32, #tpu.memory_space<vmem>>, vector<1x16xf32>,
        %get3A_892 = vector.shape_cast %get3A_891 : vector<1x16xf32> to vector<16xf32>
        %mul3A_893 = arith.constant 27.7128124 : f32
        %mul3A_894 = vector.broadcast %mul3A_893 : f32 to vector<16xf32>
        %mul3A_895 = arith.mulf %get3A_892, %mul3A_894 : vector<16xf32>
        %swap3A_896 = arith.index_cast %scan3A_360 : i32 to index
        %swap3A_897 = arith.constant 704 : index
        %swap3A_898 = tpu.vector_load %arg8[%swap3A_896, %swap3A_897] {strides = array<i32>} : memref<32x768xf32, #tpu.memory_space<vmem>>, vector<1x16xf32>,
        %swap3A_899 = vector.shape_cast %swap3A_898 : vector<1x16xf32> to vector<16xf32>
        %swap3A_900 = vector.shape_cast %mul3A_895 : vector<16xf32> to vector<1x16xf32>
        tpu.vector_store %arg8[%swap3A_896, %swap3A_897], %swap3A_900 {strides = array<i32>} : memref<32x768xf32, #tpu.memory_space<vmem>>, vector<1x16xf32>,
        %get3A_901 = arith.index_cast %scan3A_360 : i32 to index
        %get3A_902 = arith.constant 720 : index
        %get3A_903 = tpu.vector_load %arg8[%get3A_901, %get3A_902] {strides = array<i32>} : memref<32x768xf32, #tpu.memory_space<vmem>>, vector<1x16xf32>,
        %get3A_904 = vector.shape_cast %get3A_903 : vector<1x16xf32> to vector<16xf32>
        %mul3A_905 = arith.constant 27.7128124 : f32
        %mul3A_906 = vector.broadcast %mul3A_905 : f32 to vector<16xf32>
        %mul3A_907 = arith.mulf %get3A_904, %mul3A_906 : vector<16xf32>
        %swap3A_908 = arith.index_cast %scan3A_360 : i32 to index
        %swap3A_909 = arith.constant 720 : index
        %swap3A_910 = tpu.vector_load %arg8[%swap3A_908, %swap3A_909] {strides = array<i32>} : memref<32x768xf32, #tpu.memory_space<vmem>>, vector<1x16xf32>,
        %swap3A_911 = vector.shape_cast %swap3A_910 : vector<1x16xf32> to vector<16xf32>
        %swap3A_912 = vector.shape_cast %mul3A_907 : vector<16xf32> to vector<1x16xf32>
        tpu.vector_store %arg8[%swap3A_908, %swap3A_909], %swap3A_912 {strides = array<i32>} : memref<32x768xf32, #tpu.memory_space<vmem>>, vector<1x16xf32>,
        %get3A_913 = arith.index_cast %scan3A_360 : i32 to index
        %get3A_914 = arith.constant 736 : index
        %get3A_915 = tpu.vector_load %arg8[%get3A_913, %get3A_914] {strides = array<i32>} : memref<32x768xf32, #tpu.memory_space<vmem>>, vector<1x16xf32>,
        %get3A_916 = vector.shape_cast %get3A_915 : vector<1x16xf32> to vector<16xf32>
        %mul3A_917 = arith.constant 27.7128124 : f32
        %mul3A_918 = vector.broadcast %mul3A_917 : f32 to vector<16xf32>
        %mul3A_919 = arith.mulf %get3A_916, %mul3A_918 : vector<16xf32>
        %swap3A_920 = arith.index_cast %scan3A_360 : i32 to index
        %swap3A_921 = arith.constant 736 : index
        %swap3A_922 = tpu.vector_load %arg8[%swap3A_920, %swap3A_921] {strides = array<i32>} : memref<32x768xf32, #tpu.memory_space<vmem>>, vector<1x16xf32>,
        %swap3A_923 = vector.shape_cast %swap3A_922 : vector<1x16xf32> to vector<16xf32>
        %swap3A_924 = vector.shape_cast %mul3A_919 : vector<16xf32> to vector<1x16xf32>
        tpu.vector_store %arg8[%swap3A_920, %swap3A_921], %swap3A_924 {strides = array<i32>} : memref<32x768xf32, #tpu.memory_space<vmem>>, vector<1x16xf32>,
        %get3A_925 = arith.index_cast %scan3A_360 : i32 to index
        %get3A_926 = arith.constant 752 : index
        %get3A_927 = tpu.vector_load %arg8[%get3A_925, %get3A_926] {strides = array<i32>} : memref<32x768xf32, #tpu.memory_space<vmem>>, vector<1x16xf32>,
        %get3A_928 = vector.shape_cast %get3A_927 : vector<1x16xf32> to vector<16xf32>
        %mul3A_929 = arith.constant 27.7128124 : f32
        %mul3A_930 = vector.broadcast %mul3A_929 : f32 to vector<16xf32>
        %mul3A_931 = arith.mulf %get3A_928, %mul3A_930 : vector<16xf32>
        %swap3A_932 = arith.index_cast %scan3A_360 : i32 to index
        %swap3A_933 = arith.constant 752 : index
        %swap3A_934 = tpu.vector_load %arg8[%swap3A_932, %swap3A_933] {strides = array<i32>} : memref<32x768xf32, #tpu.memory_space<vmem>>, vector<1x16xf32>,
        %swap3A_935 = vector.shape_cast %swap3A_934 : vector<1x16xf32> to vector<16xf32>
        %swap3A_936 = vector.shape_cast %mul3A_931 : vector<16xf32> to vector<1x16xf32>
        tpu.vector_store %arg8[%swap3A_932, %swap3A_933], %swap3A_936 {strides = array<i32>} : memref<32x768xf32, #tpu.memory_space<vmem>>, vector<1x16xf32>,
      }
      %scan3A_273 = arith.constant 32 : i32
      %mul3A_274 = arith.constant 32 : i32
      %mul3A_275 = arith.muli %add3A_261, %mul3A_274 : i32
      %add3A_276 = arith.addi %mul3A_2, %mul3A_275 : i32
      %dma_start3A_277 = arith.constant 0 : i32
      %dma_start3A_278 = arith.constant 0 : i32
      %dma_start3A_279 = tpu.memref_slice %arg8[%dma_start3A_277, %dma_start3A_278] : memref<32x768xf32, #tpu.memory_space<vmem>> -> memref<16x768xf32, #tpu.memory_space<vmem>>
      %dma_start3A_280 = arith.constant 0 : i32
      %dma_start3A_281 = tpu.memref_slice %arg4[%add3A_276, %dma_start3A_280] : memref<32768x768xf32, #tpu.memory_space<hbm>> -> memref<16x768xf32, #tpu.memory_space<hbm>>
      %dma_start3A_282 = arith.constant 0 : i32
      %dma_start3A_283 = tpu.memref_slice %arg4[%add3A_276, %dma_start3A_282] : memref<32768x768xf32, #tpu.memory_space<hbm>> -> memref<16x768xf32, #tpu.memory_space<hbm>>
      %dma_start3A_284 = arith.constant 0 : i32
      %dma_start3A_285 = arith.constant 0 : i32
      %dma_start3A_286 = tpu.memref_slice %arg8[%dma_start3A_284, %dma_start3A_285] : memref<32x768xf32, #tpu.memory_space<vmem>> -> memref<16x768xf32, #tpu.memory_space<vmem>>
      tpu.enqueue_dma source(%dma_start3A_286 : memref<16x768xf32, #tpu.memory_space<vmem>>) target(%dma_start3A_283 : memref<16x768xf32, #tpu.memory_space<hbm>>) target_semaphore(%arg16 : memref<!tpu.dma_semaphore, #tpu.memory_space<semaphore_mem>>)
      %mul3A_287 = arith.constant 32 : i32
      %mul3A_288 = arith.muli %add3A_261, %mul3A_287 : i32
      %add3A_289 = arith.addi %mul3A_2, %mul3A_288 : i32
      %add3A_290 = arith.constant 16 : i32
      %add3A_291 = arith.addi %add3A_289, %add3A_290 : i32
      %dma_start3A_292 = arith.constant 16 : i32
      %dma_start3A_293 = arith.constant 0 : i32
      %dma_start3A_294 = tpu.memref_slice %arg8[%dma_start3A_292, %dma_start3A_293] : memref<32x768xf32, #tpu.memory_space<vmem>> -> memref<16x768xf32, #tpu.memory_space<vmem>>
      %dma_start3A_295 = arith.constant 0 : i32
      %dma_start3A_296 = tpu.memref_slice %arg4[%add3A_291, %dma_start3A_295] : memref<32768x768xf32, #tpu.memory_space<hbm>> -> memref<16x768xf32, #tpu.memory_space<hbm>>
      %dma_start3A_297 = arith.constant 0 : i32
      %dma_start3A_298 = tpu.memref_slice %arg4[%add3A_291, %dma_start3A_297] : memref<32768x768xf32, #tpu.memory_space<hbm>> -> memref<16x768xf32, #tpu.memory_space<hbm>>
      %dma_start3A_299 = arith.constant 16 : i32
      %dma_start3A_300 = arith.constant 0 : i32
      %dma_start3A_301 = tpu.memref_slice %arg8[%dma_start3A_299, %dma_start3A_300] : memref<32x768xf32, #tpu.memory_space<vmem>> -> memref<16x768xf32, #tpu.memory_space<vmem>>
      tpu.enqueue_dma source(%dma_start3A_301 : memref<16x768xf32, #tpu.memory_space<vmem>>) target(%dma_start3A_298 : memref<16x768xf32, #tpu.memory_space<hbm>>) target_semaphore(%arg16 : memref<!tpu.dma_semaphore, #tpu.memory_space<semaphore_mem>>)
      %add3A_302 = arith.constant 3 : i32
      %add3A_303 = arith.addi %add3A_261, %add3A_302 : i32
      %lt3A_304 = arith.constant 32 : i32
      %lt3A_305 = arith.cmpi slt, %add3A_303, %lt3A_304 : i32
      %convert_element_type3A_306 = arith.extui %lt3A_305 : i1 to i32
      %cond3A_307 = arith.constant 0 : i32
      %cond3A_308 = arith.cmpi ne, %convert_element_type3A_306, %cond3A_307 : i32
      scf.if %cond3A_308 {
        %ge3A = arith.constant 4 : i32
        %ge3A_360 = arith.cmpi sge, %add3A_303, %ge3A : i32
        %convert_element_type3A_361 = arith.extui %ge3A_360 : i1 to i32
        %cond3A_362 = arith.constant 0 : i32
        %cond3A_363 = arith.cmpi ne, %convert_element_type3A_361, %cond3A_362 : i32
        scf.if %cond3A_363 {
          %dma_wait3A_370 = arith.constant 0 : i32
          %dma_wait3A_371 = arith.constant 0 : i32
          %dma_wait3A_372 = tpu.memref_slice %arg3[%dma_wait3A_370, %dma_wait3A_371] : memref<8192x768xf32, #tpu.memory_space<hbm>> -> memref<32x768xf32, #tpu.memory_space<hbm>>
          %dma_wait3A_373 = arith.constant 0 : i32
          %dma_wait3A_374 = arith.constant 0 : i32
          %dma_wait3A_375 = tpu.memref_slice %arg3[%dma_wait3A_373, %dma_wait3A_374] : memref<8192x768xf32, #tpu.memory_space<hbm>> -> memref<32x768xf32, #tpu.memory_space<hbm>>
          tpu.wait_dma2 semaphore(%arg15 : memref<!tpu.dma_semaphore, #tpu.memory_space<semaphore_mem>>) src(%dma_wait3A_375 : memref<32x768xf32, #tpu.memory_space<hbm>>) dst(%arg7 : memref<32x768xf32, #tpu.memory_space<vmem>>)
        } else {
        }
        %mul3A_364 = arith.constant 32 : i32
        %mul3A_365 = arith.muli %add3A_303, %mul3A_364 : i32
        %dma_start3A_366 = tpu.memref_slice %arg5[%mul3A_365] : memref<1024xi32, #tpu.memory_space<vmem>> -> memref<32xi32, #tpu.memory_space<vmem>>
        %dma_start3A_367 = arith.constant 0 : i32
        %dma_start3A_368 = arith.constant 0 : i32
        %dma_start3A_369 = tpu.memref_slice %arg3[%dma_start3A_367, %dma_start3A_368] : memref<8192x768xf32, #tpu.memory_space<hbm>> -> memref<8192x768xf32, #tpu.memory_space<hbm>>
        tpu.enqueue_indirect_dma source(%dma_start3A_369 : memref<8192x768xf32, #tpu.memory_space<hbm>>) target(%arg7 : memref<32x768xf32, #tpu.memory_space<vmem>>) offsets(%dma_start3A_366 : memref<32xi32, #tpu.memory_space<vmem>>) semaphore(%arg11 : memref<!tpu.dma_semaphore, #tpu.memory_space<semaphore_mem>>)
      } else {
      }
      %mul3A_309 = arith.constant 4 : i32
      %mul3A_310 = arith.muli %scan3A_157, %mul3A_309 : i32
      %add3A_311 = arith.constant 3 : i32
      %add3A_312 = arith.addi %mul3A_310, %add3A_311 : i32
      %dma_wait3A_313 = arith.constant 0 : i32
      %dma_wait3A_314 = arith.constant 0 : i32
      %dma_wait3A_315 = tpu.memref_slice %arg3[%dma_wait3A_313, %dma_wait3A_314] : memref<8192x768xf32, #tpu.memory_space<hbm>> -> memref<32x768xf32, #tpu.memory_space<hbm>>
      %dma_wait3A_316 = arith.constant 0 : i32
      %dma_wait3A_317 = arith.constant 0 : i32
      %dma_wait3A_318 = tpu.memref_slice %arg3[%dma_wait3A_316, %dma_wait3A_317] : memref<8192x768xf32, #tpu.memory_space<hbm>> -> memref<32x768xf32, #tpu.memory_space<hbm>>
      tpu.wait_dma2 semaphore(%arg13 : memref<!tpu.dma_semaphore, #tpu.memory_space<semaphore_mem>>) src(%dma_wait3A_318 : memref<32x768xf32, #tpu.memory_space<hbm>>) dst(%arg9 : memref<32x768xf32, #tpu.memory_space<vmem>>)
      %scan3A_319 = arith.constant 0 : i32
      %scan3A_320 = arith.constant 0 : i32
      %scan3A_321 = arith.constant 32 : i32
      %scan3A_322 = arith.addi %scan3A_320, %scan3A_321 : i32
      %scan3A_323 = arith.constant 1 : i32
      scf.for %scan3A_360 = %scan3A_320 to %scan3A_322 step %scan3A_323  : i32 {
        %get3A_361 = arith.index_cast %scan3A_360 : i32 to index
        %get3A_362 = arith.constant 0 : index
        %get3A_363 = tpu.vector_load %arg9[%get3A_361, %get3A_362] {strides = array<i32>} : memref<32x768xf32, #tpu.memory_space<vmem>>, vector<1x16xf32>,
        %get3A_364 = vector.shape_cast %get3A_363 : vector<1x16xf32> to vector<16xf32>
        %mul3A_365 = arith.constant 27.7128124 : f32
        %mul3A_366 = vector.broadcast %mul3A_365 : f32 to vector<16xf32>
        %mul3A_367 = arith.mulf %get3A_364, %mul3A_366 : vector<16xf32>
        %swap3A_368 = arith.index_cast %scan3A_360 : i32 to index
        %swap3A_369 = arith.constant 0 : index
        %swap3A_370 = tpu.vector_load %arg9[%swap3A_368, %swap3A_369] {strides = array<i32>} : memref<32x768xf32, #tpu.memory_space<vmem>>, vector<1x16xf32>,
        %swap3A_371 = vector.shape_cast %swap3A_370 : vector<1x16xf32> to vector<16xf32>
        %swap3A_372 = vector.shape_cast %mul3A_367 : vector<16xf32> to vector<1x16xf32>
        tpu.vector_store %arg9[%swap3A_368, %swap3A_369], %swap3A_372 {strides = array<i32>} : memref<32x768xf32, #tpu.memory_space<vmem>>, vector<1x16xf32>,
        %get3A_373 = arith.index_cast %scan3A_360 : i32 to index
        %get3A_374 = arith.constant 16 : index
        %get3A_375 = tpu.vector_load %arg9[%get3A_373, %get3A_374] {strides = array<i32>} : memref<32x768xf32, #tpu.memory_space<vmem>>, vector<1x16xf32>,
        %get3A_376 = vector.shape_cast %get3A_375 : vector<1x16xf32> to vector<16xf32>
        %mul3A_377 = arith.constant 27.7128124 : f32
        %mul3A_378 = vector.broadcast %mul3A_377 : f32 to vector<16xf32>
        %mul3A_379 = arith.mulf %get3A_376, %mul3A_378 : vector<16xf32>
        %swap3A_380 = arith.index_cast %scan3A_360 : i32 to index
        %swap3A_381 = arith.constant 16 : index
        %swap3A_382 = tpu.vector_load %arg9[%swap3A_380, %swap3A_381] {strides = array<i32>} : memref<32x768xf32, #tpu.memory_space<vmem>>, vector<1x16xf32>,
        %swap3A_383 = vector.shape_cast %swap3A_382 : vector<1x16xf32> to vector<16xf32>
        %swap3A_384 = vector.shape_cast %mul3A_379 : vector<16xf32> to vector<1x16xf32>
        tpu.vector_store %arg9[%swap3A_380, %swap3A_381], %swap3A_384 {strides = array<i32>} : memref<32x768xf32, #tpu.memory_space<vmem>>, vector<1x16xf32>,
        %get3A_385 = arith.index_cast %scan3A_360 : i32 to index
        %get3A_386 = arith.constant 32 : index
        %get3A_387 = tpu.vector_load %arg9[%get3A_385, %get3A_386] {strides = array<i32>} : memref<32x768xf32, #tpu.memory_space<vmem>>, vector<1x16xf32>,
        %get3A_388 = vector.shape_cast %get3A_387 : vector<1x16xf32> to vector<16xf32>
        %mul3A_389 = arith.constant 27.7128124 : f32
        %mul3A_390 = vector.broadcast %mul3A_389 : f32 to vector<16xf32>
        %mul3A_391 = arith.mulf %get3A_388, %mul3A_390 : vector<16xf32>
        %swap3A_392 = arith.index_cast %scan3A_360 : i32 to index
        %swap3A_393 = arith.constant 32 : index
        %swap3A_394 = tpu.vector_load %arg9[%swap3A_392, %swap3A_393] {strides = array<i32>} : memref<32x768xf32, #tpu.memory_space<vmem>>, vector<1x16xf32>,
        %swap3A_395 = vector.shape_cast %swap3A_394 : vector<1x16xf32> to vector<16xf32>
        %swap3A_396 = vector.shape_cast %mul3A_391 : vector<16xf32> to vector<1x16xf32>
        tpu.vector_store %arg9[%swap3A_392, %swap3A_393], %swap3A_396 {strides = array<i32>} : memref<32x768xf32, #tpu.memory_space<vmem>>, vector<1x16xf32>,
        %get3A_397 = arith.index_cast %scan3A_360 : i32 to index
        %get3A_398 = arith.constant 48 : index
        %get3A_399 = tpu.vector_load %arg9[%get3A_397, %get3A_398] {strides = array<i32>} : memref<32x768xf32, #tpu.memory_space<vmem>>, vector<1x16xf32>,
        %get3A_400 = vector.shape_cast %get3A_399 : vector<1x16xf32> to vector<16xf32>
        %mul3A_401 = arith.constant 27.7128124 : f32
        %mul3A_402 = vector.broadcast %mul3A_401 : f32 to vector<16xf32>
        %mul3A_403 = arith.mulf %get3A_400, %mul3A_402 : vector<16xf32>
        %swap3A_404 = arith.index_cast %scan3A_360 : i32 to index
        %swap3A_405 = arith.constant 48 : index
        %swap3A_406 = tpu.vector_load %arg9[%swap3A_404, %swap3A_405] {strides = array<i32>} : memref<32x768xf32, #tpu.memory_space<vmem>>, vector<1x16xf32>,
        %swap3A_407 = vector.shape_cast %swap3A_406 : vector<1x16xf32> to vector<16xf32>
        %swap3A_408 = vector.shape_cast %mul3A_403 : vector<16xf32> to vector<1x16xf32>
        tpu.vector_store %arg9[%swap3A_404, %swap3A_405], %swap3A_408 {strides = array<i32>} : memref<32x768xf32, #tpu.memory_space<vmem>>, vector<1x16xf32>,
        %get3A_409 = arith.index_cast %scan3A_360 : i32 to index
        %get3A_410 = arith.constant 64 : index
        %get3A_411 = tpu.vector_load %arg9[%get3A_409, %get3A_410] {strides = array<i32>} : memref<32x768xf32, #tpu.memory_space<vmem>>, vector<1x16xf32>,
        %get3A_412 = vector.shape_cast %get3A_411 : vector<1x16xf32> to vector<16xf32>
        %mul3A_413 = arith.constant 27.7128124 : f32
        %mul3A_414 = vector.broadcast %mul3A_413 : f32 to vector<16xf32>
        %mul3A_415 = arith.mulf %get3A_412, %mul3A_414 : vector<16xf32>
        %swap3A_416 = arith.index_cast %scan3A_360 : i32 to index
        %swap3A_417 = arith.constant 64 : index
        %swap3A_418 = tpu.vector_load %arg9[%swap3A_416, %swap3A_417] {strides = array<i32>} : memref<32x768xf32, #tpu.memory_space<vmem>>, vector<1x16xf32>,
        %swap3A_419 = vector.shape_cast %swap3A_418 : vector<1x16xf32> to vector<16xf32>
        %swap3A_420 = vector.shape_cast %mul3A_415 : vector<16xf32> to vector<1x16xf32>
        tpu.vector_store %arg9[%swap3A_416, %swap3A_417], %swap3A_420 {strides = array<i32>} : memref<32x768xf32, #tpu.memory_space<vmem>>, vector<1x16xf32>,
        %get3A_421 = arith.index_cast %scan3A_360 : i32 to index
        %get3A_422 = arith.constant 80 : index
        %get3A_423 = tpu.vector_load %arg9[%get3A_421, %get3A_422] {strides = array<i32>} : memref<32x768xf32, #tpu.memory_space<vmem>>, vector<1x16xf32>,
        %get3A_424 = vector.shape_cast %get3A_423 : vector<1x16xf32> to vector<16xf32>
        %mul3A_425 = arith.constant 27.7128124 : f32
        %mul3A_426 = vector.broadcast %mul3A_425 : f32 to vector<16xf32>
        %mul3A_427 = arith.mulf %get3A_424, %mul3A_426 : vector<16xf32>
        %swap3A_428 = arith.index_cast %scan3A_360 : i32 to index
        %swap3A_429 = arith.constant 80 : index
        %swap3A_430 = tpu.vector_load %arg9[%swap3A_428, %swap3A_429] {strides = array<i32>} : memref<32x768xf32, #tpu.memory_space<vmem>>, vector<1x16xf32>,
        %swap3A_431 = vector.shape_cast %swap3A_430 : vector<1x16xf32> to vector<16xf32>
        %swap3A_432 = vector.shape_cast %mul3A_427 : vector<16xf32> to vector<1x16xf32>
        tpu.vector_store %arg9[%swap3A_428, %swap3A_429], %swap3A_432 {strides = array<i32>} : memref<32x768xf32, #tpu.memory_space<vmem>>, vector<1x16xf32>,
        %get3A_433 = arith.index_cast %scan3A_360 : i32 to index
        %get3A_434 = arith.constant 96 : index
        %get3A_435 = tpu.vector_load %arg9[%get3A_433, %get3A_434] {strides = array<i32>} : memref<32x768xf32, #tpu.memory_space<vmem>>, vector<1x16xf32>,
        %get3A_436 = vector.shape_cast %get3A_435 : vector<1x16xf32> to vector<16xf32>
        %mul3A_437 = arith.constant 27.7128124 : f32
        %mul3A_438 = vector.broadcast %mul3A_437 : f32 to vector<16xf32>
        %mul3A_439 = arith.mulf %get3A_436, %mul3A_438 : vector<16xf32>
        %swap3A_440 = arith.index_cast %scan3A_360 : i32 to index
        %swap3A_441 = arith.constant 96 : index
        %swap3A_442 = tpu.vector_load %arg9[%swap3A_440, %swap3A_441] {strides = array<i32>} : memref<32x768xf32, #tpu.memory_space<vmem>>, vector<1x16xf32>,
        %swap3A_443 = vector.shape_cast %swap3A_442 : vector<1x16xf32> to vector<16xf32>
        %swap3A_444 = vector.shape_cast %mul3A_439 : vector<16xf32> to vector<1x16xf32>
        tpu.vector_store %arg9[%swap3A_440, %swap3A_441], %swap3A_444 {strides = array<i32>} : memref<32x768xf32, #tpu.memory_space<vmem>>, vector<1x16xf32>,
        %get3A_445 = arith.index_cast %scan3A_360 : i32 to index
        %get3A_446 = arith.constant 112 : index
        %get3A_447 = tpu.vector_load %arg9[%get3A_445, %get3A_446] {strides = array<i32>} : memref<32x768xf32, #tpu.memory_space<vmem>>, vector<1x16xf32>,
        %get3A_448 = vector.shape_cast %get3A_447 : vector<1x16xf32> to vector<16xf32>
        %mul3A_449 = arith.constant 27.7128124 : f32
        %mul3A_450 = vector.broadcast %mul3A_449 : f32 to vector<16xf32>
        %mul3A_451 = arith.mulf %get3A_448, %mul3A_450 : vector<16xf32>
        %swap3A_452 = arith.index_cast %scan3A_360 : i32 to index
        %swap3A_453 = arith.constant 112 : index
        %swap3A_454 = tpu.vector_load %arg9[%swap3A_452, %swap3A_453] {strides = array<i32>} : memref<32x768xf32, #tpu.memory_space<vmem>>, vector<1x16xf32>,
        %swap3A_455 = vector.shape_cast %swap3A_454 : vector<1x16xf32> to vector<16xf32>
        %swap3A_456 = vector.shape_cast %mul3A_451 : vector<16xf32> to vector<1x16xf32>
        tpu.vector_store %arg9[%swap3A_452, %swap3A_453], %swap3A_456 {strides = array<i32>} : memref<32x768xf32, #tpu.memory_space<vmem>>, vector<1x16xf32>,
        %get3A_457 = arith.index_cast %scan3A_360 : i32 to index
        %get3A_458 = arith.constant 128 : index
        %get3A_459 = tpu.vector_load %arg9[%get3A_457, %get3A_458] {strides = array<i32>} : memref<32x768xf32, #tpu.memory_space<vmem>>, vector<1x16xf32>,
        %get3A_460 = vector.shape_cast %get3A_459 : vector<1x16xf32> to vector<16xf32>
        %mul3A_461 = arith.constant 27.7128124 : f32
        %mul3A_462 = vector.broadcast %mul3A_461 : f32 to vector<16xf32>
        %mul3A_463 = arith.mulf %get3A_460, %mul3A_462 : vector<16xf32>
        %swap3A_464 = arith.index_cast %scan3A_360 : i32 to index
        %swap3A_465 = arith.constant 128 : index
        %swap3A_466 = tpu.vector_load %arg9[%swap3A_464, %swap3A_465] {strides = array<i32>} : memref<32x768xf32, #tpu.memory_space<vmem>>, vector<1x16xf32>,
        %swap3A_467 = vector.shape_cast %swap3A_466 : vector<1x16xf32> to vector<16xf32>
        %swap3A_468 = vector.shape_cast %mul3A_463 : vector<16xf32> to vector<1x16xf32>
        tpu.vector_store %arg9[%swap3A_464, %swap3A_465], %swap3A_468 {strides = array<i32>} : memref<32x768xf32, #tpu.memory_space<vmem>>, vector<1x16xf32>,
        %get3A_469 = arith.index_cast %scan3A_360 : i32 to index
        %get3A_470 = arith.constant 144 : index
        %get3A_471 = tpu.vector_load %arg9[%get3A_469, %get3A_470] {strides = array<i32>} : memref<32x768xf32, #tpu.memory_space<vmem>>, vector<1x16xf32>,
        %get3A_472 = vector.shape_cast %get3A_471 : vector<1x16xf32> to vector<16xf32>
        %mul3A_473 = arith.constant 27.7128124 : f32
        %mul3A_474 = vector.broadcast %mul3A_473 : f32 to vector<16xf32>
        %mul3A_475 = arith.mulf %get3A_472, %mul3A_474 : vector<16xf32>
        %swap3A_476 = arith.index_cast %scan3A_360 : i32 to index
        %swap3A_477 = arith.constant 144 : index
        %swap3A_478 = tpu.vector_load %arg9[%swap3A_476, %swap3A_477] {strides = array<i32>} : memref<32x768xf32, #tpu.memory_space<vmem>>, vector<1x16xf32>,
        %swap3A_479 = vector.shape_cast %swap3A_478 : vector<1x16xf32> to vector<16xf32>
        %swap3A_480 = vector.shape_cast %mul3A_475 : vector<16xf32> to vector<1x16xf32>
        tpu.vector_store %arg9[%swap3A_476, %swap3A_477], %swap3A_480 {strides = array<i32>} : memref<32x768xf32, #tpu.memory_space<vmem>>, vector<1x16xf32>,
        %get3A_481 = arith.index_cast %scan3A_360 : i32 to index
        %get3A_482 = arith.constant 160 : index
        %get3A_483 = tpu.vector_load %arg9[%get3A_481, %get3A_482] {strides = array<i32>} : memref<32x768xf32, #tpu.memory_space<vmem>>, vector<1x16xf32>,
        %get3A_484 = vector.shape_cast %get3A_483 : vector<1x16xf32> to vector<16xf32>
        %mul3A_485 = arith.constant 27.7128124 : f32
        %mul3A_486 = vector.broadcast %mul3A_485 : f32 to vector<16xf32>
        %mul3A_487 = arith.mulf %get3A_484, %mul3A_486 : vector<16xf32>
        %swap3A_488 = arith.index_cast %scan3A_360 : i32 to index
        %swap3A_489 = arith.constant 160 : index
        %swap3A_490 = tpu.vector_load %arg9[%swap3A_488, %swap3A_489] {strides = array<i32>} : memref<32x768xf32, #tpu.memory_space<vmem>>, vector<1x16xf32>,
        %swap3A_491 = vector.shape_cast %swap3A_490 : vector<1x16xf32> to vector<16xf32>
        %swap3A_492 = vector.shape_cast %mul3A_487 : vector<16xf32> to vector<1x16xf32>
        tpu.vector_store %arg9[%swap3A_488, %swap3A_489], %swap3A_492 {strides = array<i32>} : memref<32x768xf32, #tpu.memory_space<vmem>>, vector<1x16xf32>,
        %get3A_493 = arith.index_cast %scan3A_360 : i32 to index
        %get3A_494 = arith.constant 176 : index
        %get3A_495 = tpu.vector_load %arg9[%get3A_493, %get3A_494] {strides = array<i32>} : memref<32x768xf32, #tpu.memory_space<vmem>>, vector<1x16xf32>,
        %get3A_496 = vector.shape_cast %get3A_495 : vector<1x16xf32> to vector<16xf32>
        %mul3A_497 = arith.constant 27.7128124 : f32
        %mul3A_498 = vector.broadcast %mul3A_497 : f32 to vector<16xf32>
        %mul3A_499 = arith.mulf %get3A_496, %mul3A_498 : vector<16xf32>
        %swap3A_500 = arith.index_cast %scan3A_360 : i32 to index
        %swap3A_501 = arith.constant 176 : index
        %swap3A_502 = tpu.vector_load %arg9[%swap3A_500, %swap3A_501] {strides = array<i32>} : memref<32x768xf32, #tpu.memory_space<vmem>>, vector<1x16xf32>,
        %swap3A_503 = vector.shape_cast %swap3A_502 : vector<1x16xf32> to vector<16xf32>
        %swap3A_504 = vector.shape_cast %mul3A_499 : vector<16xf32> to vector<1x16xf32>
        tpu.vector_store %arg9[%swap3A_500, %swap3A_501], %swap3A_504 {strides = array<i32>} : memref<32x768xf32, #tpu.memory_space<vmem>>, vector<1x16xf32>,
        %get3A_505 = arith.index_cast %scan3A_360 : i32 to index
        %get3A_506 = arith.constant 192 : index
        %get3A_507 = tpu.vector_load %arg9[%get3A_505, %get3A_506] {strides = array<i32>} : memref<32x768xf32, #tpu.memory_space<vmem>>, vector<1x16xf32>,
        %get3A_508 = vector.shape_cast %get3A_507 : vector<1x16xf32> to vector<16xf32>
        %mul3A_509 = arith.constant 27.7128124 : f32
        %mul3A_510 = vector.broadcast %mul3A_509 : f32 to vector<16xf32>
        %mul3A_511 = arith.mulf %get3A_508, %mul3A_510 : vector<16xf32>
        %swap3A_512 = arith.index_cast %scan3A_360 : i32 to index
        %swap3A_513 = arith.constant 192 : index
        %swap3A_514 = tpu.vector_load %arg9[%swap3A_512, %swap3A_513] {strides = array<i32>} : memref<32x768xf32, #tpu.memory_space<vmem>>, vector<1x16xf32>,
        %swap3A_515 = vector.shape_cast %swap3A_514 : vector<1x16xf32> to vector<16xf32>
        %swap3A_516 = vector.shape_cast %mul3A_511 : vector<16xf32> to vector<1x16xf32>
        tpu.vector_store %arg9[%swap3A_512, %swap3A_513], %swap3A_516 {strides = array<i32>} : memref<32x768xf32, #tpu.memory_space<vmem>>, vector<1x16xf32>,
        %get3A_517 = arith.index_cast %scan3A_360 : i32 to index
        %get3A_518 = arith.constant 208 : index
        %get3A_519 = tpu.vector_load %arg9[%get3A_517, %get3A_518] {strides = array<i32>} : memref<32x768xf32, #tpu.memory_space<vmem>>, vector<1x16xf32>,
        %get3A_520 = vector.shape_cast %get3A_519 : vector<1x16xf32> to vector<16xf32>
        %mul3A_521 = arith.constant 27.7128124 : f32
        %mul3A_522 = vector.broadcast %mul3A_521 : f32 to vector<16xf32>
        %mul3A_523 = arith.mulf %get3A_520, %mul3A_522 : vector<16xf32>
        %swap3A_524 = arith.index_cast %scan3A_360 : i32 to index
        %swap3A_525 = arith.constant 208 : index
        %swap3A_526 = tpu.vector_load %arg9[%swap3A_524, %swap3A_525] {strides = array<i32>} : memref<32x768xf32, #tpu.memory_space<vmem>>, vector<1x16xf32>,
        %swap3A_527 = vector.shape_cast %swap3A_526 : vector<1x16xf32> to vector<16xf32>
        %swap3A_528 = vector.shape_cast %mul3A_523 : vector<16xf32> to vector<1x16xf32>
        tpu.vector_store %arg9[%swap3A_524, %swap3A_525], %swap3A_528 {strides = array<i32>} : memref<32x768xf32, #tpu.memory_space<vmem>>, vector<1x16xf32>,
        %get3A_529 = arith.index_cast %scan3A_360 : i32 to index
        %get3A_530 = arith.constant 224 : index
        %get3A_531 = tpu.vector_load %arg9[%get3A_529, %get3A_530] {strides = array<i32>} : memref<32x768xf32, #tpu.memory_space<vmem>>, vector<1x16xf32>,
        %get3A_532 = vector.shape_cast %get3A_531 : vector<1x16xf32> to vector<16xf32>
        %mul3A_533 = arith.constant 27.7128124 : f32
        %mul3A_534 = vector.broadcast %mul3A_533 : f32 to vector<16xf32>
        %mul3A_535 = arith.mulf %get3A_532, %mul3A_534 : vector<16xf32>
        %swap3A_536 = arith.index_cast %scan3A_360 : i32 to index
        %swap3A_537 = arith.constant 224 : index
        %swap3A_538 = tpu.vector_load %arg9[%swap3A_536, %swap3A_537] {strides = array<i32>} : memref<32x768xf32, #tpu.memory_space<vmem>>, vector<1x16xf32>,
        %swap3A_539 = vector.shape_cast %swap3A_538 : vector<1x16xf32> to vector<16xf32>
        %swap3A_540 = vector.shape_cast %mul3A_535 : vector<16xf32> to vector<1x16xf32>
        tpu.vector_store %arg9[%swap3A_536, %swap3A_537], %swap3A_540 {strides = array<i32>} : memref<32x768xf32, #tpu.memory_space<vmem>>, vector<1x16xf32>,
        %get3A_541 = arith.index_cast %scan3A_360 : i32 to index
        %get3A_542 = arith.constant 240 : index
        %get3A_543 = tpu.vector_load %arg9[%get3A_541, %get3A_542] {strides = array<i32>} : memref<32x768xf32, #tpu.memory_space<vmem>>, vector<1x16xf32>,
        %get3A_544 = vector.shape_cast %get3A_543 : vector<1x16xf32> to vector<16xf32>
        %mul3A_545 = arith.constant 27.7128124 : f32
        %mul3A_546 = vector.broadcast %mul3A_545 : f32 to vector<16xf32>
        %mul3A_547 = arith.mulf %get3A_544, %mul3A_546 : vector<16xf32>
        %swap3A_548 = arith.index_cast %scan3A_360 : i32 to index
        %swap3A_549 = arith.constant 240 : index
        %swap3A_550 = tpu.vector_load %arg9[%swap3A_548, %swap3A_549] {strides = array<i32>} : memref<32x768xf32, #tpu.memory_space<vmem>>, vector<1x16xf32>,
        %swap3A_551 = vector.shape_cast %swap3A_550 : vector<1x16xf32> to vector<16xf32>
        %swap3A_552 = vector.shape_cast %mul3A_547 : vector<16xf32> to vector<1x16xf32>
        tpu.vector_store %arg9[%swap3A_548, %swap3A_549], %swap3A_552 {strides = array<i32>} : memref<32x768xf32, #tpu.memory_space<vmem>>, vector<1x16xf32>,
        %get3A_553 = arith.index_cast %scan3A_360 : i32 to index
        %get3A_554 = arith.constant 256 : index
        %get3A_555 = tpu.vector_load %arg9[%get3A_553, %get3A_554] {strides = array<i32>} : memref<32x768xf32, #tpu.memory_space<vmem>>, vector<1x16xf32>,
        %get3A_556 = vector.shape_cast %get3A_555 : vector<1x16xf32> to vector<16xf32>
        %mul3A_557 = arith.constant 27.7128124 : f32
        %mul3A_558 = vector.broadcast %mul3A_557 : f32 to vector<16xf32>
        %mul3A_559 = arith.mulf %get3A_556, %mul3A_558 : vector<16xf32>
        %swap3A_560 = arith.index_cast %scan3A_360 : i32 to index
        %swap3A_561 = arith.constant 256 : index
        %swap3A_562 = tpu.vector_load %arg9[%swap3A_560, %swap3A_561] {strides = array<i32>} : memref<32x768xf32, #tpu.memory_space<vmem>>, vector<1x16xf32>,
        %swap3A_563 = vector.shape_cast %swap3A_562 : vector<1x16xf32> to vector<16xf32>
        %swap3A_564 = vector.shape_cast %mul3A_559 : vector<16xf32> to vector<1x16xf32>
        tpu.vector_store %arg9[%swap3A_560, %swap3A_561], %swap3A_564 {strides = array<i32>} : memref<32x768xf32, #tpu.memory_space<vmem>>, vector<1x16xf32>,
        %get3A_565 = arith.index_cast %scan3A_360 : i32 to index
        %get3A_566 = arith.constant 272 : index
        %get3A_567 = tpu.vector_load %arg9[%get3A_565, %get3A_566] {strides = array<i32>} : memref<32x768xf32, #tpu.memory_space<vmem>>, vector<1x16xf32>,
        %get3A_568 = vector.shape_cast %get3A_567 : vector<1x16xf32> to vector<16xf32>
        %mul3A_569 = arith.constant 27.7128124 : f32
        %mul3A_570 = vector.broadcast %mul3A_569 : f32 to vector<16xf32>
        %mul3A_571 = arith.mulf %get3A_568, %mul3A_570 : vector<16xf32>
        %swap3A_572 = arith.index_cast %scan3A_360 : i32 to index
        %swap3A_573 = arith.constant 272 : index
        %swap3A_574 = tpu.vector_load %arg9[%swap3A_572, %swap3A_573] {strides = array<i32>} : memref<32x768xf32, #tpu.memory_space<vmem>>, vector<1x16xf32>,
        %swap3A_575 = vector.shape_cast %swap3A_574 : vector<1x16xf32> to vector<16xf32>
        %swap3A_576 = vector.shape_cast %mul3A_571 : vector<16xf32> to vector<1x16xf32>
        tpu.vector_store %arg9[%swap3A_572, %swap3A_573], %swap3A_576 {strides = array<i32>} : memref<32x768xf32, #tpu.memory_space<vmem>>, vector<1x16xf32>,
        %get3A_577 = arith.index_cast %scan3A_360 : i32 to index
        %get3A_578 = arith.constant 288 : index
        %get3A_579 = tpu.vector_load %arg9[%get3A_577, %get3A_578] {strides = array<i32>} : memref<32x768xf32, #tpu.memory_space<vmem>>, vector<1x16xf32>,
        %get3A_580 = vector.shape_cast %get3A_579 : vector<1x16xf32> to vector<16xf32>
        %mul3A_581 = arith.constant 27.7128124 : f32
        %mul3A_582 = vector.broadcast %mul3A_581 : f32 to vector<16xf32>
        %mul3A_583 = arith.mulf %get3A_580, %mul3A_582 : vector<16xf32>
        %swap3A_584 = arith.index_cast %scan3A_360 : i32 to index
        %swap3A_585 = arith.constant 288 : index
        %swap3A_586 = tpu.vector_load %arg9[%swap3A_584, %swap3A_585] {strides = array<i32>} : memref<32x768xf32, #tpu.memory_space<vmem>>, vector<1x16xf32>,
        %swap3A_587 = vector.shape_cast %swap3A_586 : vector<1x16xf32> to vector<16xf32>
        %swap3A_588 = vector.shape_cast %mul3A_583 : vector<16xf32> to vector<1x16xf32>
        tpu.vector_store %arg9[%swap3A_584, %swap3A_585], %swap3A_588 {strides = array<i32>} : memref<32x768xf32, #tpu.memory_space<vmem>>, vector<1x16xf32>,
        %get3A_589 = arith.index_cast %scan3A_360 : i32 to index
        %get3A_590 = arith.constant 304 : index
        %get3A_591 = tpu.vector_load %arg9[%get3A_589, %get3A_590] {strides = array<i32>} : memref<32x768xf32, #tpu.memory_space<vmem>>, vector<1x16xf32>,
        %get3A_592 = vector.shape_cast %get3A_591 : vector<1x16xf32> to vector<16xf32>
        %mul3A_593 = arith.constant 27.7128124 : f32
        %mul3A_594 = vector.broadcast %mul3A_593 : f32 to vector<16xf32>
        %mul3A_595 = arith.mulf %get3A_592, %mul3A_594 : vector<16xf32>
        %swap3A_596 = arith.index_cast %scan3A_360 : i32 to index
        %swap3A_597 = arith.constant 304 : index
        %swap3A_598 = tpu.vector_load %arg9[%swap3A_596, %swap3A_597] {strides = array<i32>} : memref<32x768xf32, #tpu.memory_space<vmem>>, vector<1x16xf32>,
        %swap3A_599 = vector.shape_cast %swap3A_598 : vector<1x16xf32> to vector<16xf32>
        %swap3A_600 = vector.shape_cast %mul3A_595 : vector<16xf32> to vector<1x16xf32>
        tpu.vector_store %arg9[%swap3A_596, %swap3A_597], %swap3A_600 {strides = array<i32>} : memref<32x768xf32, #tpu.memory_space<vmem>>, vector<1x16xf32>,
        %get3A_601 = arith.index_cast %scan3A_360 : i32 to index
        %get3A_602 = arith.constant 320 : index
        %get3A_603 = tpu.vector_load %arg9[%get3A_601, %get3A_602] {strides = array<i32>} : memref<32x768xf32, #tpu.memory_space<vmem>>, vector<1x16xf32>,
        %get3A_604 = vector.shape_cast %get3A_603 : vector<1x16xf32> to vector<16xf32>
        %mul3A_605 = arith.constant 27.7128124 : f32
        %mul3A_606 = vector.broadcast %mul3A_605 : f32 to vector<16xf32>
        %mul3A_607 = arith.mulf %get3A_604, %mul3A_606 : vector<16xf32>
        %swap3A_608 = arith.index_cast %scan3A_360 : i32 to index
        %swap3A_609 = arith.constant 320 : index
        %swap3A_610 = tpu.vector_load %arg9[%swap3A_608, %swap3A_609] {strides = array<i32>} : memref<32x768xf32, #tpu.memory_space<vmem>>, vector<1x16xf32>,
        %swap3A_611 = vector.shape_cast %swap3A_610 : vector<1x16xf32> to vector<16xf32>
        %swap3A_612 = vector.shape_cast %mul3A_607 : vector<16xf32> to vector<1x16xf32>
        tpu.vector_store %arg9[%swap3A_608, %swap3A_609], %swap3A_612 {strides = array<i32>} : memref<32x768xf32, #tpu.memory_space<vmem>>, vector<1x16xf32>,
        %get3A_613 = arith.index_cast %scan3A_360 : i32 to index
        %get3A_614 = arith.constant 336 : index
        %get3A_615 = tpu.vector_load %arg9[%get3A_613, %get3A_614] {strides = array<i32>} : memref<32x768xf32, #tpu.memory_space<vmem>>, vector<1x16xf32>,
        %get3A_616 = vector.shape_cast %get3A_615 : vector<1x16xf32> to vector<16xf32>
        %mul3A_617 = arith.constant 27.7128124 : f32
        %mul3A_618 = vector.broadcast %mul3A_617 : f32 to vector<16xf32>
        %mul3A_619 = arith.mulf %get3A_616, %mul3A_618 : vector<16xf32>
        %swap3A_620 = arith.index_cast %scan3A_360 : i32 to index
        %swap3A_621 = arith.constant 336 : index
        %swap3A_622 = tpu.vector_load %arg9[%swap3A_620, %swap3A_621] {strides = array<i32>} : memref<32x768xf32, #tpu.memory_space<vmem>>, vector<1x16xf32>,
        %swap3A_623 = vector.shape_cast %swap3A_622 : vector<1x16xf32> to vector<16xf32>
        %swap3A_624 = vector.shape_cast %mul3A_619 : vector<16xf32> to vector<1x16xf32>
        tpu.vector_store %arg9[%swap3A_620, %swap3A_621], %swap3A_624 {strides = array<i32>} : memref<32x768xf32, #tpu.memory_space<vmem>>, vector<1x16xf32>,
        %get3A_625 = arith.index_cast %scan3A_360 : i32 to index
        %get3A_626 = arith.constant 352 : index
        %get3A_627 = tpu.vector_load %arg9[%get3A_625, %get3A_626] {strides = array<i32>} : memref<32x768xf32, #tpu.memory_space<vmem>>, vector<1x16xf32>,
        %get3A_628 = vector.shape_cast %get3A_627 : vector<1x16xf32> to vector<16xf32>
        %mul3A_629 = arith.constant 27.7128124 : f32
        %mul3A_630 = vector.broadcast %mul3A_629 : f32 to vector<16xf32>
        %mul3A_631 = arith.mulf %get3A_628, %mul3A_630 : vector<16xf32>
        %swap3A_632 = arith.index_cast %scan3A_360 : i32 to index
        %swap3A_633 = arith.constant 352 : index
        %swap3A_634 = tpu.vector_load %arg9[%swap3A_632, %swap3A_633] {strides = array<i32>} : memref<32x768xf32, #tpu.memory_space<vmem>>, vector<1x16xf32>,
        %swap3A_635 = vector.shape_cast %swap3A_634 : vector<1x16xf32> to vector<16xf32>
        %swap3A_636 = vector.shape_cast %mul3A_631 : vector<16xf32> to vector<1x16xf32>
        tpu.vector_store %arg9[%swap3A_632, %swap3A_633], %swap3A_636 {strides = array<i32>} : memref<32x768xf32, #tpu.memory_space<vmem>>, vector<1x16xf32>,
        %get3A_637 = arith.index_cast %scan3A_360 : i32 to index
        %get3A_638 = arith.constant 368 : index
        %get3A_639 = tpu.vector_load %arg9[%get3A_637, %get3A_638] {strides = array<i32>} : memref<32x768xf32, #tpu.memory_space<vmem>>, vector<1x16xf32>,
        %get3A_640 = vector.shape_cast %get3A_639 : vector<1x16xf32> to vector<16xf32>
        %mul3A_641 = arith.constant 27.7128124 : f32
        %mul3A_642 = vector.broadcast %mul3A_641 : f32 to vector<16xf32>
        %mul3A_643 = arith.mulf %get3A_640, %mul3A_642 : vector<16xf32>
        %swap3A_644 = arith.index_cast %scan3A_360 : i32 to index
        %swap3A_645 = arith.constant 368 : index
        %swap3A_646 = tpu.vector_load %arg9[%swap3A_644, %swap3A_645] {strides = array<i32>} : memref<32x768xf32, #tpu.memory_space<vmem>>, vector<1x16xf32>,
        %swap3A_647 = vector.shape_cast %swap3A_646 : vector<1x16xf32> to vector<16xf32>
        %swap3A_648 = vector.shape_cast %mul3A_643 : vector<16xf32> to vector<1x16xf32>
        tpu.vector_store %arg9[%swap3A_644, %swap3A_645], %swap3A_648 {strides = array<i32>} : memref<32x768xf32, #tpu.memory_space<vmem>>, vector<1x16xf32>,
        %get3A_649 = arith.index_cast %scan3A_360 : i32 to index
        %get3A_650 = arith.constant 384 : index
        %get3A_651 = tpu.vector_load %arg9[%get3A_649, %get3A_650] {strides = array<i32>} : memref<32x768xf32, #tpu.memory_space<vmem>>, vector<1x16xf32>,
        %get3A_652 = vector.shape_cast %get3A_651 : vector<1x16xf32> to vector<16xf32>
        %mul3A_653 = arith.constant 27.7128124 : f32
        %mul3A_654 = vector.broadcast %mul3A_653 : f32 to vector<16xf32>
        %mul3A_655 = arith.mulf %get3A_652, %mul3A_654 : vector<16xf32>
        %swap3A_656 = arith.index_cast %scan3A_360 : i32 to index
        %swap3A_657 = arith.constant 384 : index
        %swap3A_658 = tpu.vector_load %arg9[%swap3A_656, %swap3A_657] {strides = array<i32>} : memref<32x768xf32, #tpu.memory_space<vmem>>, vector<1x16xf32>,
        %swap3A_659 = vector.shape_cast %swap3A_658 : vector<1x16xf32> to vector<16xf32>
        %swap3A_660 = vector.shape_cast %mul3A_655 : vector<16xf32> to vector<1x16xf32>
        tpu.vector_store %arg9[%swap3A_656, %swap3A_657], %swap3A_660 {strides = array<i32>} : memref<32x768xf32, #tpu.memory_space<vmem>>, vector<1x16xf32>,
        %get3A_661 = arith.index_cast %scan3A_360 : i32 to index
        %get3A_662 = arith.constant 400 : index
        %get3A_663 = tpu.vector_load %arg9[%get3A_661, %get3A_662] {strides = array<i32>} : memref<32x768xf32, #tpu.memory_space<vmem>>, vector<1x16xf32>,
        %get3A_664 = vector.shape_cast %get3A_663 : vector<1x16xf32> to vector<16xf32>
        %mul3A_665 = arith.constant 27.7128124 : f32
        %mul3A_666 = vector.broadcast %mul3A_665 : f32 to vector<16xf32>
        %mul3A_667 = arith.mulf %get3A_664, %mul3A_666 : vector<16xf32>
        %swap3A_668 = arith.index_cast %scan3A_360 : i32 to index
        %swap3A_669 = arith.constant 400 : index
        %swap3A_670 = tpu.vector_load %arg9[%swap3A_668, %swap3A_669] {strides = array<i32>} : memref<32x768xf32, #tpu.memory_space<vmem>>, vector<1x16xf32>,
        %swap3A_671 = vector.shape_cast %swap3A_670 : vector<1x16xf32> to vector<16xf32>
        %swap3A_672 = vector.shape_cast %mul3A_667 : vector<16xf32> to vector<1x16xf32>
        tpu.vector_store %arg9[%swap3A_668, %swap3A_669], %swap3A_672 {strides = array<i32>} : memref<32x768xf32, #tpu.memory_space<vmem>>, vector<1x16xf32>,
        %get3A_673 = arith.index_cast %scan3A_360 : i32 to index
        %get3A_674 = arith.constant 416 : index
        %get3A_675 = tpu.vector_load %arg9[%get3A_673, %get3A_674] {strides = array<i32>} : memref<32x768xf32, #tpu.memory_space<vmem>>, vector<1x16xf32>,
        %get3A_676 = vector.shape_cast %get3A_675 : vector<1x16xf32> to vector<16xf32>
        %mul3A_677 = arith.constant 27.7128124 : f32
        %mul3A_678 = vector.broadcast %mul3A_677 : f32 to vector<16xf32>
        %mul3A_679 = arith.mulf %get3A_676, %mul3A_678 : vector<16xf32>
        %swap3A_680 = arith.index_cast %scan3A_360 : i32 to index
        %swap3A_681 = arith.constant 416 : index
        %swap3A_682 = tpu.vector_load %arg9[%swap3A_680, %swap3A_681] {strides = array<i32>} : memref<32x768xf32, #tpu.memory_space<vmem>>, vector<1x16xf32>,
        %swap3A_683 = vector.shape_cast %swap3A_682 : vector<1x16xf32> to vector<16xf32>
        %swap3A_684 = vector.shape_cast %mul3A_679 : vector<16xf32> to vector<1x16xf32>
        tpu.vector_store %arg9[%swap3A_680, %swap3A_681], %swap3A_684 {strides = array<i32>} : memref<32x768xf32, #tpu.memory_space<vmem>>, vector<1x16xf32>,
        %get3A_685 = arith.index_cast %scan3A_360 : i32 to index
        %get3A_686 = arith.constant 432 : index
        %get3A_687 = tpu.vector_load %arg9[%get3A_685, %get3A_686] {strides = array<i32>} : memref<32x768xf32, #tpu.memory_space<vmem>>, vector<1x16xf32>,
        %get3A_688 = vector.shape_cast %get3A_687 : vector<1x16xf32> to vector<16xf32>
        %mul3A_689 = arith.constant 27.7128124 : f32
        %mul3A_690 = vector.broadcast %mul3A_689 : f32 to vector<16xf32>
        %mul3A_691 = arith.mulf %get3A_688, %mul3A_690 : vector<16xf32>
        %swap3A_692 = arith.index_cast %scan3A_360 : i32 to index
        %swap3A_693 = arith.constant 432 : index
        %swap3A_694 = tpu.vector_load %arg9[%swap3A_692, %swap3A_693] {strides = array<i32>} : memref<32x768xf32, #tpu.memory_space<vmem>>, vector<1x16xf32>,
        %swap3A_695 = vector.shape_cast %swap3A_694 : vector<1x16xf32> to vector<16xf32>
        %swap3A_696 = vector.shape_cast %mul3A_691 : vector<16xf32> to vector<1x16xf32>
        tpu.vector_store %arg9[%swap3A_692, %swap3A_693], %swap3A_696 {strides = array<i32>} : memref<32x768xf32, #tpu.memory_space<vmem>>, vector<1x16xf32>,
        %get3A_697 = arith.index_cast %scan3A_360 : i32 to index
        %get3A_698 = arith.constant 448 : index
        %get3A_699 = tpu.vector_load %arg9[%get3A_697, %get3A_698] {strides = array<i32>} : memref<32x768xf32, #tpu.memory_space<vmem>>, vector<1x16xf32>,
        %get3A_700 = vector.shape_cast %get3A_699 : vector<1x16xf32> to vector<16xf32>
        %mul3A_701 = arith.constant 27.7128124 : f32
        %mul3A_702 = vector.broadcast %mul3A_701 : f32 to vector<16xf32>
        %mul3A_703 = arith.mulf %get3A_700, %mul3A_702 : vector<16xf32>
        %swap3A_704 = arith.index_cast %scan3A_360 : i32 to index
        %swap3A_705 = arith.constant 448 : index
        %swap3A_706 = tpu.vector_load %arg9[%swap3A_704, %swap3A_705] {strides = array<i32>} : memref<32x768xf32, #tpu.memory_space<vmem>>, vector<1x16xf32>,
        %swap3A_707 = vector.shape_cast %swap3A_706 : vector<1x16xf32> to vector<16xf32>
        %swap3A_708 = vector.shape_cast %mul3A_703 : vector<16xf32> to vector<1x16xf32>
        tpu.vector_store %arg9[%swap3A_704, %swap3A_705], %swap3A_708 {strides = array<i32>} : memref<32x768xf32, #tpu.memory_space<vmem>>, vector<1x16xf32>,
        %get3A_709 = arith.index_cast %scan3A_360 : i32 to index
        %get3A_710 = arith.constant 464 : index
        %get3A_711 = tpu.vector_load %arg9[%get3A_709, %get3A_710] {strides = array<i32>} : memref<32x768xf32, #tpu.memory_space<vmem>>, vector<1x16xf32>,
        %get3A_712 = vector.shape_cast %get3A_711 : vector<1x16xf32> to vector<16xf32>
        %mul3A_713 = arith.constant 27.7128124 : f32
        %mul3A_714 = vector.broadcast %mul3A_713 : f32 to vector<16xf32>
        %mul3A_715 = arith.mulf %get3A_712, %mul3A_714 : vector<16xf32>
        %swap3A_716 = arith.index_cast %scan3A_360 : i32 to index
        %swap3A_717 = arith.constant 464 : index
        %swap3A_718 = tpu.vector_load %arg9[%swap3A_716, %swap3A_717] {strides = array<i32>} : memref<32x768xf32, #tpu.memory_space<vmem>>, vector<1x16xf32>,
        %swap3A_719 = vector.shape_cast %swap3A_718 : vector<1x16xf32> to vector<16xf32>
        %swap3A_720 = vector.shape_cast %mul3A_715 : vector<16xf32> to vector<1x16xf32>
        tpu.vector_store %arg9[%swap3A_716, %swap3A_717], %swap3A_720 {strides = array<i32>} : memref<32x768xf32, #tpu.memory_space<vmem>>, vector<1x16xf32>,
        %get3A_721 = arith.index_cast %scan3A_360 : i32 to index
        %get3A_722 = arith.constant 480 : index
        %get3A_723 = tpu.vector_load %arg9[%get3A_721, %get3A_722] {strides = array<i32>} : memref<32x768xf32, #tpu.memory_space<vmem>>, vector<1x16xf32>,
        %get3A_724 = vector.shape_cast %get3A_723 : vector<1x16xf32> to vector<16xf32>
        %mul3A_725 = arith.constant 27.7128124 : f32
        %mul3A_726 = vector.broadcast %mul3A_725 : f32 to vector<16xf32>
        %mul3A_727 = arith.mulf %get3A_724, %mul3A_726 : vector<16xf32>
        %swap3A_728 = arith.index_cast %scan3A_360 : i32 to index
        %swap3A_729 = arith.constant 480 : index
        %swap3A_730 = tpu.vector_load %arg9[%swap3A_728, %swap3A_729] {strides = array<i32>} : memref<32x768xf32, #tpu.memory_space<vmem>>, vector<1x16xf32>,
        %swap3A_731 = vector.shape_cast %swap3A_730 : vector<1x16xf32> to vector<16xf32>
        %swap3A_732 = vector.shape_cast %mul3A_727 : vector<16xf32> to vector<1x16xf32>
        tpu.vector_store %arg9[%swap3A_728, %swap3A_729], %swap3A_732 {strides = array<i32>} : memref<32x768xf32, #tpu.memory_space<vmem>>, vector<1x16xf32>,
        %get3A_733 = arith.index_cast %scan3A_360 : i32 to index
        %get3A_734 = arith.constant 496 : index
        %get3A_735 = tpu.vector_load %arg9[%get3A_733, %get3A_734] {strides = array<i32>} : memref<32x768xf32, #tpu.memory_space<vmem>>, vector<1x16xf32>,
        %get3A_736 = vector.shape_cast %get3A_735 : vector<1x16xf32> to vector<16xf32>
        %mul3A_737 = arith.constant 27.7128124 : f32
        %mul3A_738 = vector.broadcast %mul3A_737 : f32 to vector<16xf32>
        %mul3A_739 = arith.mulf %get3A_736, %mul3A_738 : vector<16xf32>
        %swap3A_740 = arith.index_cast %scan3A_360 : i32 to index
        %swap3A_741 = arith.constant 496 : index
        %swap3A_742 = tpu.vector_load %arg9[%swap3A_740, %swap3A_741] {strides = array<i32>} : memref<32x768xf32, #tpu.memory_space<vmem>>, vector<1x16xf32>,
        %swap3A_743 = vector.shape_cast %swap3A_742 : vector<1x16xf32> to vector<16xf32>
        %swap3A_744 = vector.shape_cast %mul3A_739 : vector<16xf32> to vector<1x16xf32>
        tpu.vector_store %arg9[%swap3A_740, %swap3A_741], %swap3A_744 {strides = array<i32>} : memref<32x768xf32, #tpu.memory_space<vmem>>, vector<1x16xf32>,
        %get3A_745 = arith.index_cast %scan3A_360 : i32 to index
        %get3A_746 = arith.constant 512 : index
        %get3A_747 = tpu.vector_load %arg9[%get3A_745, %get3A_746] {strides = array<i32>} : memref<32x768xf32, #tpu.memory_space<vmem>>, vector<1x16xf32>,
        %get3A_748 = vector.shape_cast %get3A_747 : vector<1x16xf32> to vector<16xf32>
        %mul3A_749 = arith.constant 27.7128124 : f32
        %mul3A_750 = vector.broadcast %mul3A_749 : f32 to vector<16xf32>
        %mul3A_751 = arith.mulf %get3A_748, %mul3A_750 : vector<16xf32>
        %swap3A_752 = arith.index_cast %scan3A_360 : i32 to index
        %swap3A_753 = arith.constant 512 : index
        %swap3A_754 = tpu.vector_load %arg9[%swap3A_752, %swap3A_753] {strides = array<i32>} : memref<32x768xf32, #tpu.memory_space<vmem>>, vector<1x16xf32>,
        %swap3A_755 = vector.shape_cast %swap3A_754 : vector<1x16xf32> to vector<16xf32>
        %swap3A_756 = vector.shape_cast %mul3A_751 : vector<16xf32> to vector<1x16xf32>
        tpu.vector_store %arg9[%swap3A_752, %swap3A_753], %swap3A_756 {strides = array<i32>} : memref<32x768xf32, #tpu.memory_space<vmem>>, vector<1x16xf32>,
        %get3A_757 = arith.index_cast %scan3A_360 : i32 to index
        %get3A_758 = arith.constant 528 : index
        %get3A_759 = tpu.vector_load %arg9[%get3A_757, %get3A_758] {strides = array<i32>} : memref<32x768xf32, #tpu.memory_space<vmem>>, vector<1x16xf32>,
        %get3A_760 = vector.shape_cast %get3A_759 : vector<1x16xf32> to vector<16xf32>
        %mul3A_761 = arith.constant 27.7128124 : f32
        %mul3A_762 = vector.broadcast %mul3A_761 : f32 to vector<16xf32>
        %mul3A_763 = arith.mulf %get3A_760, %mul3A_762 : vector<16xf32>
        %swap3A_764 = arith.index_cast %scan3A_360 : i32 to index
        %swap3A_765 = arith.constant 528 : index
        %swap3A_766 = tpu.vector_load %arg9[%swap3A_764, %swap3A_765] {strides = array<i32>} : memref<32x768xf32, #tpu.memory_space<vmem>>, vector<1x16xf32>,
        %swap3A_767 = vector.shape_cast %swap3A_766 : vector<1x16xf32> to vector<16xf32>
        %swap3A_768 = vector.shape_cast %mul3A_763 : vector<16xf32> to vector<1x16xf32>
        tpu.vector_store %arg9[%swap3A_764, %swap3A_765], %swap3A_768 {strides = array<i32>} : memref<32x768xf32, #tpu.memory_space<vmem>>, vector<1x16xf32>,
        %get3A_769 = arith.index_cast %scan3A_360 : i32 to index
        %get3A_770 = arith.constant 544 : index
        %get3A_771 = tpu.vector_load %arg9[%get3A_769, %get3A_770] {strides = array<i32>} : memref<32x768xf32, #tpu.memory_space<vmem>>, vector<1x16xf32>,
        %get3A_772 = vector.shape_cast %get3A_771 : vector<1x16xf32> to vector<16xf32>
        %mul3A_773 = arith.constant 27.7128124 : f32
        %mul3A_774 = vector.broadcast %mul3A_773 : f32 to vector<16xf32>
        %mul3A_775 = arith.mulf %get3A_772, %mul3A_774 : vector<16xf32>
        %swap3A_776 = arith.index_cast %scan3A_360 : i32 to index
        %swap3A_777 = arith.constant 544 : index
        %swap3A_778 = tpu.vector_load %arg9[%swap3A_776, %swap3A_777] {strides = array<i32>} : memref<32x768xf32, #tpu.memory_space<vmem>>, vector<1x16xf32>,
        %swap3A_779 = vector.shape_cast %swap3A_778 : vector<1x16xf32> to vector<16xf32>
        %swap3A_780 = vector.shape_cast %mul3A_775 : vector<16xf32> to vector<1x16xf32>
        tpu.vector_store %arg9[%swap3A_776, %swap3A_777], %swap3A_780 {strides = array<i32>} : memref<32x768xf32, #tpu.memory_space<vmem>>, vector<1x16xf32>,
        %get3A_781 = arith.index_cast %scan3A_360 : i32 to index
        %get3A_782 = arith.constant 560 : index
        %get3A_783 = tpu.vector_load %arg9[%get3A_781, %get3A_782] {strides = array<i32>} : memref<32x768xf32, #tpu.memory_space<vmem>>, vector<1x16xf32>,
        %get3A_784 = vector.shape_cast %get3A_783 : vector<1x16xf32> to vector<16xf32>
        %mul3A_785 = arith.constant 27.7128124 : f32
        %mul3A_786 = vector.broadcast %mul3A_785 : f32 to vector<16xf32>
        %mul3A_787 = arith.mulf %get3A_784, %mul3A_786 : vector<16xf32>
        %swap3A_788 = arith.index_cast %scan3A_360 : i32 to index
        %swap3A_789 = arith.constant 560 : index
        %swap3A_790 = tpu.vector_load %arg9[%swap3A_788, %swap3A_789] {strides = array<i32>} : memref<32x768xf32, #tpu.memory_space<vmem>>, vector<1x16xf32>,
        %swap3A_791 = vector.shape_cast %swap3A_790 : vector<1x16xf32> to vector<16xf32>
        %swap3A_792 = vector.shape_cast %mul3A_787 : vector<16xf32> to vector<1x16xf32>
        tpu.vector_store %arg9[%swap3A_788, %swap3A_789], %swap3A_792 {strides = array<i32>} : memref<32x768xf32, #tpu.memory_space<vmem>>, vector<1x16xf32>,
        %get3A_793 = arith.index_cast %scan3A_360 : i32 to index
        %get3A_794 = arith.constant 576 : index
        %get3A_795 = tpu.vector_load %arg9[%get3A_793, %get3A_794] {strides = array<i32>} : memref<32x768xf32, #tpu.memory_space<vmem>>, vector<1x16xf32>,
        %get3A_796 = vector.shape_cast %get3A_795 : vector<1x16xf32> to vector<16xf32>
        %mul3A_797 = arith.constant 27.7128124 : f32
        %mul3A_798 = vector.broadcast %mul3A_797 : f32 to vector<16xf32>
        %mul3A_799 = arith.mulf %get3A_796, %mul3A_798 : vector<16xf32>
        %swap3A_800 = arith.index_cast %scan3A_360 : i32 to index
        %swap3A_801 = arith.constant 576 : index
        %swap3A_802 = tpu.vector_load %arg9[%swap3A_800, %swap3A_801] {strides = array<i32>} : memref<32x768xf32, #tpu.memory_space<vmem>>, vector<1x16xf32>,
        %swap3A_803 = vector.shape_cast %swap3A_802 : vector<1x16xf32> to vector<16xf32>
        %swap3A_804 = vector.shape_cast %mul3A_799 : vector<16xf32> to vector<1x16xf32>
        tpu.vector_store %arg9[%swap3A_800, %swap3A_801], %swap3A_804 {strides = array<i32>} : memref<32x768xf32, #tpu.memory_space<vmem>>, vector<1x16xf32>,
        %get3A_805 = arith.index_cast %scan3A_360 : i32 to index
        %get3A_806 = arith.constant 592 : index
        %get3A_807 = tpu.vector_load %arg9[%get3A_805, %get3A_806] {strides = array<i32>} : memref<32x768xf32, #tpu.memory_space<vmem>>, vector<1x16xf32>,
        %get3A_808 = vector.shape_cast %get3A_807 : vector<1x16xf32> to vector<16xf32>
        %mul3A_809 = arith.constant 27.7128124 : f32
        %mul3A_810 = vector.broadcast %mul3A_809 : f32 to vector<16xf32>
        %mul3A_811 = arith.mulf %get3A_808, %mul3A_810 : vector<16xf32>
        %swap3A_812 = arith.index_cast %scan3A_360 : i32 to index
        %swap3A_813 = arith.constant 592 : index
        %swap3A_814 = tpu.vector_load %arg9[%swap3A_812, %swap3A_813] {strides = array<i32>} : memref<32x768xf32, #tpu.memory_space<vmem>>, vector<1x16xf32>,
        %swap3A_815 = vector.shape_cast %swap3A_814 : vector<1x16xf32> to vector<16xf32>
        %swap3A_816 = vector.shape_cast %mul3A_811 : vector<16xf32> to vector<1x16xf32>
        tpu.vector_store %arg9[%swap3A_812, %swap3A_813], %swap3A_816 {strides = array<i32>} : memref<32x768xf32, #tpu.memory_space<vmem>>, vector<1x16xf32>,
        %get3A_817 = arith.index_cast %scan3A_360 : i32 to index
        %get3A_818 = arith.constant 608 : index
        %get3A_819 = tpu.vector_load %arg9[%get3A_817, %get3A_818] {strides = array<i32>} : memref<32x768xf32, #tpu.memory_space<vmem>>, vector<1x16xf32>,
        %get3A_820 = vector.shape_cast %get3A_819 : vector<1x16xf32> to vector<16xf32>
        %mul3A_821 = arith.constant 27.7128124 : f32
        %mul3A_822 = vector.broadcast %mul3A_821 : f32 to vector<16xf32>
        %mul3A_823 = arith.mulf %get3A_820, %mul3A_822 : vector<16xf32>
        %swap3A_824 = arith.index_cast %scan3A_360 : i32 to index
        %swap3A_825 = arith.constant 608 : index
        %swap3A_826 = tpu.vector_load %arg9[%swap3A_824, %swap3A_825] {strides = array<i32>} : memref<32x768xf32, #tpu.memory_space<vmem>>, vector<1x16xf32>,
        %swap3A_827 = vector.shape_cast %swap3A_826 : vector<1x16xf32> to vector<16xf32>
        %swap3A_828 = vector.shape_cast %mul3A_823 : vector<16xf32> to vector<1x16xf32>
        tpu.vector_store %arg9[%swap3A_824, %swap3A_825], %swap3A_828 {strides = array<i32>} : memref<32x768xf32, #tpu.memory_space<vmem>>, vector<1x16xf32>,
        %get3A_829 = arith.index_cast %scan3A_360 : i32 to index
        %get3A_830 = arith.constant 624 : index
        %get3A_831 = tpu.vector_load %arg9[%get3A_829, %get3A_830] {strides = array<i32>} : memref<32x768xf32, #tpu.memory_space<vmem>>, vector<1x16xf32>,
        %get3A_832 = vector.shape_cast %get3A_831 : vector<1x16xf32> to vector<16xf32>
        %mul3A_833 = arith.constant 27.7128124 : f32
        %mul3A_834 = vector.broadcast %mul3A_833 : f32 to vector<16xf32>
        %mul3A_835 = arith.mulf %get3A_832, %mul3A_834 : vector<16xf32>
        %swap3A_836 = arith.index_cast %scan3A_360 : i32 to index
        %swap3A_837 = arith.constant 624 : index
        %swap3A_838 = tpu.vector_load %arg9[%swap3A_836, %swap3A_837] {strides = array<i32>} : memref<32x768xf32, #tpu.memory_space<vmem>>, vector<1x16xf32>,
        %swap3A_839 = vector.shape_cast %swap3A_838 : vector<1x16xf32> to vector<16xf32>
        %swap3A_840 = vector.shape_cast %mul3A_835 : vector<16xf32> to vector<1x16xf32>
        tpu.vector_store %arg9[%swap3A_836, %swap3A_837], %swap3A_840 {strides = array<i32>} : memref<32x768xf32, #tpu.memory_space<vmem>>, vector<1x16xf32>,
        %get3A_841 = arith.index_cast %scan3A_360 : i32 to index
        %get3A_842 = arith.constant 640 : index
        %get3A_843 = tpu.vector_load %arg9[%get3A_841, %get3A_842] {strides = array<i32>} : memref<32x768xf32, #tpu.memory_space<vmem>>, vector<1x16xf32>,
        %get3A_844 = vector.shape_cast %get3A_843 : vector<1x16xf32> to vector<16xf32>
        %mul3A_845 = arith.constant 27.7128124 : f32
        %mul3A_846 = vector.broadcast %mul3A_845 : f32 to vector<16xf32>
        %mul3A_847 = arith.mulf %get3A_844, %mul3A_846 : vector<16xf32>
        %swap3A_848 = arith.index_cast %scan3A_360 : i32 to index
        %swap3A_849 = arith.constant 640 : index
        %swap3A_850 = tpu.vector_load %arg9[%swap3A_848, %swap3A_849] {strides = array<i32>} : memref<32x768xf32, #tpu.memory_space<vmem>>, vector<1x16xf32>,
        %swap3A_851 = vector.shape_cast %swap3A_850 : vector<1x16xf32> to vector<16xf32>
        %swap3A_852 = vector.shape_cast %mul3A_847 : vector<16xf32> to vector<1x16xf32>
        tpu.vector_store %arg9[%swap3A_848, %swap3A_849], %swap3A_852 {strides = array<i32>} : memref<32x768xf32, #tpu.memory_space<vmem>>, vector<1x16xf32>,
        %get3A_853 = arith.index_cast %scan3A_360 : i32 to index
        %get3A_854 = arith.constant 656 : index
        %get3A_855 = tpu.vector_load %arg9[%get3A_853, %get3A_854] {strides = array<i32>} : memref<32x768xf32, #tpu.memory_space<vmem>>, vector<1x16xf32>,
        %get3A_856 = vector.shape_cast %get3A_855 : vector<1x16xf32> to vector<16xf32>
        %mul3A_857 = arith.constant 27.7128124 : f32
        %mul3A_858 = vector.broadcast %mul3A_857 : f32 to vector<16xf32>
        %mul3A_859 = arith.mulf %get3A_856, %mul3A_858 : vector<16xf32>
        %swap3A_860 = arith.index_cast %scan3A_360 : i32 to index
        %swap3A_861 = arith.constant 656 : index
        %swap3A_862 = tpu.vector_load %arg9[%swap3A_860, %swap3A_861] {strides = array<i32>} : memref<32x768xf32, #tpu.memory_space<vmem>>, vector<1x16xf32>,
        %swap3A_863 = vector.shape_cast %swap3A_862 : vector<1x16xf32> to vector<16xf32>
        %swap3A_864 = vector.shape_cast %mul3A_859 : vector<16xf32> to vector<1x16xf32>
        tpu.vector_store %arg9[%swap3A_860, %swap3A_861], %swap3A_864 {strides = array<i32>} : memref<32x768xf32, #tpu.memory_space<vmem>>, vector<1x16xf32>,
        %get3A_865 = arith.index_cast %scan3A_360 : i32 to index
        %get3A_866 = arith.constant 672 : index
        %get3A_867 = tpu.vector_load %arg9[%get3A_865, %get3A_866] {strides = array<i32>} : memref<32x768xf32, #tpu.memory_space<vmem>>, vector<1x16xf32>,
        %get3A_868 = vector.shape_cast %get3A_867 : vector<1x16xf32> to vector<16xf32>
        %mul3A_869 = arith.constant 27.7128124 : f32
        %mul3A_870 = vector.broadcast %mul3A_869 : f32 to vector<16xf32>
        %mul3A_871 = arith.mulf %get3A_868, %mul3A_870 : vector<16xf32>
        %swap3A_872 = arith.index_cast %scan3A_360 : i32 to index
        %swap3A_873 = arith.constant 672 : index
        %swap3A_874 = tpu.vector_load %arg9[%swap3A_872, %swap3A_873] {strides = array<i32>} : memref<32x768xf32, #tpu.memory_space<vmem>>, vector<1x16xf32>,
        %swap3A_875 = vector.shape_cast %swap3A_874 : vector<1x16xf32> to vector<16xf32>
        %swap3A_876 = vector.shape_cast %mul3A_871 : vector<16xf32> to vector<1x16xf32>
        tpu.vector_store %arg9[%swap3A_872, %swap3A_873], %swap3A_876 {strides = array<i32>} : memref<32x768xf32, #tpu.memory_space<vmem>>, vector<1x16xf32>,
        %get3A_877 = arith.index_cast %scan3A_360 : i32 to index
        %get3A_878 = arith.constant 688 : index
        %get3A_879 = tpu.vector_load %arg9[%get3A_877, %get3A_878] {strides = array<i32>} : memref<32x768xf32, #tpu.memory_space<vmem>>, vector<1x16xf32>,
        %get3A_880 = vector.shape_cast %get3A_879 : vector<1x16xf32> to vector<16xf32>
        %mul3A_881 = arith.constant 27.7128124 : f32
        %mul3A_882 = vector.broadcast %mul3A_881 : f32 to vector<16xf32>
        %mul3A_883 = arith.mulf %get3A_880, %mul3A_882 : vector<16xf32>
        %swap3A_884 = arith.index_cast %scan3A_360 : i32 to index
        %swap3A_885 = arith.constant 688 : index
        %swap3A_886 = tpu.vector_load %arg9[%swap3A_884, %swap3A_885] {strides = array<i32>} : memref<32x768xf32, #tpu.memory_space<vmem>>, vector<1x16xf32>,
        %swap3A_887 = vector.shape_cast %swap3A_886 : vector<1x16xf32> to vector<16xf32>
        %swap3A_888 = vector.shape_cast %mul3A_883 : vector<16xf32> to vector<1x16xf32>
        tpu.vector_store %arg9[%swap3A_884, %swap3A_885], %swap3A_888 {strides = array<i32>} : memref<32x768xf32, #tpu.memory_space<vmem>>, vector<1x16xf32>,
        %get3A_889 = arith.index_cast %scan3A_360 : i32 to index
        %get3A_890 = arith.constant 704 : index
        %get3A_891 = tpu.vector_load %arg9[%get3A_889, %get3A_890] {strides = array<i32>} : memref<32x768xf32, #tpu.memory_space<vmem>>, vector<1x16xf32>,
        %get3A_892 = vector.shape_cast %get3A_891 : vector<1x16xf32> to vector<16xf32>
        %mul3A_893 = arith.constant 27.7128124 : f32
        %mul3A_894 = vector.broadcast %mul3A_893 : f32 to vector<16xf32>
        %mul3A_895 = arith.mulf %get3A_892, %mul3A_894 : vector<16xf32>
        %swap3A_896 = arith.index_cast %scan3A_360 : i32 to index
        %swap3A_897 = arith.constant 704 : index
        %swap3A_898 = tpu.vector_load %arg9[%swap3A_896, %swap3A_897] {strides = array<i32>} : memref<32x768xf32, #tpu.memory_space<vmem>>, vector<1x16xf32>,
        %swap3A_899 = vector.shape_cast %swap3A_898 : vector<1x16xf32> to vector<16xf32>
        %swap3A_900 = vector.shape_cast %mul3A_895 : vector<16xf32> to vector<1x16xf32>
        tpu.vector_store %arg9[%swap3A_896, %swap3A_897], %swap3A_900 {strides = array<i32>} : memref<32x768xf32, #tpu.memory_space<vmem>>, vector<1x16xf32>,
        %get3A_901 = arith.index_cast %scan3A_360 : i32 to index
        %get3A_902 = arith.constant 720 : index
        %get3A_903 = tpu.vector_load %arg9[%get3A_901, %get3A_902] {strides = array<i32>} : memref<32x768xf32, #tpu.memory_space<vmem>>, vector<1x16xf32>,
        %get3A_904 = vector.shape_cast %get3A_903 : vector<1x16xf32> to vector<16xf32>
        %mul3A_905 = arith.constant 27.7128124 : f32
        %mul3A_906 = vector.broadcast %mul3A_905 : f32 to vector<16xf32>
        %mul3A_907 = arith.mulf %get3A_904, %mul3A_906 : vector<16xf32>
        %swap3A_908 = arith.index_cast %scan3A_360 : i32 to index
        %swap3A_909 = arith.constant 720 : index
        %swap3A_910 = tpu.vector_load %arg9[%swap3A_908, %swap3A_909] {strides = array<i32>} : memref<32x768xf32, #tpu.memory_space<vmem>>, vector<1x16xf32>,
        %swap3A_911 = vector.shape_cast %swap3A_910 : vector<1x16xf32> to vector<16xf32>
        %swap3A_912 = vector.shape_cast %mul3A_907 : vector<16xf32> to vector<1x16xf32>
        tpu.vector_store %arg9[%swap3A_908, %swap3A_909], %swap3A_912 {strides = array<i32>} : memref<32x768xf32, #tpu.memory_space<vmem>>, vector<1x16xf32>,
        %get3A_913 = arith.index_cast %scan3A_360 : i32 to index
        %get3A_914 = arith.constant 736 : index
        %get3A_915 = tpu.vector_load %arg9[%get3A_913, %get3A_914] {strides = array<i32>} : memref<32x768xf32, #tpu.memory_space<vmem>>, vector<1x16xf32>,
        %get3A_916 = vector.shape_cast %get3A_915 : vector<1x16xf32> to vector<16xf32>
        %mul3A_917 = arith.constant 27.7128124 : f32
        %mul3A_918 = vector.broadcast %mul3A_917 : f32 to vector<16xf32>
        %mul3A_919 = arith.mulf %get3A_916, %mul3A_918 : vector<16xf32>
        %swap3A_920 = arith.index_cast %scan3A_360 : i32 to index
        %swap3A_921 = arith.constant 736 : index
        %swap3A_922 = tpu.vector_load %arg9[%swap3A_920, %swap3A_921] {strides = array<i32>} : memref<32x768xf32, #tpu.memory_space<vmem>>, vector<1x16xf32>,
        %swap3A_923 = vector.shape_cast %swap3A_922 : vector<1x16xf32> to vector<16xf32>
        %swap3A_924 = vector.shape_cast %mul3A_919 : vector<16xf32> to vector<1x16xf32>
        tpu.vector_store %arg9[%swap3A_920, %swap3A_921], %swap3A_924 {strides = array<i32>} : memref<32x768xf32, #tpu.memory_space<vmem>>, vector<1x16xf32>,
        %get3A_925 = arith.index_cast %scan3A_360 : i32 to index
        %get3A_926 = arith.constant 752 : index
        %get3A_927 = tpu.vector_load %arg9[%get3A_925, %get3A_926] {strides = array<i32>} : memref<32x768xf32, #tpu.memory_space<vmem>>, vector<1x16xf32>,
        %get3A_928 = vector.shape_cast %get3A_927 : vector<1x16xf32> to vector<16xf32>
        %mul3A_929 = arith.constant 27.7128124 : f32
        %mul3A_930 = vector.broadcast %mul3A_929 : f32 to vector<16xf32>
        %mul3A_931 = arith.mulf %get3A_928, %mul3A_930 : vector<16xf32>
        %swap3A_932 = arith.index_cast %scan3A_360 : i32 to index
        %swap3A_933 = arith.constant 752 : index
        %swap3A_934 = tpu.vector_load %arg9[%swap3A_932, %swap3A_933] {strides = array<i32>} : memref<32x768xf32, #tpu.memory_space<vmem>>, vector<1x16xf32>,
        %swap3A_935 = vector.shape_cast %swap3A_934 : vector<1x16xf32> to vector<16xf32>
        %swap3A_936 = vector.shape_cast %mul3A_931 : vector<16xf32> to vector<1x16xf32>
        tpu.vector_store %arg9[%swap3A_932, %swap3A_933], %swap3A_936 {strides = array<i32>} : memref<32x768xf32, #tpu.memory_space<vmem>>, vector<1x16xf32>,
      }
      %scan3A_324 = arith.constant 32 : i32
      %mul3A_325 = arith.constant 32 : i32
      %mul3A_326 = arith.muli %add3A_312, %mul3A_325 : i32
      %add3A_327 = arith.addi %mul3A_2, %mul3A_326 : i32
      %dma_start3A_328 = arith.constant 0 : i32
      %dma_start3A_329 = arith.constant 0 : i32
      %dma_start3A_330 = tpu.memref_slice %arg9[%dma_start3A_328, %dma_start3A_329] : memref<32x768xf32, #tpu.memory_space<vmem>> -> memref<16x768xf32, #tpu.memory_space<vmem>>
      %dma_start3A_331 = arith.constant 0 : i32
      %dma_start3A_332 = tpu.memref_slice %arg4[%add3A_327, %dma_start3A_331] : memref<32768x768xf32, #tpu.memory_space<hbm>> -> memref<16x768xf32, #tpu.memory_space<hbm>>
      %dma_start3A_333 = arith.constant 0 : i32
      %dma_start3A_334 = tpu.memref_slice %arg4[%add3A_327, %dma_start3A_333] : memref<32768x768xf32, #tpu.memory_space<hbm>> -> memref<16x768xf32, #tpu.memory_space<hbm>>
      %dma_start3A_335 = arith.constant 0 : i32
      %dma_start3A_336 = arith.constant 0 : i32
      %dma_start3A_337 = tpu.memref_slice %arg9[%dma_start3A_335, %dma_start3A_336] : memref<32x768xf32, #tpu.memory_space<vmem>> -> memref<16x768xf32, #tpu.memory_space<vmem>>
      tpu.enqueue_dma source(%dma_start3A_337 : memref<16x768xf32, #tpu.memory_space<vmem>>) target(%dma_start3A_334 : memref<16x768xf32, #tpu.memory_space<hbm>>) target_semaphore(%arg17 : memref<!tpu.dma_semaphore, #tpu.memory_space<semaphore_mem>>)
      %mul3A_338 = arith.constant 32 : i32
      %mul3A_339 = arith.muli %add3A_312, %mul3A_338 : i32
      %add3A_340 = arith.addi %mul3A_2, %mul3A_339 : i32
      %add3A_341 = arith.constant 16 : i32
      %add3A_342 = arith.addi %add3A_340, %add3A_341 : i32
      %dma_start3A_343 = arith.constant 16 : i32
      %dma_start3A_344 = arith.constant 0 : i32
      %dma_start3A_345 = tpu.memref_slice %arg9[%dma_start3A_343, %dma_start3A_344] : memref<32x768xf32, #tpu.memory_space<vmem>> -> memref<16x768xf32, #tpu.memory_space<vmem>>
      %dma_start3A_346 = arith.constant 0 : i32
      %dma_start3A_347 = tpu.memref_slice %arg4[%add3A_342, %dma_start3A_346] : memref<32768x768xf32, #tpu.memory_space<hbm>> -> memref<16x768xf32, #tpu.memory_space<hbm>>
      %dma_start3A_348 = arith.constant 0 : i32
      %dma_start3A_349 = tpu.memref_slice %arg4[%add3A_342, %dma_start3A_348] : memref<32768x768xf32, #tpu.memory_space<hbm>> -> memref<16x768xf32, #tpu.memory_space<hbm>>
      %dma_start3A_350 = arith.constant 16 : i32
      %dma_start3A_351 = arith.constant 0 : i32
      %dma_start3A_352 = tpu.memref_slice %arg9[%dma_start3A_350, %dma_start3A_351] : memref<32x768xf32, #tpu.memory_space<vmem>> -> memref<16x768xf32, #tpu.memory_space<vmem>>
      tpu.enqueue_dma source(%dma_start3A_352 : memref<16x768xf32, #tpu.memory_space<vmem>>) target(%dma_start3A_349 : memref<16x768xf32, #tpu.memory_space<hbm>>) target_semaphore(%arg17 : memref<!tpu.dma_semaphore, #tpu.memory_space<semaphore_mem>>)
      %add3A_353 = arith.constant 3 : i32
      %add3A_354 = arith.addi %add3A_312, %add3A_353 : i32
      %lt3A_355 = arith.constant 32 : i32
      %lt3A_356 = arith.cmpi slt, %add3A_354, %lt3A_355 : i32
      %convert_element_type3A_357 = arith.extui %lt3A_356 : i1 to i32
      %cond3A_358 = arith.constant 0 : i32
      %cond3A_359 = arith.cmpi ne, %convert_element_type3A_357, %cond3A_358 : i32
      scf.if %cond3A_359 {
        %ge3A = arith.constant 4 : i32
        %ge3A_360 = arith.cmpi sge, %add3A_354, %ge3A : i32
        %convert_element_type3A_361 = arith.extui %ge3A_360 : i1 to i32
        %cond3A_362 = arith.constant 0 : i32
        %cond3A_363 = arith.cmpi ne, %convert_element_type3A_361, %cond3A_362 : i32
        scf.if %cond3A_363 {
          %dma_wait3A_370 = arith.constant 0 : i32
          %dma_wait3A_371 = arith.constant 0 : i32
          %dma_wait3A_372 = tpu.memref_slice %arg3[%dma_wait3A_370, %dma_wait3A_371] : memref<8192x768xf32, #tpu.memory_space<hbm>> -> memref<32x768xf32, #tpu.memory_space<hbm>>
          %dma_wait3A_373 = arith.constant 0 : i32
          %dma_wait3A_374 = arith.constant 0 : i32
          %dma_wait3A_375 = tpu.memref_slice %arg3[%dma_wait3A_373, %dma_wait3A_374] : memref<8192x768xf32, #tpu.memory_space<hbm>> -> memref<32x768xf32, #tpu.memory_space<hbm>>
          tpu.wait_dma2 semaphore(%arg16 : memref<!tpu.dma_semaphore, #tpu.memory_space<semaphore_mem>>) src(%dma_wait3A_375 : memref<32x768xf32, #tpu.memory_space<hbm>>) dst(%arg8 : memref<32x768xf32, #tpu.memory_space<vmem>>)
        } else {
        }
        %mul3A_364 = arith.constant 32 : i32
        %mul3A_365 = arith.muli %add3A_354, %mul3A_364 : i32
        %dma_start3A_366 = tpu.memref_slice %arg5[%mul3A_365] : memref<1024xi32, #tpu.memory_space<vmem>> -> memref<32xi32, #tpu.memory_space<vmem>>
        %dma_start3A_367 = arith.constant 0 : i32
        %dma_start3A_368 = arith.constant 0 : i32
        %dma_start3A_369 = tpu.memref_slice %arg3[%dma_start3A_367, %dma_start3A_368] : memref<8192x768xf32, #tpu.memory_space<hbm>> -> memref<8192x768xf32, #tpu.memory_space<hbm>>
        tpu.enqueue_indirect_dma source(%dma_start3A_369 : memref<8192x768xf32, #tpu.memory_space<hbm>>) target(%arg8 : memref<32x768xf32, #tpu.memory_space<vmem>>) offsets(%dma_start3A_366 : memref<32xi32, #tpu.memory_space<vmem>>) semaphore(%arg12 : memref<!tpu.dma_semaphore, #tpu.memory_space<semaphore_mem>>)
      } else {
      }
    }
    %scan3A_133 = arith.constant 8 : i32
    %dma_wait3A = arith.constant 0 : i32
    %dma_wait3A_134 = arith.constant 0 : i32
    %dma_wait3A_135 = tpu.memref_slice %arg3[%dma_wait3A, %dma_wait3A_134] : memref<8192x768xf32, #tpu.memory_space<hbm>> -> memref<32x768xf32, #tpu.memory_space<hbm>>
    %dma_wait3A_136 = arith.constant 0 : i32
    %dma_wait3A_137 = arith.constant 0 : i32
    %dma_wait3A_138 = tpu.memref_slice %arg3[%dma_wait3A_136, %dma_wait3A_137] : memref<8192x768xf32, #tpu.memory_space<hbm>> -> memref<32x768xf32, #tpu.memory_space<hbm>>
    tpu.wait_dma2 semaphore(%arg14 : memref<!tpu.dma_semaphore, #tpu.memory_space<semaphore_mem>>) src(%dma_wait3A_138 : memref<32x768xf32, #tpu.memory_space<hbm>>) dst(%arg6 : memref<32x768xf32, #tpu.memory_space<vmem>>)
    %dma_wait3A_139 = arith.constant 0 : i32
    %dma_wait3A_140 = arith.constant 0 : i32
    %dma_wait3A_141 = tpu.memref_slice %arg3[%dma_wait3A_139, %dma_wait3A_140] : memref<8192x768xf32, #tpu.memory_space<hbm>> -> memref<32x768xf32, #tpu.memory_space<hbm>>
    %dma_wait3A_142 = arith.constant 0 : i32
    %dma_wait3A_143 = arith.constant 0 : i32
    %dma_wait3A_144 = tpu.memref_slice %arg3[%dma_wait3A_142, %dma_wait3A_143] : memref<8192x768xf32, #tpu.memory_space<hbm>> -> memref<32x768xf32, #tpu.memory_space<hbm>>
    tpu.wait_dma2 semaphore(%arg15 : memref<!tpu.dma_semaphore, #tpu.memory_space<semaphore_mem>>) src(%dma_wait3A_144 : memref<32x768xf32, #tpu.memory_space<hbm>>) dst(%arg7 : memref<32x768xf32, #tpu.memory_space<vmem>>)
    %dma_wait3A_145 = arith.constant 0 : i32
    %dma_wait3A_146 = arith.constant 0 : i32
    %dma_wait3A_147 = tpu.memref_slice %arg3[%dma_wait3A_145, %dma_wait3A_146] : memref<8192x768xf32, #tpu.memory_space<hbm>> -> memref<32x768xf32, #tpu.memory_space<hbm>>
    %dma_wait3A_148 = arith.constant 0 : i32
    %dma_wait3A_149 = arith.constant 0 : i32
    %dma_wait3A_150 = tpu.memref_slice %arg3[%dma_wait3A_148, %dma_wait3A_149] : memref<8192x768xf32, #tpu.memory_space<hbm>> -> memref<32x768xf32, #tpu.memory_space<hbm>>
    tpu.wait_dma2 semaphore(%arg16 : memref<!tpu.dma_semaphore, #tpu.memory_space<semaphore_mem>>) src(%dma_wait3A_150 : memref<32x768xf32, #tpu.memory_space<hbm>>) dst(%arg8 : memref<32x768xf32, #tpu.memory_space<vmem>>)
    %dma_wait3A_151 = arith.constant 0 : i32
    %dma_wait3A_152 = arith.constant 0 : i32
    %dma_wait3A_153 = tpu.memref_slice %arg3[%dma_wait3A_151, %dma_wait3A_152] : memref<8192x768xf32, #tpu.memory_space<hbm>> -> memref<32x768xf32, #tpu.memory_space<hbm>>
    %dma_wait3A_154 = arith.constant 0 : i32
    %dma_wait3A_155 = arith.constant 0 : i32
    %dma_wait3A_156 = tpu.memref_slice %arg3[%dma_wait3A_154, %dma_wait3A_155] : memref<8192x768xf32, #tpu.memory_space<hbm>> -> memref<32x768xf32, #tpu.memory_space<hbm>>
    tpu.wait_dma2 semaphore(%arg17 : memref<!tpu.dma_semaphore, #tpu.memory_space<semaphore_mem>>) src(%dma_wait3A_156 : memref<32x768xf32, #tpu.memory_space<hbm>>) dst(%arg9 : memref<32x768xf32, #tpu.memory_space<vmem>>)
    return
  }
}

</mosaic_0001>

<sc_bundles>
// kernel: kernel.3.cloned.1.call-start
scs
__scs_entry_jumppad:
0x0: {  	(pc) =	sbr.rel $0x88, $3  }
0x1: {  	(tag) =	ssettag $0x0;
	lr =	simm.s32 $0x1  }
0x2: {  	[smem:$0x3F9F] =	sst lr;
	_ =	strace $0xD0000000  }
0x3: {  	_ = 	snop  }
0x4: {  	_ = 	snop  }
0x5: {  	_ = 	snop  }
0x6: {  	_ = 	snop  }
0x7: {  	_ = 	snop  }
__scs_overlays_trampoline_lowered:
0x8: {  	[smem:$0x3FAE] =	sst s0  }
0x9: {  	[smem:$0x3FAF] =	sst s1  }
0xa: {  	[smem:$0x3FB0] =	sst s2  }
0xb: {  	[smem:$0x3FB1] =	sst s3  }
0xc: {  	[smem:$0x3FB2] =	sst s4  }
0xd: {  	[smem:$0x3FB3] =	sst s5  }
0xe: {  	[smem:$0x3FB4] =	sst s6  }
0xf: {  	[smem:$0x3FB5] =	sst s7  }
0x10: {  	[smem:$0x3FB6] =	sst s8  }
0x11: {  	[smem:$0x3FB7] =	sst s9;
	s0 =	simm.s32 @!p0 $0x0  }
0x12: {  	s1 =	sld [smem:$0x3F9D];
	s0 =	simm.s32 @p0 $0x1  }
0x13: {  	[smem:$0x3FB8] =	sst s0;
	s0 =	simm.s32 @!p1 $0x0  }
0x14: {  	s2 =	sld [smem:$0x3F9C];
	s0 =	simm.s32 @p1 $0x1  }
0x15: {  	[smem:$0x3FB9] =	sst s0;
	s0 =	simm.s32 @!p2 $0x0  }
0x16: {  	s3 =	sld [smem:$0x3FDB];
	s0 =	simm.s32 @p2 $0x1  }
0x17: {  	s4 =	simm.s32 $0x1BF5;
	[smem:$0x3FBB] =	sst s0  }
0x18: {  	s0 =	sld [smem:$0x3F9E];
	_ =	swait.ge [sflag:s4], $0x0  }
0x19: {  	s7 =	sld [smem:$0x3F9F]  }
0x1a: {  	s8 =	sadd.s32 $0xFFFFE003, lr  }
0x1b: {  	s9 =	sadd.s32 $0xFFFFFEF7, lr;
	s5 =	simm.s32 $0xFFFFFFFF;
	p2 =	slt.u32 s8, $0xFFFFF086  }
0x1c: {  	p1 =	slt.u32 s9, $0xF7A;
	s5 =	simm.s32 @!p2 $0x0  }
0x1d: {  	s5 =	simm.s32 @p1 $0x1;
	p0 =	seq.s32 s7, s2  }
0x1e: {  	s7 =	smul.u32 @!p0 $0xF7A, s2;
	p2 =	seq.s32 @!p0 s5, $0x0  }
0x1f: {  	s9 =	smul.u32 $0xF7A, s1;
	s8 =	simm.s32 @!p0 $0x1BF5;
	p2 =	por !p2, p0  }
0x20: {  	[sflag:s8] =	ssyncset.s32 @!p0 $0xFFFFF086;
	s6 =	sadd.s32 @!p0 s3, s7;
	s7 =	simm.s32 @!p0 $0x108  }
0x21: {  	s3 =	sadd.s32 s3, s9;
	s6 =	sadd.s32 @!p0 $0x88, s6;
	s7 =	simm.s32 @p2 $0x1082  }
0x22: {  	[simem:s7], [sflag:s8] =	dma.local @!p0 [hbm:s6], $0xF7A  }
0x23: {  	s9 =	sor.u32 $0xD0000000, s2;
	s6 =	simm.s32 $0x108;
	_ =	swait.ge @!p0 [sflag:s8], $0x0  }
0x24: {  	s3 =	sadd.s32 $0x88, s3;
	s6 =	simm.s32 @!p1 $0x1082;
	[sflag:s4] =	ssyncset.s32 $0xFFFFF086  }
0x25: {  	[simem:s6], [sflag:s4] =	dma.local [hbm:s3], $0xF7A  }
0x26: {  	[smem:$0x3F9F] =	sst s1;
	(tag) =	ssettag s2;
	_ =	strace s9  }
0x27: {  	s1 =	sld [smem:$0x3FAF]  }
0x28: {  	s2 =	sld [smem:$0x3FB0]  }
0x29: {  	s4 =	sld [smem:$0x3FB2]  }
0x2a: {  	p0 =	seq.s32 s5, $0x0;
	s5 =	sld [smem:$0x3FB3]  }
0x2b: {  	s6 =	sld [smem:$0x3FB4]  }
0x2c: {  	s7 =	sld [smem:$0x3FB5]  }
0x2d: {  	s3 =	simm.s32 $0x108;
	s8 =	sld [smem:$0x3FB6]  }
0x2e: {  	s3 =	simm.s32 @!p0 $0x1082;
	s9 =	sld [smem:$0x3FB7]  }
0x2f: {  	lr =	sadd.s32 s0, s3;
	s0 =	sld [smem:$0x3FAE]  }
0x30: {  	s3 =	sld [smem:$0x3FB1]  }
0x31: {  	[smem:$0x3FBA] =	sst s10  }
0x32: {  	s10 =	sld [smem:$0x3FB8];
	_ =	sdelay $0x3  }
0x33: {  	p0 =	seq.s32 s10, $0x1;
	s10 =	sld [smem:$0x3FBA];
	_ =	sdelay $0x3  }
0x34: {  	[smem:$0x3FBA] =	sst s10  }
0x35: {  	s10 =	sld [smem:$0x3FB9];
	_ =	sdelay $0x3  }
0x36: {  	p1 =	seq.s32 s10, $0x1;
	s10 =	sld [smem:$0x3FBA];
	_ =	sdelay $0x3  }
0x37: {  	[smem:$0x3FBA] =	sst s10  }
0x38: {  	s10 =	sld [smem:$0x3FBB]  }
0x39: {  	_ = 	snop;
	(pc) =	sbr.ind lr, $3  }
0x3a: {  	_ = 	snop  }
0x3b: {  	_ = 	snop  }
0x3c: {  	p2 =	seq.s32 s10, $0x1;
	s10 =	sld [smem:$0x3FBA]  }
0x3d: {  	_ =	shalt  }
0x3e: {  	_ =	shalt  }
0x3f: {  	_ =	shalt  }
0x40: {  	_ =	shalt  }
0x41: {  	_ =	shalt  }
0x42: {  	_ =	shalt  }
0x43: {  	_ =	shalt  }
0x44: {  	_ =	shalt  }
0x45: {  	_ =	shalt  }
0x46: {  	_ =	shalt  }
0x47: {  	_ =	shalt  }
0x48: {  	_ =	shalt  }
0x49: {  	_ =	shalt  }
0x4a: {  	_ =	shalt  }
0x4b: {  	_ =	shalt  }
0x4c: {  	_ =	shalt  }
0x4d: {  	_ =	shalt  }
0x4e: {  	_ =	shalt  }
0x4f: {  	_ =	shalt  }
0x50: {  	_ =	shalt  }
0x51: {  	_ =	shalt  }
0x52: {  	_ =	shalt  }
0x53: {  	_ =	shalt  }
0x54: {  	_ =	shalt  }
0x55: {  	_ =	shalt  }
0x56: {  	_ =	shalt  }
0x57: {  	_ =	shalt  }
0x58: {  	_ =	shalt  }
0x59: {  	_ =	shalt  }
0x5a: {  	_ =	shalt  }
0x5b: {  	_ =	shalt  }
0x5c: {  	_ =	shalt  }
0x5d: {  	_ =	shalt  }
0x5e: {  	_ =	shalt  }
0x5f: {  	_ =	shalt  }
0x60: {  	_ =	shalt  }
0x61: {  	_ =	shalt  }
0x62: {  	_ =	shalt  }
0x63: {  	_ =	shalt  }
0x64: {  	_ =	shalt  }
0x65: {  	_ =	shalt  }
0x66: {  	_ =	shalt  }
0x67: {  	_ =	shalt  }
0x68: {  	_ =	shalt  }
0x69: {  	_ =	shalt  }
0x6a: {  	_ =	shalt  }
0x6b: {  	_ =	shalt  }
0x6c: {  	_ =	shalt  }
0x6d: {  	_ =	shalt  }
0x6e: {  	_ =	shalt  }
0x6f: {  	_ =	shalt  }
0x70: {  	_ =	shalt  }
0x71: {  	_ =	shalt  }
0x72: {  	_ =	shalt  }
0x73: {  	_ =	shalt  }
0x74: {  	_ =	shalt  }
0x75: {  	_ =	shalt  }
0x76: {  	_ =	shalt  }
0x77: {  	_ =	shalt  }
0x78: {  	_ =	shalt  }
0x79: {  	_ =	shalt  }
0x7a: {  	_ =	shalt  }
0x7b: {  	_ =	shalt  }
0x7c: {  	_ =	shalt  }
0x7d: {  	_ =	shalt  }
0x7e: {  	_ =	shalt  }
0x7f: {  	_ =	shalt  }
0x80: {  	_ =	shalt  }
0x81: {  	_ =	shalt  }
0x82: {  	_ =	shalt  }
0x83: {  	_ =	shalt  }
0x84: {  	_ =	shalt  }
0x85: {  	_ =	shalt  }
0x86: {  	_ =	shalt  }
0x87: {  	_ =	shalt  }
.Lfunc_end0:
.L_simem_size_0:
called_computation_lowered:
.L_overlay_start_0:
0x88: {  	s2 =	sld [smem:$0x3FD9]  }
0x89: {  	s3 =	sld [smem:$0x3FFE];
	_ =	sdelay $0x1  }
0x8a: {  	s1 =	srdreg.scid  }
0x8b: {  	s0 =	sand.u32 $0x1, s1  }
0x8c: {  	s18 =	sshll.u32 s0, $0xA;
	s2 =	sadd.s32 s3, s2  }
0x8d: {  	s2 =	sadd.s32 s2, s18  }
0x8e: {  	[smem:$0x3FC6] =	sst s2  }
0x8f: {  	_ = 	snop  }
0x90: {  	s2 =	sld [smem:$0x3FC9]  }
0x91: {  	s19 =	sld [smem:$0x3FC8]  }
0x92: {  	s4 =	sld [smem:$0x3FD0];
	(tm) =	ssettm $0x1  }
0x93: {  	s5 =	sld [smem:$0x3FFB];
	_ =	sdelay $0x3  }
0x94: {  	_ =	strace s5  }
0x95: {  	s5 =	sld [smem:$0x3FFC];
	_ =	sdelay $0x3  }
0x96: {  	_ =	strace s5  }
0x97: {  	s5 =	sld [smem:$0x3FFD];
	_ =	sdelay $0x3  }
0x98: {  	_ =	strace s5  }
0x99: {  	_ =	strace $0x8FFFFFFF  }
0x9a: {  	s20 =	sld [smem:$0x3FDB];
	_ =	sdelay $0x1  }
0x9b: {  	s6 =	simm.s32 $_scs_section_size  }
0x9c: {  	s7 =	simm.s32 $_size__tile_overlayer_lowered;
	s8 =	simm.s32 $_tile_overlayer_lowered  }
0x9d: {  	s23 =	simm.s32 $0x1BFF;
	s22 =	sshll.u32 s8, $0x1;
	s5 =	sadd.s32 s6, s20  }
0x9e: {  	s9 =	simm.s32 $0x0;
	s21 =	sshll.u32 s7, $0x1;
	s7 =	sadd.s32 s22, s5  }
0x9f: {  	[timem:s9], [sflag:s23] =	dma.local [hbm:s7], s21  }
0xa0: {  	_ =	swait.ge [sflag:s23], s21  }
0xa1: {  	s6 =	ssub.s32 $0x0, s21;
	[sflag:s23] =	ssyncset.done $0x0  }
0xa2: {  	[sflag:s23] =	ssyncadd.s32 s6;
	_ =	sdelay $0x1  }
0xa3: {  	s24 =	simm.s32 $0x1B8B  }
0xa4: {  	_ =	swait.ge [sflag:s24], $0x1  }
0xa5: {  	[sflag:s24] =	ssyncset.done $0x0  }
0xa6: {  	s25 =	simm.s32 $0x1B8E;
	[sflag:s24] =	ssyncadd.s32 $0xFFFFFFFF  }
0xa7: {  	s26 =	simm.s32 $execute0_lowered;
	[smem:$0x3FD2] =	sst s25  }
0xa8: {  	s6 =	sshll.u32 s26, $0x1;
	_ =	strace $0x80000046;
	[dreg:$0x1] =	wrdreg $0xFFFFFFFF  }
0xa9: {  	s28 =	simm.s32 $_size_execute0_lowered;
	s5 =	sadd.s32 s5, s6;
	[dreg:$0x0] =	wrdreg $0x0  }
0xaa: {  	s6 =	sshll.u32 s28, $0x1;
	[dreg:$0x2] =	wrdreg s5  }
0xab: {  	[dreg:$0x3] =	wrdreg s6  }
0xac: {  	[dreg:$0x4] =	wrdreg $0xC0  }
0xad: {  	_ =	task [dreg:s9], $0x5FFFF  }
0xae: {  	[dreg:$0x1] =	wrdreg $0xFFFFFFFF  }
0xaf: {  	[dreg:$0x0] =	wrdreg $0x60  }
0xb0: {  	[dreg:$0x2] =	wrdreg s2  }
0xb1: {  	[dreg:$0x3] =	wrdreg s19  }
0xb2: {  	[dreg:$0x4] =	wrdreg s4  }
0xb3: {  	[dreg:$0x5] =	wrdreg $0x9  }
0xb4: {  	_ =	task.clear_ibuf [dreg:s9], $0x6FFFF;
	_ =	strace $0x90000046  }
0xb5: {  	s29 =	simm.s32 $0x9;
	_ =	strace $0x80000048  }
0xb6: {  	_ =	swait.ge [sflag:s29], $0x1  }
0xb7: {  	[sflag:s29] =	ssyncadd.s32 $0xFFFFFFFF  }
0xb8: {  	_ =	strace $0x90000048  }
0xb9: {  	_ =	sfence  }
0xba: {  	s30 =	sld [smem:$0x0];
	_ =	sdelay $0x2  }
0xbb: {  	s31 =	sshll.u32 s1, $0xD;
	s1 =	sshrl.u32 s1, $0x2  }
0xbc: {  	s3 =	sand.u32 $0x4000, s31;
	s1 =	sadd.s32 s1, s30  }
0xbd: {  	s0 =	sor.u32 s3, s0;
	s1 =	sshll.u32 s1, $0x11  }
0xbe: {  	s0 =	sor.u32 s1, s0  }
0xbf: {  	s0 =	sadd.s32 $0x8F2B, s0  }
0xc0: {  	[sflag:s0] =	ssyncadd.remote.s32 $0x1  }
0xc1: {  	_ =	sfence.sel $0xFFFF  }
0xc2: {  	[dreg:$0x0] =	wrdreg $0xFFFFFFFF;
	(pc) =	sbr.abs _section_cstart, $3  }
0xc3: {  	[dreg:$0x1] =	wrdreg $0xFFFFFFFF  }
0xc4: {  	_ =	task.clear_ibuf [dreg:s9], $0x2FFFF;
	_ =	strace $0x9FFFFFFF  }
0xc5: {  	(tm) =	ssettm $0x7FFFFFFF  }
tec
execute0_lowered:
.L_overlay_start_1:
0x0: {  	(tag) =	ssettag $0x1  }
0x1: {  	s0 =	rddreg [dreg:$0x0]  }
0x2: {  	s1 =	rddreg [dreg:$0x1]  }
0x3: {  	s2 =	rddreg [dreg:$0x2]  }
0x4: {  	s4 =	simm.s32 $0x0;
	s3 =	srdreg.scid;
	s7 =	stileid.u32  }
0x5: {  	s14 =	simm.s32 $0x400;
	s20 =	simm.s32 $0x3400;
	s18 =	simm.s32 $0xC400  }
0x6: {  	s11 =	simm.s32 $0x1;
	s12 =	simm.s32 $0x12400;
	s13 =	simm.s32 $0x15400  }
0x7: {  	s28 =	simm.s32 $0x2;
	s29 =	simm.s32 $0x3;
	s30 =	simm.s32 $0x4  }
0x8: {  	s31 =	simm.s32 $0x7;
	s10 =	simm.s32 $0x0;
	[smem:$0x7FF] =	sst s4  }
0x9: {  	s3 =	sand.u32 $0x1, s3;
	s5 =	sshll.u32 s7, $0x1;
	s23 =	sshll.u32 s7, $0x2  }
0xa: {  	s7 =	sadd.s32 $0x100, s1;
	s9 =	sadd.s32 $0x600, s2;
	_ =	strace $0x80000047  }
0xb: {  	s6 =	ssub.s32 $0x2, s3;
	s3 =	sor.u32 s3, s5;
	s5 =	sand.u32 $0x30, s23  }
.Ltmp0:
0xc: {  	s24 =	sshrl.u32 s6, $0x1;
	s8 =	sshll.u32 s3, $0x9;
	(pc) =	sbr.rel .LBB2_1-.Ltmp0, $4  }
0xd: {  	s0 =	sadd.s32 s0, s5;
	s5 =	sshll.u32 s3, $0xA;
	s25 =	sand.u32 $0xE00, s8  }
0xe: {  	v2 =	vlaneseq.u32;
	s3 =	simm.s32 $0x9400;
	s6 =	ssub.s32 s6, s24;
	s0 =	sadd.s32 s25, s0  }
0xf: {  	vm0 =	vmmov $0xffff;
	v1 =	vshrl.u32 v2, $0x3;
	s8 =	sadd.s32 $0x200, s1;
	s26 =	smax.u32 s6, $0x1;
	[dreg:$0x4] =	wrdreg s0  }
0x10: {  	v0 =	vand.u32 $0x7, v2;
	v2 =	vor.u32 $0x8, v2;
	v1 =	vmul.u32 $0x8, v1;
	s25 =	simm.s32 $0xF400;
	[dreg:$0x5] =	wrdreg s26;
	s26 =	simm.s32 $0x6400  }
.LBB2_14:
0x11: {  	s0 =	simm.s32 $0x5  }
0x12: {  	_ =	swait.ge [sflag:s0], $0x6000  }
0x13: {  	[sflag:s0] =	ssyncset.done $0x0  }
0x14: {  	s23 =	simm.s32 $0x6;
	[sflag:s0] =	ssyncadd.s32 $0xFFFFA000  }
0x15: {  	_ =	swait.ge [sflag:s23], $0x6000  }
0x16: {  	[sflag:s23] =	ssyncset.done $0x0  }
0x17: {  	[sflag:s23] =	ssyncadd.s32 $0xFFFFA000  }
0x18: {  	_ =	swait.ge [sflag:s31], $0x6000  }
0x19: {  	[sflag:s31] =	ssyncset.done $0x0  }
0x1a: {  	s6 =	simm.s32 $0x8;
	[sflag:s31] =	ssyncadd.s32 $0xFFFFA000  }
0x1b: {  	_ =	swait.ge [sflag:s6], $0x6000  }
0x1c: {  	s10 =	rddreg [dreg:$0x6]  }
0x1d: {  	s24 =	rddreg [dreg:$0x5];
	s10 =	sadd.s32 $0x1, s10  }
0x1e: {  	p0 =	sne.s32 s10, s24  }
.Ltmp1:
0x1f: {  	_ = 	snop;
	(pc) =	sbr.rel @!p0 .LBB2_15-.Ltmp1, $3  }
0x20: {  	_ =	sdelay $0x1  }
0x21: {  	[sflag:s6] =	ssyncset.done $0x0  }
0x22: {  	[sflag:s6] =	ssyncadd.s32 $0xFFFFA000  }
.LBB2_1:
0x23: {  	[dreg:$0x6] =	wrdreg s10  }
0x24: {  	s0 =	rddreg [dreg:$0x4]  }
0x25: {  	s6 =	simm.s32 $0x80;
	s23 =	simm.s32 $0x200;
	s24 =	simm.s32 $0x9  }
0x26: {  	[tilespmem:s4], [sflag:$0x9] =	stream.strided.gather [hbm4b:s0+s6], $0x400, s23, s6, $0x38;
	[tilespmem:$0x18400] =	vst v63  }
0x27: {  	_ =	swait.ge [sflag:s24], $0x400  }
0x28: {  	[sflag:s24] =	ssyncset.done $0x0  }
0x29: {  	[sflag:s24] =	ssyncadd.s32 $0xFFFFFC00  }
0x2a: {  	v3 =	vld [tilespmem:$0x0];
	_ =	sdelay $0x4  }
0x2b: {  	vm1 =	vgt.s32 v3, $0x0  }
0x2c: {  	v3 =	vnsel vm1, $0x0, v3  }
0x2d: {  	v3 =	vmin.u32 v3, $0x1FFF  }
0x2e: {  	v4 =	vshrl.u32 v3, $0x3  }
0x2f: {  	v4 =	vmul.u32 $0x30, v4  }
0x30: {  	v5 =	vld [tilespmem:$0x10];
	v6 =	vand.u32 $0x7, v3  }
0x31: {  	v4 =	vor.u32 v6, v4  }
0x32: {  	v6 =	vperm.xlane v4, v0;
	_ =	sdelay $0x1  }
0x33: {  	v6 =	vadd.s32 v1, v6  }
0x34: {  	vm1 =	vgt.s32 v5, $0x0  }
0x35: {  	v5 =	vnsel vm1, $0x0, v5  }
0x36: {  	[tilespmem:$0x0] =	vst v3;
	v3 =	vmin.u32 v5, $0x1FFF  }
0x37: {  	[tilespmem:$0x10] =	vst v3;
	v3 =	vperm.xlane v4, v2  }
0x38: {  	[tilespmem:s14], [sflag:$0x1] =	stream.indirect_vreg.gather [hbm4b:s1+s4], $0x80, v6, vm0, $0xb8;
	[tilespmem:$0x18400] =	vst v63  }
0x39: {  	s6 =	simm.s32 $0xC00;
	v3 =	vadd.s32 v1, v3  }
0x3a: {  	[tilespmem:s6], [sflag:$0x1] =	stream.indirect_vreg.gather [hbm4b:s7+s4], $0x80, v6, vm0, $0xb8;
	[tilespmem:$0x18400] =	vst v63  }
0x3b: {  	s10 =	simm.s32 $0x1400  }
0x3c: {  	[tilespmem:s10], [sflag:$0x1] =	stream.indirect_vreg.gather [hbm4b:s8+s4], $0x80, v6, vm0, $0xb8;
	[tilespmem:$0x18400] =	vst v63  }
0x3d: {  	s15 =	simm.s32 $0x1C00  }
0x3e: {  	[tilespmem:s15], [sflag:$0x1] =	stream.indirect_vreg.gather [hbm4b:s1+s4], $0x80, v3, vm0, $0xb8;
	[tilespmem:$0x18400] =	vst v63  }
0x3f: {  	s16 =	simm.s32 $0x2400  }
0x40: {  	[tilespmem:s16], [sflag:$0x1] =	stream.indirect_vreg.gather [hbm4b:s7+s4], $0x80, v3, vm0, $0xb8;
	[tilespmem:$0x18400] =	vst v63  }
0x41: {  	s17 =	simm.s32 $0x2C00  }
0x42: {  	[tilespmem:s17], [sflag:$0x1] =	stream.indirect_vreg.gather [hbm4b:s8+s4], $0x80, v3, vm0, $0xb8;
	[tilespmem:$0x18400] =	vst v63  }
0x43: {  	v3 =	vld [tilespmem:$0x10];
	_ =	sdelay $0x4  }
0x44: {  	v4 =	vshrl.u32 v3, $0x3  }
0x45: {  	v4 =	vmul.u32 $0x30, v4  }
0x46: {  	v3 =	vand.u32 $0x7, v3  }
0x47: {  	v3 =	vor.u32 v3, v4  }
0x48: {  	v4 =	vperm.xlane v3, v0;
	_ =	sdelay $0x1  }
0x49: {  	v4 =	vadd.s32 v1, v4;
	_ =	sdelay $0x3  }
0x4a: {  	v3 =	vperm.xlane v3, v2  }
0x4b: {  	[tilespmem:s20], [sflag:$0x1] =	stream.indirect_vreg.gather [hbm4b:s1+s4], $0x80, v4, vm0, $0xb8;
	[tilespmem:$0x18400] =	vst v63  }
0x4c: {  	s19 =	simm.s32 $0x3C00;
	v3 =	vadd.s32 v1, v3  }
0x4d: {  	[tilespmem:s19], [sflag:$0x1] =	stream.indirect_vreg.gather [hbm4b:s7+s4], $0x80, v4, vm0, $0xb8;
	[tilespmem:$0x18400] =	vst v63  }
0x4e: {  	s21 =	simm.s32 $0x4400  }
0x4f: {  	[tilespmem:s21], [sflag:$0x1] =	stream.indirect_vreg.gather [hbm4b:s8+s4], $0x80, v4, vm0, $0xb8;
	[tilespmem:$0x18400] =	vst v63  }
0x50: {  	s22 =	simm.s32 $0x4C00  }
0x51: {  	[tilespmem:s22], [sflag:$0x1] =	stream.indirect_vreg.gather [hbm4b:s1+s4], $0x80, v3, vm0, $0xb8;
	[tilespmem:$0x18400] =	vst v63  }
0x52: {  	s23 =	simm.s32 $0x5400  }
0x53: {  	[tilespmem:s23], [sflag:$0x1] =	stream.indirect_vreg.gather [hbm4b:s7+s4], $0x80, v3, vm0, $0xb8;
	[tilespmem:$0x18400] =	vst v63  }
0x54: {  	s24 =	simm.s32 $0x5C00  }
0x55: {  	[tilespmem:s24], [sflag:$0x1] =	stream.indirect_vreg.gather [hbm4b:s8+s4], $0x80, v3, vm0, $0xb8;
	[tilespmem:$0x18400] =	vst v63  }
0x56: {  	v3 =	vld [tilespmem:$0x20];
	_ =	sdelay $0x4  }
0x57: {  	vm1 =	vgt.s32 v3, $0x0  }
0x58: {  	v3 =	vnsel vm1, $0x0, v3  }
0x59: {  	v3 =	vmin.u32 v3, $0x1FFF  }
0x5a: {  	v4 =	vshrl.u32 v3, $0x3  }
0x5b: {  	v4 =	vmul.u32 $0x30, v4  }
0x5c: {  	v5 =	vld [tilespmem:$0x30];
	v62 =	vand.u32 $0x7, v3  }
0x5d: {  	v4 =	vor.u32 v62, v4  }
0x5e: {  	v6 =	vperm.xlane v4, v0;
	_ =	sdelay $0x1  }
0x5f: {  	v6 =	vadd.s32 v1, v6  }
0x60: {  	vm1 =	vgt.s32 v5, $0x0  }
0x61: {  	v5 =	vnsel vm1, $0x0, v5  }
0x62: {  	[tilespmem:$0x20] =	vst v3;
	v3 =	vmin.u32 v5, $0x1FFF  }
0x63: {  	[tilespmem:$0x30] =	vst v3;
	v3 =	vperm.xlane v4, v2  }
0x64: {  	[tilespmem:s26], [sflag:$0x2] =	stream.indirect_vreg.gather [hbm4b:s1+s4], $0x80, v6, vm0, $0xb8;
	[tilespmem:$0x18400] =	vst v63  }
0x65: {  	s6 =	simm.s32 $0x6C00;
	v3 =	vadd.s32 v1, v3  }
0x66: {  	[tilespmem:s6], [sflag:$0x2] =	stream.indirect_vreg.gather [hbm4b:s7+s4], $0x80, v6, vm0, $0xb8;
	[tilespmem:$0x18400] =	vst v63  }
0x67: {  	s10 =	simm.s32 $0x7400  }
0x68: {  	[tilespmem:s10], [sflag:$0x2] =	stream.indirect_vreg.gather [hbm4b:s8+s4], $0x80, v6, vm0, $0xb8;
	[tilespmem:$0x18400] =	vst v63  }
0x69: {  	s15 =	simm.s32 $0x7C00  }
0x6a: {  	[tilespmem:s15], [sflag:$0x2] =	stream.indirect_vreg.gather [hbm4b:s1+s4], $0x80, v3, vm0, $0xb8;
	[tilespmem:$0x18400] =	vst v63  }
0x6b: {  	s16 =	simm.s32 $0x8400  }
0x6c: {  	[tilespmem:s16], [sflag:$0x2] =	stream.indirect_vreg.gather [hbm4b:s7+s4], $0x80, v3, vm0, $0xb8;
	[tilespmem:$0x18400] =	vst v63  }
0x6d: {  	s17 =	simm.s32 $0x8C00  }
0x6e: {  	[tilespmem:s17], [sflag:$0x2] =	stream.indirect_vreg.gather [hbm4b:s8+s4], $0x80, v3, vm0, $0xb8;
	[tilespmem:$0x18400] =	vst v63  }
0x6f: {  	v3 =	vld [tilespmem:$0x30];
	_ =	sdelay $0x4  }
0x70: {  	v4 =	vshrl.u32 v3, $0x3  }
0x71: {  	v4 =	vmul.u32 $0x30, v4  }
0x72: {  	v3 =	vand.u32 $0x7, v3  }
0x73: {  	v3 =	vor.u32 v3, v4  }
0x74: {  	v4 =	vperm.xlane v3, v0;
	_ =	sdelay $0x1  }
0x75: {  	v4 =	vadd.s32 v1, v4;
	_ =	sdelay $0x3  }
0x76: {  	v3 =	vperm.xlane v3, v2  }
0x77: {  	[tilespmem:s3], [sflag:$0x2] =	stream.indirect_vreg.gather [hbm4b:s1+s4], $0x80, v4, vm0, $0xb8;
	[tilespmem:$0x18400] =	vst v63  }
0x78: {  	s19 =	simm.s32 $0x9C00;
	v3 =	vadd.s32 v1, v3  }
0x79: {  	[tilespmem:s19], [sflag:$0x2] =	stream.indirect_vreg.gather [hbm4b:s7+s4], $0x80, v4, vm0, $0xb8;
	[tilespmem:$0x18400] =	vst v63  }
0x7a: {  	s21 =	simm.s32 $0xA400  }
0x7b: {  	[tilespmem:s21], [sflag:$0x2] =	stream.indirect_vreg.gather [hbm4b:s8+s4], $0x80, v4, vm0, $0xb8;
	[tilespmem:$0x18400] =	vst v63  }
0x7c: {  	s22 =	simm.s32 $0xAC00  }
0x7d: {  	[tilespmem:s22], [sflag:$0x2] =	stream.indirect_vreg.gather [hbm4b:s1+s4], $0x80, v3, vm0, $0xb8;
	[tilespmem:$0x18400] =	vst v63  }
0x7e: {  	s23 =	simm.s32 $0xB400  }
0x7f: {  	[tilespmem:s23], [sflag:$0x2] =	stream.indirect_vreg.gather [hbm4b:s7+s4], $0x80, v3, vm0, $0xb8;
	[tilespmem:$0x18400] =	vst v63  }
0x80: {  	s24 =	simm.s32 $0xBC00  }
0x81: {  	[tilespmem:s24], [sflag:$0x2] =	stream.indirect_vreg.gather [hbm4b:s8+s4], $0x80, v3, vm0, $0xb8;
	[tilespmem:$0x18400] =	vst v63  }
0x82: {  	v3 =	vld [tilespmem:$0x40];
	_ =	sdelay $0x4  }
0x83: {  	vm1 =	vgt.s32 v3, $0x0  }
0x84: {  	v3 =	vnsel vm1, $0x0, v3  }
0x85: {  	v3 =	vmin.u32 v3, $0x1FFF  }
0x86: {  	v4 =	vshrl.u32 v3, $0x3  }
0x87: {  	v4 =	vmul.u32 $0x30, v4  }
0x88: {  	v5 =	vld [tilespmem:$0x50];
	v63 =	vand.u32 $0x7, v3  }
0x89: {  	v4 =	vor.u32 v63, v4  }
0x8a: {  	v6 =	vperm.xlane v4, v0;
	_ =	sdelay $0x1  }
0x8b: {  	v6 =	vadd.s32 v1, v6  }
0x8c: {  	vm1 =	vgt.s32 v5, $0x0  }
0x8d: {  	v5 =	vnsel vm1, $0x0, v5  }
0x8e: {  	[tilespmem:$0x40] =	vst v3;
	v3 =	vmin.u32 v5, $0x1FFF  }
0x8f: {  	[tilespmem:$0x50] =	vst v3;
	v3 =	vperm.xlane v4, v2  }
0x90: {  	[tilespmem:s18], [sflag:$0x3] =	stream.indirect_vreg.gather [hbm4b:s1+s4], $0x80, v6, vm0, $0xb8;
	[tilespmem:$0x18400] =	vst v63  }
0x91: {  	s6 =	simm.s32 $0xCC00;
	v3 =	vadd.s32 v1, v3  }
0x92: {  	[tilespmem:s6], [sflag:$0x3] =	stream.indirect_vreg.gather [hbm4b:s7+s4], $0x80, v6, vm0, $0xb8;
	[tilespmem:$0x18400] =	vst v63  }
0x93: {  	s10 =	simm.s32 $0xD400  }
0x94: {  	[tilespmem:s10], [sflag:$0x3] =	stream.indirect_vreg.gather [hbm4b:s8+s4], $0x80, v6, vm0, $0xb8;
	[tilespmem:$0x18400] =	vst v63  }
0x95: {  	s15 =	simm.s32 $0xDC00  }
0x96: {  	[tilespmem:s15], [sflag:$0x3] =	stream.indirect_vreg.gather [hbm4b:s1+s4], $0x80, v3, vm0, $0xb8;
	[tilespmem:$0x18400] =	vst v63  }
0x97: {  	s16 =	simm.s32 $0xE400  }
0x98: {  	[tilespmem:s16], [sflag:$0x3] =	stream.indirect_vreg.gather [hbm4b:s7+s4], $0x80, v3, vm0, $0xb8;
	[tilespmem:$0x18400] =	vst v63  }
0x99: {  	s17 =	simm.s32 $0xEC00  }
0x9a: {  	[tilespmem:s17], [sflag:$0x3] =	stream.indirect_vreg.gather [hbm4b:s8+s4], $0x80, v3, vm0, $0xb8;
	[tilespmem:$0x18400] =	vst v63  }
0x9b: {  	v3 =	vld [tilespmem:$0x50];
	_ =	sdelay $0x4  }
0x9c: {  	v4 =	vshrl.u32 v3, $0x3  }
0x9d: {  	v4 =	vmul.u32 $0x30, v4  }
0x9e: {  	v3 =	vand.u32 $0x7, v3  }
0x9f: {  	v3 =	vor.u32 v3, v4  }
0xa0: {  	v4 =	vperm.xlane v3, v0;
	_ =	sdelay $0x1  }
0xa1: {  	v4 =	vadd.s32 v1, v4;
	_ =	sdelay $0x3  }
0xa2: {  	v3 =	vperm.xlane v3, v2  }
0xa3: {  	[tilespmem:s25], [sflag:$0x3] =	stream.indirect_vreg.gather [hbm4b:s1+s4], $0x80, v4, vm0, $0xb8;
	[tilespmem:$0x18400] =	vst v63  }
0xa4: {  	s19 =	simm.s32 $0xFC00;
	v3 =	vadd.s32 v1, v3  }
0xa5: {  	[tilespmem:s19], [sflag:$0x3] =	stream.indirect_vreg.gather [hbm4b:s7+s4], $0x80, v4, vm0, $0xb8;
	[tilespmem:$0x18400] =	vst v63  }
0xa6: {  	s21 =	simm.s32 $0x10400  }
0xa7: {  	[tilespmem:s21], [sflag:$0x3] =	stream.indirect_vreg.gather [hbm4b:s8+s4], $0x80, v4, vm0, $0xb8;
	[tilespmem:$0x18400] =	vst v63  }
0xa8: {  	s22 =	simm.s32 $0x10C00  }
0xa9: {  	[tilespmem:s22], [sflag:$0x3] =	stream.indirect_vreg.gather [hbm4b:s1+s4], $0x80, v3, vm0, $0xb8;
	[tilespmem:$0x18400] =	vst v63  }
0xaa: {  	s23 =	simm.s32 $0x11400  }
0xab: {  	[tilespmem:s23], [sflag:$0x3] =	stream.indirect_vreg.gather [hbm4b:s7+s4], $0x80, v3, vm0, $0xb8;
	[tilespmem:$0x18400] =	vst v63  }
0xac: {  	s0 =	simm.s32 $0x0;
	s24 =	simm.s32 $0x11C00  }
0xad: {  	[tilespmem:s24], [sflag:$0x3] =	stream.indirect_vreg.gather [hbm4b:s8+s4], $0x80, v3, vm0, $0xb8;
	[tilespmem:$0x18400] =	vst v63  }
0xae: {  	s6 =	simm.s32 $0x80;
	v3 =	vld [tilespmem:s0+$0x60]  }
.LBB2_2:
0xaf: {  	p0 =	sne.s32 s6, $0xE00;
	v4 =	vld [tilespmem:s0+$0x70];
	_ =	sdelay $0x3  }
.Ltmp2:
0xb0: {  	vm1 =	vgt.s32 v3, $0x0;
	(pc) =	sbr.rel @p0 .LBB2_2-.Ltmp2, $4  }
0xb1: {  	v3 =	vnsel vm1, $0x0, v3;
	vm1 =	vgt.s32 v4, $0x0  }
0xb2: {  	v3 =	vmin.u32 v3, $0x1FFF;
	v4 =	vnsel vm1, $0x0, v4  }
0xb3: {  	s10 =	sshra.s32 s6, $0x2;
	[tilespmem:s0+$0x60] =	vst v3;
	v4 =	vmin.u32 v4, $0x1FFF  }
0xb4: {  	s6 =	sadd.s32 $0x80, s6;
	v3 =	vld [tilespmem:s10+$0x60];
	[tilespmem:s0+$0x70] =	vst v4;
	s0 =	smov.u32 s10  }
0xb5: {  	v4 =	vld [tilespmem:s0+$0x70];
	_ =	sdelay $0x3  }
0xb6: {  	vm1 =	vgt.s32 v3, $0x0  }
0xb7: {  	v3 =	vnsel vm1, $0x0, v3;
	vm1 =	vgt.s32 v4, $0x0  }
0xb8: {  	v3 =	vmin.u32 v3, $0x1FFF;
	v4 =	vnsel vm1, $0x0, v4  }
0xb9: {  	[tilespmem:s0+$0x60] =	vst v3;
	v3 =	vmin.u32 v4, $0x1FFF  }
0xba: {  	s15 =	simm.s32 $0x0;
	[tilespmem:s0+$0x70] =	vst v3;
	s0 =	simm.s32 $0x0  }
.LBB2_4:
0xbb: {  	s6 =	simm.s32 $0x0  }
0xbc: {  	s6 =	smul.u32 $0x6000, s6  }
0xbd: {  	_ =	swait.ge [sflag:s11], $0x6000  }
0xbe: {  	s10 =	sand.u32 $0x380, s0;
	[sflag:s11] =	ssyncset.done $0x0;
	s6 =	sshra.s32 s6, $0x2  }
0xbf: {  	[sflag:s11] =	ssyncadd.s32 $0xFFFFA000;
	s17 =	sor.u32 s10, s6  }
0xc0: {  	v3 =	vld [tilespmem:s17+$0x400]  }
0xc1: {  	v4 =	vld [tilespmem:s17+$0x410]  }
0xc2: {  	v5 =	vld [tilespmem:s17+$0x420]  }
0xc3: {  	v6 =	vld [tilespmem:s17+$0x430]  }
0xc4: {  	v7 =	vld [tilespmem:s17+$0x440]  }
0xc5: {  	v8 =	vld [tilespmem:s17+$0x450];
	v3 =	vmul.f32 $2.771281240e+01, v3  }
0xc6: {  	v9 =	vld [tilespmem:s17+$0x460];
	v4 =	vmul.f32 $2.771281240e+01, v4  }
0xc7: {  	[tilespmem:s17+$0x400] =	vst v3;
	v3 =	vmul.f32 $2.771281240e+01, v5;
	v5 =	vld [tilespmem:s17+$0x470]  }
0xc8: {  	[tilespmem:s17+$0x410] =	vst v4;
	v4 =	vmul.f32 $2.771281240e+01, v6;
	v6 =	vld [tilespmem:s17+$0x800]  }
0xc9: {  	[tilespmem:s17+$0x420] =	vst v3;
	v3 =	vmul.f32 $2.771281240e+01, v7;
	v7 =	vld [tilespmem:s17+$0x810]  }
0xca: {  	[tilespmem:s17+$0x430] =	vst v4;
	v4 =	vmul.f32 $2.771281240e+01, v8;
	v8 =	vld [tilespmem:s17+$0x820];
	_ =	sdelay $0x1  }
0xcb: {  	[tilespmem:s17+$0x440] =	vst v3;
	v3 =	vmul.f32 $2.771281240e+01, v9;
	v9 =	vld [tilespmem:s17+$0x870]  }
0xcc: {  	[tilespmem:s17+$0x450] =	vst v4;
	v4 =	vmul.f32 $2.771281240e+01, v5;
	v5 =	vld [tilespmem:s17+$0x830]  }
0xcd: {  	[tilespmem:s17+$0x460] =	vst v3;
	v3 =	vmul.f32 $2.771281240e+01, v6;
	v6 =	vld [tilespmem:s17+$0x840]  }
0xce: {  	[tilespmem:s17+$0x470] =	vst v4;
	v4 =	vmul.f32 $2.771281240e+01, v7;
	v7 =	vmul.f32 $2.771281240e+01, v8;
	v8 =	vld [tilespmem:s17+$0x860]  }
0xcf: {  	[tilespmem:s17+$0x800] =	vst v3;
	v3 =	vld [tilespmem:s17+$0x850]  }
0xd0: {  	[tilespmem:s17+$0x810] =	vst v4;
	v4 =	vld [tilespmem:s17+$0xC00];
	v9 =	vmul.f32 $2.771281240e+01, v9  }
0xd1: {  	[tilespmem:s17+$0x820] =	vst v7;
	v7 =	vld [tilespmem:s17+$0xC10];
	v5 =	vmul.f32 $2.771281240e+01, v5  }
0xd2: {  	v6 =	vmul.f32 $2.771281240e+01, v6;
	[tilespmem:s17+$0x870] =	vst v9  }
0xd3: {  	[tilespmem:s17+$0x830] =	vst v5;
	v5 =	vld [tilespmem:s17+$0xC20];
	v8 =	vmul.f32 $2.771281240e+01, v8  }
0xd4: {  	v3 =	vmul.f32 $2.771281240e+01, v3;
	[tilespmem:s17+$0x840] =	vst v6;
	v6 =	vld [tilespmem:s17+$0xC30]  }
0xd5: {  	v9 =	vld [tilespmem:s17+$0xC70];
	[tilespmem:s17+$0x860] =	vst v8;
	v4 =	vmul.f32 $2.771281240e+01, v4  }
0xd6: {  	v7 =	vmul.f32 $2.771281240e+01, v7;
	[tilespmem:s17+$0x850] =	vst v3;
	v3 =	vld [tilespmem:s17+$0xC40]  }
0xd7: {  	v8 =	vld [tilespmem:s17+$0xC50];
	[tilespmem:s17+$0xC00] =	vst v4  }
0xd8: {  	[tilespmem:s17+$0xC10] =	vst v7;
	v7 =	vld [tilespmem:s17+$0xC60];
	v4 =	vmul.f32 $2.771281240e+01, v5  }
0xd9: {  	v5 =	vld [tilespmem:s17+$0x1000];
	v6 =	vmul.f32 $2.771281240e+01, v6  }
0xda: {  	[tilespmem:s17+$0xC20] =	vst v4;
	v4 =	vld [tilespmem:s17+$0x1010]  }
0xdb: {  	v3 =	vmul.f32 $2.771281240e+01, v3;
	[tilespmem:s17+$0xC30] =	vst v6;
	v6 =	vld [tilespmem:s17+$0x1020]  }
0xdc: {  	v8 =	vmul.f32 $2.771281240e+01, v8  }
0xdd: {  	v7 =	vmul.f32 $2.771281240e+01, v7;
	[tilespmem:s17+$0xC40] =	vst v3;
	v3 =	vld [tilespmem:s17+$0x1030]  }
0xde: {  	[tilespmem:s17+$0xC50] =	vst v8;
	v8 =	vld [tilespmem:s17+$0x1040];
	v5 =	vmul.f32 $2.771281240e+01, v5  }
0xdf: {  	v9 =	vmul.f32 $2.771281240e+01, v9;
	[tilespmem:s17+$0xC60] =	vst v7;
	v7 =	vld [tilespmem:s17+$0x1050]  }
0xe0: {  	v4 =	vmul.f32 $2.771281240e+01, v4;
	[tilespmem:s17+$0x1000] =	vst v5;
	v5 =	vmul.f32 $2.771281240e+01, v6;
	v6 =	vld [tilespmem:s17+$0x1060]  }
0xe1: {  	[tilespmem:s17+$0xC70] =	vst v9;
	v9 =	vld [tilespmem:s17+$0x1070]  }
0xe2: {  	[tilespmem:s17+$0x1010] =	vst v4;
	v4 =	vld [tilespmem:s17+$0x1400];
	v3 =	vmul.f32 $2.771281240e+01, v3  }
0xe3: {  	v8 =	vmul.f32 $2.771281240e+01, v8;
	[tilespmem:s17+$0x1020] =	vst v5;
	v5 =	vld [tilespmem:s17+$0x1410]  }
0xe4: {  	v7 =	vmul.f32 $2.771281240e+01, v7;
	[tilespmem:s17+$0x1030] =	vst v3;
	v3 =	vld [tilespmem:s17+$0x1420]  }
0xe5: {  	[tilespmem:s17+$0x1040] =	vst v8;
	v8 =	vld [tilespmem:s17+$0x1430];
	v6 =	vmul.f32 $2.771281240e+01, v6  }
0xe6: {  	v10 =	vld [tilespmem:s17+$0x1440];
	[tilespmem:s17+$0x1050] =	vst v7;
	v7 =	vmul.f32 $2.771281240e+01, v9  }
0xe7: {  	v11 =	vld [tilespmem:s17+$0x1450];
	v4 =	vmul.f32 $2.771281240e+01, v4;
	[tilespmem:s17+$0x1060] =	vst v6  }
0xe8: {  	[tilespmem:s17+$0x1070] =	vst v7;
	v5 =	vmul.f32 $2.771281240e+01, v5;
	v6 =	vld [tilespmem:s17+$0x1460]  }
0xe9: {  	v7 =	vld [tilespmem:s17+$0x1470];
	[tilespmem:s17+$0x1400] =	vst v4;
	v3 =	vmul.f32 $2.771281240e+01, v3  }
0xea: {  	v4 =	vld [tilespmem:s17+$0x1800];
	[tilespmem:s17+$0x1410] =	vst v5;
	v5 =	vmul.f32 $2.771281240e+01, v8  }
0xeb: {  	v9 =	vmul.f32 $2.771281240e+01, v10;
	[tilespmem:s17+$0x1420] =	vst v3;
	v3 =	vld [tilespmem:s17+$0x1810]  }
0xec: {  	s6 =	simm.s32 $0x1;
	s10 =	simm.s32 $0x0;
	v8 =	vmul.f32 $2.771281240e+01, v11;
	[tilespmem:s17+$0x1430] =	vst v5;
	v5 =	vld [tilespmem:s17+$0x1820]  }
.LBB2_5:
0xed: {  	s16 =	sshrl.u32 s6, $0x3;
	p0 =	sne.s32 s6, $0x1F;
	[tilespmem:s17+$0x1440] =	vst v9;
	v6 =	vmul.f32 $2.771281240e+01, v6;
	v9 =	vld [tilespmem:s17+$0x1830]  }
0xee: {  	s16 =	smul.u32 $0x6000, s16;
	[tilespmem:s17+$0x1450] =	vst v8;
	v7 =	vmul.f32 $2.771281240e+01, v7;
	v8 =	vld [tilespmem:s17+$0x1840]  }
0xef: {  	s10 =	sadd.s32 $0x80, s10;
	[tilespmem:s17+$0x1460] =	vst v6;
	v4 =	vmul.f32 $2.771281240e+01, v4;
	v6 =	vld [tilespmem:s17+$0x1850]  }
0xf0: {  	s19 =	sand.u32 $0x380, s10;
	s16 =	sshra.s32 s16, $0x2;
	[tilespmem:s17+$0x1470] =	vst v7;
	v3 =	vmul.f32 $2.771281240e+01, v3;
	v7 =	vld [tilespmem:s17+$0x1860]  }
0xf1: {  	s16 =	sor.u32 s19, s16;
	[tilespmem:s17+$0x1800] =	vst v4;
	v4 =	vmul.f32 $2.771281240e+01, v5;
	v5 =	vld [tilespmem:s17+$0x1870]  }
0xf2: {  	v10 =	vld [tilespmem:s16+$0x400];
	[tilespmem:s17+$0x1810] =	vst v3;
	v3 =	vmul.f32 $2.771281240e+01, v9  }
0xf3: {  	v9 =	vld [tilespmem:s16+$0x410];
	[tilespmem:s17+$0x1820] =	vst v4;
	v4 =	vmul.f32 $2.771281240e+01, v8  }
0xf4: {  	v8 =	vld [tilespmem:s16+$0x420];
	[tilespmem:s17+$0x1830] =	vst v3;
	v3 =	vmul.f32 $2.771281240e+01, v6  }
0xf5: {  	v6 =	vld [tilespmem:s16+$0x430];
	[tilespmem:s17+$0x1840] =	vst v4;
	v4 =	vmul.f32 $2.771281240e+01, v7  }
0xf6: {  	v7 =	vld [tilespmem:s16+$0x440];
	[tilespmem:s17+$0x1850] =	vst v3;
	v3 =	vmul.f32 $2.771281240e+01, v5  }
0xf7: {  	v5 =	vmul.f32 $2.771281240e+01, v10;
	v10 =	vld [tilespmem:s16+$0x450];
	[tilespmem:s17+$0x1860] =	vst v4  }
0xf8: {  	v4 =	vmul.f32 $2.771281240e+01, v9;
	v9 =	vld [tilespmem:s16+$0x460];
	[tilespmem:s17+$0x1870] =	vst v3;
	s17 =	smov.u32 s16  }
0xf9: {  	[tilespmem:s17+$0x400] =	vst v5;
	v3 =	vmul.f32 $2.771281240e+01, v8;
	v5 =	vld [tilespmem:s17+$0x470]  }
0xfa: {  	[tilespmem:s17+$0x410] =	vst v4;
	v4 =	vmul.f32 $2.771281240e+01, v6;
	v6 =	vld [tilespmem:s17+$0x800]  }
0xfb: {  	[tilespmem:s17+$0x420] =	vst v3;
	v3 =	vmul.f32 $2.771281240e+01, v7;
	v7 =	vld [tilespmem:s17+$0x810]  }
0xfc: {  	[tilespmem:s17+$0x430] =	vst v4;
	v4 =	vmul.f32 $2.771281240e+01, v10;
	v8 =	vld [tilespmem:s17+$0x820]  }
0xfd: {  	[tilespmem:s17+$0x440] =	vst v3;
	v3 =	vmul.f32 $2.771281240e+01, v9;
	v9 =	vld [tilespmem:s17+$0x830]  }
0xfe: {  	[tilespmem:s17+$0x450] =	vst v4;
	v4 =	vmul.f32 $2.771281240e+01, v5;
	v5 =	vld [tilespmem:s17+$0x840]  }
0xff: {  	[tilespmem:s17+$0x460] =	vst v3;
	v3 =	vmul.f32 $2.771281240e+01, v6;
	v6 =	vld [tilespmem:s17+$0x850]  }
0x100: {  	[tilespmem:s17+$0x470] =	vst v4;
	v4 =	vmul.f32 $2.771281240e+01, v7;
	v7 =	vld [tilespmem:s17+$0x860]  }
0x101: {  	[tilespmem:s17+$0x800] =	vst v3;
	v3 =	vmul.f32 $2.771281240e+01, v8;
	v8 =	vld [tilespmem:s17+$0x870]  }
0x102: {  	[tilespmem:s17+$0x810] =	vst v4;
	v4 =	vmul.f32 $2.771281240e+01, v9;
	v9 =	vld [tilespmem:s17+$0xC00]  }
0x103: {  	[tilespmem:s17+$0x820] =	vst v3;
	v3 =	vmul.f32 $2.771281240e+01, v5;
	v5 =	vld [tilespmem:s17+$0xC10]  }
0x104: {  	[tilespmem:s17+$0x830] =	vst v4;
	v4 =	vmul.f32 $2.771281240e+01, v6;
	v6 =	vld [tilespmem:s17+$0xC20]  }
0x105: {  	[tilespmem:s17+$0x840] =	vst v3;
	v3 =	vmul.f32 $2.771281240e+01, v7;
	v7 =	vld [tilespmem:s17+$0xC30]  }
0x106: {  	[tilespmem:s17+$0x850] =	vst v4;
	v4 =	vmul.f32 $2.771281240e+01, v8;
	v8 =	vld [tilespmem:s17+$0xC40]  }
0x107: {  	[tilespmem:s17+$0x860] =	vst v3;
	v3 =	vmul.f32 $2.771281240e+01, v9;
	v9 =	vld [tilespmem:s17+$0xC50]  }
0x108: {  	[tilespmem:s17+$0x870] =	vst v4;
	v4 =	vmul.f32 $2.771281240e+01, v5;
	v5 =	vld [tilespmem:s17+$0xC60]  }
0x109: {  	[tilespmem:s17+$0xC00] =	vst v3;
	v3 =	vmul.f32 $2.771281240e+01, v6;
	v6 =	vld [tilespmem:s17+$0xC70]  }
0x10a: {  	[tilespmem:s17+$0xC10] =	vst v4;
	v4 =	vmul.f32 $2.771281240e+01, v7;
	v7 =	vld [tilespmem:s17+$0x1000]  }
0x10b: {  	[tilespmem:s17+$0xC20] =	vst v3;
	v3 =	vmul.f32 $2.771281240e+01, v8;
	v8 =	vld [tilespmem:s17+$0x1010]  }
0x10c: {  	[tilespmem:s17+$0xC30] =	vst v4;
	v4 =	vmul.f32 $2.771281240e+01, v9;
	v9 =	vld [tilespmem:s17+$0x1020]  }
0x10d: {  	[tilespmem:s17+$0xC40] =	vst v3;
	v3 =	vmul.f32 $2.771281240e+01, v5;
	v5 =	vld [tilespmem:s17+$0x1030]  }
0x10e: {  	[tilespmem:s17+$0xC50] =	vst v4;
	v4 =	vmul.f32 $2.771281240e+01, v6;
	v6 =	vld [tilespmem:s17+$0x1040]  }
0x10f: {  	[tilespmem:s17+$0xC60] =	vst v3;
	v3 =	vmul.f32 $2.771281240e+01, v7;
	v7 =	vld [tilespmem:s17+$0x1050]  }
0x110: {  	[tilespmem:s17+$0xC70] =	vst v4;
	v4 =	vmul.f32 $2.771281240e+01, v8;
	v8 =	vld [tilespmem:s17+$0x1060]  }
0x111: {  	[tilespmem:s17+$0x1000] =	vst v3;
	v3 =	vmul.f32 $2.771281240e+01, v9;
	v9 =	vld [tilespmem:s17+$0x1070]  }
0x112: {  	[tilespmem:s17+$0x1010] =	vst v4;
	v4 =	vmul.f32 $2.771281240e+01, v5;
	v5 =	vld [tilespmem:s17+$0x1400]  }
0x113: {  	[tilespmem:s17+$0x1020] =	vst v3;
	v3 =	vmul.f32 $2.771281240e+01, v6;
	v6 =	vld [tilespmem:s17+$0x1410]  }
0x114: {  	[tilespmem:s17+$0x1030] =	vst v4;
	v4 =	vmul.f32 $2.771281240e+01, v7;
	v7 =	vld [tilespmem:s17+$0x1420]  }
0x115: {  	[tilespmem:s17+$0x1040] =	vst v3;
	v3 =	vmul.f32 $2.771281240e+01, v8;
	v8 =	vld [tilespmem:s17+$0x1430]  }
0x116: {  	[tilespmem:s17+$0x1050] =	vst v4;
	v4 =	vmul.f32 $2.771281240e+01, v9;
	v9 =	vld [tilespmem:s17+$0x1440]  }
0x117: {  	[tilespmem:s17+$0x1060] =	vst v3;
	v3 =	vmul.f32 $2.771281240e+01, v5;
	v5 =	vld [tilespmem:s17+$0x1450]  }
.Ltmp3:
0x118: {  	[tilespmem:s17+$0x1070] =	vst v4;
	v4 =	vmul.f32 $2.771281240e+01, v6;
	v6 =	vld [tilespmem:s17+$0x1460];
	(pc) =	sbr.rel @p0 .LBB2_5-.Ltmp3, $4  }
0x119: {  	[tilespmem:s17+$0x1400] =	vst v3;
	v3 =	vmul.f32 $2.771281240e+01, v7;
	v7 =	vld [tilespmem:s17+$0x1470]  }
0x11a: {  	[tilespmem:s17+$0x1410] =	vst v4;
	v8 =	vmul.f32 $2.771281240e+01, v8;
	v4 =	vld [tilespmem:s17+$0x1800]  }
0x11b: {  	[tilespmem:s17+$0x1420] =	vst v3;
	v9 =	vmul.f32 $2.771281240e+01, v9;
	v3 =	vld [tilespmem:s17+$0x1810]  }
0x11c: {  	s6 =	sadd.s32 $0x1, s6;
	[tilespmem:s17+$0x1430] =	vst v8;
	v8 =	vmul.f32 $2.771281240e+01, v5;
	v5 =	vld [tilespmem:s17+$0x1820]  }
0x11d: {  	[tilespmem:s17+$0x1440] =	vst v9;
	v9 =	vld [tilespmem:s17+$0x1830];
	v6 =	vmul.f32 $2.771281240e+01, v6  }
0x11e: {  	[tilespmem:s17+$0x1450] =	vst v8;
	v8 =	vld [tilespmem:s17+$0x1840];
	v7 =	vmul.f32 $2.771281240e+01, v7  }
0x11f: {  	[tilespmem:s17+$0x1460] =	vst v6;
	v6 =	vld [tilespmem:s17+$0x1850];
	v4 =	vmul.f32 $2.771281240e+01, v4  }
0x120: {  	[tilespmem:s17+$0x1470] =	vst v7;
	v3 =	vmul.f32 $2.771281240e+01, v3;
	v7 =	vld [tilespmem:s17+$0x1860]  }
0x121: {  	[tilespmem:s17+$0x1800] =	vst v4;
	v4 =	vmul.f32 $2.771281240e+01, v5;
	v5 =	vld [tilespmem:s17+$0x1870]  }
0x122: {  	[tilespmem:s17+$0x1810] =	vst v3;
	v3 =	vmul.f32 $2.771281240e+01, v9  }
0x123: {  	s16 =	sshll.u32 s15, $0x7;
	[tilespmem:s17+$0x1820] =	vst v4;
	v4 =	vmul.f32 $2.771281240e+01, v8  }
0x124: {  	s6 =	sor.u32 s5, s16;
	[tilespmem:s17+$0x1830] =	vst v3;
	v3 =	vmul.f32 $2.771281240e+01, v6  }
0x125: {  	s10 =	sshrl.u32 s6, $0x3;
	[tilespmem:s17+$0x1840] =	vst v4;
	v4 =	vmul.f32 $2.771281240e+01, v7  }
0x126: {  	s6 =	smul.u32 $0x300, s10;
	[tilespmem:s17+$0x1850] =	vst v3;
	v3 =	vmul.f32 $2.771281240e+01, v5  }
0x127: {  	[tilespmem:s17+$0x1860] =	vst v4  }
0x128: {  	p0 =	seq.s32 s15, $0x0;
	s21 =	sadd.s32 s2, s6;
	[tilespmem:s17+$0x1870] =	vst v3  }
0x129: {  	[hbm4b:s21+s4] =	stream.linear.scatter [tilespmem:s14], [sflag:$0x5], $0x3000, $0x38;
	[tilespmem:$0x18400] =	vst v63  }
0x12a: {  	s19 =	simm.s32 @!p0 $0x8;
	s22 =	sadd.s32 s6, s9  }
0x12b: {  	[hbm4b:s22+s4] =	stream.linear.scatter [tilespmem:s20], [sflag:$0x5], $0x3000, $0x38;
	[tilespmem:$0x18400] =	vst v63  }
0x12c: {  	s23 =	sshllo.u32 s15, $0x2;
	_ =	swait.ge @!p0 [sflag:s19], $0x6000  }
0x12d: {  	s17 =	sshll.u32 s23, $0x5;
	[sflag:s19] =	ssyncset.done @!p0 $0x0  }
0x12e: {  	s21 =	sand.u32 $0x3FFFFFE0, s17;
	[sflag:s19] =	ssyncadd.s32 @!p0 $0xFFFFA000  }
0x12f: {  	v3 =	vld [tilespmem:s21+$0x0];
	_ =	sdelay $0x4  }
0x130: {  	v4 =	vshrl.u32 v3, $0x3  }
0x131: {  	v4 =	vmul.u32 $0x30, v4  }
0x132: {  	v3 =	vand.u32 $0x7, v3  }
0x133: {  	v3 =	vor.u32 v3, v4  }
0x134: {  	v4 =	vperm.xlane v3, v0;
	_ =	sdelay $0x1  }
0x135: {  	v4 =	vadd.s32 v1, v4;
	_ =	sdelay $0x3  }
0x136: {  	s19 =	simm.s32 $0x0;
	v3 =	vperm.xlane v3, v2  }
0x137: {  	[tilespmem:s12], [sflag:$0x4] =	stream.indirect_vreg.gather [hbm4b:s1+s19], $0x80, v4, vm0, $0xb8;
	[tilespmem:$0x18400] =	vst v63  }
0x138: {  	s22 =	simm.s32 $0x12C00;
	v3 =	vadd.s32 v1, v3  }
0x139: {  	[tilespmem:s22], [sflag:$0x4] =	stream.indirect_vreg.gather [hbm4b:s7+s19], $0x80, v4, vm0, $0xb8;
	[tilespmem:$0x18400] =	vst v63  }
0x13a: {  	s24 =	simm.s32 $0x13400  }
0x13b: {  	[tilespmem:s24], [sflag:$0x4] =	stream.indirect_vreg.gather [hbm4b:s8+s19], $0x80, v4, vm0, $0xb8;
	[tilespmem:$0x18400] =	vst v63  }
0x13c: {  	s23 =	simm.s32 $0x13C00  }
0x13d: {  	[tilespmem:s23], [sflag:$0x4] =	stream.indirect_vreg.gather [hbm4b:s1+s19], $0x80, v3, vm0, $0xb8;
	[tilespmem:$0x18400] =	vst v63  }
0x13e: {  	s24 =	simm.s32 $0x14400  }
0x13f: {  	[tilespmem:s24], [sflag:$0x4] =	stream.indirect_vreg.gather [hbm4b:s7+s19], $0x80, v3, vm0, $0xb8;
	[tilespmem:$0x18400] =	vst v63  }
0x140: {  	s23 =	simm.s32 $0x14C00  }
0x141: {  	[tilespmem:s23], [sflag:$0x4] =	stream.indirect_vreg.gather [hbm4b:s8+s19], $0x80, v3, vm0, $0xb8;
	[tilespmem:$0x18400] =	vst v63  }
0x142: {  	v3 =	vld [tilespmem:s21+$0x10];
	_ =	sdelay $0x4  }
0x143: {  	v4 =	vshrl.u32 v3, $0x3  }
0x144: {  	v4 =	vmul.u32 $0x30, v4  }
0x145: {  	v3 =	vand.u32 $0x7, v3  }
0x146: {  	v3 =	vor.u32 v3, v4  }
0x147: {  	v4 =	vperm.xlane v3, v0;
	_ =	sdelay $0x1  }
0x148: {  	v4 =	vadd.s32 v1, v4;
	_ =	sdelay $0x3  }
0x149: {  	v3 =	vperm.xlane v3, v2  }
0x14a: {  	[tilespmem:s13], [sflag:$0x4] =	stream.indirect_vreg.gather [hbm4b:s1+s19], $0x80, v4, vm0, $0xb8;
	[tilespmem:$0x18400] =	vst v63  }
0x14b: {  	s24 =	simm.s32 $0x15C00;
	v3 =	vadd.s32 v1, v3  }
0x14c: {  	[tilespmem:s24], [sflag:$0x4] =	stream.indirect_vreg.gather [hbm4b:s7+s19], $0x80, v4, vm0, $0xb8;
	[tilespmem:$0x18400] =	vst v63  }
0x14d: {  	s22 =	simm.s32 $0x16400  }
0x14e: {  	[tilespmem:s22], [sflag:$0x4] =	stream.indirect_vreg.gather [hbm4b:s8+s19], $0x80, v4, vm0, $0xb8;
	[tilespmem:$0x18400] =	vst v63  }
0x14f: {  	s23 =	simm.s32 $0x16C00  }
0x150: {  	[tilespmem:s23], [sflag:$0x4] =	stream.indirect_vreg.gather [hbm4b:s1+s19], $0x80, v3, vm0, $0xb8;
	[tilespmem:$0x18400] =	vst v63  }
0x151: {  	s24 =	simm.s32 $0x17400;
	s23 =	simm.s32 $0x0  }
0x152: {  	[tilespmem:s24], [sflag:$0x4] =	stream.indirect_vreg.gather [hbm4b:s7+s19], $0x80, v3, vm0, $0xb8;
	[tilespmem:$0x18400] =	vst v63  }
0x153: {  	s22 =	simm.s32 $0x17C00;
	s21 =	smul.u32 $0x6000, s23  }
0x154: {  	[tilespmem:s22], [sflag:$0x4] =	stream.indirect_vreg.gather [hbm4b:s8+s19], $0x80, v3, vm0, $0xb8;
	[tilespmem:$0x18400] =	vst v63  }
0x155: {  	_ =	swait.ge [sflag:s28], $0x6000  }
0x156: {  	s24 =	sand.u32 $0x380, s19;
	s21 =	sshra.s32 s21, $0x2;
	[sflag:s28] =	ssyncset.done $0x0  }
0x157: {  	s21 =	sor.u32 s24, s21;
	[sflag:s28] =	ssyncadd.s32 $0xFFFFA000  }
0x158: {  	v3 =	vld [tilespmem:s21+$0x6400]  }
0x159: {  	v4 =	vld [tilespmem:s21+$0x6410]  }
0x15a: {  	v5 =	vld [tilespmem:s21+$0x6420]  }
0x15b: {  	v6 =	vld [tilespmem:s21+$0x6430]  }
0x15c: {  	v7 =	vld [tilespmem:s21+$0x6440]  }
0x15d: {  	v8 =	vld [tilespmem:s21+$0x6450];
	v3 =	vmul.f32 $2.771281240e+01, v3  }
0x15e: {  	v9 =	vld [tilespmem:s21+$0x6460];
	v4 =	vmul.f32 $2.771281240e+01, v4  }
0x15f: {  	[tilespmem:s21+$0x6400] =	vst v3;
	v3 =	vmul.f32 $2.771281240e+01, v5;
	v5 =	vld [tilespmem:s21+$0x6470]  }
0x160: {  	[tilespmem:s21+$0x6410] =	vst v4;
	v4 =	vmul.f32 $2.771281240e+01, v6;
	v6 =	vld [tilespmem:s21+$0x6800]  }
0x161: {  	[tilespmem:s21+$0x6420] =	vst v3;
	v3 =	vmul.f32 $2.771281240e+01, v7;
	v7 =	vld [tilespmem:s21+$0x6810]  }
0x162: {  	[tilespmem:s21+$0x6430] =	vst v4;
	v4 =	vmul.f32 $2.771281240e+01, v8;
	v8 =	vld [tilespmem:s21+$0x6820];
	_ =	sdelay $0x1  }
0x163: {  	[tilespmem:s21+$0x6440] =	vst v3;
	v3 =	vmul.f32 $2.771281240e+01, v9;
	v9 =	vld [tilespmem:s21+$0x6870]  }
0x164: {  	[tilespmem:s21+$0x6450] =	vst v4;
	v4 =	vmul.f32 $2.771281240e+01, v5;
	v5 =	vld [tilespmem:s21+$0x6830]  }
0x165: {  	[tilespmem:s21+$0x6460] =	vst v3;
	v3 =	vmul.f32 $2.771281240e+01, v6;
	v6 =	vld [tilespmem:s21+$0x6840]  }
0x166: {  	[tilespmem:s21+$0x6470] =	vst v4;
	v4 =	vmul.f32 $2.771281240e+01, v7;
	v7 =	vmul.f32 $2.771281240e+01, v8;
	v8 =	vld [tilespmem:s21+$0x6860]  }
0x167: {  	[tilespmem:s21+$0x6800] =	vst v3;
	v3 =	vld [tilespmem:s21+$0x6850]  }
0x168: {  	[tilespmem:s21+$0x6810] =	vst v4;
	v4 =	vld [tilespmem:s21+$0x6C00];
	v9 =	vmul.f32 $2.771281240e+01, v9  }
0x169: {  	[tilespmem:s21+$0x6820] =	vst v7;
	v7 =	vld [tilespmem:s21+$0x6C10];
	v5 =	vmul.f32 $2.771281240e+01, v5  }
0x16a: {  	v6 =	vmul.f32 $2.771281240e+01, v6;
	[tilespmem:s21+$0x6870] =	vst v9  }
0x16b: {  	[tilespmem:s21+$0x6830] =	vst v5;
	v5 =	vld [tilespmem:s21+$0x6C20];
	v8 =	vmul.f32 $2.771281240e+01, v8  }
0x16c: {  	v3 =	vmul.f32 $2.771281240e+01, v3;
	[tilespmem:s21+$0x6840] =	vst v6;
	v6 =	vld [tilespmem:s21+$0x6C30]  }
0x16d: {  	v9 =	vld [tilespmem:s21+$0x6C70];
	[tilespmem:s21+$0x6860] =	vst v8;
	v4 =	vmul.f32 $2.771281240e+01, v4  }
0x16e: {  	v7 =	vmul.f32 $2.771281240e+01, v7;
	[tilespmem:s21+$0x6850] =	vst v3;
	v3 =	vld [tilespmem:s21+$0x6C40]  }
0x16f: {  	v8 =	vld [tilespmem:s21+$0x6C50];
	[tilespmem:s21+$0x6C00] =	vst v4  }
0x170: {  	[tilespmem:s21+$0x6C10] =	vst v7;
	v7 =	vld [tilespmem:s21+$0x6C60];
	v4 =	vmul.f32 $2.771281240e+01, v5  }
0x171: {  	v5 =	vld [tilespmem:s21+$0x7000];
	v6 =	vmul.f32 $2.771281240e+01, v6  }
0x172: {  	[tilespmem:s21+$0x6C20] =	vst v4;
	v4 =	vld [tilespmem:s21+$0x7010]  }
0x173: {  	v3 =	vmul.f32 $2.771281240e+01, v3;
	[tilespmem:s21+$0x6C30] =	vst v6;
	v6 =	vld [tilespmem:s21+$0x7020]  }
0x174: {  	v8 =	vmul.f32 $2.771281240e+01, v8  }
0x175: {  	v7 =	vmul.f32 $2.771281240e+01, v7;
	[tilespmem:s21+$0x6C40] =	vst v3;
	v3 =	vld [tilespmem:s21+$0x7030]  }
0x176: {  	[tilespmem:s21+$0x6C50] =	vst v8;
	v8 =	vld [tilespmem:s21+$0x7040];
	v5 =	vmul.f32 $2.771281240e+01, v5  }
0x177: {  	v9 =	vmul.f32 $2.771281240e+01, v9;
	[tilespmem:s21+$0x6C60] =	vst v7;
	v7 =	vld [tilespmem:s21+$0x7050]  }
0x178: {  	v4 =	vmul.f32 $2.771281240e+01, v4;
	[tilespmem:s21+$0x7000] =	vst v5;
	v5 =	vmul.f32 $2.771281240e+01, v6;
	v6 =	vld [tilespmem:s21+$0x7060]  }
0x179: {  	[tilespmem:s21+$0x6C70] =	vst v9;
	v9 =	vld [tilespmem:s21+$0x7070]  }
0x17a: {  	[tilespmem:s21+$0x7010] =	vst v4;
	v4 =	vld [tilespmem:s21+$0x7400];
	v3 =	vmul.f32 $2.771281240e+01, v3  }
0x17b: {  	v8 =	vmul.f32 $2.771281240e+01, v8;
	[tilespmem:s21+$0x7020] =	vst v5;
	v5 =	vld [tilespmem:s21+$0x7410]  }
0x17c: {  	v7 =	vmul.f32 $2.771281240e+01, v7;
	[tilespmem:s21+$0x7030] =	vst v3;
	v3 =	vld [tilespmem:s21+$0x7420]  }
0x17d: {  	[tilespmem:s21+$0x7040] =	vst v8;
	v8 =	vld [tilespmem:s21+$0x7430];
	v6 =	vmul.f32 $2.771281240e+01, v6  }
0x17e: {  	v10 =	vld [tilespmem:s21+$0x7440];
	[tilespmem:s21+$0x7050] =	vst v7;
	v7 =	vmul.f32 $2.771281240e+01, v9  }
0x17f: {  	v11 =	vld [tilespmem:s21+$0x7450];
	v4 =	vmul.f32 $2.771281240e+01, v4;
	[tilespmem:s21+$0x7060] =	vst v6  }
0x180: {  	[tilespmem:s21+$0x7070] =	vst v7;
	v5 =	vmul.f32 $2.771281240e+01, v5;
	v6 =	vld [tilespmem:s21+$0x7460]  }
0x181: {  	v7 =	vld [tilespmem:s21+$0x7470];
	[tilespmem:s21+$0x7400] =	vst v4;
	v3 =	vmul.f32 $2.771281240e+01, v3  }
0x182: {  	v4 =	vld [tilespmem:s21+$0x7800];
	[tilespmem:s21+$0x7410] =	vst v5;
	v5 =	vmul.f32 $2.771281240e+01, v8  }
0x183: {  	v9 =	vmul.f32 $2.771281240e+01, v10;
	[tilespmem:s21+$0x7420] =	vst v3;
	v3 =	vld [tilespmem:s21+$0x7810]  }
0x184: {  	s22 =	simm.s32 $0x1;
	v8 =	vmul.f32 $2.771281240e+01, v11;
	[tilespmem:s21+$0x7430] =	vst v5;
	v5 =	vld [tilespmem:s21+$0x7820]  }
.LBB2_7:
0x185: {  	s23 =	sshrl.u32 s22, $0x3;
	p0 =	sne.s32 s22, $0x1F;
	[tilespmem:s21+$0x7440] =	vst v9;
	v6 =	vmul.f32 $2.771281240e+01, v6;
	v9 =	vld [tilespmem:s21+$0x7830]  }
0x186: {  	s23 =	smul.u32 $0x6000, s23;
	[tilespmem:s21+$0x7450] =	vst v8;
	v7 =	vmul.f32 $2.771281240e+01, v7;
	v8 =	vld [tilespmem:s21+$0x7840]  }
0x187: {  	s19 =	sadd.s32 $0x80, s19;
	[tilespmem:s21+$0x7460] =	vst v6;
	v4 =	vmul.f32 $2.771281240e+01, v4;
	v6 =	vld [tilespmem:s21+$0x7850]  }
0x188: {  	s24 =	sand.u32 $0x380, s19;
	s23 =	sshra.s32 s23, $0x2;
	[tilespmem:s21+$0x7470] =	vst v7;
	v3 =	vmul.f32 $2.771281240e+01, v3;
	v7 =	vld [tilespmem:s21+$0x7860]  }
0x189: {  	s23 =	sor.u32 s24, s23;
	[tilespmem:s21+$0x7800] =	vst v4;
	v4 =	vmul.f32 $2.771281240e+01, v5;
	v5 =	vld [tilespmem:s21+$0x7870]  }
0x18a: {  	v10 =	vld [tilespmem:s23+$0x6400];
	[tilespmem:s21+$0x7810] =	vst v3;
	v3 =	vmul.f32 $2.771281240e+01, v9  }
0x18b: {  	v9 =	vld [tilespmem:s23+$0x6410];
	[tilespmem:s21+$0x7820] =	vst v4;
	v4 =	vmul.f32 $2.771281240e+01, v8  }
0x18c: {  	v8 =	vld [tilespmem:s23+$0x6420];
	[tilespmem:s21+$0x7830] =	vst v3;
	v3 =	vmul.f32 $2.771281240e+01, v6  }
0x18d: {  	v6 =	vld [tilespmem:s23+$0x6430];
	[tilespmem:s21+$0x7840] =	vst v4;
	v4 =	vmul.f32 $2.771281240e+01, v7  }
0x18e: {  	v7 =	vld [tilespmem:s23+$0x6440];
	[tilespmem:s21+$0x7850] =	vst v3;
	v3 =	vmul.f32 $2.771281240e+01, v5  }
0x18f: {  	v5 =	vmul.f32 $2.771281240e+01, v10;
	v10 =	vld [tilespmem:s23+$0x6450];
	[tilespmem:s21+$0x7860] =	vst v4  }
0x190: {  	v4 =	vmul.f32 $2.771281240e+01, v9;
	v9 =	vld [tilespmem:s23+$0x6460];
	[tilespmem:s21+$0x7870] =	vst v3;
	s21 =	smov.u32 s23  }
0x191: {  	[tilespmem:s21+$0x6400] =	vst v5;
	v3 =	vmul.f32 $2.771281240e+01, v8;
	v5 =	vld [tilespmem:s21+$0x6470]  }
0x192: {  	[tilespmem:s21+$0x6410] =	vst v4;
	v4 =	vmul.f32 $2.771281240e+01, v6;
	v6 =	vld [tilespmem:s21+$0x6800]  }
0x193: {  	[tilespmem:s21+$0x6420] =	vst v3;
	v3 =	vmul.f32 $2.771281240e+01, v7;
	v7 =	vld [tilespmem:s21+$0x6810]  }
0x194: {  	[tilespmem:s21+$0x6430] =	vst v4;
	v4 =	vmul.f32 $2.771281240e+01, v10;
	v8 =	vld [tilespmem:s21+$0x6820]  }
0x195: {  	[tilespmem:s21+$0x6440] =	vst v3;
	v3 =	vmul.f32 $2.771281240e+01, v9;
	v9 =	vld [tilespmem:s21+$0x6830]  }
0x196: {  	[tilespmem:s21+$0x6450] =	vst v4;
	v4 =	vmul.f32 $2.771281240e+01, v5;
	v5 =	vld [tilespmem:s21+$0x6840]  }
0x197: {  	[tilespmem:s21+$0x6460] =	vst v3;
	v3 =	vmul.f32 $2.771281240e+01, v6;
	v6 =	vld [tilespmem:s21+$0x6850]  }
0x198: {  	[tilespmem:s21+$0x6470] =	vst v4;
	v4 =	vmul.f32 $2.771281240e+01, v7;
	v7 =	vld [tilespmem:s21+$0x6860]  }
0x199: {  	[tilespmem:s21+$0x6800] =	vst v3;
	v3 =	vmul.f32 $2.771281240e+01, v8;
	v8 =	vld [tilespmem:s21+$0x6870]  }
0x19a: {  	[tilespmem:s21+$0x6810] =	vst v4;
	v4 =	vmul.f32 $2.771281240e+01, v9;
	v9 =	vld [tilespmem:s21+$0x6C00]  }
0x19b: {  	[tilespmem:s21+$0x6820] =	vst v3;
	v3 =	vmul.f32 $2.771281240e+01, v5;
	v5 =	vld [tilespmem:s21+$0x6C10]  }
0x19c: {  	[tilespmem:s21+$0x6830] =	vst v4;
	v4 =	vmul.f32 $2.771281240e+01, v6;
	v6 =	vld [tilespmem:s21+$0x6C20]  }
0x19d: {  	[tilespmem:s21+$0x6840] =	vst v3;
	v3 =	vmul.f32 $2.771281240e+01, v7;
	v7 =	vld [tilespmem:s21+$0x6C30]  }
0x19e: {  	[tilespmem:s21+$0x6850] =	vst v4;
	v4 =	vmul.f32 $2.771281240e+01, v8;
	v8 =	vld [tilespmem:s21+$0x6C40]  }
0x19f: {  	[tilespmem:s21+$0x6860] =	vst v3;
	v3 =	vmul.f32 $2.771281240e+01, v9;
	v9 =	vld [tilespmem:s21+$0x6C50]  }
0x1a0: {  	[tilespmem:s21+$0x6870] =	vst v4;
	v4 =	vmul.f32 $2.771281240e+01, v5;
	v5 =	vld [tilespmem:s21+$0x6C60]  }
0x1a1: {  	[tilespmem:s21+$0x6C00] =	vst v3;
	v3 =	vmul.f32 $2.771281240e+01, v6;
	v6 =	vld [tilespmem:s21+$0x6C70]  }
0x1a2: {  	[tilespmem:s21+$0x6C10] =	vst v4;
	v4 =	vmul.f32 $2.771281240e+01, v7;
	v7 =	vld [tilespmem:s21+$0x7000]  }
0x1a3: {  	[tilespmem:s21+$0x6C20] =	vst v3;
	v3 =	vmul.f32 $2.771281240e+01, v8;
	v8 =	vld [tilespmem:s21+$0x7010]  }
0x1a4: {  	[tilespmem:s21+$0x6C30] =	vst v4;
	v4 =	vmul.f32 $2.771281240e+01, v9;
	v9 =	vld [tilespmem:s21+$0x7020]  }
0x1a5: {  	[tilespmem:s21+$0x6C40] =	vst v3;
	v3 =	vmul.f32 $2.771281240e+01, v5;
	v5 =	vld [tilespmem:s21+$0x7030]  }
0x1a6: {  	[tilespmem:s21+$0x6C50] =	vst v4;
	v4 =	vmul.f32 $2.771281240e+01, v6;
	v6 =	vld [tilespmem:s21+$0x7040]  }
0x1a7: {  	[tilespmem:s21+$0x6C60] =	vst v3;
	v3 =	vmul.f32 $2.771281240e+01, v7;
	v7 =	vld [tilespmem:s21+$0x7050]  }
0x1a8: {  	[tilespmem:s21+$0x6C70] =	vst v4;
	v4 =	vmul.f32 $2.771281240e+01, v8;
	v8 =	vld [tilespmem:s21+$0x7060]  }
0x1a9: {  	[tilespmem:s21+$0x7000] =	vst v3;
	v3 =	vmul.f32 $2.771281240e+01, v9;
	v9 =	vld [tilespmem:s21+$0x7070]  }
0x1aa: {  	[tilespmem:s21+$0x7010] =	vst v4;
	v4 =	vmul.f32 $2.771281240e+01, v5;
	v5 =	vld [tilespmem:s21+$0x7400]  }
0x1ab: {  	[tilespmem:s21+$0x7020] =	vst v3;
	v3 =	vmul.f32 $2.771281240e+01, v6;
	v6 =	vld [tilespmem:s21+$0x7410]  }
0x1ac: {  	[tilespmem:s21+$0x7030] =	vst v4;
	v4 =	vmul.f32 $2.771281240e+01, v7;
	v7 =	vld [tilespmem:s21+$0x7420]  }
0x1ad: {  	[tilespmem:s21+$0x7040] =	vst v3;
	v3 =	vmul.f32 $2.771281240e+01, v8;
	v8 =	vld [tilespmem:s21+$0x7430]  }
0x1ae: {  	[tilespmem:s21+$0x7050] =	vst v4;
	v4 =	vmul.f32 $2.771281240e+01, v9;
	v9 =	vld [tilespmem:s21+$0x7440]  }
0x1af: {  	[tilespmem:s21+$0x7060] =	vst v3;
	v3 =	vmul.f32 $2.771281240e+01, v5;
	v5 =	vld [tilespmem:s21+$0x7450]  }
.Ltmp4:
0x1b0: {  	[tilespmem:s21+$0x7070] =	vst v4;
	v4 =	vmul.f32 $2.771281240e+01, v6;
	v6 =	vld [tilespmem:s21+$0x7460];
	(pc) =	sbr.rel @p0 .LBB2_7-.Ltmp4, $4  }
0x1b1: {  	[tilespmem:s21+$0x7400] =	vst v3;
	v3 =	vmul.f32 $2.771281240e+01, v7;
	v7 =	vld [tilespmem:s21+$0x7470]  }
0x1b2: {  	[tilespmem:s21+$0x7410] =	vst v4;
	v8 =	vmul.f32 $2.771281240e+01, v8;
	v4 =	vld [tilespmem:s21+$0x7800]  }
0x1b3: {  	[tilespmem:s21+$0x7420] =	vst v3;
	v9 =	vmul.f32 $2.771281240e+01, v9;
	v3 =	vld [tilespmem:s21+$0x7810]  }
0x1b4: {  	s22 =	sadd.s32 $0x1, s22;
	[tilespmem:s21+$0x7430] =	vst v8;
	v8 =	vmul.f32 $2.771281240e+01, v5;
	v5 =	vld [tilespmem:s21+$0x7820]  }
0x1b5: {  	[tilespmem:s21+$0x7440] =	vst v9;
	v9 =	vld [tilespmem:s21+$0x7830];
	v6 =	vmul.f32 $2.771281240e+01, v6  }
0x1b6: {  	[tilespmem:s21+$0x7450] =	vst v8;
	v8 =	vld [tilespmem:s21+$0x7840];
	v7 =	vmul.f32 $2.771281240e+01, v7  }
0x1b7: {  	[tilespmem:s21+$0x7460] =	vst v6;
	v6 =	vld [tilespmem:s21+$0x7850];
	v4 =	vmul.f32 $2.771281240e+01, v4  }
0x1b8: {  	[tilespmem:s21+$0x7470] =	vst v7;
	v3 =	vmul.f32 $2.771281240e+01, v3;
	v7 =	vld [tilespmem:s21+$0x7860]  }
0x1b9: {  	[tilespmem:s21+$0x7800] =	vst v4;
	v4 =	vmul.f32 $2.771281240e+01, v5;
	v5 =	vld [tilespmem:s21+$0x7870]  }
0x1ba: {  	[tilespmem:s21+$0x7810] =	vst v3;
	v3 =	vmul.f32 $2.771281240e+01, v9  }
0x1bb: {  	s10 =	sor.u32 $0x4, s10;
	[tilespmem:s21+$0x7820] =	vst v4;
	v4 =	vmul.f32 $2.771281240e+01, v8  }
0x1bc: {  	s19 =	smul.u32 $0x300, s10;
	[tilespmem:s21+$0x7830] =	vst v3;
	v3 =	vmul.f32 $2.771281240e+01, v6  }
0x1bd: {  	s10 =	smul.u32 $0x1800, s10;
	[tilespmem:s21+$0x7840] =	vst v4;
	v4 =	vmul.f32 $2.771281240e+01, v7  }
0x1be: {  	[tilespmem:s21+$0x7850] =	vst v3;
	v3 =	vmul.f32 $2.771281240e+01, v5  }
0x1bf: {  	s10 =	sshrl.u32 s10, $0x3;
	[tilespmem:s21+$0x7860] =	vst v4  }
0x1c0: {  	s19 =	sadd.s32 s2, s19;
	s10 =	sadd.s32 s2, s10;
	[tilespmem:s21+$0x7870] =	vst v3  }
0x1c1: {  	[hbm4b:s19+s4] =	stream.linear.scatter [tilespmem:s26], [sflag:$0x6], $0x3000, $0x38;
	[tilespmem:$0x18400] =	vst v63  }
0x1c2: {  	p0 =	seq.s32 s15, $0x7;
	s10 =	sadd.s32 $0x600, s10  }
0x1c3: {  	[hbm4b:s10+s4] =	stream.linear.scatter [tilespmem:s3], [sflag:$0x6], $0x3000, $0x38;
	[tilespmem:$0x18400] =	vst v63  }
0x1c4: {  	s10 =	simm.s32 @!p0 $0x5  }
0x1c5: {  	_ =	swait.ge @!p0 [sflag:s10], $0x6000  }
0x1c6: {  	s19 =	sshll.u32 @!p0 s15, $0x7;
	[sflag:s10] =	ssyncset.done @!p0 $0x0  }
0x1c7: {  	[sflag:s10] =	ssyncadd.s32 @!p0 $0xFFFFA000;
	s10 =	sand.u32 @!p0 $0x3FFFFF80, s19  }
0x1c8: {  	v3 =	vld @!p0 [tilespmem:s10+$0x80];
	_ =	sdelay $0x4  }
0x1c9: {  	v4 =	vshrl.u32 @!p0 v3, $0x3  }
0x1ca: {  	v4 =	vmul.u32 @!p0 $0x30, v4  }
0x1cb: {  	v5 =	vlaneseq.u32 @!p0;
	v3 =	vand.u32 @!p0 $0x7, v3  }
0x1cc: {  	v6 =	vshrl.u32 @!p0 v5, $0x3;
	v3 =	vor.u32 @!p0 v3, v4;
	v4 =	vand.u32 @!p0 $0x7, v5  }
0x1cd: {  	v6 =	vmul.u32 @!p0 $0x8, v6;
	v7 =	vperm.xlane @!p0 v3, v4;
	_ =	sdelay $0x1  }
0x1ce: {  	v7 =	vadd.s32 @!p0 v6, v7;
	_ =	sdelay $0x2  }
0x1cf: {  	v5 =	vor.u32 @!p0 $0x8, v5  }
0x1d0: {  	vm1 =	vmmov @!p0 $0xffff;
	s21 =	simm.s32 @!p0 $0x400;
	s19 =	simm.s32 @!p0 $0x0;
	v3 =	vperm.xlane @!p0 v3, v5  }
0x1d1: {  	[tilespmem:s21], [sflag:$0x1] =	stream.indirect_vreg.gather @!p0 [hbm4b:s1+s19], $0x80, v7, vm1, $0xb8;
	[tilespmem:$0x18400] =	vst v63  }
0x1d2: {  	v3 =	vadd.s32 @!p0 v6, v3;
	s21 =	simm.s32 @!p0 $0xC00  }
0x1d3: {  	[tilespmem:s21], [sflag:$0x1] =	stream.indirect_vreg.gather @!p0 [hbm4b:s7+s19], $0x80, v7, vm1, $0xb8;
	[tilespmem:$0x18400] =	vst v63  }
0x1d4: {  	s21 =	simm.s32 @!p0 $0x1400  }
0x1d5: {  	[tilespmem:s21], [sflag:$0x1] =	stream.indirect_vreg.gather @!p0 [hbm4b:s8+s19], $0x80, v7, vm1, $0xb8;
	[tilespmem:$0x18400] =	vst v63  }
0x1d6: {  	s21 =	simm.s32 @!p0 $0x1C00  }
0x1d7: {  	[tilespmem:s21], [sflag:$0x1] =	stream.indirect_vreg.gather @!p0 [hbm4b:s1+s19], $0x80, v3, vm1, $0xb8;
	[tilespmem:$0x18400] =	vst v63  }
0x1d8: {  	s21 =	simm.s32 @!p0 $0x2400  }
0x1d9: {  	[tilespmem:s21], [sflag:$0x1] =	stream.indirect_vreg.gather @!p0 [hbm4b:s7+s19], $0x80, v3, vm1, $0xb8;
	[tilespmem:$0x18400] =	vst v63  }
0x1da: {  	s21 =	simm.s32 @!p0 $0x2C00  }
0x1db: {  	[tilespmem:s21], [sflag:$0x1] =	stream.indirect_vreg.gather @!p0 [hbm4b:s8+s19], $0x80, v3, vm1, $0xb8;
	[tilespmem:$0x18400] =	vst v63  }
0x1dc: {  	v3 =	vld @!p0 [tilespmem:s10+$0x90];
	_ =	sdelay $0x4  }
0x1dd: {  	v7 =	vshrl.u32 @!p0 v3, $0x3  }
0x1de: {  	v7 =	vmul.u32 @!p0 $0x30, v7  }
0x1df: {  	v3 =	vand.u32 @!p0 $0x7, v3  }
0x1e0: {  	v3 =	vor.u32 @!p0 v3, v7  }
0x1e1: {  	v4 =	vperm.xlane @!p0 v3, v4;
	_ =	sdelay $0x1  }
0x1e2: {  	v4 =	vadd.s32 @!p0 v6, v4;
	_ =	sdelay $0x3  }
0x1e3: {  	s21 =	simm.s32 @!p0 $0x3400;
	v3 =	vperm.xlane @!p0 v3, v5  }
0x1e4: {  	[tilespmem:s21], [sflag:$0x1] =	stream.indirect_vreg.gather @!p0 [hbm4b:s1+s19], $0x80, v4, vm1, $0xb8;
	[tilespmem:$0x18400] =	vst v63  }
0x1e5: {  	v3 =	vadd.s32 @!p0 v6, v3;
	s21 =	simm.s32 @!p0 $0x3C00  }
0x1e6: {  	[tilespmem:s21], [sflag:$0x1] =	stream.indirect_vreg.gather @!p0 [hbm4b:s7+s19], $0x80, v4, vm1, $0xb8;
	[tilespmem:$0x18400] =	vst v63  }
0x1e7: {  	s21 =	simm.s32 @!p0 $0x4400  }
0x1e8: {  	[tilespmem:s21], [sflag:$0x1] =	stream.indirect_vreg.gather @!p0 [hbm4b:s8+s19], $0x80, v4, vm1, $0xb8;
	[tilespmem:$0x18400] =	vst v63  }
0x1e9: {  	s21 =	simm.s32 @!p0 $0x4C00  }
0x1ea: {  	[tilespmem:s21], [sflag:$0x1] =	stream.indirect_vreg.gather @!p0 [hbm4b:s1+s19], $0x80, v3, vm1, $0xb8;
	[tilespmem:$0x18400] =	vst v63  }
0x1eb: {  	s21 =	simm.s32 @!p0 $0x5400  }
0x1ec: {  	[tilespmem:s21], [sflag:$0x1] =	stream.indirect_vreg.gather @!p0 [hbm4b:s7+s19], $0x80, v3, vm1, $0xb8;
	[tilespmem:$0x18400] =	vst v63  }
0x1ed: {  	s24 =	simm.s32 $0x0;
	s21 =	simm.s32 @!p0 $0x5C00  }
0x1ee: {  	[tilespmem:s21], [sflag:$0x1] =	stream.indirect_vreg.gather @!p0 [hbm4b:s8+s19], $0x80, v3, vm1, $0xb8;
	[tilespmem:$0x18400] =	vst v63  }
0x1ef: {  	s19 =	smul.u32 $0x6000, s24  }
0x1f0: {  	s21 =	simm.s32 $0x0;
	_ =	swait.ge [sflag:s29], $0x6000  }
0x1f1: {  	s22 =	sand.u32 $0x380, s21;
	[sflag:s29] =	ssyncset.done $0x0;
	s19 =	sshra.s32 s19, $0x2  }
0x1f2: {  	[sflag:s29] =	ssyncadd.s32 $0xFFFFA000;
	s19 =	sor.u32 s22, s19  }
0x1f3: {  	v3 =	vld [tilespmem:s19+$0xC400]  }
0x1f4: {  	v4 =	vld [tilespmem:s19+$0xC410]  }
0x1f5: {  	v5 =	vld [tilespmem:s19+$0xC420]  }
0x1f6: {  	v6 =	vld [tilespmem:s19+$0xC430]  }
0x1f7: {  	v7 =	vld [tilespmem:s19+$0xC440]  }
0x1f8: {  	v8 =	vld [tilespmem:s19+$0xC450];
	v3 =	vmul.f32 $2.771281240e+01, v3  }
0x1f9: {  	v9 =	vld [tilespmem:s19+$0xC460];
	v4 =	vmul.f32 $2.771281240e+01, v4  }
0x1fa: {  	[tilespmem:s19+$0xC400] =	vst v3;
	v3 =	vmul.f32 $2.771281240e+01, v5;
	v5 =	vld [tilespmem:s19+$0xC470]  }
0x1fb: {  	[tilespmem:s19+$0xC410] =	vst v4;
	v4 =	vmul.f32 $2.771281240e+01, v6;
	v6 =	vld [tilespmem:s19+$0xC800]  }
0x1fc: {  	[tilespmem:s19+$0xC420] =	vst v3;
	v3 =	vmul.f32 $2.771281240e+01, v7;
	v7 =	vld [tilespmem:s19+$0xC810]  }
0x1fd: {  	[tilespmem:s19+$0xC430] =	vst v4;
	v4 =	vmul.f32 $2.771281240e+01, v8;
	v8 =	vld [tilespmem:s19+$0xC820];
	_ =	sdelay $0x1  }
0x1fe: {  	[tilespmem:s19+$0xC440] =	vst v3;
	v3 =	vmul.f32 $2.771281240e+01, v9;
	v9 =	vld [tilespmem:s19+$0xC870]  }
0x1ff: {  	[tilespmem:s19+$0xC450] =	vst v4;
	v4 =	vmul.f32 $2.771281240e+01, v5;
	v5 =	vld [tilespmem:s19+$0xC830]  }
0x200: {  	[tilespmem:s19+$0xC460] =	vst v3;
	v3 =	vmul.f32 $2.771281240e+01, v6;
	v6 =	vld [tilespmem:s19+$0xC840]  }
0x201: {  	[tilespmem:s19+$0xC470] =	vst v4;
	v4 =	vmul.f32 $2.771281240e+01, v7;
	v7 =	vmul.f32 $2.771281240e+01, v8;
	v8 =	vld [tilespmem:s19+$0xC860]  }
0x202: {  	[tilespmem:s19+$0xC800] =	vst v3;
	v3 =	vld [tilespmem:s19+$0xC850]  }
0x203: {  	[tilespmem:s19+$0xC810] =	vst v4;
	v4 =	vld [tilespmem:s19+$0xCC00];
	v9 =	vmul.f32 $2.771281240e+01, v9  }
0x204: {  	[tilespmem:s19+$0xC820] =	vst v7;
	v7 =	vld [tilespmem:s19+$0xCC10];
	v5 =	vmul.f32 $2.771281240e+01, v5  }
0x205: {  	v6 =	vmul.f32 $2.771281240e+01, v6;
	[tilespmem:s19+$0xC870] =	vst v9  }
0x206: {  	[tilespmem:s19+$0xC830] =	vst v5;
	v5 =	vld [tilespmem:s19+$0xCC20];
	v8 =	vmul.f32 $2.771281240e+01, v8  }
0x207: {  	v3 =	vmul.f32 $2.771281240e+01, v3;
	[tilespmem:s19+$0xC840] =	vst v6;
	v6 =	vld [tilespmem:s19+$0xCC30]  }
0x208: {  	v9 =	vld [tilespmem:s19+$0xCC70];
	[tilespmem:s19+$0xC860] =	vst v8;
	v4 =	vmul.f32 $2.771281240e+01, v4  }
0x209: {  	v7 =	vmul.f32 $2.771281240e+01, v7;
	[tilespmem:s19+$0xC850] =	vst v3;
	v3 =	vld [tilespmem:s19+$0xCC40]  }
0x20a: {  	v8 =	vld [tilespmem:s19+$0xCC50];
	[tilespmem:s19+$0xCC00] =	vst v4  }
0x20b: {  	[tilespmem:s19+$0xCC10] =	vst v7;
	v7 =	vld [tilespmem:s19+$0xCC60];
	v4 =	vmul.f32 $2.771281240e+01, v5  }
0x20c: {  	v5 =	vld [tilespmem:s19+$0xD000];
	v6 =	vmul.f32 $2.771281240e+01, v6  }
0x20d: {  	[tilespmem:s19+$0xCC20] =	vst v4;
	v4 =	vld [tilespmem:s19+$0xD010]  }
0x20e: {  	v3 =	vmul.f32 $2.771281240e+01, v3;
	[tilespmem:s19+$0xCC30] =	vst v6;
	v6 =	vld [tilespmem:s19+$0xD020]  }
0x20f: {  	v8 =	vmul.f32 $2.771281240e+01, v8  }
0x210: {  	v7 =	vmul.f32 $2.771281240e+01, v7;
	[tilespmem:s19+$0xCC40] =	vst v3;
	v3 =	vld [tilespmem:s19+$0xD030]  }
0x211: {  	[tilespmem:s19+$0xCC50] =	vst v8;
	v8 =	vld [tilespmem:s19+$0xD040];
	v5 =	vmul.f32 $2.771281240e+01, v5  }
0x212: {  	v9 =	vmul.f32 $2.771281240e+01, v9;
	[tilespmem:s19+$0xCC60] =	vst v7;
	v7 =	vld [tilespmem:s19+$0xD050]  }
0x213: {  	v4 =	vmul.f32 $2.771281240e+01, v4;
	[tilespmem:s19+$0xD000] =	vst v5;
	v5 =	vmul.f32 $2.771281240e+01, v6;
	v6 =	vld [tilespmem:s19+$0xD060]  }
0x214: {  	[tilespmem:s19+$0xCC70] =	vst v9;
	v9 =	vld [tilespmem:s19+$0xD070]  }
0x215: {  	[tilespmem:s19+$0xD010] =	vst v4;
	v4 =	vld [tilespmem:s19+$0xD400];
	v3 =	vmul.f32 $2.771281240e+01, v3  }
0x216: {  	v8 =	vmul.f32 $2.771281240e+01, v8;
	[tilespmem:s19+$0xD020] =	vst v5;
	v5 =	vld [tilespmem:s19+$0xD410]  }
0x217: {  	v7 =	vmul.f32 $2.771281240e+01, v7;
	[tilespmem:s19+$0xD030] =	vst v3;
	v3 =	vld [tilespmem:s19+$0xD420]  }
0x218: {  	[tilespmem:s19+$0xD040] =	vst v8;
	v8 =	vld [tilespmem:s19+$0xD430];
	v6 =	vmul.f32 $2.771281240e+01, v6  }
0x219: {  	v10 =	vld [tilespmem:s19+$0xD440];
	[tilespmem:s19+$0xD050] =	vst v7;
	v7 =	vmul.f32 $2.771281240e+01, v9  }
0x21a: {  	v11 =	vld [tilespmem:s19+$0xD450];
	v4 =	vmul.f32 $2.771281240e+01, v4;
	[tilespmem:s19+$0xD060] =	vst v6  }
0x21b: {  	[tilespmem:s19+$0xD070] =	vst v7;
	v5 =	vmul.f32 $2.771281240e+01, v5;
	v6 =	vld [tilespmem:s19+$0xD460]  }
0x21c: {  	v7 =	vld [tilespmem:s19+$0xD470];
	[tilespmem:s19+$0xD400] =	vst v4;
	v3 =	vmul.f32 $2.771281240e+01, v3  }
0x21d: {  	v4 =	vld [tilespmem:s19+$0xD800];
	[tilespmem:s19+$0xD410] =	vst v5;
	v5 =	vmul.f32 $2.771281240e+01, v8  }
0x21e: {  	v9 =	vmul.f32 $2.771281240e+01, v10;
	[tilespmem:s19+$0xD420] =	vst v3;
	v3 =	vld [tilespmem:s19+$0xD810]  }
0x21f: {  	s22 =	simm.s32 $0x1;
	v8 =	vmul.f32 $2.771281240e+01, v11;
	[tilespmem:s19+$0xD430] =	vst v5;
	v5 =	vld [tilespmem:s19+$0xD820]  }
.LBB2_9:
0x220: {  	s23 =	sshrl.u32 s22, $0x3;
	p1 =	sne.s32 s22, $0x1F;
	[tilespmem:s19+$0xD440] =	vst v9;
	v6 =	vmul.f32 $2.771281240e+01, v6;
	v9 =	vld [tilespmem:s19+$0xD830]  }
0x221: {  	s23 =	smul.u32 $0x6000, s23;
	[tilespmem:s19+$0xD450] =	vst v8;
	v7 =	vmul.f32 $2.771281240e+01, v7;
	v8 =	vld [tilespmem:s19+$0xD840]  }
0x222: {  	s21 =	sadd.s32 $0x80, s21;
	[tilespmem:s19+$0xD460] =	vst v6;
	v4 =	vmul.f32 $2.771281240e+01, v4;
	v6 =	vld [tilespmem:s19+$0xD850]  }
0x223: {  	s24 =	sand.u32 $0x380, s21;
	s23 =	sshra.s32 s23, $0x2;
	[tilespmem:s19+$0xD470] =	vst v7;
	v3 =	vmul.f32 $2.771281240e+01, v3;
	v7 =	vld [tilespmem:s19+$0xD860]  }
0x224: {  	s23 =	sor.u32 s24, s23;
	[tilespmem:s19+$0xD800] =	vst v4;
	v4 =	vmul.f32 $2.771281240e+01, v5;
	v5 =	vld [tilespmem:s19+$0xD870]  }
0x225: {  	v10 =	vld [tilespmem:s23+$0xC400];
	[tilespmem:s19+$0xD810] =	vst v3;
	v3 =	vmul.f32 $2.771281240e+01, v9  }
0x226: {  	v9 =	vld [tilespmem:s23+$0xC410];
	[tilespmem:s19+$0xD820] =	vst v4;
	v4 =	vmul.f32 $2.771281240e+01, v8  }
0x227: {  	v8 =	vld [tilespmem:s23+$0xC420];
	[tilespmem:s19+$0xD830] =	vst v3;
	v3 =	vmul.f32 $2.771281240e+01, v6  }
0x228: {  	v6 =	vld [tilespmem:s23+$0xC430];
	[tilespmem:s19+$0xD840] =	vst v4;
	v4 =	vmul.f32 $2.771281240e+01, v7  }
0x229: {  	v7 =	vld [tilespmem:s23+$0xC440];
	[tilespmem:s19+$0xD850] =	vst v3;
	v3 =	vmul.f32 $2.771281240e+01, v5  }
0x22a: {  	v5 =	vmul.f32 $2.771281240e+01, v10;
	v10 =	vld [tilespmem:s23+$0xC450];
	[tilespmem:s19+$0xD860] =	vst v4  }
0x22b: {  	v4 =	vmul.f32 $2.771281240e+01, v9;
	v9 =	vld [tilespmem:s23+$0xC460];
	[tilespmem:s19+$0xD870] =	vst v3;
	s19 =	smov.u32 s23  }
0x22c: {  	[tilespmem:s19+$0xC400] =	vst v5;
	v3 =	vmul.f32 $2.771281240e+01, v8;
	v5 =	vld [tilespmem:s19+$0xC470]  }
0x22d: {  	[tilespmem:s19+$0xC410] =	vst v4;
	v4 =	vmul.f32 $2.771281240e+01, v6;
	v6 =	vld [tilespmem:s19+$0xC800]  }
0x22e: {  	[tilespmem:s19+$0xC420] =	vst v3;
	v3 =	vmul.f32 $2.771281240e+01, v7;
	v7 =	vld [tilespmem:s19+$0xC810]  }
0x22f: {  	[tilespmem:s19+$0xC430] =	vst v4;
	v4 =	vmul.f32 $2.771281240e+01, v10;
	v8 =	vld [tilespmem:s19+$0xC820]  }
0x230: {  	[tilespmem:s19+$0xC440] =	vst v3;
	v3 =	vmul.f32 $2.771281240e+01, v9;
	v9 =	vld [tilespmem:s19+$0xC830]  }
0x231: {  	[tilespmem:s19+$0xC450] =	vst v4;
	v4 =	vmul.f32 $2.771281240e+01, v5;
	v5 =	vld [tilespmem:s19+$0xC840]  }
0x232: {  	[tilespmem:s19+$0xC460] =	vst v3;
	v3 =	vmul.f32 $2.771281240e+01, v6;
	v6 =	vld [tilespmem:s19+$0xC850]  }
0x233: {  	[tilespmem:s19+$0xC470] =	vst v4;
	v4 =	vmul.f32 $2.771281240e+01, v7;
	v7 =	vld [tilespmem:s19+$0xC860]  }
0x234: {  	[tilespmem:s19+$0xC800] =	vst v3;
	v3 =	vmul.f32 $2.771281240e+01, v8;
	v8 =	vld [tilespmem:s19+$0xC870]  }
0x235: {  	[tilespmem:s19+$0xC810] =	vst v4;
	v4 =	vmul.f32 $2.771281240e+01, v9;
	v9 =	vld [tilespmem:s19+$0xCC00]  }
0x236: {  	[tilespmem:s19+$0xC820] =	vst v3;
	v3 =	vmul.f32 $2.771281240e+01, v5;
	v5 =	vld [tilespmem:s19+$0xCC10]  }
0x237: {  	[tilespmem:s19+$0xC830] =	vst v4;
	v4 =	vmul.f32 $2.771281240e+01, v6;
	v6 =	vld [tilespmem:s19+$0xCC20]  }
0x238: {  	[tilespmem:s19+$0xC840] =	vst v3;
	v3 =	vmul.f32 $2.771281240e+01, v7;
	v7 =	vld [tilespmem:s19+$0xCC30]  }
0x239: {  	[tilespmem:s19+$0xC850] =	vst v4;
	v4 =	vmul.f32 $2.771281240e+01, v8;
	v8 =	vld [tilespmem:s19+$0xCC40]  }
0x23a: {  	[tilespmem:s19+$0xC860] =	vst v3;
	v3 =	vmul.f32 $2.771281240e+01, v9;
	v9 =	vld [tilespmem:s19+$0xCC50]  }
0x23b: {  	[tilespmem:s19+$0xC870] =	vst v4;
	v4 =	vmul.f32 $2.771281240e+01, v5;
	v5 =	vld [tilespmem:s19+$0xCC60]  }
0x23c: {  	[tilespmem:s19+$0xCC00] =	vst v3;
	v3 =	vmul.f32 $2.771281240e+01, v6;
	v6 =	vld [tilespmem:s19+$0xCC70]  }
0x23d: {  	[tilespmem:s19+$0xCC10] =	vst v4;
	v4 =	vmul.f32 $2.771281240e+01, v7;
	v7 =	vld [tilespmem:s19+$0xD000]  }
0x23e: {  	[tilespmem:s19+$0xCC20] =	vst v3;
	v3 =	vmul.f32 $2.771281240e+01, v8;
	v8 =	vld [tilespmem:s19+$0xD010]  }
0x23f: {  	[tilespmem:s19+$0xCC30] =	vst v4;
	v4 =	vmul.f32 $2.771281240e+01, v9;
	v9 =	vld [tilespmem:s19+$0xD020]  }
0x240: {  	[tilespmem:s19+$0xCC40] =	vst v3;
	v3 =	vmul.f32 $2.771281240e+01, v5;
	v5 =	vld [tilespmem:s19+$0xD030]  }
0x241: {  	[tilespmem:s19+$0xCC50] =	vst v4;
	v4 =	vmul.f32 $2.771281240e+01, v6;
	v6 =	vld [tilespmem:s19+$0xD040]  }
0x242: {  	[tilespmem:s19+$0xCC60] =	vst v3;
	v3 =	vmul.f32 $2.771281240e+01, v7;
	v7 =	vld [tilespmem:s19+$0xD050]  }
0x243: {  	[tilespmem:s19+$0xCC70] =	vst v4;
	v4 =	vmul.f32 $2.771281240e+01, v8;
	v8 =	vld [tilespmem:s19+$0xD060]  }
0x244: {  	[tilespmem:s19+$0xD000] =	vst v3;
	v3 =	vmul.f32 $2.771281240e+01, v9;
	v9 =	vld [tilespmem:s19+$0xD070]  }
0x245: {  	[tilespmem:s19+$0xD010] =	vst v4;
	v4 =	vmul.f32 $2.771281240e+01, v5;
	v5 =	vld [tilespmem:s19+$0xD400]  }
0x246: {  	[tilespmem:s19+$0xD020] =	vst v3;
	v3 =	vmul.f32 $2.771281240e+01, v6;
	v6 =	vld [tilespmem:s19+$0xD410]  }
0x247: {  	[tilespmem:s19+$0xD030] =	vst v4;
	v4 =	vmul.f32 $2.771281240e+01, v7;
	v7 =	vld [tilespmem:s19+$0xD420]  }
0x248: {  	[tilespmem:s19+$0xD040] =	vst v3;
	v3 =	vmul.f32 $2.771281240e+01, v8;
	v8 =	vld [tilespmem:s19+$0xD430]  }
0x249: {  	[tilespmem:s19+$0xD050] =	vst v4;
	v4 =	vmul.f32 $2.771281240e+01, v9;
	v9 =	vld [tilespmem:s19+$0xD440]  }
0x24a: {  	[tilespmem:s19+$0xD060] =	vst v3;
	v3 =	vmul.f32 $2.771281240e+01, v5;
	v5 =	vld [tilespmem:s19+$0xD450]  }
.Ltmp5:
0x24b: {  	[tilespmem:s19+$0xD070] =	vst v4;
	v4 =	vmul.f32 $2.771281240e+01, v6;
	v6 =	vld [tilespmem:s19+$0xD460];
	(pc) =	sbr.rel @p1 .LBB2_9-.Ltmp5, $4  }
0x24c: {  	[tilespmem:s19+$0xD400] =	vst v3;
	v3 =	vmul.f32 $2.771281240e+01, v7;
	v7 =	vld [tilespmem:s19+$0xD470]  }
0x24d: {  	[tilespmem:s19+$0xD410] =	vst v4;
	v8 =	vmul.f32 $2.771281240e+01, v8;
	v4 =	vld [tilespmem:s19+$0xD800]  }
0x24e: {  	[tilespmem:s19+$0xD420] =	vst v3;
	v9 =	vmul.f32 $2.771281240e+01, v9;
	v3 =	vld [tilespmem:s19+$0xD810]  }
0x24f: {  	s22 =	sadd.s32 $0x1, s22;
	[tilespmem:s19+$0xD430] =	vst v8;
	v8 =	vmul.f32 $2.771281240e+01, v5;
	v5 =	vld [tilespmem:s19+$0xD820]  }
0x250: {  	[tilespmem:s19+$0xD440] =	vst v9;
	v52 =	vld [tilespmem:s19+$0xD830];
	v6 =	vmul.f32 $2.771281240e+01, v6  }
0x251: {  	v53 =	vld [tilespmem:s19+$0xD840];
	[tilespmem:s19+$0xD450] =	vst v8;
	v7 =	vmul.f32 $2.771281240e+01, v7  }
0x252: {  	[tilespmem:s19+$0xD460] =	vst v6;
	v6 =	vld [tilespmem:s19+$0xD850];
	v4 =	vmul.f32 $2.771281240e+01, v4  }
0x253: {  	[tilespmem:s19+$0xD470] =	vst v7;
	v3 =	vmul.f32 $2.771281240e+01, v3;
	v7 =	vld [tilespmem:s19+$0xD860]  }
0x254: {  	[tilespmem:s19+$0xD800] =	vst v4;
	v4 =	vmul.f32 $2.771281240e+01, v5;
	v5 =	vld [tilespmem:s19+$0xD870]  }
0x255: {  	[tilespmem:s19+$0xD810] =	vst v3;
	v3 =	vmul.f32 $2.771281240e+01, v52  }
0x256: {  	[tilespmem:s19+$0xD820] =	vst v4;
	v4 =	vmul.f32 $2.771281240e+01, v53  }
0x257: {  	[tilespmem:s19+$0xD830] =	vst v3;
	v3 =	vmul.f32 $2.771281240e+01, v6  }
0x258: {  	[tilespmem:s19+$0xD840] =	vst v4;
	v4 =	vmul.f32 $2.771281240e+01, v7  }
0x259: {  	[tilespmem:s19+$0xD850] =	vst v3;
	v3 =	vmul.f32 $2.771281240e+01, v5  }
0x25a: {  	s6 =	sadd.s32 $0x1800, s6;
	[tilespmem:s19+$0xD860] =	vst v4  }
0x25b: {  	s24 =	sadd.s32 s2, s6;
	[tilespmem:s19+$0xD870] =	vst v3  }
0x25c: {  	[hbm4b:s24+s4] =	stream.linear.scatter [tilespmem:s18], [sflag:$0x7], $0x3000, $0x38;
	[tilespmem:$0x18400] =	vst v63  }
0x25d: {  	s6 =	sadd.s32 s6, s9  }
0x25e: {  	[hbm4b:s6+s4] =	stream.linear.scatter [tilespmem:s25], [sflag:$0x7], $0x3000, $0x38;
	[tilespmem:$0x18400] =	vst v63  }
0x25f: {  	s6 =	simm.s32 @!p0 $0x6  }
0x260: {  	_ =	swait.ge @!p0 [sflag:s6], $0x6000  }
0x261: {  	[sflag:s6] =	ssyncset.done @!p0 $0x0  }
0x262: {  	[sflag:s6] =	ssyncadd.s32 @!p0 $0xFFFFA000  }
0x263: {  	v3 =	vld @!p0 [tilespmem:s10+$0xA0];
	_ =	sdelay $0x4  }
0x264: {  	v4 =	vshrl.u32 @!p0 v3, $0x3  }
0x265: {  	v4 =	vmul.u32 @!p0 $0x30, v4  }
0x266: {  	v5 =	vlaneseq.u32 @!p0;
	v3 =	vand.u32 @!p0 $0x7, v3  }
0x267: {  	v6 =	vshrl.u32 @!p0 v5, $0x3;
	v3 =	vor.u32 @!p0 v3, v4;
	v4 =	vand.u32 @!p0 $0x7, v5  }
0x268: {  	v6 =	vmul.u32 @!p0 $0x8, v6;
	v7 =	vperm.xlane @!p0 v3, v4;
	_ =	sdelay $0x1  }
0x269: {  	v7 =	vadd.s32 @!p0 v6, v7;
	_ =	sdelay $0x2  }
0x26a: {  	v5 =	vor.u32 @!p0 $0x8, v5  }
0x26b: {  	s19 =	simm.s32 @!p0 $0x6400;
	s6 =	simm.s32 @!p0 $0x0;
	v3 =	vperm.xlane @!p0 v3, v5  }
0x26c: {  	[tilespmem:s19], [sflag:$0x2] =	stream.indirect_vreg.gather @!p0 [hbm4b:s1+s6], $0x80, v7, vm1, $0xb8;
	[tilespmem:$0x18400] =	vst v63  }
0x26d: {  	v3 =	vadd.s32 @!p0 v6, v3;
	s19 =	simm.s32 @!p0 $0x6C00  }
0x26e: {  	[tilespmem:s19], [sflag:$0x2] =	stream.indirect_vreg.gather @!p0 [hbm4b:s7+s6], $0x80, v7, vm1, $0xb8;
	[tilespmem:$0x18400] =	vst v63  }
0x26f: {  	s19 =	simm.s32 @!p0 $0x7400  }
0x270: {  	[tilespmem:s19], [sflag:$0x2] =	stream.indirect_vreg.gather @!p0 [hbm4b:s8+s6], $0x80, v7, vm1, $0xb8;
	[tilespmem:$0x18400] =	vst v63  }
0x271: {  	s19 =	simm.s32 @!p0 $0x7C00  }
0x272: {  	[tilespmem:s19], [sflag:$0x2] =	stream.indirect_vreg.gather @!p0 [hbm4b:s1+s6], $0x80, v3, vm1, $0xb8;
	[tilespmem:$0x18400] =	vst v63  }
0x273: {  	s19 =	simm.s32 @!p0 $0x8400  }
0x274: {  	[tilespmem:s19], [sflag:$0x2] =	stream.indirect_vreg.gather @!p0 [hbm4b:s7+s6], $0x80, v3, vm1, $0xb8;
	[tilespmem:$0x18400] =	vst v63  }
0x275: {  	s19 =	simm.s32 @!p0 $0x8C00  }
0x276: {  	[tilespmem:s19], [sflag:$0x2] =	stream.indirect_vreg.gather @!p0 [hbm4b:s8+s6], $0x80, v3, vm1, $0xb8;
	[tilespmem:$0x18400] =	vst v63  }
0x277: {  	v3 =	vld @!p0 [tilespmem:s10+$0xB0];
	_ =	sdelay $0x4  }
0x278: {  	v7 =	vshrl.u32 @!p0 v3, $0x3  }
0x279: {  	v7 =	vmul.u32 @!p0 $0x30, v7  }
0x27a: {  	v3 =	vand.u32 @!p0 $0x7, v3  }
0x27b: {  	v3 =	vor.u32 @!p0 v3, v7  }
0x27c: {  	v4 =	vperm.xlane @!p0 v3, v4;
	_ =	sdelay $0x1  }
0x27d: {  	v4 =	vadd.s32 @!p0 v6, v4;
	_ =	sdelay $0x3  }
0x27e: {  	s10 =	simm.s32 @!p0 $0x9400;
	v3 =	vperm.xlane @!p0 v3, v5  }
0x27f: {  	[tilespmem:s10], [sflag:$0x2] =	stream.indirect_vreg.gather @!p0 [hbm4b:s1+s6], $0x80, v4, vm1, $0xb8;
	[tilespmem:$0x18400] =	vst v63  }
0x280: {  	v3 =	vadd.s32 @!p0 v6, v3;
	s10 =	simm.s32 @!p0 $0x9C00  }
0x281: {  	[tilespmem:s10], [sflag:$0x2] =	stream.indirect_vreg.gather @!p0 [hbm4b:s7+s6], $0x80, v4, vm1, $0xb8;
	[tilespmem:$0x18400] =	vst v63  }
0x282: {  	s10 =	simm.s32 @!p0 $0xA400  }
0x283: {  	[tilespmem:s10], [sflag:$0x2] =	stream.indirect_vreg.gather @!p0 [hbm4b:s8+s6], $0x80, v4, vm1, $0xb8;
	[tilespmem:$0x18400] =	vst v63  }
0x284: {  	s10 =	simm.s32 @!p0 $0xAC00  }
0x285: {  	[tilespmem:s10], [sflag:$0x2] =	stream.indirect_vreg.gather @!p0 [hbm4b:s1+s6], $0x80, v3, vm1, $0xb8;
	[tilespmem:$0x18400] =	vst v63  }
0x286: {  	s10 =	simm.s32 @!p0 $0xB400  }
0x287: {  	[tilespmem:s10], [sflag:$0x2] =	stream.indirect_vreg.gather @!p0 [hbm4b:s7+s6], $0x80, v3, vm1, $0xb8;
	[tilespmem:$0x18400] =	vst v63  }
0x288: {  	s21 =	simm.s32 $0x0;
	s10 =	simm.s32 @!p0 $0xBC00  }
0x289: {  	[tilespmem:s10], [sflag:$0x2] =	stream.indirect_vreg.gather @!p0 [hbm4b:s8+s6], $0x80, v3, vm1, $0xb8;
	[tilespmem:$0x18400] =	vst v63  }
0x28a: {  	s6 =	smul.u32 $0x6000, s21  }
0x28b: {  	s10 =	simm.s32 $0x0;
	_ =	swait.ge [sflag:s30], $0x6000  }
0x28c: {  	s22 =	sand.u32 $0x380, s10;
	s6 =	sshra.s32 s6, $0x2;
	[sflag:s30] =	ssyncset.done $0x0  }
0x28d: {  	s6 =	sor.u32 s22, s6;
	[sflag:s30] =	ssyncadd.s32 $0xFFFFA000  }
0x28e: {  	s19 =	sadd.s32 $0x12400, s6;
	v4 =	vld [tilespmem:s6+$0x12400]  }
0x28f: {  	v3 =	vld [tilespmem:s19+$0x430]  }
0x290: {  	v5 =	vld [tilespmem:s19+$0x440]  }
0x291: {  	v6 =	vld [tilespmem:s19+$0x400]  }
0x292: {  	v7 =	vld [tilespmem:s19+$0x460]  }
0x293: {  	v55 =	vld [tilespmem:s19+$0x450];
	v4 =	vmul.f32 $2.771281240e+01, v4  }
0x294: {  	v54 =	vld [tilespmem:s19+$0x410];
	v3 =	vmul.f32 $2.771281240e+01, v3  }
0x295: {  	v10 =	vld [tilespmem:s19+$0x50];
	v5 =	vmul.f32 $2.771281240e+01, v5;
	[tilespmem:s6+$0x12400] =	vst v4  }
0x296: {  	v6 =	vmul.f32 $2.771281240e+01, v6;
	v4 =	vld [tilespmem:s19+$0x470];
	[tilespmem:s19+$0x430] =	vst v3  }
0x297: {  	v7 =	vmul.f32 $2.771281240e+01, v7;
	v3 =	vld [tilespmem:s19+$0x60];
	[tilespmem:s19+$0x440] =	vst v5  }
0x298: {  	v56 =	vmul.f32 $2.771281240e+01, v55;
	[tilespmem:s19+$0x400] =	vst v6;
	v58 =	vld [tilespmem:s19+$0x20]  }
0x299: {  	v5 =	vmul.f32 $2.771281240e+01, v54;
	v6 =	vld [tilespmem:s19+$0x420];
	[tilespmem:s19+$0x460] =	vst v7  }
0x29a: {  	v57 =	vld [tilespmem:s19+$0x70];
	v7 =	vmul.f32 $2.771281240e+01, v10;
	[tilespmem:s19+$0x450] =	vst v56  }
0x29b: {  	v59 =	vld [tilespmem:s19+$0x40];
	[tilespmem:s19+$0x410] =	vst v5;
	v4 =	vmul.f32 $2.771281240e+01, v4  }
0x29c: {  	v5 =	vld [tilespmem:s19+$0x30];
	[tilespmem:s19+$0x50] =	vst v7;
	v3 =	vmul.f32 $2.771281240e+01, v3  }
0x29d: {  	v7 =	vld [tilespmem:s19+$0x10];
	[tilespmem:s19+$0x470] =	vst v4;
	v4 =	vmul.f32 $2.771281240e+01, v58  }
0x29e: {  	[tilespmem:s19+$0x60] =	vst v3;
	v3 =	vmul.f32 $2.771281240e+01, v6  }
0x29f: {  	v6 =	vmul.f32 $2.771281240e+01, v57;
	[tilespmem:s19+$0x20] =	vst v4  }
0x2a0: {  	v4 =	vmul.f32 $2.771281240e+01, v59;
	[tilespmem:s19+$0x420] =	vst v3  }
0x2a1: {  	v3 =	vmul.f32 $2.771281240e+01, v5;
	[tilespmem:s19+$0x70] =	vst v6  }
0x2a2: {  	v5 =	vmul.f32 $2.771281240e+01, v7;
	[tilespmem:s19+$0x40] =	vst v4  }
0x2a3: {  	[tilespmem:s19+$0x30] =	vst v3  }
0x2a4: {  	[tilespmem:s19+$0x10] =	vst v5  }
0x2a5: {  	v3 =	vld [tilespmem:s6+$0x12C00];
	_ =	sdelay $0x2  }
0x2a6: {  	s23 =	sadd.s32 $0x12C00, s6  }
0x2a7: {  	v4 =	vld [tilespmem:s23+$0x40]  }
0x2a8: {  	v5 =	vld [tilespmem:s23+$0x50];
	v3 =	vmul.f32 $2.771281240e+01, v3  }
0x2a9: {  	v6 =	vld [tilespmem:s23+$0x60]  }
0x2aa: {  	v7 =	vld [tilespmem:s23+$0x70];
	[tilespmem:s6+$0x12C00] =	vst v3  }
0x2ab: {  	v3 =	vld [tilespmem:s23+$0x10]  }
0x2ac: {  	v4 =	vmul.f32 $2.771281240e+01, v4;
	v60 =	vld [tilespmem:s23+$0x20]  }
0x2ad: {  	v5 =	vmul.f32 $2.771281240e+01, v5;
	v61 =	vld [tilespmem:s23+$0x30]  }
0x2ae: {  	[tilespmem:s23+$0x40] =	vst v4;
	v4 =	vmul.f32 $2.771281240e+01, v6  }
0x2af: {  	[tilespmem:s23+$0x50] =	vst v5;
	v5 =	vmul.f32 $2.771281240e+01, v7  }
0x2b0: {  	[tilespmem:s23+$0x60] =	vst v4;
	v3 =	vmul.f32 $2.771281240e+01, v3  }
0x2b1: {  	[tilespmem:s23+$0x70] =	vst v5;
	v4 =	vmul.f32 $2.771281240e+01, v60  }
0x2b2: {  	[tilespmem:s23+$0x10] =	vst v3;
	v3 =	vmul.f32 $2.771281240e+01, v61  }
0x2b3: {  	[tilespmem:s23+$0x20] =	vst v4  }
0x2b4: {  	[tilespmem:s23+$0x30] =	vst v3  }
0x2b5: {  	v3 =	vld [tilespmem:s6+$0x13000];
	_ =	sdelay $0x2  }
0x2b6: {  	s24 =	sadd.s32 $0x13000, s6  }
0x2b7: {  	v4 =	vld [tilespmem:s24+$0x40]  }
0x2b8: {  	v5 =	vld [tilespmem:s24+$0x50];
	v3 =	vmul.f32 $2.771281240e+01, v3  }
0x2b9: {  	v6 =	vld [tilespmem:s24+$0x60]  }
0x2ba: {  	v7 =	vld [tilespmem:s24+$0x70];
	[tilespmem:s6+$0x13000] =	vst v3  }
0x2bb: {  	v3 =	vld [tilespmem:s24+$0x30]  }
0x2bc: {  	v4 =	vmul.f32 $2.771281240e+01, v4;
	v62 =	vld [tilespmem:s24+$0x20]  }
0x2bd: {  	v5 =	vmul.f32 $2.771281240e+01, v5;
	v63 =	vld [tilespmem:s24+$0x10]  }
0x2be: {  	[tilespmem:s24+$0x40] =	vst v4;
	v4 =	vmul.f32 $2.771281240e+01, v6  }
0x2bf: {  	[tilespmem:s24+$0x50] =	vst v5;
	v5 =	vmul.f32 $2.771281240e+01, v7  }
0x2c0: {  	[tilespmem:s24+$0x60] =	vst v4;
	v3 =	vmul.f32 $2.771281240e+01, v3  }
0x2c1: {  	[tilespmem:s24+$0x70] =	vst v5;
	v4 =	vmul.f32 $2.771281240e+01, v62  }
0x2c2: {  	v5 =	vmul.f32 $2.771281240e+01, v63;
	[tilespmem:s24+$0x30] =	vst v3  }
0x2c3: {  	[tilespmem:s24+$0x20] =	vst v4  }
0x2c4: {  	[tilespmem:s24+$0x10] =	vst v5  }
0x2c5: {  	s21 =	sadd.s32 $0x13400, s6;
	v5 =	vld [tilespmem:s6+$0x13400]  }
0x2c6: {  	v4 =	vld [tilespmem:s21+$0x40]  }
0x2c7: {  	s19 =	simm.s32 $0x1;
	v3 =	vld [tilespmem:s21+$0x50]  }
.LBB2_11:
0x2c8: {  	p1 =	sne.s32 s19, $0x1F  }
0x2c9: {  	v6 =	vld [tilespmem:s21+$0x60];
	s10 =	sadd.s32 $0x80, s10;
	s22 =	smov.u32 s19;
	s19 =	sadd.s32 $0x1, s19  }
0x2ca: {  	v7 =	vld [tilespmem:s21+$0x70]  }
0x2cb: {  	v5 =	vmul.f32 $2.771281240e+01, v5  }
0x2cc: {  	v4 =	vmul.f32 $2.771281240e+01, v4  }
0x2cd: {  	[tilespmem:s6+$0x13400] =	vst v5;
	v3 =	vmul.f32 $2.771281240e+01, v3  }
0x2ce: {  	v5 =	vld [tilespmem:s21+$0x10];
	[tilespmem:s21+$0x40] =	vst v4;
	v4 =	vmul.f32 $2.771281240e+01, v6  }
0x2cf: {  	v6 =	vld [tilespmem:s21+$0x20];
	[tilespmem:s21+$0x50] =	vst v3;
	v3 =	vmul.f32 $2.771281240e+01, v7  }
0x2d0: {  	[tilespmem:s21+$0x60] =	vst v4  }
0x2d1: {  	[tilespmem:s21+$0x70] =	vst v3;
	_ =	sdelay $0x1  }
0x2d2: {  	v3 =	vmul.f32 $2.771281240e+01, v5;
	v4 =	vld [tilespmem:s21+$0x30]  }
0x2d3: {  	v5 =	vmul.f32 $2.771281240e+01, v6  }
0x2d4: {  	[tilespmem:s21+$0x10] =	vst v3  }
0x2d5: {  	[tilespmem:s21+$0x20] =	vst v5;
	_ =	sdelay $0x1  }
0x2d6: {  	v3 =	vmul.f32 $2.771281240e+01, v4;
	_ =	sdelay $0x1  }
0x2d7: {  	[tilespmem:s21+$0x30] =	vst v3  }
0x2d8: {  	s23 =	sadd.s32 $0x13800, s6;
	v3 =	vld [tilespmem:s6+$0x13800]  }
0x2d9: {  	s21 =	sshrl.u32 s22, $0x3;
	v4 =	vld [tilespmem:s23+$0x40]  }
0x2da: {  	s21 =	smul.u32 $0x6000, s21;
	v5 =	vld [tilespmem:s23+$0x50]  }
0x2db: {  	v6 =	vld [tilespmem:s23+$0x60]  }
0x2dc: {  	s22 =	sand.u32 $0x380, s10;
	s21 =	sshra.s32 s21, $0x2;
	v7 =	vld [tilespmem:s23+$0x70]  }
0x2dd: {  	s21 =	sor.u32 s22, s21;
	v3 =	vmul.f32 $2.771281240e+01, v3  }
0x2de: {  	v4 =	vmul.f32 $2.771281240e+01, v4  }
0x2df: {  	[tilespmem:s6+$0x13800] =	vst v3;
	v3 =	vmul.f32 $2.771281240e+01, v5;
	s6 =	smov.u32 s21  }
0x2e0: {  	v5 =	vld [tilespmem:s23+$0x10];
	[tilespmem:s23+$0x40] =	vst v4;
	v4 =	vmul.f32 $2.771281240e+01, v6  }
0x2e1: {  	v6 =	vld [tilespmem:s23+$0x20];
	[tilespmem:s23+$0x50] =	vst v3;
	v3 =	vmul.f32 $2.771281240e+01, v7  }
0x2e2: {  	v7 =	vld [tilespmem:s23+$0x30];
	[tilespmem:s23+$0x60] =	vst v4  }
0x2e3: {  	[tilespmem:s23+$0x70] =	vst v3;
	_ =	sdelay $0x1  }
0x2e4: {  	s21 =	sadd.s32 $0x12400, s6;
	v3 =	vmul.f32 $2.771281240e+01, v5  }
0x2e5: {  	v4 =	vmul.f32 $2.771281240e+01, v6  }
0x2e6: {  	[tilespmem:s23+$0x10] =	vst v3;
	v3 =	vmul.f32 $2.771281240e+01, v7  }
0x2e7: {  	[tilespmem:s23+$0x20] =	vst v4  }
0x2e8: {  	[tilespmem:s23+$0x30] =	vst v3;
	_ =	sdelay $0x1  }
0x2e9: {  	v3 =	vld [tilespmem:s21+$0x440]  }
0x2ea: {  	v4 =	vld [tilespmem:s21+$0x50]  }
0x2eb: {  	v5 =	vld [tilespmem:s21+$0x400]  }
0x2ec: {  	v6 =	vld [tilespmem:s21+$0x430]  }
0x2ed: {  	v7 =	vld [tilespmem:s21+$0x60]  }
0x2ee: {  	v8 =	vld [tilespmem:s6+$0x12400]  }
0x2ef: {  	v9 =	vld [tilespmem:s21+$0x410]  }
0x2f0: {  	v10 =	vld [tilespmem:s21+$0x460]  }
0x2f1: {  	v5 =	vmul.f32 $2.771281240e+01, v5;
	v6 =	vmul.f32 $2.771281240e+01, v6;
	v11 =	vld [tilespmem:s21+$0x450]  }
0x2f2: {  	v4 =	vmul.f32 $2.771281240e+01, v4;
	v7 =	vmul.f32 $2.771281240e+01, v7;
	v12 =	vld [tilespmem:s21+$0x470]  }
0x2f3: {  	v3 =	vmul.f32 $2.771281240e+01, v3;
	v8 =	vmul.f32 $2.771281240e+01, v8  }
0x2f4: {  	v9 =	vmul.f32 $2.771281240e+01, v9;
	[tilespmem:s21+$0x430] =	vst v6  }
0x2f5: {  	[tilespmem:s6+$0x12400] =	vst v8;
	v6 =	vmul.f32 $2.771281240e+01, v10  }
0x2f6: {  	v8 =	vld [tilespmem:s21+$0x30];
	[tilespmem:s21+$0x440] =	vst v3;
	v3 =	vmul.f32 $2.771281240e+01, v11  }
0x2f7: {  	[tilespmem:s21+$0x400] =	vst v5;
	v5 =	vld [tilespmem:s21+$0x420]  }
0x2f8: {  	v10 =	vld [tilespmem:s21+$0x70];
	[tilespmem:s21+$0x460] =	vst v6  }
0x2f9: {  	v6 =	vld [tilespmem:s21+$0x20];
	[tilespmem:s21+$0x410] =	vst v9;
	v9 =	vmul.f32 $2.771281240e+01, v12  }
0x2fa: {  	v11 =	vld [tilespmem:s21+$0x10];
	[tilespmem:s21+$0x450] =	vst v3  }
0x2fb: {  	v3 =	vmul.f32 $2.771281240e+01, v8;
	v8 =	vld [tilespmem:s21+$0x40];
	[tilespmem:s21+$0x50] =	vst v4  }
0x2fc: {  	[tilespmem:s21+$0x60] =	vst v7;
	v4 =	vmul.f32 $2.771281240e+01, v5  }
0x2fd: {  	v5 =	vmul.f32 $2.771281240e+01, v10;
	[tilespmem:s21+$0x470] =	vst v9  }
0x2fe: {  	v6 =	vmul.f32 $2.771281240e+01, v6;
	[tilespmem:s21+$0x420] =	vst v4  }
0x2ff: {  	v4 =	vmul.f32 $2.771281240e+01, v11;
	[tilespmem:s21+$0x70] =	vst v5  }
0x300: {  	[tilespmem:s21+$0x20] =	vst v6;
	v5 =	vmul.f32 $2.771281240e+01, v8  }
0x301: {  	[tilespmem:s21+$0x30] =	vst v3  }
0x302: {  	[tilespmem:s21+$0x40] =	vst v5  }
0x303: {  	[tilespmem:s21+$0x10] =	vst v4  }
0x304: {  	s21 =	sadd.s32 $0x12C00, s6;
	v3 =	vld [tilespmem:s6+$0x12C00]  }
0x305: {  	v4 =	vld [tilespmem:s21+$0x40]  }
0x306: {  	v5 =	vld [tilespmem:s21+$0x50]  }
0x307: {  	v6 =	vld [tilespmem:s21+$0x60]  }
0x308: {  	v7 =	vld [tilespmem:s21+$0x70]  }
0x309: {  	v3 =	vmul.f32 $2.771281240e+01, v3  }
0x30a: {  	v4 =	vmul.f32 $2.771281240e+01, v4  }
0x30b: {  	[tilespmem:s6+$0x12C00] =	vst v3;
	v3 =	vmul.f32 $2.771281240e+01, v5  }
0x30c: {  	v5 =	vld [tilespmem:s21+$0x10];
	[tilespmem:s21+$0x40] =	vst v4;
	v4 =	vmul.f32 $2.771281240e+01, v6  }
0x30d: {  	v6 =	vld [tilespmem:s21+$0x20];
	[tilespmem:s21+$0x50] =	vst v3;
	v3 =	vmul.f32 $2.771281240e+01, v7  }
0x30e: {  	v7 =	vld [tilespmem:s21+$0x30];
	[tilespmem:s21+$0x60] =	vst v4  }
0x30f: {  	[tilespmem:s21+$0x70] =	vst v3;
	_ =	sdelay $0x1  }
0x310: {  	v3 =	vmul.f32 $2.771281240e+01, v5  }
0x311: {  	v4 =	vmul.f32 $2.771281240e+01, v6  }
0x312: {  	[tilespmem:s21+$0x10] =	vst v3;
	v3 =	vmul.f32 $2.771281240e+01, v7  }
0x313: {  	[tilespmem:s21+$0x20] =	vst v4  }
0x314: {  	[tilespmem:s21+$0x30] =	vst v3  }
0x315: {  	s21 =	sadd.s32 $0x13000, s6;
	v3 =	vld [tilespmem:s6+$0x13000]  }
0x316: {  	v4 =	vld [tilespmem:s21+$0x40]  }
0x317: {  	v5 =	vld [tilespmem:s21+$0x50]  }
0x318: {  	v6 =	vld [tilespmem:s21+$0x60]  }
0x319: {  	v7 =	vld [tilespmem:s21+$0x70]  }
0x31a: {  	v3 =	vmul.f32 $2.771281240e+01, v3  }
0x31b: {  	v4 =	vmul.f32 $2.771281240e+01, v4  }
0x31c: {  	[tilespmem:s6+$0x13000] =	vst v3;
	v3 =	vmul.f32 $2.771281240e+01, v5  }
0x31d: {  	v5 =	vld [tilespmem:s21+$0x30];
	[tilespmem:s21+$0x40] =	vst v4;
	v4 =	vmul.f32 $2.771281240e+01, v6  }
0x31e: {  	v6 =	vld [tilespmem:s21+$0x20];
	[tilespmem:s21+$0x50] =	vst v3;
	v3 =	vmul.f32 $2.771281240e+01, v7  }
0x31f: {  	v7 =	vld [tilespmem:s21+$0x10];
	[tilespmem:s21+$0x60] =	vst v4  }
0x320: {  	[tilespmem:s21+$0x70] =	vst v3;
	_ =	sdelay $0x1  }
0x321: {  	v3 =	vmul.f32 $2.771281240e+01, v5  }
0x322: {  	v4 =	vmul.f32 $2.771281240e+01, v6  }
0x323: {  	v5 =	vmul.f32 $2.771281240e+01, v7;
	[tilespmem:s21+$0x30] =	vst v3  }
.Ltmp6:
0x324: {  	[tilespmem:s21+$0x20] =	vst v4;
	(pc) =	sbr.rel @p1 .LBB2_11-.Ltmp6, $4  }
0x325: {  	[tilespmem:s21+$0x10] =	vst v5  }
0x326: {  	s21 =	sadd.s32 $0x13400, s6;
	v5 =	vld [tilespmem:s6+$0x13400]  }
0x327: {  	v4 =	vld [tilespmem:s21+$0x40]  }
0x328: {  	v3 =	vld [tilespmem:s21+$0x50]  }
0x329: {  	_ =	sdelay $0x1  }
0x32a: {  	v5 =	vmul.f32 $2.771281240e+01, v5  }
0x32b: {  	v6 =	vld [tilespmem:s21+$0x60]  }
0x32c: {  	v7 =	vld [tilespmem:s21+$0x70];
	[tilespmem:s6+$0x13400] =	vst v5  }
0x32d: {  	v3 =	vmul.f32 $2.771281240e+01, v3;
	v5 =	vld [tilespmem:s21+$0x10]  }
0x32e: {  	v56 =	vld [tilespmem:s21+$0x20]  }
0x32f: {  	v4 =	vmul.f32 $2.771281240e+01, v4;
	[tilespmem:s21+$0x50] =	vst v3;
	v3 =	vld [tilespmem:s21+$0x30]  }
0x330: {  	v55 =	vmul.f32 $2.771281240e+01, v6  }
0x331: {  	[tilespmem:s21+$0x40] =	vst v4;
	v57 =	vmul.f32 $2.771281240e+01, v7  }
0x332: {  	[tilespmem:s21+$0x60] =	vst v55;
	v5 =	vmul.f32 $2.771281240e+01, v5  }
0x333: {  	[tilespmem:s21+$0x70] =	vst v57;
	v58 =	vmul.f32 $2.771281240e+01, v56  }
0x334: {  	v3 =	vmul.f32 $2.771281240e+01, v3;
	[tilespmem:s21+$0x10] =	vst v5  }
0x335: {  	[tilespmem:s21+$0x20] =	vst v58  }
0x336: {  	[tilespmem:s21+$0x30] =	vst v3  }
0x337: {  	v3 =	vld [tilespmem:s6+$0x13800];
	_ =	sdelay $0x2  }
0x338: {  	s10 =	sadd.s32 $0x13800, s6  }
0x339: {  	v4 =	vld [tilespmem:s10+$0x40]  }
0x33a: {  	v5 =	vld [tilespmem:s10+$0x50];
	v3 =	vmul.f32 $2.771281240e+01, v3  }
0x33b: {  	v59 =	vld [tilespmem:s10+$0x60]  }
0x33c: {  	v60 =	vld [tilespmem:s10+$0x70];
	[tilespmem:s6+$0x13800] =	vst v3  }
0x33d: {  	v3 =	vld [tilespmem:s10+$0x10]  }
0x33e: {  	v4 =	vmul.f32 $2.771281240e+01, v4;
	v8 =	vld [tilespmem:s10+$0x20]  }
0x33f: {  	v5 =	vmul.f32 $2.771281240e+01, v5;
	v9 =	vld [tilespmem:s10+$0x30]  }
0x340: {  	s22 =	sadd.s32 s5, s17;
	v61 =	vmul.f32 $2.771281240e+01, v59;
	[tilespmem:s10+$0x40] =	vst v4  }
0x341: {  	v62 =	vmul.f32 $2.771281240e+01, v60;
	[tilespmem:s10+$0x50] =	vst v5;
	s6 =	sshrl.u32 s22, $0x3  }
0x342: {  	[tilespmem:s10+$0x60] =	vst v61;
	s23 =	smul.u32 $0x300, s6;
	v3 =	vmul.f32 $2.771281240e+01, v3  }
0x343: {  	[tilespmem:s10+$0x70] =	vst v62;
	s6 =	smul.u32 $0x1800, s6;
	v63 =	vmul.f32 $2.771281240e+01, v8  }
0x344: {  	[tilespmem:s10+$0x10] =	vst v3;
	v3 =	vmul.f32 $2.771281240e+01, v9  }
.Ltmp7:
0x345: {  	s6 =	sshrl.u32 s6, $0x3;
	[tilespmem:s10+$0x20] =	vst v63;
	(pc) =	sbr.rel @p0 .LBB2_14-.Ltmp7, $4  }
0x346: {  	s24 =	sadd.s32 s2, s23;
	s6 =	sadd.s32 s2, s6;
	[tilespmem:s10+$0x30] =	vst v3  }
0x347: {  	[hbm4b:s24+s4] =	stream.linear.scatter [tilespmem:s12], [sflag:$0x8], $0x3000, $0x38;
	[tilespmem:$0x18400] =	vst v63  }
0x348: {  	s6 =	sadd.s32 $0x600, s6  }
0x349: {  	[hbm4b:s6+s4] =	stream.linear.scatter [tilespmem:s13], [sflag:$0x8], $0x3000, $0x38;
	[tilespmem:$0x18400] =	vst v63  }
0x34a: {  	_ =	swait.ge [sflag:s31], $0x6000  }
0x34b: {  	[sflag:s31] =	ssyncset.done $0x0  }
0x34c: {  	s6 =	sand.u32 $0x3FFFFF80, s16;
	[sflag:s31] =	ssyncadd.s32 $0xFFFFA000  }
0x34d: {  	v3 =	vld [tilespmem:s6+$0xC0];
	_ =	sdelay $0x4  }
0x34e: {  	v4 =	vshrl.u32 v3, $0x3  }
0x34f: {  	v4 =	vmul.u32 $0x30, v4  }
0x350: {  	v3 =	vand.u32 $0x7, v3  }
0x351: {  	v3 =	vor.u32 v3, v4  }
0x352: {  	v4 =	vperm.xlane v3, v0;
	_ =	sdelay $0x1  }
0x353: {  	v4 =	vadd.s32 v1, v4;
	_ =	sdelay $0x3  }
0x354: {  	v3 =	vperm.xlane v3, v2  }
0x355: {  	[tilespmem:s18], [sflag:$0x3] =	stream.indirect_vreg.gather [hbm4b:s1+s4], $0x80, v4, vm0, $0xb8;
	[tilespmem:$0x18400] =	vst v63  }
0x356: {  	s10 =	simm.s32 $0xCC00;
	v3 =	vadd.s32 v1, v3  }
0x357: {  	[tilespmem:s10], [sflag:$0x3] =	stream.indirect_vreg.gather [hbm4b:s7+s4], $0x80, v4, vm0, $0xb8;
	[tilespmem:$0x18400] =	vst v63  }
0x358: {  	s23 =	simm.s32 $0xD400  }
0x359: {  	[tilespmem:s23], [sflag:$0x3] =	stream.indirect_vreg.gather [hbm4b:s8+s4], $0x80, v4, vm0, $0xb8;
	[tilespmem:$0x18400] =	vst v63  }
0x35a: {  	s24 =	simm.s32 $0xDC00  }
0x35b: {  	[tilespmem:s24], [sflag:$0x3] =	stream.indirect_vreg.gather [hbm4b:s1+s4], $0x80, v3, vm0, $0xb8;
	[tilespmem:$0x18400] =	vst v63  }
0x35c: {  	s16 =	simm.s32 $0xE400  }
0x35d: {  	[tilespmem:s16], [sflag:$0x3] =	stream.indirect_vreg.gather [hbm4b:s7+s4], $0x80, v3, vm0, $0xb8;
	[tilespmem:$0x18400] =	vst v63  }
0x35e: {  	s17 =	simm.s32 $0xEC00  }
0x35f: {  	[tilespmem:s17], [sflag:$0x3] =	stream.indirect_vreg.gather [hbm4b:s8+s4], $0x80, v3, vm0, $0xb8;
	[tilespmem:$0x18400] =	vst v63  }
0x360: {  	v3 =	vld [tilespmem:s6+$0xD0];
	_ =	sdelay $0x4  }
0x361: {  	v63 =	vshrl.u32 v3, $0x3  }
0x362: {  	v4 =	vmul.u32 $0x30, v63  }
0x363: {  	v3 =	vand.u32 $0x7, v3  }
0x364: {  	v3 =	vor.u32 v3, v4  }
0x365: {  	v4 =	vperm.xlane v3, v0;
	_ =	sdelay $0x1  }
0x366: {  	v4 =	vadd.s32 v1, v4;
	_ =	sdelay $0x3  }
0x367: {  	v3 =	vperm.xlane v3, v2  }
0x368: {  	[tilespmem:s25], [sflag:$0x3] =	stream.indirect_vreg.gather [hbm4b:s1+s4], $0x80, v4, vm0, $0xb8;
	[tilespmem:$0x18400] =	vst v63  }
0x369: {  	s19 =	simm.s32 $0xFC00;
	v3 =	vadd.s32 v1, v3  }
0x36a: {  	[tilespmem:s19], [sflag:$0x3] =	stream.indirect_vreg.gather [hbm4b:s7+s4], $0x80, v4, vm0, $0xb8;
	[tilespmem:$0x18400] =	vst v63  }
0x36b: {  	s21 =	simm.s32 $0x10400  }
0x36c: {  	[tilespmem:s21], [sflag:$0x3] =	stream.indirect_vreg.gather [hbm4b:s8+s4], $0x80, v4, vm0, $0xb8;
	[tilespmem:$0x18400] =	vst v63  }
0x36d: {  	s22 =	simm.s32 $0x10C00  }
0x36e: {  	[tilespmem:s22], [sflag:$0x3] =	stream.indirect_vreg.gather [hbm4b:s1+s4], $0x80, v3, vm0, $0xb8;
	[tilespmem:$0x18400] =	vst v63  }
.Ltmp8:
0x36f: {  	_ = 	snop;
	(pc) =	sbr.rel .LBB2_4-.Ltmp8, $4  }
0x370: {  	s23 =	simm.s32 $0x11400  }
0x371: {  	[tilespmem:s23], [sflag:$0x3] =	stream.indirect_vreg.gather [hbm4b:s7+s4], $0x80, v3, vm0, $0xb8;
	[tilespmem:$0x18400] =	vst v63  }
0x372: {  	s15 =	sadd.s32 $0x1, s15;
	s24 =	simm.s32 $0x11C00  }
0x373: {  	[tilespmem:s24], [sflag:$0x3] =	stream.indirect_vreg.gather [hbm4b:s8+s4], $0x80, v3, vm0, $0xb8;
	[tilespmem:$0x18400] =	vst v63  }
.LBB2_15:
0x374: {  	_ =	sfence.sel $0x180000  }
0x375: {  	[bflag:$0x0] =	sbarrier.arrive $0xFFFF  }
0x376: {  	_ =	strace $0x90000047  }
0x377: {  	s0 =	stileid.u32;
	[bflag:$0x2] =	sbarrier.arrive $0xFFFF  }
0x378: {  	p0 =	sne.s32 s0, $0x0;
	s0 =	rddreg [dreg:$0x3]  }
0x379: {  	s0 =	sadd.s32 @!p0 $0x100000, s0  }
0x37a: {  	[sflag:s0] =	ssyncadd.tile.s32 @!p0 $0x1;
	_ =	shalt  }
.Lfunc_end2:
_tile_overlayer_lowered:
.L_overlay_start_2:
0x37b: {  	(tag) =	ssettag $0x2  }
0x37c: {  	s0 =	rddreg [dreg:$0x0];
	s2 =	stileid.u32  }
0x37d: {  	s1 =	rddreg [dreg:$0x1];
	p0 =	sne.s32 s2, $0x0  }
0x37e: {  	s3 =	rddreg [dreg:$0x2];
	[bflag:$0x3] =	sbarrier.arrive $0xFFFF;
	s2 =	simm.s32 @!p0 $0x1C09  }
0x37f: {  	[timem:s3], [sflag:s2] =	dma.local @!p0 [hbm:s0], s1  }
0x380: {  	s0 =	simm.s32 @!p0 $0x9  }
0x381: {  	_ =	swait.ge @!p0 [sflag:s0], s1  }
0x382: {  	s1 =	ssub.s32 @!p0 $0x0, s1;
	[sflag:s0] =	ssyncset.done @!p0 $0x0  }
0x383: {  	[sflag:s0] =	ssyncadd.s32 @!p0 s1  }
0x384: {  	[bflag:$0x3] =	sbarrier.arrive $0xFFFF  }
0x385: {  	_ =	shalt  }

</sc_bundles>
